<compile_context>
chip_gen: v7x
topology: tpu7x:2x2x1
jax: 0.10.2.dev20260603
libtpu: 0.0.44.dev20260713+nightly
codegen_flags: <defaults>
</compile_context>

<pallas_src>
import functools

import jax
import jax.numpy as jnp
from jax import lax
from jax.experimental import pallas as pl
from jax.experimental.pallas import tpu as pltpu
from jax.experimental.pallas import tpu_sc as plsc

N = 10000
E = 320000
D = 128

NC = 2
NS = 16
NW = NC * NS
EPW = E // NW
CH = 80
NCHUNK = EPW // CH
ROWS_MAIN = 624
ZB = 16



BN = 2048
GRID = -(-N // BN)
NPAD = GRID * BN


def _tc_in_body(x_ref, w_ref, as_ref, ad_ref, h_ref, a_s_ref, a_d_ref):
    h = jnp.dot(x_ref[...], w_ref[...], preferred_element_type=jnp.float32)
    h_ref[...] = h
    off = pl.multiple_of(pl.program_id(0) * BN, 128)
    a_s_ref[pl.ds(off, BN)] = jnp.dot(h, as_ref[...])
    a_d_ref[pl.ds(off, BN)] = jnp.dot(h, ad_ref[...])


def _tc_in(x, W, att_src, att_dst):
    return pl.pallas_call(
        _tc_in_body,
        grid=(GRID,),
        in_specs=[
            pl.BlockSpec((BN, D), lambda i: (i, 0)),
            pl.BlockSpec((D, D), lambda i: (0, 0)),
            pl.BlockSpec((D,), lambda i: (0,)),
            pl.BlockSpec((D,), lambda i: (0,)),
        ],
        out_specs=[
            pl.BlockSpec((BN, D), lambda i: (i, 0)),
            pl.BlockSpec((NPAD,), lambda i: (0,)),
            pl.BlockSpec((NPAD,), lambda i: (0,)),
        ],
        out_shape=[
            jax.ShapeDtypeStruct((N, D), jnp.float32),
            jax.ShapeDtypeStruct((NPAD,), jnp.float32),
            jax.ShapeDtypeStruct((NPAD,), jnp.float32),
        ],
    )(x, W, att_src, att_dst)


def _finalize(u_ref, dpt_ref, b_ref):
    denom = jnp.sum(dpt_ref[...], axis=1)
    inv = 1.0 / (denom + 1e-16)
    return (u_ref[0] + u_ref[1]) * inv[:, None] + b_ref[...]


def _tc_mid_body(u_ref, dp_ref, b_ref, w_ref, as_ref, ad_ref,
                 h_ref, a_s_ref, a_d_ref):
    x = jnp.maximum(_finalize(u_ref, dp_ref, b_ref), 0.0)
    h = jnp.dot(x, w_ref[...], preferred_element_type=jnp.float32)
    h_ref[...] = h
    off = pl.multiple_of(pl.program_id(0) * BN, 128)
    a_s_ref[pl.ds(off, BN)] = jnp.dot(h, as_ref[...])
    a_d_ref[pl.ds(off, BN)] = jnp.dot(h, ad_ref[...])


def _tc_mid(u, dp, b, W, att_src, att_dst):
    return pl.pallas_call(
        _tc_mid_body,
        grid=(GRID,),
        in_specs=[
            pl.BlockSpec((2, BN, D), lambda i: (0, i, 0)),
            pl.BlockSpec((BN, NW), lambda i: (i, 0)),
            pl.BlockSpec((D,), lambda i: (0,)),
            pl.BlockSpec((D, D), lambda i: (0, 0)),
            pl.BlockSpec((D,), lambda i: (0,)),
            pl.BlockSpec((D,), lambda i: (0,)),
        ],
        out_specs=[
            pl.BlockSpec((BN, D), lambda i: (i, 0)),
            pl.BlockSpec((NPAD,), lambda i: (0,)),
            pl.BlockSpec((NPAD,), lambda i: (0,)),
        ],
        out_shape=[
            jax.ShapeDtypeStruct((N, D), jnp.float32),
            jax.ShapeDtypeStruct((NPAD,), jnp.float32),
            jax.ShapeDtypeStruct((NPAD,), jnp.float32),
        ],
    )(u, dp, b, W, att_src, att_dst)


def _tc_fin_body(u_ref, dp_ref, b_ref, out_ref):
    out_ref[...] = _finalize(u_ref, dp_ref, b_ref)


def _tc_fin(u, dp, b):
    return pl.pallas_call(
        _tc_fin_body,
        grid=(GRID,),
        in_specs=[
            pl.BlockSpec((2, BN, D), lambda i: (0, i, 0)),
            pl.BlockSpec((BN, NW), lambda i: (i, 0)),
            pl.BlockSpec((D,), lambda i: (0,)),
        ],
        out_specs=pl.BlockSpec((BN, D), lambda i: (i, 0)),
        out_shape=jax.ShapeDtypeStruct((N, D), jnp.float32),
    )(u, dp, b)



_SC_MESH = plsc.VectorSubcoreMesh(core_axis_name="c", subcore_axis_name="s")
_SC_PARAMS = pltpu.CompilerParams(needs_layout_passes=False)


@functools.partial(
    pl.kernel,
    out_type=[
        jax.ShapeDtypeStruct((NW, EPW), jnp.float32),
        jax.ShapeDtypeStruct((NW, N), jnp.float32),
    ],
    mesh=_SC_MESH,
    compiler_params=_SC_PARAMS,
    scratch_types=[
        pltpu.VMEM((N,), jnp.float32),
        pltpu.VMEM((N,), jnp.float32),
        pltpu.VMEM((EPW,), jnp.int32),
        pltpu.VMEM((EPW,), jnp.int32),
        pltpu.VMEM((EPW,), jnp.float32),
        pltpu.VMEM((N,), jnp.float32),
    ],
)
def _sc_phase_a(a_src_hbm, a_dst_hbm, src_hbm, dst_hbm, ee_hbm, dp_hbm,
                asrc_v, adst_v, src_v, dst_v, ee_v, den_v):
    wid = lax.axis_index("s") * NC + lax.axis_index("c")
    pltpu.sync_copy(a_src_hbm, asrc_v)
    pltpu.sync_copy(a_dst_hbm, adst_v)
    pltpu.sync_copy(src_hbm.at[wid], src_v)
    pltpu.sync_copy(dst_hbm.at[wid], dst_v)

    zeros = jnp.zeros((16,), jnp.float32)

    @plsc.parallel_loop(0, N // 16, unroll=8)
    def _zero(i):
        den_v[pl.ds(i * 16, 16)] = zeros

    @plsc.parallel_loop(0, EPW // 16, unroll=4)
    def _edge(i):
        s16 = src_v[pl.ds(i * 16, 16)]
        d16 = dst_v[pl.ds(i * 16, 16)]
        e = plsc.load_gather(asrc_v, [s16]) + plsc.load_gather(adst_v, [d16])
        e = jnp.where(e >= 0.0, e, e * 0.2)
        ee = jnp.exp(e)
        ee_v[pl.ds(i * 16, 16)] = ee
        plsc.addupdate_scatter(den_v, [d16], ee)

    pltpu.sync_copy(ee_v, ee_hbm.at[wid])
    pltpu.sync_copy(den_v, dp_hbm.at[wid])



@functools.partial(
    pl.kernel,
    out_type=jax.ShapeDtypeStruct((NC, N, D), jnp.float32),
    mesh=_SC_MESH,
    compiler_params=_SC_PARAMS,
    scratch_types=[
        pltpu.VMEM((EPW,), jnp.int32),
        pltpu.VMEM((EPW,), jnp.int32),
        pltpu.VMEM((EPW,), jnp.float32),
        pltpu.VMEM((CH, D), jnp.float32),
        pltpu.VMEM((CH, D), jnp.float32),
        pltpu.VMEM_SHARED((N, D), jnp.float32),
        pltpu.SemaphoreType.DMA,
        pltpu.SemaphoreType.DMA,
        pltpu.SemaphoreType.DMA,
        pltpu.SemaphoreType.DMA,
    ],
)
def _sc_phase_b(h_hbm, src_hbm, dst_hbm, ee_hbm, out_hbm,
                src_v, dst_v, ee_v, rows0_v, rows1_v, acc,
                sem0, sem1, sem2, sem3):
    cid = lax.axis_index("c")
    sid = lax.axis_index("s")
    wid = sid * NC + cid
    bufs = (rows0_v, rows1_v)
    sems = (sem0, sem1)
    sems2 = (sem2, sem3)

    zeros = jnp.zeros((16,), jnp.float32)

    def _zbuf(i, _):
        for r in range(D // 16):
            rows0_v[i, pl.ds(r * 16, 16)] = zeros
        return _

    lax.fori_loop(0, CH, _zbuf, None)
    base = sid * ROWS_MAIN

    def _zero(j, _):
        pltpu.sync_copy(rows0_v, acc.at[pl.ds(base + j * CH, CH)])
        return _

    lax.fori_loop(0, ROWS_MAIN // CH, _zero, None)
    pltpu.sync_copy(rows0_v.at[pl.ds(0, 64)],
                    acc.at[pl.ds(base + (ROWS_MAIN // CH) * CH, 64)])

    @pl.when(sid == NS - 1)
    def _zero_tail():
        pltpu.sync_copy(rows0_v.at[pl.ds(0, 16)],
                        acc.at[pl.ds(NS * ROWS_MAIN, 16)])

    plsc.subcore_barrier()

    pltpu.sync_copy(src_hbm.at[wid], src_v)
    pltpu.sync_copy(dst_hbm.at[wid], dst_v)
    pltpu.sync_copy(ee_hbm.at[wid], ee_v)

    def _gather(j, b):
        return pltpu.async_copy(
            h_hbm.at[src_v.at[pl.ds(j * CH, CH)]], bufs[b], sems[b])

    def _consume(j, b):
        rows_v = bufs[b]

        @plsc.parallel_loop(0, CH, unroll=4)
        def _scale(e):
            s16 = plsc.load_gather(ee_v, [jnp.full((16,), j * CH + e,
                                                   jnp.int32)])
            for r in range(D // 16):
                rows_v[e, pl.ds(r * 16, 16)] = rows_v[e, pl.ds(r * 16, 16)] * s16
        descs = []
        for q in range(CH // 16):
            d16 = dst_v[pl.ds(j * CH + q * 16, 16)]
            descs.append(pltpu.async_copy(
                rows_v.at[pl.ds(q * 16, 16)], acc.at[d16], sems2[b],
                add=True))
        for desc in descs:
            desc.wait()

    _gather(0, 0)
    _gather(1, 1)

    def _pair(k, _):
        j0 = k * 2

        def _half(j, b):
            pltpu.make_async_copy(
                h_hbm.at[src_v.at[pl.ds(j * CH, CH)]], bufs[b], sems[b]).wait()
            _consume(j, b)

            @pl.when(j + 2 < NCHUNK)
            def _prefetch():
                _gather(j + 2, b)

        _half(j0, 0)
        _half(j0 + 1, 1)
        return _

    lax.fori_loop(0, (NCHUNK - 1) // 2, _pair, None)
    pltpu.make_async_copy(
        h_hbm.at[src_v.at[pl.ds((NCHUNK - 1) * CH, CH)]], bufs[0],
        sems[0]).wait()
    _consume(NCHUNK - 1, 0)
    plsc.subcore_barrier()

    pltpu.sync_copy(acc.at[pl.ds(base, ROWS_MAIN)],
                    out_hbm.at[cid].at[pl.ds(base, ROWS_MAIN)])

    @pl.when(sid == NS - 1)
    def _copy_tail():
        pltpu.sync_copy(acc.at[pl.ds(NS * ROWS_MAIN, ZB)],
                        out_hbm.at[cid].at[pl.ds(NS * ROWS_MAIN, ZB)])



def kernel(z, edge_index, W0, att_src0, att_dst0, b0, W1, att_src1, att_dst1, b1):
    src_a = edge_index[0].reshape(NW, EPW)
    dst_a = edge_index[1].reshape(NW, EPW)

    h0, a_s0, a_d0 = _tc_in(z, W0, att_src0, att_dst0)
    ee0, dp0 = _sc_phase_a(a_s0[:N], a_d0[:N], src_a, dst_a)
    u0 = _sc_phase_b(h0, src_a, dst_a, ee0)

    h1, a_s1, a_d1 = _tc_mid(u0, dp0.T, b0, W1, att_src1, att_dst1)
    ee1, dp1 = _sc_phase_a(a_s1[:N], a_d1[:N], src_a, dst_a)
    u1 = _sc_phase_b(h1, src_a, dst_a, ee1)

    return _tc_fin(u1, dp1.T, b1)

# --- scband reference (transcript-rebuilt; emitter-appended) ---
"""Pipeline reference for scband-gatp-43748536877305 (READ-ONLY COPY).

The authoritative reference and input builder live on the scoring server;
editing this copy changes nothing except your own understanding.
"""

import jax, jax.numpy as jnp
import numpy as np

N = 10000
E = 320000
D = 128
N_LAYERS = 2


def setup_inputs(seed: int = 0) -> dict:
    key = jax.random.key(seed)
    ks = jax.random.split(key, 2 + 4 * N_LAYERS)
    inp = {}
    inp['z'] = jax.random.normal(ks[0], (N, D), dtype=jnp.float32)
    inp['edge_index'] = jax.random.randint(ks[1], (2, E), 0, N, dtype=jnp.int32)
    scale = 1.0 / np.sqrt(D)
    for i in range(N_LAYERS):
        inp[f'W{i}'] = jax.random.normal(ks[2 + 4 * i], (D, D), dtype=jnp.float32) * scale
        inp[f'att_src{i}'] = jax.random.normal(ks[3 + 4 * i], (D,), dtype=jnp.float32) * scale
        inp[f'att_dst{i}'] = jax.random.normal(ks[4 + 4 * i], (D,), dtype=jnp.float32) * scale
        inp[f'b{i}'] = jnp.zeros((D,), dtype=jnp.float32)
    return inp


def _gat_conv(x, edge_index, W, att_src, att_dst, bias):
    # PyG GATConv semantics with heads=1, negative_slope=0.2
    h = x @ W                                   # [N, D] linear transform
    src = edge_index[0]
    dst = edge_index[1]
    a_src = (h * att_src).sum(axis=-1)          # [N]
    a_dst = (h * att_dst).sum(axis=-1)          # [N]
    e = a_src[src] + a_dst[dst]                 # gather per edge [E]
    e = jax.nn.leaky_relu(e, negative_slope=0.2)
    # segment softmax over incoming edges of each dst node
    e_max = jax.ops.segment_max(e, dst, num_segments=N)
    e_max = jnp.where(jnp.isfinite(e_max), e_max, 0.0)
    e_exp = jnp.exp(e - e_max[dst])
    denom = jax.ops.segment_sum(e_exp, dst, num_segments=N)
    alpha = e_exp / (denom[dst] + 1e-16)        # [E]
    msg = h[src] * alpha[:, None]               # gather + weight [E, D]
    out = jax.ops.segment_sum(msg, dst, num_segments=N)  # scatter-add [N, D]
    return out + bias


def reference(z, edge_index, W0, att_src0, att_dst0, b0, W1, att_src1, att_dst1, b1):
    params = [(W0, att_src0, att_dst0, b0), (W1, att_src1, att_dst1, b1)]
    h = z
    for i, (W, a_s, a_d, b) in enumerate(params):
        h = _gat_conv(h, edge_index, W, a_s, a_d, b)
        if i < len(params) - 1:
            h = jax.nn.relu(h)
    return h

if __name__ == "__main__":
    import jax
    _d = setup_inputs()
    print(jax.jit(kernel)(*tuple(_d.values())))

</pallas_src>

<mosaic_0001>
#map = affine_map<(d0, d1) -> (0)>
#map1 = affine_map<(d0, d1) -> (0, 0)>
module attributes {stable_mosaic.version = 14 : i64} {
  func.func @_sc_phase_a(%arg0: i32, %arg1: i32, %arg2: memref<10000xf32, #tpu.memory_space<hbm>>, %arg3: memref<10000xf32, #tpu.memory_space<hbm>>, %arg4: memref<32x10000xi32, #tpu.memory_space<hbm>>, %arg5: memref<32x10000xi32, #tpu.memory_space<hbm>>, %arg6: memref<32x10000xf32, #tpu.memory_space<hbm>>, %arg7: memref<32x10000xf32, #tpu.memory_space<hbm>>, %arg8: memref<10000xf32, #tpu.memory_space<vmem>>, %arg9: memref<10000xf32, #tpu.memory_space<vmem>>, %arg10: memref<10000xi32, #tpu.memory_space<vmem>>, %arg11: memref<10000xi32, #tpu.memory_space<vmem>>, %arg12: memref<10000xf32, #tpu.memory_space<vmem>>, %arg13: memref<10000xf32, #tpu.memory_space<vmem>>) attributes {dimension_semantics = [#tpu.dimension_semantics<core_parallel>, #tpu.dimension_semantics<subcore_parallel>], iteration_bounds = array<i64: 2, 16>, scalar_prefetch = 0 : i64, scratch_operands = 6 : i64, tpu.core_type = #tpu.core_type<sc_vector_subcore>, window_params = [{transform_indices = #map}, {transform_indices = #map}, {transform_indices = #map1}, {transform_indices = #map1}, {transform_indices = #map1}, {transform_indices = #map1}]} {
    %mul3A = arith.constant 2 : i32
    %mul3A_0 = arith.muli %arg1, %mul3A : i32
    %add3A = arith.addi %mul3A_0, %arg0 : i32
    "tpu.region"() ({
      %run_scoped3A = tpu.sem_alloc : memref<!tpu.dma_semaphore, #tpu.memory_space<semaphore_mem>>
      tpu.enqueue_dma source(%arg2 : memref<10000xf32, #tpu.memory_space<hbm>>) target(%arg8 : memref<10000xf32, #tpu.memory_space<vmem>>) target_semaphore(%run_scoped3A : memref<!tpu.dma_semaphore, #tpu.memory_space<semaphore_mem>>)
      tpu.wait_dma2 semaphore(%run_scoped3A : memref<!tpu.dma_semaphore, #tpu.memory_space<semaphore_mem>>) src(%arg2 : memref<10000xf32, #tpu.memory_space<hbm>>) dst(%arg8 : memref<10000xf32, #tpu.memory_space<vmem>>)
      tpu.yield
    }) : () -> ()
    "tpu.region"() ({
      %run_scoped3A = tpu.sem_alloc : memref<!tpu.dma_semaphore, #tpu.memory_space<semaphore_mem>>
      tpu.enqueue_dma source(%arg3 : memref<10000xf32, #tpu.memory_space<hbm>>) target(%arg9 : memref<10000xf32, #tpu.memory_space<vmem>>) target_semaphore(%run_scoped3A : memref<!tpu.dma_semaphore, #tpu.memory_space<semaphore_mem>>)
      tpu.wait_dma2 semaphore(%run_scoped3A : memref<!tpu.dma_semaphore, #tpu.memory_space<semaphore_mem>>) src(%arg3 : memref<10000xf32, #tpu.memory_space<hbm>>) dst(%arg9 : memref<10000xf32, #tpu.memory_space<vmem>>)
      tpu.yield
    }) : () -> ()
    "tpu.region"() ({
      %run_scoped3A = tpu.sem_alloc : memref<!tpu.dma_semaphore, #tpu.memory_space<semaphore_mem>>
      %dma_start3A = arith.constant 0 : i32
      %dma_start3A_7 = tpu.memref_slice %arg4[%add3A, %dma_start3A] : memref<32x10000xi32, #tpu.memory_space<hbm>> -> memref<1x10000xi32, #tpu.memory_space<hbm>>
      %dma_start3A_8 = tpu.memref_squeeze %dma_start3A_7 : memref<1x10000xi32, #tpu.memory_space<hbm>> -> memref<10000xi32, #tpu.memory_space<hbm>>
      %dma_start3A_9 = arith.constant 0 : i32
      %dma_start3A_10 = tpu.memref_slice %arg4[%add3A, %dma_start3A_9] : memref<32x10000xi32, #tpu.memory_space<hbm>> -> memref<1x10000xi32, #tpu.memory_space<hbm>>
      %dma_start3A_11 = tpu.memref_squeeze %dma_start3A_10 : memref<1x10000xi32, #tpu.memory_space<hbm>> -> memref<10000xi32, #tpu.memory_space<hbm>>
      tpu.enqueue_dma source(%dma_start3A_11 : memref<10000xi32, #tpu.memory_space<hbm>>) target(%arg10 : memref<10000xi32, #tpu.memory_space<vmem>>) target_semaphore(%run_scoped3A : memref<!tpu.dma_semaphore, #tpu.memory_space<semaphore_mem>>)
      %dma_wait3A = arith.constant 0 : i32
      %dma_wait3A_12 = tpu.memref_slice %arg4[%add3A, %dma_wait3A] : memref<32x10000xi32, #tpu.memory_space<hbm>> -> memref<1x10000xi32, #tpu.memory_space<hbm>>
      %dma_wait3A_13 = tpu.memref_squeeze %dma_wait3A_12 : memref<1x10000xi32, #tpu.memory_space<hbm>> -> memref<10000xi32, #tpu.memory_space<hbm>>
      %dma_wait3A_14 = arith.constant 0 : i32
      %dma_wait3A_15 = tpu.memref_slice %arg4[%add3A, %dma_wait3A_14] : memref<32x10000xi32, #tpu.memory_space<hbm>> -> memref<1x10000xi32, #tpu.memory_space<hbm>>
      %dma_wait3A_16 = tpu.memref_squeeze %dma_wait3A_15 : memref<1x10000xi32, #tpu.memory_space<hbm>> -> memref<10000xi32, #tpu.memory_space<hbm>>
      tpu.wait_dma2 semaphore(%run_scoped3A : memref<!tpu.dma_semaphore, #tpu.memory_space<semaphore_mem>>) src(%dma_wait3A_16 : memref<10000xi32, #tpu.memory_space<hbm>>) dst(%arg10 : memref<10000xi32, #tpu.memory_space<vmem>>)
      tpu.yield
    }) : () -> ()
    "tpu.region"() ({
      %run_scoped3A = tpu.sem_alloc : memref<!tpu.dma_semaphore, #tpu.memory_space<semaphore_mem>>
      %dma_start3A = arith.constant 0 : i32
      %dma_start3A_7 = tpu.memref_slice %arg5[%add3A, %dma_start3A] : memref<32x10000xi32, #tpu.memory_space<hbm>> -> memref<1x10000xi32, #tpu.memory_space<hbm>>
      %dma_start3A_8 = tpu.memref_squeeze %dma_start3A_7 : memref<1x10000xi32, #tpu.memory_space<hbm>> -> memref<10000xi32, #tpu.memory_space<hbm>>
      %dma_start3A_9 = arith.constant 0 : i32
      %dma_start3A_10 = tpu.memref_slice %arg5[%add3A, %dma_start3A_9] : memref<32x10000xi32, #tpu.memory_space<hbm>> -> memref<1x10000xi32, #tpu.memory_space<hbm>>
      %dma_start3A_11 = tpu.memref_squeeze %dma_start3A_10 : memref<1x10000xi32, #tpu.memory_space<hbm>> -> memref<10000xi32, #tpu.memory_space<hbm>>
      tpu.enqueue_dma source(%dma_start3A_11 : memref<10000xi32, #tpu.memory_space<hbm>>) target(%arg11 : memref<10000xi32, #tpu.memory_space<vmem>>) target_semaphore(%run_scoped3A : memref<!tpu.dma_semaphore, #tpu.memory_space<semaphore_mem>>)
      %dma_wait3A = arith.constant 0 : i32
      %dma_wait3A_12 = tpu.memref_slice %arg5[%add3A, %dma_wait3A] : memref<32x10000xi32, #tpu.memory_space<hbm>> -> memref<1x10000xi32, #tpu.memory_space<hbm>>
      %dma_wait3A_13 = tpu.memref_squeeze %dma_wait3A_12 : memref<1x10000xi32, #tpu.memory_space<hbm>> -> memref<10000xi32, #tpu.memory_space<hbm>>
      %dma_wait3A_14 = arith.constant 0 : i32
      %dma_wait3A_15 = tpu.memref_slice %arg5[%add3A, %dma_wait3A_14] : memref<32x10000xi32, #tpu.memory_space<hbm>> -> memref<1x10000xi32, #tpu.memory_space<hbm>>
      %dma_wait3A_16 = tpu.memref_squeeze %dma_wait3A_15 : memref<1x10000xi32, #tpu.memory_space<hbm>> -> memref<10000xi32, #tpu.memory_space<hbm>>
      tpu.wait_dma2 semaphore(%run_scoped3A : memref<!tpu.dma_semaphore, #tpu.memory_space<semaphore_mem>>) src(%dma_wait3A_16 : memref<10000xi32, #tpu.memory_space<hbm>>) dst(%arg11 : memref<10000xi32, #tpu.memory_space<vmem>>)
      tpu.yield
    }) : () -> ()
    %broadcast_in_dim3A = arith.constant 0.000000e+00 : f32
    %broadcast_in_dim3A_1 = vector.broadcast %broadcast_in_dim3A : f32 to vector<16xf32>
    %parallel_loop3A = arith.constant 0 : i32
    %parallel_loop3A_2 = arith.constant 625 : i32
    %parallel_loop3A_3 = arith.constant 1 : i32
    scf.for %parallel_loop3A_7 = %parallel_loop3A to %parallel_loop3A_2 step %parallel_loop3A_3  : i32 {
      %parallel_loop3A_8 = arith.constant 16 : i32
      %parallel_loop3A_9 = arith.muli %parallel_loop3A_7, %parallel_loop3A_8 : i32
      %parallel_loop3A_10 = arith.index_cast %parallel_loop3A_9 : i32 to index
      %parallel_loop3A_11 = tpu.vector_load %arg13[%parallel_loop3A_10] {strides = array<i32>} : memref<10000xf32, #tpu.memory_space<vmem>>, vector<16xf32>,
      tpu.vector_store %arg13[%parallel_loop3A_10], %broadcast_in_dim3A_1 {strides = array<i32>} : memref<10000xf32, #tpu.memory_space<vmem>>, vector<16xf32>,
    } {sc.loop_unroll_factor = 8 : i64, sc.parallel_access}
    %parallel_loop3A_4 = arith.constant 0 : i32
    %parallel_loop3A_5 = arith.constant 625 : i32
    %parallel_loop3A_6 = arith.constant 1 : i32
    scf.for %parallel_loop3A_7 = %parallel_loop3A_4 to %parallel_loop3A_5 step %parallel_loop3A_6  : i32 {
      %parallel_loop3A_8 = arith.constant 16 : i32
      %parallel_loop3A_9 = arith.muli %parallel_loop3A_7, %parallel_loop3A_8 : i32
      %parallel_loop3A_10 = arith.index_cast %parallel_loop3A_9 : i32 to index
      %parallel_loop3A_11 = tpu.vector_load %arg10[%parallel_loop3A_10] {strides = array<i32>} : memref<10000xi32, #tpu.memory_space<vmem>>, vector<16xi32>,
      %parallel_loop3A_12 = arith.constant 16 : i32
      %parallel_loop3A_13 = arith.muli %parallel_loop3A_7, %parallel_loop3A_12 : i32
      %parallel_loop3A_14 = arith.index_cast %parallel_loop3A_13 : i32 to index
      %parallel_loop3A_15 = tpu.vector_load %arg11[%parallel_loop3A_14] {strides = array<i32>} : memref<10000xi32, #tpu.memory_space<vmem>>, vector<16xi32>,
      %parallel_loop3A_16 = tpu.vector_load_idx %arg8[%parallel_loop3A_11] : memref<10000xf32, #tpu.memory_space<vmem>>[vector<16xi32>], vector<16xf32>,
      %parallel_loop3A_17 = tpu.vector_load_idx %arg9[%parallel_loop3A_15] : memref<10000xf32, #tpu.memory_space<vmem>>[vector<16xi32>], vector<16xf32>,
      %parallel_loop3A_18 = arith.addf %parallel_loop3A_16, %parallel_loop3A_17 : vector<16xf32>
      %parallel_loop3A_19 = arith.constant 0.000000e+00 : f32
      %parallel_loop3A_20 = vector.broadcast %parallel_loop3A_19 : f32 to vector<16xf32>
      %parallel_loop3A_21 = arith.cmpf oge, %parallel_loop3A_18, %parallel_loop3A_20 : vector<16xf32>
      %parallel_loop3A_22 = arith.constant 2.000000e-01 : f32
      %parallel_loop3A_23 = vector.broadcast %parallel_loop3A_22 : f32 to vector<16xf32>
      %parallel_loop3A_24 = arith.mulf %parallel_loop3A_18, %parallel_loop3A_23 : vector<16xf32>
      %parallel_loop3A_25 = arith.select %parallel_loop3A_21, %parallel_loop3A_18, %parallel_loop3A_24 : vector<16xi1>, vector<16xf32>
      %parallel_loop3A_26 = math.exp %parallel_loop3A_25 : vector<16xf32>
      %parallel_loop3A_27 = arith.constant 16 : i32
      %parallel_loop3A_28 = arith.muli %parallel_loop3A_7, %parallel_loop3A_27 : i32
      %parallel_loop3A_29 = arith.index_cast %parallel_loop3A_28 : i32 to index
      %parallel_loop3A_30 = tpu.vector_load %arg12[%parallel_loop3A_29] {strides = array<i32>} : memref<10000xf32, #tpu.memory_space<vmem>>, vector<16xf32>,
      tpu.vector_store %arg12[%parallel_loop3A_29], %parallel_loop3A_26 {strides = array<i32>} : memref<10000xf32, #tpu.memory_space<vmem>>, vector<16xf32>,
      tpu.vector_store_idx %arg13[%parallel_loop3A_15], %parallel_loop3A_26 {add = true} : memref<10000xf32, #tpu.memory_space<vmem>>[vector<16xi32>], vector<16xf32>,
    } {sc.loop_unroll_factor = 4 : i64, sc.parallel_access}
    "tpu.region"() ({
      %run_scoped3A = tpu.sem_alloc : memref<!tpu.dma_semaphore, #tpu.memory_space<semaphore_mem>>
      %dma_start3A = arith.constant 0 : i32
      %dma_start3A_7 = tpu.memref_slice %arg6[%add3A, %dma_start3A] : memref<32x10000xf32, #tpu.memory_space<hbm>> -> memref<1x10000xf32, #tpu.memory_space<hbm>>
      %dma_start3A_8 = tpu.memref_squeeze %dma_start3A_7 : memref<1x10000xf32, #tpu.memory_space<hbm>> -> memref<10000xf32, #tpu.memory_space<hbm>>
      %dma_start3A_9 = arith.constant 0 : i32
      %dma_start3A_10 = tpu.memref_slice %arg6[%add3A, %dma_start3A_9] : memref<32x10000xf32, #tpu.memory_space<hbm>> -> memref<1x10000xf32, #tpu.memory_space<hbm>>
      %dma_start3A_11 = tpu.memref_squeeze %dma_start3A_10 : memref<1x10000xf32, #tpu.memory_space<hbm>> -> memref<10000xf32, #tpu.memory_space<hbm>>
      tpu.enqueue_dma source(%arg12 : memref<10000xf32, #tpu.memory_space<vmem>>) target(%dma_start3A_11 : memref<10000xf32, #tpu.memory_space<hbm>>) target_semaphore(%run_scoped3A : memref<!tpu.dma_semaphore, #tpu.memory_space<semaphore_mem>>)
      %dma_wait3A = arith.constant 0 : i32
      %dma_wait3A_12 = tpu.memref_slice %arg6[%add3A, %dma_wait3A] : memref<32x10000xf32, #tpu.memory_space<hbm>> -> memref<1x10000xf32, #tpu.memory_space<hbm>>
      %dma_wait3A_13 = tpu.memref_squeeze %dma_wait3A_12 : memref<1x10000xf32, #tpu.memory_space<hbm>> -> memref<10000xf32, #tpu.memory_space<hbm>>
      %dma_wait3A_14 = arith.constant 0 : i32
      %dma_wait3A_15 = tpu.memref_slice %arg6[%add3A, %dma_wait3A_14] : memref<32x10000xf32, #tpu.memory_space<hbm>> -> memref<1x10000xf32, #tpu.memory_space<hbm>>
      %dma_wait3A_16 = tpu.memref_squeeze %dma_wait3A_15 : memref<1x10000xf32, #tpu.memory_space<hbm>> -> memref<10000xf32, #tpu.memory_space<hbm>>
      tpu.wait_dma2 semaphore(%run_scoped3A : memref<!tpu.dma_semaphore, #tpu.memory_space<semaphore_mem>>) src(%arg12 : memref<10000xf32, #tpu.memory_space<vmem>>) dst(%dma_wait3A_16 : memref<10000xf32, #tpu.memory_space<hbm>>)
      tpu.yield
    }) : () -> ()
    "tpu.region"() ({
      %run_scoped3A = tpu.sem_alloc : memref<!tpu.dma_semaphore, #tpu.memory_space<semaphore_mem>>
      %dma_start3A = arith.constant 0 : i32
      %dma_start3A_7 = tpu.memref_slice %arg7[%add3A, %dma_start3A] : memref<32x10000xf32, #tpu.memory_space<hbm>> -> memref<1x10000xf32, #tpu.memory_space<hbm>>
      %dma_start3A_8 = tpu.memref_squeeze %dma_start3A_7 : memref<1x10000xf32, #tpu.memory_space<hbm>> -> memref<10000xf32, #tpu.memory_space<hbm>>
      %dma_start3A_9 = arith.constant 0 : i32
      %dma_start3A_10 = tpu.memref_slice %arg7[%add3A, %dma_start3A_9] : memref<32x10000xf32, #tpu.memory_space<hbm>> -> memref<1x10000xf32, #tpu.memory_space<hbm>>
      %dma_start3A_11 = tpu.memref_squeeze %dma_start3A_10 : memref<1x10000xf32, #tpu.memory_space<hbm>> -> memref<10000xf32, #tpu.memory_space<hbm>>
      tpu.enqueue_dma source(%arg13 : memref<10000xf32, #tpu.memory_space<vmem>>) target(%dma_start3A_11 : memref<10000xf32, #tpu.memory_space<hbm>>) target_semaphore(%run_scoped3A : memref<!tpu.dma_semaphore, #tpu.memory_space<semaphore_mem>>)
      %dma_wait3A = arith.constant 0 : i32
      %dma_wait3A_12 = tpu.memref_slice %arg7[%add3A, %dma_wait3A] : memref<32x10000xf32, #tpu.memory_space<hbm>> -> memref<1x10000xf32, #tpu.memory_space<hbm>>
      %dma_wait3A_13 = tpu.memref_squeeze %dma_wait3A_12 : memref<1x10000xf32, #tpu.memory_space<hbm>> -> memref<10000xf32, #tpu.memory_space<hbm>>
      %dma_wait3A_14 = arith.constant 0 : i32
      %dma_wait3A_15 = tpu.memref_slice %arg7[%add3A, %dma_wait3A_14] : memref<32x10000xf32, #tpu.memory_space<hbm>> -> memref<1x10000xf32, #tpu.memory_space<hbm>>
      %dma_wait3A_16 = tpu.memref_squeeze %dma_wait3A_15 : memref<1x10000xf32, #tpu.memory_space<hbm>> -> memref<10000xf32, #tpu.memory_space<hbm>>
      tpu.wait_dma2 semaphore(%run_scoped3A : memref<!tpu.dma_semaphore, #tpu.memory_space<semaphore_mem>>) src(%arg13 : memref<10000xf32, #tpu.memory_space<vmem>>) dst(%dma_wait3A_16 : memref<10000xf32, #tpu.memory_space<hbm>>)
      tpu.yield
    }) : () -> ()
    return
  }
}

#map = affine_map<(d0, d1) -> (0)>
#map1 = affine_map<(d0, d1) -> (0, 0)>
module attributes {stable_mosaic.version = 14 : i64} {
  func.func @_sc_phase_a(%arg0: i32, %arg1: i32, %arg2: memref<10000xf32, #tpu.memory_space<hbm>>, %arg3: memref<10000xf32, #tpu.memory_space<hbm>>, %arg4: memref<32x10000xi32, #tpu.memory_space<hbm>>, %arg5: memref<32x10000xi32, #tpu.memory_space<hbm>>, %arg6: memref<32x10000xf32, #tpu.memory_space<hbm>>, %arg7: memref<32x10000xf32, #tpu.memory_space<hbm>>, %arg8: memref<10000xf32, #tpu.memory_space<vmem>>, %arg9: memref<10000xf32, #tpu.memory_space<vmem>>, %arg10: memref<10000xi32, #tpu.memory_space<vmem>>, %arg11: memref<10000xi32, #tpu.memory_space<vmem>>, %arg12: memref<10000xf32, #tpu.memory_space<vmem>>, %arg13: memref<10000xf32, #tpu.memory_space<vmem>>) attributes {dimension_semantics = [#tpu.dimension_semantics<core_parallel>, #tpu.dimension_semantics<subcore_parallel>], iteration_bounds = array<i64: 2, 16>, scalar_prefetch = 0 : i64, scratch_operands = 6 : i64, tpu.core_type = #tpu.core_type<sc_vector_subcore>, window_params = [{transform_indices = #map}, {transform_indices = #map}, {transform_indices = #map1}, {transform_indices = #map1}, {transform_indices = #map1}, {transform_indices = #map1}]} {
    %mul3A = arith.constant 2 : i32
    %mul3A_0 = arith.muli %arg1, %mul3A : i32
    %add3A = arith.addi %mul3A_0, %arg0 : i32
    "tpu.region"() ({
      %run_scoped3A = tpu.sem_alloc : memref<!tpu.dma_semaphore, #tpu.memory_space<semaphore_mem>>
      tpu.enqueue_dma source(%arg2 : memref<10000xf32, #tpu.memory_space<hbm>>) target(%arg8 : memref<10000xf32, #tpu.memory_space<vmem>>) target_semaphore(%run_scoped3A : memref<!tpu.dma_semaphore, #tpu.memory_space<semaphore_mem>>)
      tpu.wait_dma2 semaphore(%run_scoped3A : memref<!tpu.dma_semaphore, #tpu.memory_space<semaphore_mem>>) src(%arg2 : memref<10000xf32, #tpu.memory_space<hbm>>) dst(%arg8 : memref<10000xf32, #tpu.memory_space<vmem>>)
      tpu.yield
    }) : () -> ()
    "tpu.region"() ({
      %run_scoped3A = tpu.sem_alloc : memref<!tpu.dma_semaphore, #tpu.memory_space<semaphore_mem>>
      tpu.enqueue_dma source(%arg3 : memref<10000xf32, #tpu.memory_space<hbm>>) target(%arg9 : memref<10000xf32, #tpu.memory_space<vmem>>) target_semaphore(%run_scoped3A : memref<!tpu.dma_semaphore, #tpu.memory_space<semaphore_mem>>)
      tpu.wait_dma2 semaphore(%run_scoped3A : memref<!tpu.dma_semaphore, #tpu.memory_space<semaphore_mem>>) src(%arg3 : memref<10000xf32, #tpu.memory_space<hbm>>) dst(%arg9 : memref<10000xf32, #tpu.memory_space<vmem>>)
      tpu.yield
    }) : () -> ()
    "tpu.region"() ({
      %run_scoped3A = tpu.sem_alloc : memref<!tpu.dma_semaphore, #tpu.memory_space<semaphore_mem>>
      %dma_start3A = arith.constant 0 : i32
      %dma_start3A_7 = tpu.memref_slice %arg4[%add3A, %dma_start3A] : memref<32x10000xi32, #tpu.memory_space<hbm>> -> memref<1x10000xi32, #tpu.memory_space<hbm>>
      %dma_start3A_8 = tpu.memref_squeeze %dma_start3A_7 : memref<1x10000xi32, #tpu.memory_space<hbm>> -> memref<10000xi32, #tpu.memory_space<hbm>>
      %dma_start3A_9 = arith.constant 0 : i32
      %dma_start3A_10 = tpu.memref_slice %arg4[%add3A, %dma_start3A_9] : memref<32x10000xi32, #tpu.memory_space<hbm>> -> memref<1x10000xi32, #tpu.memory_space<hbm>>
      %dma_start3A_11 = tpu.memref_squeeze %dma_start3A_10 : memref<1x10000xi32, #tpu.memory_space<hbm>> -> memref<10000xi32, #tpu.memory_space<hbm>>
      tpu.enqueue_dma source(%dma_start3A_11 : memref<10000xi32, #tpu.memory_space<hbm>>) target(%arg10 : memref<10000xi32, #tpu.memory_space<vmem>>) target_semaphore(%run_scoped3A : memref<!tpu.dma_semaphore, #tpu.memory_space<semaphore_mem>>)
      %dma_wait3A = arith.constant 0 : i32
      %dma_wait3A_12 = tpu.memref_slice %arg4[%add3A, %dma_wait3A] : memref<32x10000xi32, #tpu.memory_space<hbm>> -> memref<1x10000xi32, #tpu.memory_space<hbm>>
      %dma_wait3A_13 = tpu.memref_squeeze %dma_wait3A_12 : memref<1x10000xi32, #tpu.memory_space<hbm>> -> memref<10000xi32, #tpu.memory_space<hbm>>
      %dma_wait3A_14 = arith.constant 0 : i32
      %dma_wait3A_15 = tpu.memref_slice %arg4[%add3A, %dma_wait3A_14] : memref<32x10000xi32, #tpu.memory_space<hbm>> -> memref<1x10000xi32, #tpu.memory_space<hbm>>
      %dma_wait3A_16 = tpu.memref_squeeze %dma_wait3A_15 : memref<1x10000xi32, #tpu.memory_space<hbm>> -> memref<10000xi32, #tpu.memory_space<hbm>>
      tpu.wait_dma2 semaphore(%run_scoped3A : memref<!tpu.dma_semaphore, #tpu.memory_space<semaphore_mem>>) src(%dma_wait3A_16 : memref<10000xi32, #tpu.memory_space<hbm>>) dst(%arg10 : memref<10000xi32, #tpu.memory_space<vmem>>)
      tpu.yield
    }) : () -> ()
    "tpu.region"() ({
      %run_scoped3A = tpu.sem_alloc : memref<!tpu.dma_semaphore, #tpu.memory_space<semaphore_mem>>
      %dma_start3A = arith.constant 0 : i32
      %dma_start3A_7 = tpu.memref_slice %arg5[%add3A, %dma_start3A] : memref<32x10000xi32, #tpu.memory_space<hbm>> -> memref<1x10000xi32, #tpu.memory_space<hbm>>
      %dma_start3A_8 = tpu.memref_squeeze %dma_start3A_7 : memref<1x10000xi32, #tpu.memory_space<hbm>> -> memref<10000xi32, #tpu.memory_space<hbm>>
      %dma_start3A_9 = arith.constant 0 : i32
      %dma_start3A_10 = tpu.memref_slice %arg5[%add3A, %dma_start3A_9] : memref<32x10000xi32, #tpu.memory_space<hbm>> -> memref<1x10000xi32, #tpu.memory_space<hbm>>
      %dma_start3A_11 = tpu.memref_squeeze %dma_start3A_10 : memref<1x10000xi32, #tpu.memory_space<hbm>> -> memref<10000xi32, #tpu.memory_space<hbm>>
      tpu.enqueue_dma source(%dma_start3A_11 : memref<10000xi32, #tpu.memory_space<hbm>>) target(%arg11 : memref<10000xi32, #tpu.memory_space<vmem>>) target_semaphore(%run_scoped3A : memref<!tpu.dma_semaphore, #tpu.memory_space<semaphore_mem>>)
      %dma_wait3A = arith.constant 0 : i32
      %dma_wait3A_12 = tpu.memref_slice %arg5[%add3A, %dma_wait3A] : memref<32x10000xi32, #tpu.memory_space<hbm>> -> memref<1x10000xi32, #tpu.memory_space<hbm>>
      %dma_wait3A_13 = tpu.memref_squeeze %dma_wait3A_12 : memref<1x10000xi32, #tpu.memory_space<hbm>> -> memref<10000xi32, #tpu.memory_space<hbm>>
      %dma_wait3A_14 = arith.constant 0 : i32
      %dma_wait3A_15 = tpu.memref_slice %arg5[%add3A, %dma_wait3A_14] : memref<32x10000xi32, #tpu.memory_space<hbm>> -> memref<1x10000xi32, #tpu.memory_space<hbm>>
      %dma_wait3A_16 = tpu.memref_squeeze %dma_wait3A_15 : memref<1x10000xi32, #tpu.memory_space<hbm>> -> memref<10000xi32, #tpu.memory_space<hbm>>
      tpu.wait_dma2 semaphore(%run_scoped3A : memref<!tpu.dma_semaphore, #tpu.memory_space<semaphore_mem>>) src(%dma_wait3A_16 : memref<10000xi32, #tpu.memory_space<hbm>>) dst(%arg11 : memref<10000xi32, #tpu.memory_space<vmem>>)
      tpu.yield
    }) : () -> ()
    %broadcast_in_dim3A = arith.constant 0.000000e+00 : f32
    %broadcast_in_dim3A_1 = vector.broadcast %broadcast_in_dim3A : f32 to vector<16xf32>
    %parallel_loop3A = arith.constant 0 : i32
    %parallel_loop3A_2 = arith.constant 625 : i32
    %parallel_loop3A_3 = arith.constant 1 : i32
    scf.for %parallel_loop3A_7 = %parallel_loop3A to %parallel_loop3A_2 step %parallel_loop3A_3  : i32 {
      %parallel_loop3A_8 = arith.constant 16 : i32
      %parallel_loop3A_9 = arith.muli %parallel_loop3A_7, %parallel_loop3A_8 : i32
      %parallel_loop3A_10 = arith.index_cast %parallel_loop3A_9 : i32 to index
      %parallel_loop3A_11 = tpu.vector_load %arg13[%parallel_loop3A_10] {strides = array<i32>} : memref<10000xf32, #tpu.memory_space<vmem>>, vector<16xf32>,
      tpu.vector_store %arg13[%parallel_loop3A_10], %broadcast_in_dim3A_1 {strides = array<i32>} : memref<10000xf32, #tpu.memory_space<vmem>>, vector<16xf32>,
    } {sc.loop_unroll_factor = 8 : i64, sc.parallel_access}
    %parallel_loop3A_4 = arith.constant 0 : i32
    %parallel_loop3A_5 = arith.constant 625 : i32
    %parallel_loop3A_6 = arith.constant 1 : i32
    scf.for %parallel_loop3A_7 = %parallel_loop3A_4 to %parallel_loop3A_5 step %parallel_loop3A_6  : i32 {
      %parallel_loop3A_8 = arith.constant 16 : i32
      %parallel_loop3A_9 = arith.muli %parallel_loop3A_7, %parallel_loop3A_8 : i32
      %parallel_loop3A_10 = arith.index_cast %parallel_loop3A_9 : i32 to index
      %parallel_loop3A_11 = tpu.vector_load %arg10[%parallel_loop3A_10] {strides = array<i32>} : memref<10000xi32, #tpu.memory_space<vmem>>, vector<16xi32>,
      %parallel_loop3A_12 = arith.constant 16 : i32
      %parallel_loop3A_13 = arith.muli %parallel_loop3A_7, %parallel_loop3A_12 : i32
      %parallel_loop3A_14 = arith.index_cast %parallel_loop3A_13 : i32 to index
      %parallel_loop3A_15 = tpu.vector_load %arg11[%parallel_loop3A_14] {strides = array<i32>} : memref<10000xi32, #tpu.memory_space<vmem>>, vector<16xi32>,
      %parallel_loop3A_16 = tpu.vector_load_idx %arg8[%parallel_loop3A_11] : memref<10000xf32, #tpu.memory_space<vmem>>[vector<16xi32>], vector<16xf32>,
      %parallel_loop3A_17 = tpu.vector_load_idx %arg9[%parallel_loop3A_15] : memref<10000xf32, #tpu.memory_space<vmem>>[vector<16xi32>], vector<16xf32>,
      %parallel_loop3A_18 = arith.addf %parallel_loop3A_16, %parallel_loop3A_17 : vector<16xf32>
      %parallel_loop3A_19 = arith.constant 0.000000e+00 : f32
      %parallel_loop3A_20 = vector.broadcast %parallel_loop3A_19 : f32 to vector<16xf32>
      %parallel_loop3A_21 = arith.cmpf oge, %parallel_loop3A_18, %parallel_loop3A_20 : vector<16xf32>
      %parallel_loop3A_22 = arith.constant 2.000000e-01 : f32
      %parallel_loop3A_23 = vector.broadcast %parallel_loop3A_22 : f32 to vector<16xf32>
      %parallel_loop3A_24 = arith.mulf %parallel_loop3A_18, %parallel_loop3A_23 : vector<16xf32>
      %parallel_loop3A_25 = arith.select %parallel_loop3A_21, %parallel_loop3A_18, %parallel_loop3A_24 : vector<16xi1>, vector<16xf32>
      %parallel_loop3A_26 = math.exp %parallel_loop3A_25 : vector<16xf32>
      %parallel_loop3A_27 = arith.constant 16 : i32
      %parallel_loop3A_28 = arith.muli %parallel_loop3A_7, %parallel_loop3A_27 : i32
      %parallel_loop3A_29 = arith.index_cast %parallel_loop3A_28 : i32 to index
      %parallel_loop3A_30 = tpu.vector_load %arg12[%parallel_loop3A_29] {strides = array<i32>} : memref<10000xf32, #tpu.memory_space<vmem>>, vector<16xf32>,
      tpu.vector_store %arg12[%parallel_loop3A_29], %parallel_loop3A_26 {strides = array<i32>} : memref<10000xf32, #tpu.memory_space<vmem>>, vector<16xf32>,
      tpu.vector_store_idx %arg13[%parallel_loop3A_15], %parallel_loop3A_26 {add = true} : memref<10000xf32, #tpu.memory_space<vmem>>[vector<16xi32>], vector<16xf32>,
    } {sc.loop_unroll_factor = 4 : i64, sc.parallel_access}
    "tpu.region"() ({
      %run_scoped3A = tpu.sem_alloc : memref<!tpu.dma_semaphore, #tpu.memory_space<semaphore_mem>>
      %dma_start3A = arith.constant 0 : i32
      %dma_start3A_7 = tpu.memref_slice %arg6[%add3A, %dma_start3A] : memref<32x10000xf32, #tpu.memory_space<hbm>> -> memref<1x10000xf32, #tpu.memory_space<hbm>>
      %dma_start3A_8 = tpu.memref_squeeze %dma_start3A_7 : memref<1x10000xf32, #tpu.memory_space<hbm>> -> memref<10000xf32, #tpu.memory_space<hbm>>
      %dma_start3A_9 = arith.constant 0 : i32
      %dma_start3A_10 = tpu.memref_slice %arg6[%add3A, %dma_start3A_9] : memref<32x10000xf32, #tpu.memory_space<hbm>> -> memref<1x10000xf32, #tpu.memory_space<hbm>>
      %dma_start3A_11 = tpu.memref_squeeze %dma_start3A_10 : memref<1x10000xf32, #tpu.memory_space<hbm>> -> memref<10000xf32, #tpu.memory_space<hbm>>
      tpu.enqueue_dma source(%arg12 : memref<10000xf32, #tpu.memory_space<vmem>>) target(%dma_start3A_11 : memref<10000xf32, #tpu.memory_space<hbm>>) target_semaphore(%run_scoped3A : memref<!tpu.dma_semaphore, #tpu.memory_space<semaphore_mem>>)
      %dma_wait3A = arith.constant 0 : i32
      %dma_wait3A_12 = tpu.memref_slice %arg6[%add3A, %dma_wait3A] : memref<32x10000xf32, #tpu.memory_space<hbm>> -> memref<1x10000xf32, #tpu.memory_space<hbm>>
      %dma_wait3A_13 = tpu.memref_squeeze %dma_wait3A_12 : memref<1x10000xf32, #tpu.memory_space<hbm>> -> memref<10000xf32, #tpu.memory_space<hbm>>
      %dma_wait3A_14 = arith.constant 0 : i32
      %dma_wait3A_15 = tpu.memref_slice %arg6[%add3A, %dma_wait3A_14] : memref<32x10000xf32, #tpu.memory_space<hbm>> -> memref<1x10000xf32, #tpu.memory_space<hbm>>
      %dma_wait3A_16 = tpu.memref_squeeze %dma_wait3A_15 : memref<1x10000xf32, #tpu.memory_space<hbm>> -> memref<10000xf32, #tpu.memory_space<hbm>>
      tpu.wait_dma2 semaphore(%run_scoped3A : memref<!tpu.dma_semaphore, #tpu.memory_space<semaphore_mem>>) src(%arg12 : memref<10000xf32, #tpu.memory_space<vmem>>) dst(%dma_wait3A_16 : memref<10000xf32, #tpu.memory_space<hbm>>)
      tpu.yield
    }) : () -> ()
    "tpu.region"() ({
      %run_scoped3A = tpu.sem_alloc : memref<!tpu.dma_semaphore, #tpu.memory_space<semaphore_mem>>
      %dma_start3A = arith.constant 0 : i32
      %dma_start3A_7 = tpu.memref_slice %arg7[%add3A, %dma_start3A] : memref<32x10000xf32, #tpu.memory_space<hbm>> -> memref<1x10000xf32, #tpu.memory_space<hbm>>
      %dma_start3A_8 = tpu.memref_squeeze %dma_start3A_7 : memref<1x10000xf32, #tpu.memory_space<hbm>> -> memref<10000xf32, #tpu.memory_space<hbm>>
      %dma_start3A_9 = arith.constant 0 : i32
      %dma_start3A_10 = tpu.memref_slice %arg7[%add3A, %dma_start3A_9] : memref<32x10000xf32, #tpu.memory_space<hbm>> -> memref<1x10000xf32, #tpu.memory_space<hbm>>
      %dma_start3A_11 = tpu.memref_squeeze %dma_start3A_10 : memref<1x10000xf32, #tpu.memory_space<hbm>> -> memref<10000xf32, #tpu.memory_space<hbm>>
      tpu.enqueue_dma source(%arg13 : memref<10000xf32, #tpu.memory_space<vmem>>) target(%dma_start3A_11 : memref<10000xf32, #tpu.memory_space<hbm>>) target_semaphore(%run_scoped3A : memref<!tpu.dma_semaphore, #tpu.memory_space<semaphore_mem>>)
      %dma_wait3A = arith.constant 0 : i32
      %dma_wait3A_12 = tpu.memref_slice %arg7[%add3A, %dma_wait3A] : memref<32x10000xf32, #tpu.memory_space<hbm>> -> memref<1x10000xf32, #tpu.memory_space<hbm>>
      %dma_wait3A_13 = tpu.memref_squeeze %dma_wait3A_12 : memref<1x10000xf32, #tpu.memory_space<hbm>> -> memref<10000xf32, #tpu.memory_space<hbm>>
      %dma_wait3A_14 = arith.constant 0 : i32
      %dma_wait3A_15 = tpu.memref_slice %arg7[%add3A, %dma_wait3A_14] : memref<32x10000xf32, #tpu.memory_space<hbm>> -> memref<1x10000xf32, #tpu.memory_space<hbm>>
      %dma_wait3A_16 = tpu.memref_squeeze %dma_wait3A_15 : memref<1x10000xf32, #tpu.memory_space<hbm>> -> memref<10000xf32, #tpu.memory_space<hbm>>
      tpu.wait_dma2 semaphore(%run_scoped3A : memref<!tpu.dma_semaphore, #tpu.memory_space<semaphore_mem>>) src(%arg13 : memref<10000xf32, #tpu.memory_space<vmem>>) dst(%dma_wait3A_16 : memref<10000xf32, #tpu.memory_space<hbm>>)
      tpu.yield
    }) : () -> ()
    return
  }
}

#map = affine_map<(d0, d1) -> (0, 0)>
#map1 = affine_map<(d0, d1) -> (0, 0, 0)>
module attributes {stable_mosaic.version = 14 : i64} {
  func.func @_sc_phase_b(%arg0: i32, %arg1: i32, %arg2: memref<10000x128xf32, #tpu.memory_space<hbm>>, %arg3: memref<32x10000xi32, #tpu.memory_space<hbm>>, %arg4: memref<32x10000xi32, #tpu.memory_space<hbm>>, %arg5: memref<32x10000xf32, #tpu.memory_space<hbm>>, %arg6: memref<2x10000x128xf32, #tpu.memory_space<hbm>>, %arg7: memref<10000xi32, #tpu.memory_space<vmem>>, %arg8: memref<10000xi32, #tpu.memory_space<vmem>>, %arg9: memref<10000xf32, #tpu.memory_space<vmem>>, %arg10: memref<80x128xf32, #tpu.memory_space<vmem>>, %arg11: memref<80x128xf32, #tpu.memory_space<vmem>>, %arg12: memref<10000x128xf32, #tpu.memory_space<vmem_shared>>, %arg13: memref<!tpu.dma_semaphore, #tpu.memory_space<semaphore_mem>>, %arg14: memref<!tpu.dma_semaphore, #tpu.memory_space<semaphore_mem>>, %arg15: memref<!tpu.dma_semaphore, #tpu.memory_space<semaphore_mem>>, %arg16: memref<!tpu.dma_semaphore, #tpu.memory_space<semaphore_mem>>) attributes {dimension_semantics = [#tpu.dimension_semantics<core_parallel>, #tpu.dimension_semantics<subcore_parallel>], iteration_bounds = array<i64: 2, 16>, scalar_prefetch = 0 : i64, scratch_operands = 10 : i64, tpu.core_type = #tpu.core_type<sc_vector_subcore>, window_params = [{transform_indices = #map}, {transform_indices = #map}, {transform_indices = #map}, {transform_indices = #map}, {transform_indices = #map1}]} {
    %mul3A = arith.constant 2 : i32
    %mul3A_0 = arith.muli %arg1, %mul3A : i32
    %add3A = arith.addi %mul3A_0, %arg0 : i32
    %broadcast_in_dim3A = arith.constant 0.000000e+00 : f32
    %broadcast_in_dim3A_1 = vector.broadcast %broadcast_in_dim3A : f32 to vector<16xf32>
    %scan3A = arith.constant 0 : i32
    %scan3A_2 = arith.constant 80 : i32
    %scan3A_3 = arith.addi %scan3A, %scan3A_2 : i32
    %scan3A_4 = arith.constant 1 : i32
    scf.for %scan3A_112 = %scan3A to %scan3A_3 step %scan3A_4  : i32 {
      %swap3A = arith.index_cast %scan3A_112 : i32 to index
      %swap3A_113 = arith.constant 0 : index
      %swap3A_114 = tpu.vector_load %arg10[%swap3A, %swap3A_113] {strides = array<i32>} : memref<80x128xf32, #tpu.memory_space<vmem>>, vector<16xf32>,
      tpu.vector_store %arg10[%swap3A, %swap3A_113], %broadcast_in_dim3A_1 {strides = array<i32>} : memref<80x128xf32, #tpu.memory_space<vmem>>, vector<16xf32>,
      %swap3A_115 = arith.index_cast %scan3A_112 : i32 to index
      %swap3A_116 = arith.constant 16 : index
      %swap3A_117 = tpu.vector_load %arg10[%swap3A_115, %swap3A_116] {strides = array<i32>} : memref<80x128xf32, #tpu.memory_space<vmem>>, vector<16xf32>,
      tpu.vector_store %arg10[%swap3A_115, %swap3A_116], %broadcast_in_dim3A_1 {strides = array<i32>} : memref<80x128xf32, #tpu.memory_space<vmem>>, vector<16xf32>,
      %swap3A_118 = arith.index_cast %scan3A_112 : i32 to index
      %swap3A_119 = arith.constant 32 : index
      %swap3A_120 = tpu.vector_load %arg10[%swap3A_118, %swap3A_119] {strides = array<i32>} : memref<80x128xf32, #tpu.memory_space<vmem>>, vector<16xf32>,
      tpu.vector_store %arg10[%swap3A_118, %swap3A_119], %broadcast_in_dim3A_1 {strides = array<i32>} : memref<80x128xf32, #tpu.memory_space<vmem>>, vector<16xf32>,
      %swap3A_121 = arith.index_cast %scan3A_112 : i32 to index
      %swap3A_122 = arith.constant 48 : index
      %swap3A_123 = tpu.vector_load %arg10[%swap3A_121, %swap3A_122] {strides = array<i32>} : memref<80x128xf32, #tpu.memory_space<vmem>>, vector<16xf32>,
      tpu.vector_store %arg10[%swap3A_121, %swap3A_122], %broadcast_in_dim3A_1 {strides = array<i32>} : memref<80x128xf32, #tpu.memory_space<vmem>>, vector<16xf32>,
      %swap3A_124 = arith.index_cast %scan3A_112 : i32 to index
      %swap3A_125 = arith.constant 64 : index
      %swap3A_126 = tpu.vector_load %arg10[%swap3A_124, %swap3A_125] {strides = array<i32>} : memref<80x128xf32, #tpu.memory_space<vmem>>, vector<16xf32>,
      tpu.vector_store %arg10[%swap3A_124, %swap3A_125], %broadcast_in_dim3A_1 {strides = array<i32>} : memref<80x128xf32, #tpu.memory_space<vmem>>, vector<16xf32>,
      %swap3A_127 = arith.index_cast %scan3A_112 : i32 to index
      %swap3A_128 = arith.constant 80 : index
      %swap3A_129 = tpu.vector_load %arg10[%swap3A_127, %swap3A_128] {strides = array<i32>} : memref<80x128xf32, #tpu.memory_space<vmem>>, vector<16xf32>,
      tpu.vector_store %arg10[%swap3A_127, %swap3A_128], %broadcast_in_dim3A_1 {strides = array<i32>} : memref<80x128xf32, #tpu.memory_space<vmem>>, vector<16xf32>,
      %swap3A_130 = arith.index_cast %scan3A_112 : i32 to index
      %swap3A_131 = arith.constant 96 : index
      %swap3A_132 = tpu.vector_load %arg10[%swap3A_130, %swap3A_131] {strides = array<i32>} : memref<80x128xf32, #tpu.memory_space<vmem>>, vector<16xf32>,
      tpu.vector_store %arg10[%swap3A_130, %swap3A_131], %broadcast_in_dim3A_1 {strides = array<i32>} : memref<80x128xf32, #tpu.memory_space<vmem>>, vector<16xf32>,
      %swap3A_133 = arith.index_cast %scan3A_112 : i32 to index
      %swap3A_134 = arith.constant 112 : index
      %swap3A_135 = tpu.vector_load %arg10[%swap3A_133, %swap3A_134] {strides = array<i32>} : memref<80x128xf32, #tpu.memory_space<vmem>>, vector<16xf32>,
      tpu.vector_store %arg10[%swap3A_133, %swap3A_134], %broadcast_in_dim3A_1 {strides = array<i32>} : memref<80x128xf32, #tpu.memory_space<vmem>>, vector<16xf32>,
    }
    %scan3A_5 = arith.constant 80 : i32
    %mul3A_6 = arith.constant 624 : i32
    %mul3A_7 = arith.muli %arg1, %mul3A_6 : i32
    %scan3A_8 = arith.constant 0 : i32
    %scan3A_9 = arith.constant 7 : i32
    %scan3A_10 = arith.addi %scan3A_8, %scan3A_9 : i32
    %scan3A_11 = arith.constant 1 : i32
    scf.for %scan3A_112 = %scan3A_8 to %scan3A_10 step %scan3A_11  : i32 {
      %mul3A_113 = arith.constant 80 : i32
      %mul3A_114 = arith.muli %scan3A_112, %mul3A_113 : i32
      %add3A_115 = arith.addi %mul3A_7, %mul3A_114 : i32
      "tpu.region"() ({
        %run_scoped3A = tpu.sem_alloc : memref<!tpu.dma_semaphore, #tpu.memory_space<semaphore_mem>>
        %dma_start3A_116 = arith.constant 0 : i32
        %dma_start3A_117 = tpu.memref_slice %arg12[%add3A_115, %dma_start3A_116] : memref<10000x128xf32, #tpu.memory_space<vmem_shared>> -> memref<80x128xf32, #tpu.memory_space<vmem_shared>>
        %dma_start3A_118 = arith.constant 0 : i32
        %dma_start3A_119 = tpu.memref_slice %arg12[%add3A_115, %dma_start3A_118] : memref<10000x128xf32, #tpu.memory_space<vmem_shared>> -> memref<80x128xf32, #tpu.memory_space<vmem_shared>>
        tpu.enqueue_dma source(%arg10 : memref<80x128xf32, #tpu.memory_space<vmem>>) target(%dma_start3A_119 : memref<80x128xf32, #tpu.memory_space<vmem_shared>>) target_semaphore(%run_scoped3A : memref<!tpu.dma_semaphore, #tpu.memory_space<semaphore_mem>>)
        %dma_wait3A_120 = arith.constant 0 : i32
        %dma_wait3A_121 = tpu.memref_slice %arg12[%add3A_115, %dma_wait3A_120] : memref<10000x128xf32, #tpu.memory_space<vmem_shared>> -> memref<80x128xf32, #tpu.memory_space<vmem_shared>>
        %dma_wait3A_122 = arith.constant 0 : i32
        %dma_wait3A_123 = tpu.memref_slice %arg12[%add3A_115, %dma_wait3A_122] : memref<10000x128xf32, #tpu.memory_space<vmem_shared>> -> memref<80x128xf32, #tpu.memory_space<vmem_shared>>
        tpu.wait_dma2 semaphore(%run_scoped3A : memref<!tpu.dma_semaphore, #tpu.memory_space<semaphore_mem>>) src(%arg10 : memref<80x128xf32, #tpu.memory_space<vmem>>) dst(%dma_wait3A_123 : memref<80x128xf32, #tpu.memory_space<vmem_shared>>)
        tpu.yield
      }) : () -> ()
    }
    %scan3A_12 = arith.constant 7 : i32
    %add3A_13 = arith.constant 560 : i32
    %add3A_14 = arith.addi %mul3A_7, %add3A_13 : i32
    "tpu.region"() ({
      %run_scoped3A = tpu.sem_alloc : memref<!tpu.dma_semaphore, #tpu.memory_space<semaphore_mem>>
      %dma_start3A_112 = arith.constant 0 : i32
      %dma_start3A_113 = arith.constant 0 : i32
      %dma_start3A_114 = tpu.memref_slice %arg10[%dma_start3A_112, %dma_start3A_113] : memref<80x128xf32, #tpu.memory_space<vmem>> -> memref<64x128xf32, #tpu.memory_space<vmem>>
      %dma_start3A_115 = arith.constant 0 : i32
      %dma_start3A_116 = tpu.memref_slice %arg12[%add3A_14, %dma_start3A_115] : memref<10000x128xf32, #tpu.memory_space<vmem_shared>> -> memref<64x128xf32, #tpu.memory_space<vmem_shared>>
      %dma_start3A_117 = arith.constant 0 : i32
      %dma_start3A_118 = tpu.memref_slice %arg12[%add3A_14, %dma_start3A_117] : memref<10000x128xf32, #tpu.memory_space<vmem_shared>> -> memref<64x128xf32, #tpu.memory_space<vmem_shared>>
      %dma_start3A_119 = arith.constant 0 : i32
      %dma_start3A_120 = arith.constant 0 : i32
      %dma_start3A_121 = tpu.memref_slice %arg10[%dma_start3A_119, %dma_start3A_120] : memref<80x128xf32, #tpu.memory_space<vmem>> -> memref<64x128xf32, #tpu.memory_space<vmem>>
      tpu.enqueue_dma source(%dma_start3A_121 : memref<64x128xf32, #tpu.memory_space<vmem>>) target(%dma_start3A_118 : memref<64x128xf32, #tpu.memory_space<vmem_shared>>) target_semaphore(%run_scoped3A : memref<!tpu.dma_semaphore, #tpu.memory_space<semaphore_mem>>)
      %dma_wait3A_122 = arith.constant 0 : i32
      %dma_wait3A_123 = arith.constant 0 : i32
      %dma_wait3A_124 = tpu.memref_slice %arg10[%dma_wait3A_122, %dma_wait3A_123] : memref<80x128xf32, #tpu.memory_space<vmem>> -> memref<64x128xf32, #tpu.memory_space<vmem>>
      %dma_wait3A_125 = arith.constant 0 : i32
      %dma_wait3A_126 = tpu.memref_slice %arg12[%add3A_14, %dma_wait3A_125] : memref<10000x128xf32, #tpu.memory_space<vmem_shared>> -> memref<64x128xf32, #tpu.memory_space<vmem_shared>>
      %dma_wait3A_127 = arith.constant 0 : i32
      %dma_wait3A_128 = tpu.memref_slice %arg12[%add3A_14, %dma_wait3A_127] : memref<10000x128xf32, #tpu.memory_space<vmem_shared>> -> memref<64x128xf32, #tpu.memory_space<vmem_shared>>
      %dma_wait3A_129 = arith.constant 0 : i32
      %dma_wait3A_130 = arith.constant 0 : i32
      %dma_wait3A_131 = tpu.memref_slice %arg10[%dma_wait3A_129, %dma_wait3A_130] : memref<80x128xf32, #tpu.memory_space<vmem>> -> memref<64x128xf32, #tpu.memory_space<vmem>>
      tpu.wait_dma2 semaphore(%run_scoped3A : memref<!tpu.dma_semaphore, #tpu.memory_space<semaphore_mem>>) src(%dma_wait3A_131 : memref<64x128xf32, #tpu.memory_space<vmem>>) dst(%dma_wait3A_128 : memref<64x128xf32, #tpu.memory_space<vmem_shared>>)
      tpu.yield
    }) : () -> ()
    %eq3A = arith.constant 15 : i32
    %eq3A_15 = arith.cmpi eq, %arg1, %eq3A : i32
    %convert_element_type3A = arith.extui %eq3A_15 : i1 to i32
    %cond3A = arith.constant 0 : i32
    %cond3A_16 = arith.cmpi ne, %convert_element_type3A, %cond3A : i32
    scf.if %cond3A_16 {
      "tpu.region"() ({
        %run_scoped3A = tpu.sem_alloc : memref<!tpu.dma_semaphore, #tpu.memory_space<semaphore_mem>>
        %dma_start3A_112 = arith.constant 0 : i32
        %dma_start3A_113 = arith.constant 0 : i32
        %dma_start3A_114 = tpu.memref_slice %arg10[%dma_start3A_112, %dma_start3A_113] : memref<80x128xf32, #tpu.memory_space<vmem>> -> memref<16x128xf32, #tpu.memory_space<vmem>>
        %dma_start3A_115 = arith.constant 9984 : i32
        %dma_start3A_116 = arith.constant 0 : i32
        %dma_start3A_117 = tpu.memref_slice %arg12[%dma_start3A_115, %dma_start3A_116] : memref<10000x128xf32, #tpu.memory_space<vmem_shared>> -> memref<16x128xf32, #tpu.memory_space<vmem_shared>>
        %dma_start3A_118 = arith.constant 9984 : i32
        %dma_start3A_119 = arith.constant 0 : i32
        %dma_start3A_120 = tpu.memref_slice %arg12[%dma_start3A_118, %dma_start3A_119] : memref<10000x128xf32, #tpu.memory_space<vmem_shared>> -> memref<16x128xf32, #tpu.memory_space<vmem_shared>>
        %dma_start3A_121 = arith.constant 0 : i32
        %dma_start3A_122 = arith.constant 0 : i32
        %dma_start3A_123 = tpu.memref_slice %arg10[%dma_start3A_121, %dma_start3A_122] : memref<80x128xf32, #tpu.memory_space<vmem>> -> memref<16x128xf32, #tpu.memory_space<vmem>>
        tpu.enqueue_dma source(%dma_start3A_123 : memref<16x128xf32, #tpu.memory_space<vmem>>) target(%dma_start3A_120 : memref<16x128xf32, #tpu.memory_space<vmem_shared>>) target_semaphore(%run_scoped3A : memref<!tpu.dma_semaphore, #tpu.memory_space<semaphore_mem>>)
        %dma_wait3A_124 = arith.constant 0 : i32
        %dma_wait3A_125 = arith.constant 0 : i32
        %dma_wait3A_126 = tpu.memref_slice %arg10[%dma_wait3A_124, %dma_wait3A_125] : memref<80x128xf32, #tpu.memory_space<vmem>> -> memref<16x128xf32, #tpu.memory_space<vmem>>
        %dma_wait3A_127 = arith.constant 9984 : i32
        %dma_wait3A_128 = arith.constant 0 : i32
        %dma_wait3A_129 = tpu.memref_slice %arg12[%dma_wait3A_127, %dma_wait3A_128] : memref<10000x128xf32, #tpu.memory_space<vmem_shared>> -> memref<16x128xf32, #tpu.memory_space<vmem_shared>>
        %dma_wait3A_130 = arith.constant 9984 : i32
        %dma_wait3A_131 = arith.constant 0 : i32
        %dma_wait3A_132 = tpu.memref_slice %arg12[%dma_wait3A_130, %dma_wait3A_131] : memref<10000x128xf32, #tpu.memory_space<vmem_shared>> -> memref<16x128xf32, #tpu.memory_space<vmem_shared>>
        %dma_wait3A_133 = arith.constant 0 : i32
        %dma_wait3A_134 = arith.constant 0 : i32
        %dma_wait3A_135 = tpu.memref_slice %arg10[%dma_wait3A_133, %dma_wait3A_134] : memref<80x128xf32, #tpu.memory_space<vmem>> -> memref<16x128xf32, #tpu.memory_space<vmem>>
        tpu.wait_dma2 semaphore(%run_scoped3A : memref<!tpu.dma_semaphore, #tpu.memory_space<semaphore_mem>>) src(%dma_wait3A_135 : memref<16x128xf32, #tpu.memory_space<vmem>>) dst(%dma_wait3A_132 : memref<16x128xf32, #tpu.memory_space<vmem_shared>>)
        tpu.yield
      }) : () -> ()
    } else {
    }
    %barrier3A = arith.constant 0 : index
    tpu.barrier barrier_id(%barrier3A)
    "tpu.region"() ({
      %run_scoped3A = tpu.sem_alloc : memref<!tpu.dma_semaphore, #tpu.memory_space<semaphore_mem>>
      %dma_start3A_112 = arith.constant 0 : i32
      %dma_start3A_113 = tpu.memref_slice %arg3[%add3A, %dma_start3A_112] : memref<32x10000xi32, #tpu.memory_space<hbm>> -> memref<1x10000xi32, #tpu.memory_space<hbm>>
      %dma_start3A_114 = tpu.memref_squeeze %dma_start3A_113 : memref<1x10000xi32, #tpu.memory_space<hbm>> -> memref<10000xi32, #tpu.memory_space<hbm>>
      %dma_start3A_115 = arith.constant 0 : i32
      %dma_start3A_116 = tpu.memref_slice %arg3[%add3A, %dma_start3A_115] : memref<32x10000xi32, #tpu.memory_space<hbm>> -> memref<1x10000xi32, #tpu.memory_space<hbm>>
      %dma_start3A_117 = tpu.memref_squeeze %dma_start3A_116 : memref<1x10000xi32, #tpu.memory_space<hbm>> -> memref<10000xi32, #tpu.memory_space<hbm>>
      tpu.enqueue_dma source(%dma_start3A_117 : memref<10000xi32, #tpu.memory_space<hbm>>) target(%arg7 : memref<10000xi32, #tpu.memory_space<vmem>>) target_semaphore(%run_scoped3A : memref<!tpu.dma_semaphore, #tpu.memory_space<semaphore_mem>>)
      %dma_wait3A_118 = arith.constant 0 : i32
      %dma_wait3A_119 = tpu.memref_slice %arg3[%add3A, %dma_wait3A_118] : memref<32x10000xi32, #tpu.memory_space<hbm>> -> memref<1x10000xi32, #tpu.memory_space<hbm>>
      %dma_wait3A_120 = tpu.memref_squeeze %dma_wait3A_119 : memref<1x10000xi32, #tpu.memory_space<hbm>> -> memref<10000xi32, #tpu.memory_space<hbm>>
      %dma_wait3A_121 = arith.constant 0 : i32
      %dma_wait3A_122 = tpu.memref_slice %arg3[%add3A, %dma_wait3A_121] : memref<32x10000xi32, #tpu.memory_space<hbm>> -> memref<1x10000xi32, #tpu.memory_space<hbm>>
      %dma_wait3A_123 = tpu.memref_squeeze %dma_wait3A_122 : memref<1x10000xi32, #tpu.memory_space<hbm>> -> memref<10000xi32, #tpu.memory_space<hbm>>
      tpu.wait_dma2 semaphore(%run_scoped3A : memref<!tpu.dma_semaphore, #tpu.memory_space<semaphore_mem>>) src(%dma_wait3A_123 : memref<10000xi32, #tpu.memory_space<hbm>>) dst(%arg7 : memref<10000xi32, #tpu.memory_space<vmem>>)
      tpu.yield
    }) : () -> ()
    "tpu.region"() ({
      %run_scoped3A = tpu.sem_alloc : memref<!tpu.dma_semaphore, #tpu.memory_space<semaphore_mem>>
      %dma_start3A_112 = arith.constant 0 : i32
      %dma_start3A_113 = tpu.memref_slice %arg4[%add3A, %dma_start3A_112] : memref<32x10000xi32, #tpu.memory_space<hbm>> -> memref<1x10000xi32, #tpu.memory_space<hbm>>
      %dma_start3A_114 = tpu.memref_squeeze %dma_start3A_113 : memref<1x10000xi32, #tpu.memory_space<hbm>> -> memref<10000xi32, #tpu.memory_space<hbm>>
      %dma_start3A_115 = arith.constant 0 : i32
      %dma_start3A_116 = tpu.memref_slice %arg4[%add3A, %dma_start3A_115] : memref<32x10000xi32, #tpu.memory_space<hbm>> -> memref<1x10000xi32, #tpu.memory_space<hbm>>
      %dma_start3A_117 = tpu.memref_squeeze %dma_start3A_116 : memref<1x10000xi32, #tpu.memory_space<hbm>> -> memref<10000xi32, #tpu.memory_space<hbm>>
      tpu.enqueue_dma source(%dma_start3A_117 : memref<10000xi32, #tpu.memory_space<hbm>>) target(%arg8 : memref<10000xi32, #tpu.memory_space<vmem>>) target_semaphore(%run_scoped3A : memref<!tpu.dma_semaphore, #tpu.memory_space<semaphore_mem>>)
      %dma_wait3A_118 = arith.constant 0 : i32
      %dma_wait3A_119 = tpu.memref_slice %arg4[%add3A, %dma_wait3A_118] : memref<32x10000xi32, #tpu.memory_space<hbm>> -> memref<1x10000xi32, #tpu.memory_space<hbm>>
      %dma_wait3A_120 = tpu.memref_squeeze %dma_wait3A_119 : memref<1x10000xi32, #tpu.memory_space<hbm>> -> memref<10000xi32, #tpu.memory_space<hbm>>
      %dma_wait3A_121 = arith.constant 0 : i32
      %dma_wait3A_122 = tpu.memref_slice %arg4[%add3A, %dma_wait3A_121] : memref<32x10000xi32, #tpu.memory_space<hbm>> -> memref<1x10000xi32, #tpu.memory_space<hbm>>
      %dma_wait3A_123 = tpu.memref_squeeze %dma_wait3A_122 : memref<1x10000xi32, #tpu.memory_space<hbm>> -> memref<10000xi32, #tpu.memory_space<hbm>>
      tpu.wait_dma2 semaphore(%run_scoped3A : memref<!tpu.dma_semaphore, #tpu.memory_space<semaphore_mem>>) src(%dma_wait3A_123 : memref<10000xi32, #tpu.memory_space<hbm>>) dst(%arg8 : memref<10000xi32, #tpu.memory_space<vmem>>)
      tpu.yield
    }) : () -> ()
    "tpu.region"() ({
      %run_scoped3A = tpu.sem_alloc : memref<!tpu.dma_semaphore, #tpu.memory_space<semaphore_mem>>
      %dma_start3A_112 = arith.constant 0 : i32
      %dma_start3A_113 = tpu.memref_slice %arg5[%add3A, %dma_start3A_112] : memref<32x10000xf32, #tpu.memory_space<hbm>> -> memref<1x10000xf32, #tpu.memory_space<hbm>>
      %dma_start3A_114 = tpu.memref_squeeze %dma_start3A_113 : memref<1x10000xf32, #tpu.memory_space<hbm>> -> memref<10000xf32, #tpu.memory_space<hbm>>
      %dma_start3A_115 = arith.constant 0 : i32
      %dma_start3A_116 = tpu.memref_slice %arg5[%add3A, %dma_start3A_115] : memref<32x10000xf32, #tpu.memory_space<hbm>> -> memref<1x10000xf32, #tpu.memory_space<hbm>>
      %dma_start3A_117 = tpu.memref_squeeze %dma_start3A_116 : memref<1x10000xf32, #tpu.memory_space<hbm>> -> memref<10000xf32, #tpu.memory_space<hbm>>
      tpu.enqueue_dma source(%dma_start3A_117 : memref<10000xf32, #tpu.memory_space<hbm>>) target(%arg9 : memref<10000xf32, #tpu.memory_space<vmem>>) target_semaphore(%run_scoped3A : memref<!tpu.dma_semaphore, #tpu.memory_space<semaphore_mem>>)
      %dma_wait3A_118 = arith.constant 0 : i32
      %dma_wait3A_119 = tpu.memref_slice %arg5[%add3A, %dma_wait3A_118] : memref<32x10000xf32, #tpu.memory_space<hbm>> -> memref<1x10000xf32, #tpu.memory_space<hbm>>
      %dma_wait3A_120 = tpu.memref_squeeze %dma_wait3A_119 : memref<1x10000xf32, #tpu.memory_space<hbm>> -> memref<10000xf32, #tpu.memory_space<hbm>>
      %dma_wait3A_121 = arith.constant 0 : i32
      %dma_wait3A_122 = tpu.memref_slice %arg5[%add3A, %dma_wait3A_121] : memref<32x10000xf32, #tpu.memory_space<hbm>> -> memref<1x10000xf32, #tpu.memory_space<hbm>>
      %dma_wait3A_123 = tpu.memref_squeeze %dma_wait3A_122 : memref<1x10000xf32, #tpu.memory_space<hbm>> -> memref<10000xf32, #tpu.memory_space<hbm>>
      tpu.wait_dma2 semaphore(%run_scoped3A : memref<!tpu.dma_semaphore, #tpu.memory_space<semaphore_mem>>) src(%dma_wait3A_123 : memref<10000xf32, #tpu.memory_space<hbm>>) dst(%arg9 : memref<10000xf32, #tpu.memory_space<vmem>>)
      tpu.yield
    }) : () -> ()
    %dma_start3A = arith.constant 0 : i32
    %dma_start3A_17 = tpu.memref_slice %arg7[%dma_start3A] : memref<10000xi32, #tpu.memory_space<vmem>> -> memref<80xi32, #tpu.memory_space<vmem>>
    %dma_start3A_18 = arith.constant 0 : i32
    %dma_start3A_19 = arith.constant 0 : i32
    %dma_start3A_20 = tpu.memref_slice %arg2[%dma_start3A_18, %dma_start3A_19] : memref<10000x128xf32, #tpu.memory_space<hbm>> -> memref<10000x128xf32, #tpu.memory_space<hbm>>
    tpu.enqueue_indirect_dma source(%dma_start3A_20 : memref<10000x128xf32, #tpu.memory_space<hbm>>) target(%arg10 : memref<80x128xf32, #tpu.memory_space<vmem>>) offsets(%dma_start3A_17 : memref<80xi32, #tpu.memory_space<vmem>>) semaphore(%arg13 : memref<!tpu.dma_semaphore, #tpu.memory_space<semaphore_mem>>)
    %dma_start3A_21 = arith.constant 80 : i32
    %dma_start3A_22 = tpu.memref_slice %arg7[%dma_start3A_21] : memref<10000xi32, #tpu.memory_space<vmem>> -> memref<80xi32, #tpu.memory_space<vmem>>
    %dma_start3A_23 = arith.constant 0 : i32
    %dma_start3A_24 = arith.constant 0 : i32
    %dma_start3A_25 = tpu.memref_slice %arg2[%dma_start3A_23, %dma_start3A_24] : memref<10000x128xf32, #tpu.memory_space<hbm>> -> memref<10000x128xf32, #tpu.memory_space<hbm>>
    tpu.enqueue_indirect_dma source(%dma_start3A_25 : memref<10000x128xf32, #tpu.memory_space<hbm>>) target(%arg11 : memref<80x128xf32, #tpu.memory_space<vmem>>) offsets(%dma_start3A_22 : memref<80xi32, #tpu.memory_space<vmem>>) semaphore(%arg14 : memref<!tpu.dma_semaphore, #tpu.memory_space<semaphore_mem>>)
    %scan3A_26 = arith.constant 0 : i32
    %scan3A_27 = arith.constant 62 : i32
    %scan3A_28 = arith.addi %scan3A_26, %scan3A_27 : i32
    %scan3A_29 = arith.constant 1 : i32
    scf.for %scan3A_112 = %scan3A_26 to %scan3A_28 step %scan3A_29  : i32 {
      %mul3A_113 = arith.constant 2 : i32
      %mul3A_114 = arith.muli %scan3A_112, %mul3A_113 : i32
      %mul3A_115 = arith.constant 80 : i32
      %mul3A_116 = arith.muli %mul3A_114, %mul3A_115 : i32
      %dma_wait3A_117 = tpu.memref_slice %arg7[%mul3A_116] : memref<10000xi32, #tpu.memory_space<vmem>> -> memref<80xi32, #tpu.memory_space<vmem>>
      %dma_wait3A_118 = arith.constant 0 : i32
      %dma_wait3A_119 = arith.constant 0 : i32
      %dma_wait3A_120 = tpu.memref_slice %arg2[%dma_wait3A_118, %dma_wait3A_119] : memref<10000x128xf32, #tpu.memory_space<hbm>> -> memref<10000x128xf32, #tpu.memory_space<hbm>>
      tpu.wait_indirect_dma semaphore(%arg13 : memref<!tpu.dma_semaphore, #tpu.memory_space<semaphore_mem>>) src(%dma_wait3A_120 : memref<10000x128xf32, #tpu.memory_space<hbm>>) dst(%arg10 : memref<80x128xf32, #tpu.memory_space<vmem>>)
      %parallel_loop3A_121 = arith.constant 0 : i32
      %parallel_loop3A_122 = arith.constant 80 : i32
      %parallel_loop3A_123 = arith.constant 1 : i32
      scf.for %parallel_loop3A_328 = %parallel_loop3A_121 to %parallel_loop3A_122 step %parallel_loop3A_123  : i32 {
        %parallel_loop3A_329 = arith.constant 80 : i32
        %parallel_loop3A_330 = arith.muli %mul3A_114, %parallel_loop3A_329 : i32
        %parallel_loop3A_331 = arith.addi %parallel_loop3A_330, %parallel_loop3A_328 : i32
        %parallel_loop3A_332 = vector.broadcast %parallel_loop3A_331 : i32 to vector<16xi32>
        %parallel_loop3A_333 = tpu.vector_load_idx %arg9[%parallel_loop3A_332] : memref<10000xf32, #tpu.memory_space<vmem>>[vector<16xi32>], vector<16xf32>,
        %parallel_loop3A_334 = arith.index_cast %parallel_loop3A_328 : i32 to index
        %parallel_loop3A_335 = arith.constant 0 : index
        %parallel_loop3A_336 = tpu.vector_load %arg10[%parallel_loop3A_334, %parallel_loop3A_335] {strides = array<i32>} : memref<80x128xf32, #tpu.memory_space<vmem>>, vector<16xf32>,
        %parallel_loop3A_337 = arith.mulf %parallel_loop3A_336, %parallel_loop3A_333 : vector<16xf32>
        %parallel_loop3A_338 = arith.index_cast %parallel_loop3A_328 : i32 to index
        %parallel_loop3A_339 = arith.constant 0 : index
        %parallel_loop3A_340 = tpu.vector_load %arg10[%parallel_loop3A_338, %parallel_loop3A_339] {strides = array<i32>} : memref<80x128xf32, #tpu.memory_space<vmem>>, vector<16xf32>,
        tpu.vector_store %arg10[%parallel_loop3A_338, %parallel_loop3A_339], %parallel_loop3A_337 {strides = array<i32>} : memref<80x128xf32, #tpu.memory_space<vmem>>, vector<16xf32>,
        %parallel_loop3A_341 = arith.index_cast %parallel_loop3A_328 : i32 to index
        %parallel_loop3A_342 = arith.constant 16 : index
        %parallel_loop3A_343 = tpu.vector_load %arg10[%parallel_loop3A_341, %parallel_loop3A_342] {strides = array<i32>} : memref<80x128xf32, #tpu.memory_space<vmem>>, vector<16xf32>,
        %parallel_loop3A_344 = arith.mulf %parallel_loop3A_343, %parallel_loop3A_333 : vector<16xf32>
        %parallel_loop3A_345 = arith.index_cast %parallel_loop3A_328 : i32 to index
        %parallel_loop3A_346 = arith.constant 16 : index
        %parallel_loop3A_347 = tpu.vector_load %arg10[%parallel_loop3A_345, %parallel_loop3A_346] {strides = array<i32>} : memref<80x128xf32, #tpu.memory_space<vmem>>, vector<16xf32>,
        tpu.vector_store %arg10[%parallel_loop3A_345, %parallel_loop3A_346], %parallel_loop3A_344 {strides = array<i32>} : memref<80x128xf32, #tpu.memory_space<vmem>>, vector<16xf32>,
        %parallel_loop3A_348 = arith.index_cast %parallel_loop3A_328 : i32 to index
        %parallel_loop3A_349 = arith.constant 32 : index
        %parallel_loop3A_350 = tpu.vector_load %arg10[%parallel_loop3A_348, %parallel_loop3A_349] {strides = array<i32>} : memref<80x128xf32, #tpu.memory_space<vmem>>, vector<16xf32>,
        %parallel_loop3A_351 = arith.mulf %parallel_loop3A_350, %parallel_loop3A_333 : vector<16xf32>
        %parallel_loop3A_352 = arith.index_cast %parallel_loop3A_328 : i32 to index
        %parallel_loop3A_353 = arith.constant 32 : index
        %parallel_loop3A_354 = tpu.vector_load %arg10[%parallel_loop3A_352, %parallel_loop3A_353] {strides = array<i32>} : memref<80x128xf32, #tpu.memory_space<vmem>>, vector<16xf32>,
        tpu.vector_store %arg10[%parallel_loop3A_352, %parallel_loop3A_353], %parallel_loop3A_351 {strides = array<i32>} : memref<80x128xf32, #tpu.memory_space<vmem>>, vector<16xf32>,
        %parallel_loop3A_355 = arith.index_cast %parallel_loop3A_328 : i32 to index
        %parallel_loop3A_356 = arith.constant 48 : index
        %parallel_loop3A_357 = tpu.vector_load %arg10[%parallel_loop3A_355, %parallel_loop3A_356] {strides = array<i32>} : memref<80x128xf32, #tpu.memory_space<vmem>>, vector<16xf32>,
        %parallel_loop3A_358 = arith.mulf %parallel_loop3A_357, %parallel_loop3A_333 : vector<16xf32>
        %parallel_loop3A_359 = arith.index_cast %parallel_loop3A_328 : i32 to index
        %parallel_loop3A_360 = arith.constant 48 : index
        %parallel_loop3A_361 = tpu.vector_load %arg10[%parallel_loop3A_359, %parallel_loop3A_360] {strides = array<i32>} : memref<80x128xf32, #tpu.memory_space<vmem>>, vector<16xf32>,
        tpu.vector_store %arg10[%parallel_loop3A_359, %parallel_loop3A_360], %parallel_loop3A_358 {strides = array<i32>} : memref<80x128xf32, #tpu.memory_space<vmem>>, vector<16xf32>,
        %parallel_loop3A_362 = arith.index_cast %parallel_loop3A_328 : i32 to index
        %parallel_loop3A_363 = arith.constant 64 : index
        %parallel_loop3A_364 = tpu.vector_load %arg10[%parallel_loop3A_362, %parallel_loop3A_363] {strides = array<i32>} : memref<80x128xf32, #tpu.memory_space<vmem>>, vector<16xf32>,
        %parallel_loop3A_365 = arith.mulf %parallel_loop3A_364, %parallel_loop3A_333 : vector<16xf32>
        %parallel_loop3A_366 = arith.index_cast %parallel_loop3A_328 : i32 to index
        %parallel_loop3A_367 = arith.constant 64 : index
        %parallel_loop3A_368 = tpu.vector_load %arg10[%parallel_loop3A_366, %parallel_loop3A_367] {strides = array<i32>} : memref<80x128xf32, #tpu.memory_space<vmem>>, vector<16xf32>,
        tpu.vector_store %arg10[%parallel_loop3A_366, %parallel_loop3A_367], %parallel_loop3A_365 {strides = array<i32>} : memref<80x128xf32, #tpu.memory_space<vmem>>, vector<16xf32>,
        %parallel_loop3A_369 = arith.index_cast %parallel_loop3A_328 : i32 to index
        %parallel_loop3A_370 = arith.constant 80 : index
        %parallel_loop3A_371 = tpu.vector_load %arg10[%parallel_loop3A_369, %parallel_loop3A_370] {strides = array<i32>} : memref<80x128xf32, #tpu.memory_space<vmem>>, vector<16xf32>,
        %parallel_loop3A_372 = arith.mulf %parallel_loop3A_371, %parallel_loop3A_333 : vector<16xf32>
        %parallel_loop3A_373 = arith.index_cast %parallel_loop3A_328 : i32 to index
        %parallel_loop3A_374 = arith.constant 80 : index
        %parallel_loop3A_375 = tpu.vector_load %arg10[%parallel_loop3A_373, %parallel_loop3A_374] {strides = array<i32>} : memref<80x128xf32, #tpu.memory_space<vmem>>, vector<16xf32>,
        tpu.vector_store %arg10[%parallel_loop3A_373, %parallel_loop3A_374], %parallel_loop3A_372 {strides = array<i32>} : memref<80x128xf32, #tpu.memory_space<vmem>>, vector<16xf32>,
        %parallel_loop3A_376 = arith.index_cast %parallel_loop3A_328 : i32 to index
        %parallel_loop3A_377 = arith.constant 96 : index
        %parallel_loop3A_378 = tpu.vector_load %arg10[%parallel_loop3A_376, %parallel_loop3A_377] {strides = array<i32>} : memref<80x128xf32, #tpu.memory_space<vmem>>, vector<16xf32>,
        %parallel_loop3A_379 = arith.mulf %parallel_loop3A_378, %parallel_loop3A_333 : vector<16xf32>
        %parallel_loop3A_380 = arith.index_cast %parallel_loop3A_328 : i32 to index
        %parallel_loop3A_381 = arith.constant 96 : index
        %parallel_loop3A_382 = tpu.vector_load %arg10[%parallel_loop3A_380, %parallel_loop3A_381] {strides = array<i32>} : memref<80x128xf32, #tpu.memory_space<vmem>>, vector<16xf32>,
        tpu.vector_store %arg10[%parallel_loop3A_380, %parallel_loop3A_381], %parallel_loop3A_379 {strides = array<i32>} : memref<80x128xf32, #tpu.memory_space<vmem>>, vector<16xf32>,
        %parallel_loop3A_383 = arith.index_cast %parallel_loop3A_328 : i32 to index
        %parallel_loop3A_384 = arith.constant 112 : index
        %parallel_loop3A_385 = tpu.vector_load %arg10[%parallel_loop3A_383, %parallel_loop3A_384] {strides = array<i32>} : memref<80x128xf32, #tpu.memory_space<vmem>>, vector<16xf32>,
        %parallel_loop3A_386 = arith.mulf %parallel_loop3A_385, %parallel_loop3A_333 : vector<16xf32>
        %parallel_loop3A_387 = arith.index_cast %parallel_loop3A_328 : i32 to index
        %parallel_loop3A_388 = arith.constant 112 : index
        %parallel_loop3A_389 = tpu.vector_load %arg10[%parallel_loop3A_387, %parallel_loop3A_388] {strides = array<i32>} : memref<80x128xf32, #tpu.memory_space<vmem>>, vector<16xf32>,
        tpu.vector_store %arg10[%parallel_loop3A_387, %parallel_loop3A_388], %parallel_loop3A_386 {strides = array<i32>} : memref<80x128xf32, #tpu.memory_space<vmem>>, vector<16xf32>,
      } {sc.loop_unroll_factor = 4 : i64, sc.parallel_access}
      %mul3A_124 = arith.constant 80 : i32
      %mul3A_125 = arith.muli %mul3A_114, %mul3A_124 : i32
      %add3A_126 = arith.constant 0 : i32
      %add3A_127 = arith.addi %mul3A_125, %add3A_126 : i32
      %get3A_128 = arith.index_cast %add3A_127 : i32 to index
      %get3A_129 = tpu.vector_load %arg8[%get3A_128] {strides = array<i32>} : memref<10000xi32, #tpu.memory_space<vmem>>, vector<16xi32>,
      %dma_start3A_130 = arith.constant 0 : i32
      %dma_start3A_131 = arith.constant 0 : i32
      %dma_start3A_132 = tpu.memref_slice %arg10[%dma_start3A_130, %dma_start3A_131] : memref<80x128xf32, #tpu.memory_space<vmem>> -> memref<16x128xf32, #tpu.memory_space<vmem>>
      %dma_start3A_133 = arith.constant 0 : i32
      %dma_start3A_134 = arith.constant 0 : i32
      %dma_start3A_135 = tpu.memref_slice %arg12[%dma_start3A_133, %dma_start3A_134] : memref<10000x128xf32, #tpu.memory_space<vmem_shared>> -> memref<10000x128xf32, #tpu.memory_space<vmem_shared>>
      tpu.enqueue_indirect_dma source(%dma_start3A_132 : memref<16x128xf32, #tpu.memory_space<vmem>>) target(%dma_start3A_135 : memref<10000x128xf32, #tpu.memory_space<vmem_shared>>) offsets(%get3A_129 : vector<16xi32>) semaphore(%arg15 : memref<!tpu.dma_semaphore, #tpu.memory_space<semaphore_mem>>) {add = true}
      %mul3A_136 = arith.constant 80 : i32
      %mul3A_137 = arith.muli %mul3A_114, %mul3A_136 : i32
      %add3A_138 = arith.constant 16 : i32
      %add3A_139 = arith.addi %mul3A_137, %add3A_138 : i32
      %get3A_140 = arith.index_cast %add3A_139 : i32 to index
      %get3A_141 = tpu.vector_load %arg8[%get3A_140] {strides = array<i32>} : memref<10000xi32, #tpu.memory_space<vmem>>, vector<16xi32>,
      %dma_start3A_142 = arith.constant 16 : i32
      %dma_start3A_143 = arith.constant 0 : i32
      %dma_start3A_144 = tpu.memref_slice %arg10[%dma_start3A_142, %dma_start3A_143] : memref<80x128xf32, #tpu.memory_space<vmem>> -> memref<16x128xf32, #tpu.memory_space<vmem>>
      %dma_start3A_145 = arith.constant 0 : i32
      %dma_start3A_146 = arith.constant 0 : i32
      %dma_start3A_147 = tpu.memref_slice %arg12[%dma_start3A_145, %dma_start3A_146] : memref<10000x128xf32, #tpu.memory_space<vmem_shared>> -> memref<10000x128xf32, #tpu.memory_space<vmem_shared>>
      tpu.enqueue_indirect_dma source(%dma_start3A_144 : memref<16x128xf32, #tpu.memory_space<vmem>>) target(%dma_start3A_147 : memref<10000x128xf32, #tpu.memory_space<vmem_shared>>) offsets(%get3A_141 : vector<16xi32>) semaphore(%arg15 : memref<!tpu.dma_semaphore, #tpu.memory_space<semaphore_mem>>) {add = true}
      %mul3A_148 = arith.constant 80 : i32
      %mul3A_149 = arith.muli %mul3A_114, %mul3A_148 : i32
      %add3A_150 = arith.constant 32 : i32
      %add3A_151 = arith.addi %mul3A_149, %add3A_150 : i32
      %get3A_152 = arith.index_cast %add3A_151 : i32 to index
      %get3A_153 = tpu.vector_load %arg8[%get3A_152] {strides = array<i32>} : memref<10000xi32, #tpu.memory_space<vmem>>, vector<16xi32>,
      %dma_start3A_154 = arith.constant 32 : i32
      %dma_start3A_155 = arith.constant 0 : i32
      %dma_start3A_156 = tpu.memref_slice %arg10[%dma_start3A_154, %dma_start3A_155] : memref<80x128xf32, #tpu.memory_space<vmem>> -> memref<16x128xf32, #tpu.memory_space<vmem>>
      %dma_start3A_157 = arith.constant 0 : i32
      %dma_start3A_158 = arith.constant 0 : i32
      %dma_start3A_159 = tpu.memref_slice %arg12[%dma_start3A_157, %dma_start3A_158] : memref<10000x128xf32, #tpu.memory_space<vmem_shared>> -> memref<10000x128xf32, #tpu.memory_space<vmem_shared>>
      tpu.enqueue_indirect_dma source(%dma_start3A_156 : memref<16x128xf32, #tpu.memory_space<vmem>>) target(%dma_start3A_159 : memref<10000x128xf32, #tpu.memory_space<vmem_shared>>) offsets(%get3A_153 : vector<16xi32>) semaphore(%arg15 : memref<!tpu.dma_semaphore, #tpu.memory_space<semaphore_mem>>) {add = true}
      %mul3A_160 = arith.constant 80 : i32
      %mul3A_161 = arith.muli %mul3A_114, %mul3A_160 : i32
      %add3A_162 = arith.constant 48 : i32
      %add3A_163 = arith.addi %mul3A_161, %add3A_162 : i32
      %get3A_164 = arith.index_cast %add3A_163 : i32 to index
      %get3A_165 = tpu.vector_load %arg8[%get3A_164] {strides = array<i32>} : memref<10000xi32, #tpu.memory_space<vmem>>, vector<16xi32>,
      %dma_start3A_166 = arith.constant 48 : i32
      %dma_start3A_167 = arith.constant 0 : i32
      %dma_start3A_168 = tpu.memref_slice %arg10[%dma_start3A_166, %dma_start3A_167] : memref<80x128xf32, #tpu.memory_space<vmem>> -> memref<16x128xf32, #tpu.memory_space<vmem>>
      %dma_start3A_169 = arith.constant 0 : i32
      %dma_start3A_170 = arith.constant 0 : i32
      %dma_start3A_171 = tpu.memref_slice %arg12[%dma_start3A_169, %dma_start3A_170] : memref<10000x128xf32, #tpu.memory_space<vmem_shared>> -> memref<10000x128xf32, #tpu.memory_space<vmem_shared>>
      tpu.enqueue_indirect_dma source(%dma_start3A_168 : memref<16x128xf32, #tpu.memory_space<vmem>>) target(%dma_start3A_171 : memref<10000x128xf32, #tpu.memory_space<vmem_shared>>) offsets(%get3A_165 : vector<16xi32>) semaphore(%arg15 : memref<!tpu.dma_semaphore, #tpu.memory_space<semaphore_mem>>) {add = true}
      %mul3A_172 = arith.constant 80 : i32
      %mul3A_173 = arith.muli %mul3A_114, %mul3A_172 : i32
      %add3A_174 = arith.constant 64 : i32
      %add3A_175 = arith.addi %mul3A_173, %add3A_174 : i32
      %get3A_176 = arith.index_cast %add3A_175 : i32 to index
      %get3A_177 = tpu.vector_load %arg8[%get3A_176] {strides = array<i32>} : memref<10000xi32, #tpu.memory_space<vmem>>, vector<16xi32>,
      %dma_start3A_178 = arith.constant 64 : i32
      %dma_start3A_179 = arith.constant 0 : i32
      %dma_start3A_180 = tpu.memref_slice %arg10[%dma_start3A_178, %dma_start3A_179] : memref<80x128xf32, #tpu.memory_space<vmem>> -> memref<16x128xf32, #tpu.memory_space<vmem>>
      %dma_start3A_181 = arith.constant 0 : i32
      %dma_start3A_182 = arith.constant 0 : i32
      %dma_start3A_183 = tpu.memref_slice %arg12[%dma_start3A_181, %dma_start3A_182] : memref<10000x128xf32, #tpu.memory_space<vmem_shared>> -> memref<10000x128xf32, #tpu.memory_space<vmem_shared>>
      tpu.enqueue_indirect_dma source(%dma_start3A_180 : memref<16x128xf32, #tpu.memory_space<vmem>>) target(%dma_start3A_183 : memref<10000x128xf32, #tpu.memory_space<vmem_shared>>) offsets(%get3A_177 : vector<16xi32>) semaphore(%arg15 : memref<!tpu.dma_semaphore, #tpu.memory_space<semaphore_mem>>) {add = true}
      %dma_wait3A_184 = arith.constant 0 : i32
      %dma_wait3A_185 = arith.constant 0 : i32
      %dma_wait3A_186 = tpu.memref_slice %arg10[%dma_wait3A_184, %dma_wait3A_185] : memref<80x128xf32, #tpu.memory_space<vmem>> -> memref<16x128xf32, #tpu.memory_space<vmem>>
      %dma_wait3A_187 = arith.constant 0 : i32
      %dma_wait3A_188 = arith.constant 0 : i32
      %dma_wait3A_189 = tpu.memref_slice %arg12[%dma_wait3A_187, %dma_wait3A_188] : memref<10000x128xf32, #tpu.memory_space<vmem_shared>> -> memref<10000x128xf32, #tpu.memory_space<vmem_shared>>
      tpu.wait_indirect_dma semaphore(%arg15 : memref<!tpu.dma_semaphore, #tpu.memory_space<semaphore_mem>>) src(%dma_wait3A_186 : memref<16x128xf32, #tpu.memory_space<vmem>>) dst(%dma_wait3A_189 : memref<10000x128xf32, #tpu.memory_space<vmem_shared>>)
      %dma_wait3A_190 = arith.constant 16 : i32
      %dma_wait3A_191 = arith.constant 0 : i32
      %dma_wait3A_192 = tpu.memref_slice %arg10[%dma_wait3A_190, %dma_wait3A_191] : memref<80x128xf32, #tpu.memory_space<vmem>> -> memref<16x128xf32, #tpu.memory_space<vmem>>
      %dma_wait3A_193 = arith.constant 0 : i32
      %dma_wait3A_194 = arith.constant 0 : i32
      %dma_wait3A_195 = tpu.memref_slice %arg12[%dma_wait3A_193, %dma_wait3A_194] : memref<10000x128xf32, #tpu.memory_space<vmem_shared>> -> memref<10000x128xf32, #tpu.memory_space<vmem_shared>>
      tpu.wait_indirect_dma semaphore(%arg15 : memref<!tpu.dma_semaphore, #tpu.memory_space<semaphore_mem>>) src(%dma_wait3A_192 : memref<16x128xf32, #tpu.memory_space<vmem>>) dst(%dma_wait3A_195 : memref<10000x128xf32, #tpu.memory_space<vmem_shared>>)
      %dma_wait3A_196 = arith.constant 32 : i32
      %dma_wait3A_197 = arith.constant 0 : i32
      %dma_wait3A_198 = tpu.memref_slice %arg10[%dma_wait3A_196, %dma_wait3A_197] : memref<80x128xf32, #tpu.memory_space<vmem>> -> memref<16x128xf32, #tpu.memory_space<vmem>>
      %dma_wait3A_199 = arith.constant 0 : i32
      %dma_wait3A_200 = arith.constant 0 : i32
      %dma_wait3A_201 = tpu.memref_slice %arg12[%dma_wait3A_199, %dma_wait3A_200] : memref<10000x128xf32, #tpu.memory_space<vmem_shared>> -> memref<10000x128xf32, #tpu.memory_space<vmem_shared>>
      tpu.wait_indirect_dma semaphore(%arg15 : memref<!tpu.dma_semaphore, #tpu.memory_space<semaphore_mem>>) src(%dma_wait3A_198 : memref<16x128xf32, #tpu.memory_space<vmem>>) dst(%dma_wait3A_201 : memref<10000x128xf32, #tpu.memory_space<vmem_shared>>)
      %dma_wait3A_202 = arith.constant 48 : i32
      %dma_wait3A_203 = arith.constant 0 : i32
      %dma_wait3A_204 = tpu.memref_slice %arg10[%dma_wait3A_202, %dma_wait3A_203] : memref<80x128xf32, #tpu.memory_space<vmem>> -> memref<16x128xf32, #tpu.memory_space<vmem>>
      %dma_wait3A_205 = arith.constant 0 : i32
      %dma_wait3A_206 = arith.constant 0 : i32
      %dma_wait3A_207 = tpu.memref_slice %arg12[%dma_wait3A_205, %dma_wait3A_206] : memref<10000x128xf32, #tpu.memory_space<vmem_shared>> -> memref<10000x128xf32, #tpu.memory_space<vmem_shared>>
      tpu.wait_indirect_dma semaphore(%arg15 : memref<!tpu.dma_semaphore, #tpu.memory_space<semaphore_mem>>) src(%dma_wait3A_204 : memref<16x128xf32, #tpu.memory_space<vmem>>) dst(%dma_wait3A_207 : memref<10000x128xf32, #tpu.memory_space<vmem_shared>>)
      %dma_wait3A_208 = arith.constant 64 : i32
      %dma_wait3A_209 = arith.constant 0 : i32
      %dma_wait3A_210 = tpu.memref_slice %arg10[%dma_wait3A_208, %dma_wait3A_209] : memref<80x128xf32, #tpu.memory_space<vmem>> -> memref<16x128xf32, #tpu.memory_space<vmem>>
      %dma_wait3A_211 = arith.constant 0 : i32
      %dma_wait3A_212 = arith.constant 0 : i32
      %dma_wait3A_213 = tpu.memref_slice %arg12[%dma_wait3A_211, %dma_wait3A_212] : memref<10000x128xf32, #tpu.memory_space<vmem_shared>> -> memref<10000x128xf32, #tpu.memory_space<vmem_shared>>
      tpu.wait_indirect_dma semaphore(%arg15 : memref<!tpu.dma_semaphore, #tpu.memory_space<semaphore_mem>>) src(%dma_wait3A_210 : memref<16x128xf32, #tpu.memory_space<vmem>>) dst(%dma_wait3A_213 : memref<10000x128xf32, #tpu.memory_space<vmem_shared>>)
      %add3A_214 = arith.constant 2 : i32
      %add3A_215 = arith.addi %mul3A_114, %add3A_214 : i32
      %lt3A = arith.constant 125 : i32
      %lt3A_216 = arith.cmpi slt, %add3A_215, %lt3A : i32
      %convert_element_type3A_217 = arith.extui %lt3A_216 : i1 to i32
      %cond3A_218 = arith.constant 0 : i32
      %cond3A_219 = arith.cmpi ne, %convert_element_type3A_217, %cond3A_218 : i32
      scf.if %cond3A_219 {
        %add3A_328 = arith.constant 2 : i32
        %add3A_329 = arith.addi %mul3A_114, %add3A_328 : i32
        %mul3A_330 = arith.constant 80 : i32
        %mul3A_331 = arith.muli %add3A_329, %mul3A_330 : i32
        %dma_start3A_332 = tpu.memref_slice %arg7[%mul3A_331] : memref<10000xi32, #tpu.memory_space<vmem>> -> memref<80xi32, #tpu.memory_space<vmem>>
        %dma_start3A_333 = arith.constant 0 : i32
        %dma_start3A_334 = arith.constant 0 : i32
        %dma_start3A_335 = tpu.memref_slice %arg2[%dma_start3A_333, %dma_start3A_334] : memref<10000x128xf32, #tpu.memory_space<hbm>> -> memref<10000x128xf32, #tpu.memory_space<hbm>>
        tpu.enqueue_indirect_dma source(%dma_start3A_335 : memref<10000x128xf32, #tpu.memory_space<hbm>>) target(%arg10 : memref<80x128xf32, #tpu.memory_space<vmem>>) offsets(%dma_start3A_332 : memref<80xi32, #tpu.memory_space<vmem>>) semaphore(%arg13 : memref<!tpu.dma_semaphore, #tpu.memory_space<semaphore_mem>>)
      } else {
      }
      %add3A_220 = arith.constant 1 : i32
      %add3A_221 = arith.addi %mul3A_114, %add3A_220 : i32
      %mul3A_222 = arith.constant 80 : i32
      %mul3A_223 = arith.muli %add3A_221, %mul3A_222 : i32
      %dma_wait3A_224 = tpu.memref_slice %arg7[%mul3A_223] : memref<10000xi32, #tpu.memory_space<vmem>> -> memref<80xi32, #tpu.memory_space<vmem>>
      %dma_wait3A_225 = arith.constant 0 : i32
      %dma_wait3A_226 = arith.constant 0 : i32
      %dma_wait3A_227 = tpu.memref_slice %arg2[%dma_wait3A_225, %dma_wait3A_226] : memref<10000x128xf32, #tpu.memory_space<hbm>> -> memref<10000x128xf32, #tpu.memory_space<hbm>>
      tpu.wait_indirect_dma semaphore(%arg14 : memref<!tpu.dma_semaphore, #tpu.memory_space<semaphore_mem>>) src(%dma_wait3A_227 : memref<10000x128xf32, #tpu.memory_space<hbm>>) dst(%arg11 : memref<80x128xf32, #tpu.memory_space<vmem>>)
      %parallel_loop3A_228 = arith.constant 0 : i32
      %parallel_loop3A_229 = arith.constant 80 : i32
      %parallel_loop3A_230 = arith.constant 1 : i32
      scf.for %parallel_loop3A_328 = %parallel_loop3A_228 to %parallel_loop3A_229 step %parallel_loop3A_230  : i32 {
        %parallel_loop3A_329 = arith.constant 80 : i32
        %parallel_loop3A_330 = arith.muli %add3A_221, %parallel_loop3A_329 : i32
        %parallel_loop3A_331 = arith.addi %parallel_loop3A_330, %parallel_loop3A_328 : i32
        %parallel_loop3A_332 = vector.broadcast %parallel_loop3A_331 : i32 to vector<16xi32>
        %parallel_loop3A_333 = tpu.vector_load_idx %arg9[%parallel_loop3A_332] : memref<10000xf32, #tpu.memory_space<vmem>>[vector<16xi32>], vector<16xf32>,
        %parallel_loop3A_334 = arith.index_cast %parallel_loop3A_328 : i32 to index
        %parallel_loop3A_335 = arith.constant 0 : index
        %parallel_loop3A_336 = tpu.vector_load %arg11[%parallel_loop3A_334, %parallel_loop3A_335] {strides = array<i32>} : memref<80x128xf32, #tpu.memory_space<vmem>>, vector<16xf32>,
        %parallel_loop3A_337 = arith.mulf %parallel_loop3A_336, %parallel_loop3A_333 : vector<16xf32>
        %parallel_loop3A_338 = arith.index_cast %parallel_loop3A_328 : i32 to index
        %parallel_loop3A_339 = arith.constant 0 : index
        %parallel_loop3A_340 = tpu.vector_load %arg11[%parallel_loop3A_338, %parallel_loop3A_339] {strides = array<i32>} : memref<80x128xf32, #tpu.memory_space<vmem>>, vector<16xf32>,
        tpu.vector_store %arg11[%parallel_loop3A_338, %parallel_loop3A_339], %parallel_loop3A_337 {strides = array<i32>} : memref<80x128xf32, #tpu.memory_space<vmem>>, vector<16xf32>,
        %parallel_loop3A_341 = arith.index_cast %parallel_loop3A_328 : i32 to index
        %parallel_loop3A_342 = arith.constant 16 : index
        %parallel_loop3A_343 = tpu.vector_load %arg11[%parallel_loop3A_341, %parallel_loop3A_342] {strides = array<i32>} : memref<80x128xf32, #tpu.memory_space<vmem>>, vector<16xf32>,
        %parallel_loop3A_344 = arith.mulf %parallel_loop3A_343, %parallel_loop3A_333 : vector<16xf32>
        %parallel_loop3A_345 = arith.index_cast %parallel_loop3A_328 : i32 to index
        %parallel_loop3A_346 = arith.constant 16 : index
        %parallel_loop3A_347 = tpu.vector_load %arg11[%parallel_loop3A_345, %parallel_loop3A_346] {strides = array<i32>} : memref<80x128xf32, #tpu.memory_space<vmem>>, vector<16xf32>,
        tpu.vector_store %arg11[%parallel_loop3A_345, %parallel_loop3A_346], %parallel_loop3A_344 {strides = array<i32>} : memref<80x128xf32, #tpu.memory_space<vmem>>, vector<16xf32>,
        %parallel_loop3A_348 = arith.index_cast %parallel_loop3A_328 : i32 to index
        %parallel_loop3A_349 = arith.constant 32 : index
        %parallel_loop3A_350 = tpu.vector_load %arg11[%parallel_loop3A_348, %parallel_loop3A_349] {strides = array<i32>} : memref<80x128xf32, #tpu.memory_space<vmem>>, vector<16xf32>,
        %parallel_loop3A_351 = arith.mulf %parallel_loop3A_350, %parallel_loop3A_333 : vector<16xf32>
        %parallel_loop3A_352 = arith.index_cast %parallel_loop3A_328 : i32 to index
        %parallel_loop3A_353 = arith.constant 32 : index
        %parallel_loop3A_354 = tpu.vector_load %arg11[%parallel_loop3A_352, %parallel_loop3A_353] {strides = array<i32>} : memref<80x128xf32, #tpu.memory_space<vmem>>, vector<16xf32>,
        tpu.vector_store %arg11[%parallel_loop3A_352, %parallel_loop3A_353], %parallel_loop3A_351 {strides = array<i32>} : memref<80x128xf32, #tpu.memory_space<vmem>>, vector<16xf32>,
        %parallel_loop3A_355 = arith.index_cast %parallel_loop3A_328 : i32 to index
        %parallel_loop3A_356 = arith.constant 48 : index
        %parallel_loop3A_357 = tpu.vector_load %arg11[%parallel_loop3A_355, %parallel_loop3A_356] {strides = array<i32>} : memref<80x128xf32, #tpu.memory_space<vmem>>, vector<16xf32>,
        %parallel_loop3A_358 = arith.mulf %parallel_loop3A_357, %parallel_loop3A_333 : vector<16xf32>
        %parallel_loop3A_359 = arith.index_cast %parallel_loop3A_328 : i32 to index
        %parallel_loop3A_360 = arith.constant 48 : index
        %parallel_loop3A_361 = tpu.vector_load %arg11[%parallel_loop3A_359, %parallel_loop3A_360] {strides = array<i32>} : memref<80x128xf32, #tpu.memory_space<vmem>>, vector<16xf32>,
        tpu.vector_store %arg11[%parallel_loop3A_359, %parallel_loop3A_360], %parallel_loop3A_358 {strides = array<i32>} : memref<80x128xf32, #tpu.memory_space<vmem>>, vector<16xf32>,
        %parallel_loop3A_362 = arith.index_cast %parallel_loop3A_328 : i32 to index
        %parallel_loop3A_363 = arith.constant 64 : index
        %parallel_loop3A_364 = tpu.vector_load %arg11[%parallel_loop3A_362, %parallel_loop3A_363] {strides = array<i32>} : memref<80x128xf32, #tpu.memory_space<vmem>>, vector<16xf32>,
        %parallel_loop3A_365 = arith.mulf %parallel_loop3A_364, %parallel_loop3A_333 : vector<16xf32>
        %parallel_loop3A_366 = arith.index_cast %parallel_loop3A_328 : i32 to index
        %parallel_loop3A_367 = arith.constant 64 : index
        %parallel_loop3A_368 = tpu.vector_load %arg11[%parallel_loop3A_366, %parallel_loop3A_367] {strides = array<i32>} : memref<80x128xf32, #tpu.memory_space<vmem>>, vector<16xf32>,
        tpu.vector_store %arg11[%parallel_loop3A_366, %parallel_loop3A_367], %parallel_loop3A_365 {strides = array<i32>} : memref<80x128xf32, #tpu.memory_space<vmem>>, vector<16xf32>,
        %parallel_loop3A_369 = arith.index_cast %parallel_loop3A_328 : i32 to index
        %parallel_loop3A_370 = arith.constant 80 : index
        %parallel_loop3A_371 = tpu.vector_load %arg11[%parallel_loop3A_369, %parallel_loop3A_370] {strides = array<i32>} : memref<80x128xf32, #tpu.memory_space<vmem>>, vector<16xf32>,
        %parallel_loop3A_372 = arith.mulf %parallel_loop3A_371, %parallel_loop3A_333 : vector<16xf32>
        %parallel_loop3A_373 = arith.index_cast %parallel_loop3A_328 : i32 to index
        %parallel_loop3A_374 = arith.constant 80 : index
        %parallel_loop3A_375 = tpu.vector_load %arg11[%parallel_loop3A_373, %parallel_loop3A_374] {strides = array<i32>} : memref<80x128xf32, #tpu.memory_space<vmem>>, vector<16xf32>,
        tpu.vector_store %arg11[%parallel_loop3A_373, %parallel_loop3A_374], %parallel_loop3A_372 {strides = array<i32>} : memref<80x128xf32, #tpu.memory_space<vmem>>, vector<16xf32>,
        %parallel_loop3A_376 = arith.index_cast %parallel_loop3A_328 : i32 to index
        %parallel_loop3A_377 = arith.constant 96 : index
        %parallel_loop3A_378 = tpu.vector_load %arg11[%parallel_loop3A_376, %parallel_loop3A_377] {strides = array<i32>} : memref<80x128xf32, #tpu.memory_space<vmem>>, vector<16xf32>,
        %parallel_loop3A_379 = arith.mulf %parallel_loop3A_378, %parallel_loop3A_333 : vector<16xf32>
        %parallel_loop3A_380 = arith.index_cast %parallel_loop3A_328 : i32 to index
        %parallel_loop3A_381 = arith.constant 96 : index
        %parallel_loop3A_382 = tpu.vector_load %arg11[%parallel_loop3A_380, %parallel_loop3A_381] {strides = array<i32>} : memref<80x128xf32, #tpu.memory_space<vmem>>, vector<16xf32>,
        tpu.vector_store %arg11[%parallel_loop3A_380, %parallel_loop3A_381], %parallel_loop3A_379 {strides = array<i32>} : memref<80x128xf32, #tpu.memory_space<vmem>>, vector<16xf32>,
        %parallel_loop3A_383 = arith.index_cast %parallel_loop3A_328 : i32 to index
        %parallel_loop3A_384 = arith.constant 112 : index
        %parallel_loop3A_385 = tpu.vector_load %arg11[%parallel_loop3A_383, %parallel_loop3A_384] {strides = array<i32>} : memref<80x128xf32, #tpu.memory_space<vmem>>, vector<16xf32>,
        %parallel_loop3A_386 = arith.mulf %parallel_loop3A_385, %parallel_loop3A_333 : vector<16xf32>
        %parallel_loop3A_387 = arith.index_cast %parallel_loop3A_328 : i32 to index
        %parallel_loop3A_388 = arith.constant 112 : index
        %parallel_loop3A_389 = tpu.vector_load %arg11[%parallel_loop3A_387, %parallel_loop3A_388] {strides = array<i32>} : memref<80x128xf32, #tpu.memory_space<vmem>>, vector<16xf32>,
        tpu.vector_store %arg11[%parallel_loop3A_387, %parallel_loop3A_388], %parallel_loop3A_386 {strides = array<i32>} : memref<80x128xf32, #tpu.memory_space<vmem>>, vector<16xf32>,
      } {sc.loop_unroll_factor = 4 : i64, sc.parallel_access}
      %mul3A_231 = arith.constant 80 : i32
      %mul3A_232 = arith.muli %add3A_221, %mul3A_231 : i32
      %add3A_233 = arith.constant 0 : i32
      %add3A_234 = arith.addi %mul3A_232, %add3A_233 : i32
      %get3A_235 = arith.index_cast %add3A_234 : i32 to index
      %get3A_236 = tpu.vector_load %arg8[%get3A_235] {strides = array<i32>} : memref<10000xi32, #tpu.memory_space<vmem>>, vector<16xi32>,
      %dma_start3A_237 = arith.constant 0 : i32
      %dma_start3A_238 = arith.constant 0 : i32
      %dma_start3A_239 = tpu.memref_slice %arg11[%dma_start3A_237, %dma_start3A_238] : memref<80x128xf32, #tpu.memory_space<vmem>> -> memref<16x128xf32, #tpu.memory_space<vmem>>
      %dma_start3A_240 = arith.constant 0 : i32
      %dma_start3A_241 = arith.constant 0 : i32
      %dma_start3A_242 = tpu.memref_slice %arg12[%dma_start3A_240, %dma_start3A_241] : memref<10000x128xf32, #tpu.memory_space<vmem_shared>> -> memref<10000x128xf32, #tpu.memory_space<vmem_shared>>
      tpu.enqueue_indirect_dma source(%dma_start3A_239 : memref<16x128xf32, #tpu.memory_space<vmem>>) target(%dma_start3A_242 : memref<10000x128xf32, #tpu.memory_space<vmem_shared>>) offsets(%get3A_236 : vector<16xi32>) semaphore(%arg16 : memref<!tpu.dma_semaphore, #tpu.memory_space<semaphore_mem>>) {add = true}
      %mul3A_243 = arith.constant 80 : i32
      %mul3A_244 = arith.muli %add3A_221, %mul3A_243 : i32
      %add3A_245 = arith.constant 16 : i32
      %add3A_246 = arith.addi %mul3A_244, %add3A_245 : i32
      %get3A_247 = arith.index_cast %add3A_246 : i32 to index
      %get3A_248 = tpu.vector_load %arg8[%get3A_247] {strides = array<i32>} : memref<10000xi32, #tpu.memory_space<vmem>>, vector<16xi32>,
      %dma_start3A_249 = arith.constant 16 : i32
      %dma_start3A_250 = arith.constant 0 : i32
      %dma_start3A_251 = tpu.memref_slice %arg11[%dma_start3A_249, %dma_start3A_250] : memref<80x128xf32, #tpu.memory_space<vmem>> -> memref<16x128xf32, #tpu.memory_space<vmem>>
      %dma_start3A_252 = arith.constant 0 : i32
      %dma_start3A_253 = arith.constant 0 : i32
      %dma_start3A_254 = tpu.memref_slice %arg12[%dma_start3A_252, %dma_start3A_253] : memref<10000x128xf32, #tpu.memory_space<vmem_shared>> -> memref<10000x128xf32, #tpu.memory_space<vmem_shared>>
      tpu.enqueue_indirect_dma source(%dma_start3A_251 : memref<16x128xf32, #tpu.memory_space<vmem>>) target(%dma_start3A_254 : memref<10000x128xf32, #tpu.memory_space<vmem_shared>>) offsets(%get3A_248 : vector<16xi32>) semaphore(%arg16 : memref<!tpu.dma_semaphore, #tpu.memory_space<semaphore_mem>>) {add = true}
      %mul3A_255 = arith.constant 80 : i32
      %mul3A_256 = arith.muli %add3A_221, %mul3A_255 : i32
      %add3A_257 = arith.constant 32 : i32
      %add3A_258 = arith.addi %mul3A_256, %add3A_257 : i32
      %get3A_259 = arith.index_cast %add3A_258 : i32 to index
      %get3A_260 = tpu.vector_load %arg8[%get3A_259] {strides = array<i32>} : memref<10000xi32, #tpu.memory_space<vmem>>, vector<16xi32>,
      %dma_start3A_261 = arith.constant 32 : i32
      %dma_start3A_262 = arith.constant 0 : i32
      %dma_start3A_263 = tpu.memref_slice %arg11[%dma_start3A_261, %dma_start3A_262] : memref<80x128xf32, #tpu.memory_space<vmem>> -> memref<16x128xf32, #tpu.memory_space<vmem>>
      %dma_start3A_264 = arith.constant 0 : i32
      %dma_start3A_265 = arith.constant 0 : i32
      %dma_start3A_266 = tpu.memref_slice %arg12[%dma_start3A_264, %dma_start3A_265] : memref<10000x128xf32, #tpu.memory_space<vmem_shared>> -> memref<10000x128xf32, #tpu.memory_space<vmem_shared>>
      tpu.enqueue_indirect_dma source(%dma_start3A_263 : memref<16x128xf32, #tpu.memory_space<vmem>>) target(%dma_start3A_266 : memref<10000x128xf32, #tpu.memory_space<vmem_shared>>) offsets(%get3A_260 : vector<16xi32>) semaphore(%arg16 : memref<!tpu.dma_semaphore, #tpu.memory_space<semaphore_mem>>) {add = true}
      %mul3A_267 = arith.constant 80 : i32
      %mul3A_268 = arith.muli %add3A_221, %mul3A_267 : i32
      %add3A_269 = arith.constant 48 : i32
      %add3A_270 = arith.addi %mul3A_268, %add3A_269 : i32
      %get3A_271 = arith.index_cast %add3A_270 : i32 to index
      %get3A_272 = tpu.vector_load %arg8[%get3A_271] {strides = array<i32>} : memref<10000xi32, #tpu.memory_space<vmem>>, vector<16xi32>,
      %dma_start3A_273 = arith.constant 48 : i32
      %dma_start3A_274 = arith.constant 0 : i32
      %dma_start3A_275 = tpu.memref_slice %arg11[%dma_start3A_273, %dma_start3A_274] : memref<80x128xf32, #tpu.memory_space<vmem>> -> memref<16x128xf32, #tpu.memory_space<vmem>>
      %dma_start3A_276 = arith.constant 0 : i32
      %dma_start3A_277 = arith.constant 0 : i32
      %dma_start3A_278 = tpu.memref_slice %arg12[%dma_start3A_276, %dma_start3A_277] : memref<10000x128xf32, #tpu.memory_space<vmem_shared>> -> memref<10000x128xf32, #tpu.memory_space<vmem_shared>>
      tpu.enqueue_indirect_dma source(%dma_start3A_275 : memref<16x128xf32, #tpu.memory_space<vmem>>) target(%dma_start3A_278 : memref<10000x128xf32, #tpu.memory_space<vmem_shared>>) offsets(%get3A_272 : vector<16xi32>) semaphore(%arg16 : memref<!tpu.dma_semaphore, #tpu.memory_space<semaphore_mem>>) {add = true}
      %mul3A_279 = arith.constant 80 : i32
      %mul3A_280 = arith.muli %add3A_221, %mul3A_279 : i32
      %add3A_281 = arith.constant 64 : i32
      %add3A_282 = arith.addi %mul3A_280, %add3A_281 : i32
      %get3A_283 = arith.index_cast %add3A_282 : i32 to index
      %get3A_284 = tpu.vector_load %arg8[%get3A_283] {strides = array<i32>} : memref<10000xi32, #tpu.memory_space<vmem>>, vector<16xi32>,
      %dma_start3A_285 = arith.constant 64 : i32
      %dma_start3A_286 = arith.constant 0 : i32
      %dma_start3A_287 = tpu.memref_slice %arg11[%dma_start3A_285, %dma_start3A_286] : memref<80x128xf32, #tpu.memory_space<vmem>> -> memref<16x128xf32, #tpu.memory_space<vmem>>
      %dma_start3A_288 = arith.constant 0 : i32
      %dma_start3A_289 = arith.constant 0 : i32
      %dma_start3A_290 = tpu.memref_slice %arg12[%dma_start3A_288, %dma_start3A_289] : memref<10000x128xf32, #tpu.memory_space<vmem_shared>> -> memref<10000x128xf32, #tpu.memory_space<vmem_shared>>
      tpu.enqueue_indirect_dma source(%dma_start3A_287 : memref<16x128xf32, #tpu.memory_space<vmem>>) target(%dma_start3A_290 : memref<10000x128xf32, #tpu.memory_space<vmem_shared>>) offsets(%get3A_284 : vector<16xi32>) semaphore(%arg16 : memref<!tpu.dma_semaphore, #tpu.memory_space<semaphore_mem>>) {add = true}
      %dma_wait3A_291 = arith.constant 0 : i32
      %dma_wait3A_292 = arith.constant 0 : i32
      %dma_wait3A_293 = tpu.memref_slice %arg11[%dma_wait3A_291, %dma_wait3A_292] : memref<80x128xf32, #tpu.memory_space<vmem>> -> memref<16x128xf32, #tpu.memory_space<vmem>>
      %dma_wait3A_294 = arith.constant 0 : i32
      %dma_wait3A_295 = arith.constant 0 : i32
      %dma_wait3A_296 = tpu.memref_slice %arg12[%dma_wait3A_294, %dma_wait3A_295] : memref<10000x128xf32, #tpu.memory_space<vmem_shared>> -> memref<10000x128xf32, #tpu.memory_space<vmem_shared>>
      tpu.wait_indirect_dma semaphore(%arg16 : memref<!tpu.dma_semaphore, #tpu.memory_space<semaphore_mem>>) src(%dma_wait3A_293 : memref<16x128xf32, #tpu.memory_space<vmem>>) dst(%dma_wait3A_296 : memref<10000x128xf32, #tpu.memory_space<vmem_shared>>)
      %dma_wait3A_297 = arith.constant 16 : i32
      %dma_wait3A_298 = arith.constant 0 : i32
      %dma_wait3A_299 = tpu.memref_slice %arg11[%dma_wait3A_297, %dma_wait3A_298] : memref<80x128xf32, #tpu.memory_space<vmem>> -> memref<16x128xf32, #tpu.memory_space<vmem>>
      %dma_wait3A_300 = arith.constant 0 : i32
      %dma_wait3A_301 = arith.constant 0 : i32
      %dma_wait3A_302 = tpu.memref_slice %arg12[%dma_wait3A_300, %dma_wait3A_301] : memref<10000x128xf32, #tpu.memory_space<vmem_shared>> -> memref<10000x128xf32, #tpu.memory_space<vmem_shared>>
      tpu.wait_indirect_dma semaphore(%arg16 : memref<!tpu.dma_semaphore, #tpu.memory_space<semaphore_mem>>) src(%dma_wait3A_299 : memref<16x128xf32, #tpu.memory_space<vmem>>) dst(%dma_wait3A_302 : memref<10000x128xf32, #tpu.memory_space<vmem_shared>>)
      %dma_wait3A_303 = arith.constant 32 : i32
      %dma_wait3A_304 = arith.constant 0 : i32
      %dma_wait3A_305 = tpu.memref_slice %arg11[%dma_wait3A_303, %dma_wait3A_304] : memref<80x128xf32, #tpu.memory_space<vmem>> -> memref<16x128xf32, #tpu.memory_space<vmem>>
      %dma_wait3A_306 = arith.constant 0 : i32
      %dma_wait3A_307 = arith.constant 0 : i32
      %dma_wait3A_308 = tpu.memref_slice %arg12[%dma_wait3A_306, %dma_wait3A_307] : memref<10000x128xf32, #tpu.memory_space<vmem_shared>> -> memref<10000x128xf32, #tpu.memory_space<vmem_shared>>
      tpu.wait_indirect_dma semaphore(%arg16 : memref<!tpu.dma_semaphore, #tpu.memory_space<semaphore_mem>>) src(%dma_wait3A_305 : memref<16x128xf32, #tpu.memory_space<vmem>>) dst(%dma_wait3A_308 : memref<10000x128xf32, #tpu.memory_space<vmem_shared>>)
      %dma_wait3A_309 = arith.constant 48 : i32
      %dma_wait3A_310 = arith.constant 0 : i32
      %dma_wait3A_311 = tpu.memref_slice %arg11[%dma_wait3A_309, %dma_wait3A_310] : memref<80x128xf32, #tpu.memory_space<vmem>> -> memref<16x128xf32, #tpu.memory_space<vmem>>
      %dma_wait3A_312 = arith.constant 0 : i32
      %dma_wait3A_313 = arith.constant 0 : i32
      %dma_wait3A_314 = tpu.memref_slice %arg12[%dma_wait3A_312, %dma_wait3A_313] : memref<10000x128xf32, #tpu.memory_space<vmem_shared>> -> memref<10000x128xf32, #tpu.memory_space<vmem_shared>>
      tpu.wait_indirect_dma semaphore(%arg16 : memref<!tpu.dma_semaphore, #tpu.memory_space<semaphore_mem>>) src(%dma_wait3A_311 : memref<16x128xf32, #tpu.memory_space<vmem>>) dst(%dma_wait3A_314 : memref<10000x128xf32, #tpu.memory_space<vmem_shared>>)
      %dma_wait3A_315 = arith.constant 64 : i32
      %dma_wait3A_316 = arith.constant 0 : i32
      %dma_wait3A_317 = tpu.memref_slice %arg11[%dma_wait3A_315, %dma_wait3A_316] : memref<80x128xf32, #tpu.memory_space<vmem>> -> memref<16x128xf32, #tpu.memory_space<vmem>>
      %dma_wait3A_318 = arith.constant 0 : i32
      %dma_wait3A_319 = arith.constant 0 : i32
      %dma_wait3A_320 = tpu.memref_slice %arg12[%dma_wait3A_318, %dma_wait3A_319] : memref<10000x128xf32, #tpu.memory_space<vmem_shared>> -> memref<10000x128xf32, #tpu.memory_space<vmem_shared>>
      tpu.wait_indirect_dma semaphore(%arg16 : memref<!tpu.dma_semaphore, #tpu.memory_space<semaphore_mem>>) src(%dma_wait3A_317 : memref<16x128xf32, #tpu.memory_space<vmem>>) dst(%dma_wait3A_320 : memref<10000x128xf32, #tpu.memory_space<vmem_shared>>)
      %add3A_321 = arith.constant 2 : i32
      %add3A_322 = arith.addi %add3A_221, %add3A_321 : i32
      %lt3A_323 = arith.constant 125 : i32
      %lt3A_324 = arith.cmpi slt, %add3A_322, %lt3A_323 : i32
      %convert_element_type3A_325 = arith.extui %lt3A_324 : i1 to i32
      %cond3A_326 = arith.constant 0 : i32
      %cond3A_327 = arith.cmpi ne, %convert_element_type3A_325, %cond3A_326 : i32
      scf.if %cond3A_327 {
        %add3A_328 = arith.constant 2 : i32
        %add3A_329 = arith.addi %add3A_221, %add3A_328 : i32
        %mul3A_330 = arith.constant 80 : i32
        %mul3A_331 = arith.muli %add3A_329, %mul3A_330 : i32
        %dma_start3A_332 = tpu.memref_slice %arg7[%mul3A_331] : memref<10000xi32, #tpu.memory_space<vmem>> -> memref<80xi32, #tpu.memory_space<vmem>>
        %dma_start3A_333 = arith.constant 0 : i32
        %dma_start3A_334 = arith.constant 0 : i32
        %dma_start3A_335 = tpu.memref_slice %arg2[%dma_start3A_333, %dma_start3A_334] : memref<10000x128xf32, #tpu.memory_space<hbm>> -> memref<10000x128xf32, #tpu.memory_space<hbm>>
        tpu.enqueue_indirect_dma source(%dma_start3A_335 : memref<10000x128xf32, #tpu.memory_space<hbm>>) target(%arg11 : memref<80x128xf32, #tpu.memory_space<vmem>>) offsets(%dma_start3A_332 : memref<80xi32, #tpu.memory_space<vmem>>) semaphore(%arg14 : memref<!tpu.dma_semaphore, #tpu.memory_space<semaphore_mem>>)
      } else {
      }
    }
    %scan3A_30 = arith.constant 62 : i32
    %dma_wait3A = arith.constant 9920 : i32
    %dma_wait3A_31 = tpu.memref_slice %arg7[%dma_wait3A] : memref<10000xi32, #tpu.memory_space<vmem>> -> memref<80xi32, #tpu.memory_space<vmem>>
    %dma_wait3A_32 = arith.constant 0 : i32
    %dma_wait3A_33 = arith.constant 0 : i32
    %dma_wait3A_34 = tpu.memref_slice %arg2[%dma_wait3A_32, %dma_wait3A_33] : memref<10000x128xf32, #tpu.memory_space<hbm>> -> memref<10000x128xf32, #tpu.memory_space<hbm>>
    tpu.wait_indirect_dma semaphore(%arg13 : memref<!tpu.dma_semaphore, #tpu.memory_space<semaphore_mem>>) src(%dma_wait3A_34 : memref<10000x128xf32, #tpu.memory_space<hbm>>) dst(%arg10 : memref<80x128xf32, #tpu.memory_space<vmem>>)
    %parallel_loop3A = arith.constant 0 : i32
    %parallel_loop3A_35 = arith.constant 80 : i32
    %parallel_loop3A_36 = arith.constant 1 : i32
    scf.for %parallel_loop3A_112 = %parallel_loop3A to %parallel_loop3A_35 step %parallel_loop3A_36  : i32 {
      %parallel_loop3A_113 = arith.constant 9920 : i32
      %parallel_loop3A_114 = arith.addi %parallel_loop3A_113, %parallel_loop3A_112 : i32
      %parallel_loop3A_115 = vector.broadcast %parallel_loop3A_114 : i32 to vector<16xi32>
      %parallel_loop3A_116 = tpu.vector_load_idx %arg9[%parallel_loop3A_115] : memref<10000xf32, #tpu.memory_space<vmem>>[vector<16xi32>], vector<16xf32>,
      %parallel_loop3A_117 = arith.index_cast %parallel_loop3A_112 : i32 to index
      %parallel_loop3A_118 = arith.constant 0 : index
      %parallel_loop3A_119 = tpu.vector_load %arg10[%parallel_loop3A_117, %parallel_loop3A_118] {strides = array<i32>} : memref<80x128xf32, #tpu.memory_space<vmem>>, vector<16xf32>,
      %parallel_loop3A_120 = arith.mulf %parallel_loop3A_119, %parallel_loop3A_116 : vector<16xf32>
      %parallel_loop3A_121 = arith.index_cast %parallel_loop3A_112 : i32 to index
      %parallel_loop3A_122 = arith.constant 0 : index
      %parallel_loop3A_123 = tpu.vector_load %arg10[%parallel_loop3A_121, %parallel_loop3A_122] {strides = array<i32>} : memref<80x128xf32, #tpu.memory_space<vmem>>, vector<16xf32>,
      tpu.vector_store %arg10[%parallel_loop3A_121, %parallel_loop3A_122], %parallel_loop3A_120 {strides = array<i32>} : memref<80x128xf32, #tpu.memory_space<vmem>>, vector<16xf32>,
      %parallel_loop3A_124 = arith.index_cast %parallel_loop3A_112 : i32 to index
      %parallel_loop3A_125 = arith.constant 16 : index
      %parallel_loop3A_126 = tpu.vector_load %arg10[%parallel_loop3A_124, %parallel_loop3A_125] {strides = array<i32>} : memref<80x128xf32, #tpu.memory_space<vmem>>, vector<16xf32>,
      %parallel_loop3A_127 = arith.mulf %parallel_loop3A_126, %parallel_loop3A_116 : vector<16xf32>
      %parallel_loop3A_128 = arith.index_cast %parallel_loop3A_112 : i32 to index
      %parallel_loop3A_129 = arith.constant 16 : index
      %parallel_loop3A_130 = tpu.vector_load %arg10[%parallel_loop3A_128, %parallel_loop3A_129] {strides = array<i32>} : memref<80x128xf32, #tpu.memory_space<vmem>>, vector<16xf32>,
      tpu.vector_store %arg10[%parallel_loop3A_128, %parallel_loop3A_129], %parallel_loop3A_127 {strides = array<i32>} : memref<80x128xf32, #tpu.memory_space<vmem>>, vector<16xf32>,
      %parallel_loop3A_131 = arith.index_cast %parallel_loop3A_112 : i32 to index
      %parallel_loop3A_132 = arith.constant 32 : index
      %parallel_loop3A_133 = tpu.vector_load %arg10[%parallel_loop3A_131, %parallel_loop3A_132] {strides = array<i32>} : memref<80x128xf32, #tpu.memory_space<vmem>>, vector<16xf32>,
      %parallel_loop3A_134 = arith.mulf %parallel_loop3A_133, %parallel_loop3A_116 : vector<16xf32>
      %parallel_loop3A_135 = arith.index_cast %parallel_loop3A_112 : i32 to index
      %parallel_loop3A_136 = arith.constant 32 : index
      %parallel_loop3A_137 = tpu.vector_load %arg10[%parallel_loop3A_135, %parallel_loop3A_136] {strides = array<i32>} : memref<80x128xf32, #tpu.memory_space<vmem>>, vector<16xf32>,
      tpu.vector_store %arg10[%parallel_loop3A_135, %parallel_loop3A_136], %parallel_loop3A_134 {strides = array<i32>} : memref<80x128xf32, #tpu.memory_space<vmem>>, vector<16xf32>,
      %parallel_loop3A_138 = arith.index_cast %parallel_loop3A_112 : i32 to index
      %parallel_loop3A_139 = arith.constant 48 : index
      %parallel_loop3A_140 = tpu.vector_load %arg10[%parallel_loop3A_138, %parallel_loop3A_139] {strides = array<i32>} : memref<80x128xf32, #tpu.memory_space<vmem>>, vector<16xf32>,
      %parallel_loop3A_141 = arith.mulf %parallel_loop3A_140, %parallel_loop3A_116 : vector<16xf32>
      %parallel_loop3A_142 = arith.index_cast %parallel_loop3A_112 : i32 to index
      %parallel_loop3A_143 = arith.constant 48 : index
      %parallel_loop3A_144 = tpu.vector_load %arg10[%parallel_loop3A_142, %parallel_loop3A_143] {strides = array<i32>} : memref<80x128xf32, #tpu.memory_space<vmem>>, vector<16xf32>,
      tpu.vector_store %arg10[%parallel_loop3A_142, %parallel_loop3A_143], %parallel_loop3A_141 {strides = array<i32>} : memref<80x128xf32, #tpu.memory_space<vmem>>, vector<16xf32>,
      %parallel_loop3A_145 = arith.index_cast %parallel_loop3A_112 : i32 to index
      %parallel_loop3A_146 = arith.constant 64 : index
      %parallel_loop3A_147 = tpu.vector_load %arg10[%parallel_loop3A_145, %parallel_loop3A_146] {strides = array<i32>} : memref<80x128xf32, #tpu.memory_space<vmem>>, vector<16xf32>,
      %parallel_loop3A_148 = arith.mulf %parallel_loop3A_147, %parallel_loop3A_116 : vector<16xf32>
      %parallel_loop3A_149 = arith.index_cast %parallel_loop3A_112 : i32 to index
      %parallel_loop3A_150 = arith.constant 64 : index
      %parallel_loop3A_151 = tpu.vector_load %arg10[%parallel_loop3A_149, %parallel_loop3A_150] {strides = array<i32>} : memref<80x128xf32, #tpu.memory_space<vmem>>, vector<16xf32>,
      tpu.vector_store %arg10[%parallel_loop3A_149, %parallel_loop3A_150], %parallel_loop3A_148 {strides = array<i32>} : memref<80x128xf32, #tpu.memory_space<vmem>>, vector<16xf32>,
      %parallel_loop3A_152 = arith.index_cast %parallel_loop3A_112 : i32 to index
      %parallel_loop3A_153 = arith.constant 80 : index
      %parallel_loop3A_154 = tpu.vector_load %arg10[%parallel_loop3A_152, %parallel_loop3A_153] {strides = array<i32>} : memref<80x128xf32, #tpu.memory_space<vmem>>, vector<16xf32>,
      %parallel_loop3A_155 = arith.mulf %parallel_loop3A_154, %parallel_loop3A_116 : vector<16xf32>
      %parallel_loop3A_156 = arith.index_cast %parallel_loop3A_112 : i32 to index
      %parallel_loop3A_157 = arith.constant 80 : index
      %parallel_loop3A_158 = tpu.vector_load %arg10[%parallel_loop3A_156, %parallel_loop3A_157] {strides = array<i32>} : memref<80x128xf32, #tpu.memory_space<vmem>>, vector<16xf32>,
      tpu.vector_store %arg10[%parallel_loop3A_156, %parallel_loop3A_157], %parallel_loop3A_155 {strides = array<i32>} : memref<80x128xf32, #tpu.memory_space<vmem>>, vector<16xf32>,
      %parallel_loop3A_159 = arith.index_cast %parallel_loop3A_112 : i32 to index
      %parallel_loop3A_160 = arith.constant 96 : index
      %parallel_loop3A_161 = tpu.vector_load %arg10[%parallel_loop3A_159, %parallel_loop3A_160] {strides = array<i32>} : memref<80x128xf32, #tpu.memory_space<vmem>>, vector<16xf32>,
      %parallel_loop3A_162 = arith.mulf %parallel_loop3A_161, %parallel_loop3A_116 : vector<16xf32>
      %parallel_loop3A_163 = arith.index_cast %parallel_loop3A_112 : i32 to index
      %parallel_loop3A_164 = arith.constant 96 : index
      %parallel_loop3A_165 = tpu.vector_load %arg10[%parallel_loop3A_163, %parallel_loop3A_164] {strides = array<i32>} : memref<80x128xf32, #tpu.memory_space<vmem>>, vector<16xf32>,
      tpu.vector_store %arg10[%parallel_loop3A_163, %parallel_loop3A_164], %parallel_loop3A_162 {strides = array<i32>} : memref<80x128xf32, #tpu.memory_space<vmem>>, vector<16xf32>,
      %parallel_loop3A_166 = arith.index_cast %parallel_loop3A_112 : i32 to index
      %parallel_loop3A_167 = arith.constant 112 : index
      %parallel_loop3A_168 = tpu.vector_load %arg10[%parallel_loop3A_166, %parallel_loop3A_167] {strides = array<i32>} : memref<80x128xf32, #tpu.memory_space<vmem>>, vector<16xf32>,
      %parallel_loop3A_169 = arith.mulf %parallel_loop3A_168, %parallel_loop3A_116 : vector<16xf32>
      %parallel_loop3A_170 = arith.index_cast %parallel_loop3A_112 : i32 to index
      %parallel_loop3A_171 = arith.constant 112 : index
      %parallel_loop3A_172 = tpu.vector_load %arg10[%parallel_loop3A_170, %parallel_loop3A_171] {strides = array<i32>} : memref<80x128xf32, #tpu.memory_space<vmem>>, vector<16xf32>,
      tpu.vector_store %arg10[%parallel_loop3A_170, %parallel_loop3A_171], %parallel_loop3A_169 {strides = array<i32>} : memref<80x128xf32, #tpu.memory_space<vmem>>, vector<16xf32>,
    } {sc.loop_unroll_factor = 4 : i64, sc.parallel_access}
    %get3A = arith.constant 9920 : index
    %get3A_37 = tpu.vector_load %arg8[%get3A] {strides = array<i32>} : memref<10000xi32, #tpu.memory_space<vmem>>, vector<16xi32>,
    %dma_start3A_38 = arith.constant 0 : i32
    %dma_start3A_39 = arith.constant 0 : i32
    %dma_start3A_40 = tpu.memref_slice %arg10[%dma_start3A_38, %dma_start3A_39] : memref<80x128xf32, #tpu.memory_space<vmem>> -> memref<16x128xf32, #tpu.memory_space<vmem>>
    %dma_start3A_41 = arith.constant 0 : i32
    %dma_start3A_42 = arith.constant 0 : i32
    %dma_start3A_43 = tpu.memref_slice %arg12[%dma_start3A_41, %dma_start3A_42] : memref<10000x128xf32, #tpu.memory_space<vmem_shared>> -> memref<10000x128xf32, #tpu.memory_space<vmem_shared>>
    tpu.enqueue_indirect_dma source(%dma_start3A_40 : memref<16x128xf32, #tpu.memory_space<vmem>>) target(%dma_start3A_43 : memref<10000x128xf32, #tpu.memory_space<vmem_shared>>) offsets(%get3A_37 : vector<16xi32>) semaphore(%arg15 : memref<!tpu.dma_semaphore, #tpu.memory_space<semaphore_mem>>) {add = true}
    %get3A_44 = arith.constant 9936 : index
    %get3A_45 = tpu.vector_load %arg8[%get3A_44] {strides = array<i32>} : memref<10000xi32, #tpu.memory_space<vmem>>, vector<16xi32>,
    %dma_start3A_46 = arith.constant 16 : i32
    %dma_start3A_47 = arith.constant 0 : i32
    %dma_start3A_48 = tpu.memref_slice %arg10[%dma_start3A_46, %dma_start3A_47] : memref<80x128xf32, #tpu.memory_space<vmem>> -> memref<16x128xf32, #tpu.memory_space<vmem>>
    %dma_start3A_49 = arith.constant 0 : i32
    %dma_start3A_50 = arith.constant 0 : i32
    %dma_start3A_51 = tpu.memref_slice %arg12[%dma_start3A_49, %dma_start3A_50] : memref<10000x128xf32, #tpu.memory_space<vmem_shared>> -> memref<10000x128xf32, #tpu.memory_space<vmem_shared>>
    tpu.enqueue_indirect_dma source(%dma_start3A_48 : memref<16x128xf32, #tpu.memory_space<vmem>>) target(%dma_start3A_51 : memref<10000x128xf32, #tpu.memory_space<vmem_shared>>) offsets(%get3A_45 : vector<16xi32>) semaphore(%arg15 : memref<!tpu.dma_semaphore, #tpu.memory_space<semaphore_mem>>) {add = true}
    %get3A_52 = arith.constant 9952 : index
    %get3A_53 = tpu.vector_load %arg8[%get3A_52] {strides = array<i32>} : memref<10000xi32, #tpu.memory_space<vmem>>, vector<16xi32>,
    %dma_start3A_54 = arith.constant 32 : i32
    %dma_start3A_55 = arith.constant 0 : i32
    %dma_start3A_56 = tpu.memref_slice %arg10[%dma_start3A_54, %dma_start3A_55] : memref<80x128xf32, #tpu.memory_space<vmem>> -> memref<16x128xf32, #tpu.memory_space<vmem>>
    %dma_start3A_57 = arith.constant 0 : i32
    %dma_start3A_58 = arith.constant 0 : i32
    %dma_start3A_59 = tpu.memref_slice %arg12[%dma_start3A_57, %dma_start3A_58] : memref<10000x128xf32, #tpu.memory_space<vmem_shared>> -> memref<10000x128xf32, #tpu.memory_space<vmem_shared>>
    tpu.enqueue_indirect_dma source(%dma_start3A_56 : memref<16x128xf32, #tpu.memory_space<vmem>>) target(%dma_start3A_59 : memref<10000x128xf32, #tpu.memory_space<vmem_shared>>) offsets(%get3A_53 : vector<16xi32>) semaphore(%arg15 : memref<!tpu.dma_semaphore, #tpu.memory_space<semaphore_mem>>) {add = true}
    %get3A_60 = arith.constant 9968 : index
    %get3A_61 = tpu.vector_load %arg8[%get3A_60] {strides = array<i32>} : memref<10000xi32, #tpu.memory_space<vmem>>, vector<16xi32>,
    %dma_start3A_62 = arith.constant 48 : i32
    %dma_start3A_63 = arith.constant 0 : i32
    %dma_start3A_64 = tpu.memref_slice %arg10[%dma_start3A_62, %dma_start3A_63] : memref<80x128xf32, #tpu.memory_space<vmem>> -> memref<16x128xf32, #tpu.memory_space<vmem>>
    %dma_start3A_65 = arith.constant 0 : i32
    %dma_start3A_66 = arith.constant 0 : i32
    %dma_start3A_67 = tpu.memref_slice %arg12[%dma_start3A_65, %dma_start3A_66] : memref<10000x128xf32, #tpu.memory_space<vmem_shared>> -> memref<10000x128xf32, #tpu.memory_space<vmem_shared>>
    tpu.enqueue_indirect_dma source(%dma_start3A_64 : memref<16x128xf32, #tpu.memory_space<vmem>>) target(%dma_start3A_67 : memref<10000x128xf32, #tpu.memory_space<vmem_shared>>) offsets(%get3A_61 : vector<16xi32>) semaphore(%arg15 : memref<!tpu.dma_semaphore, #tpu.memory_space<semaphore_mem>>) {add = true}
    %get3A_68 = arith.constant 9984 : index
    %get3A_69 = tpu.vector_load %arg8[%get3A_68] {strides = array<i32>} : memref<10000xi32, #tpu.memory_space<vmem>>, vector<16xi32>,
    %dma_start3A_70 = arith.constant 64 : i32
    %dma_start3A_71 = arith.constant 0 : i32
    %dma_start3A_72 = tpu.memref_slice %arg10[%dma_start3A_70, %dma_start3A_71] : memref<80x128xf32, #tpu.memory_space<vmem>> -> memref<16x128xf32, #tpu.memory_space<vmem>>
    %dma_start3A_73 = arith.constant 0 : i32
    %dma_start3A_74 = arith.constant 0 : i32
    %dma_start3A_75 = tpu.memref_slice %arg12[%dma_start3A_73, %dma_start3A_74] : memref<10000x128xf32, #tpu.memory_space<vmem_shared>> -> memref<10000x128xf32, #tpu.memory_space<vmem_shared>>
    tpu.enqueue_indirect_dma source(%dma_start3A_72 : memref<16x128xf32, #tpu.memory_space<vmem>>) target(%dma_start3A_75 : memref<10000x128xf32, #tpu.memory_space<vmem_shared>>) offsets(%get3A_69 : vector<16xi32>) semaphore(%arg15 : memref<!tpu.dma_semaphore, #tpu.memory_space<semaphore_mem>>) {add = true}
    %dma_wait3A_76 = arith.constant 0 : i32
    %dma_wait3A_77 = arith.constant 0 : i32
    %dma_wait3A_78 = tpu.memref_slice %arg10[%dma_wait3A_76, %dma_wait3A_77] : memref<80x128xf32, #tpu.memory_space<vmem>> -> memref<16x128xf32, #tpu.memory_space<vmem>>
    %dma_wait3A_79 = arith.constant 0 : i32
    %dma_wait3A_80 = arith.constant 0 : i32
    %dma_wait3A_81 = tpu.memref_slice %arg12[%dma_wait3A_79, %dma_wait3A_80] : memref<10000x128xf32, #tpu.memory_space<vmem_shared>> -> memref<10000x128xf32, #tpu.memory_space<vmem_shared>>
    tpu.wait_indirect_dma semaphore(%arg15 : memref<!tpu.dma_semaphore, #tpu.memory_space<semaphore_mem>>) src(%dma_wait3A_78 : memref<16x128xf32, #tpu.memory_space<vmem>>) dst(%dma_wait3A_81 : memref<10000x128xf32, #tpu.memory_space<vmem_shared>>)
    %dma_wait3A_82 = arith.constant 16 : i32
    %dma_wait3A_83 = arith.constant 0 : i32
    %dma_wait3A_84 = tpu.memref_slice %arg10[%dma_wait3A_82, %dma_wait3A_83] : memref<80x128xf32, #tpu.memory_space<vmem>> -> memref<16x128xf32, #tpu.memory_space<vmem>>
    %dma_wait3A_85 = arith.constant 0 : i32
    %dma_wait3A_86 = arith.constant 0 : i32
    %dma_wait3A_87 = tpu.memref_slice %arg12[%dma_wait3A_85, %dma_wait3A_86] : memref<10000x128xf32, #tpu.memory_space<vmem_shared>> -> memref<10000x128xf32, #tpu.memory_space<vmem_shared>>
    tpu.wait_indirect_dma semaphore(%arg15 : memref<!tpu.dma_semaphore, #tpu.memory_space<semaphore_mem>>) src(%dma_wait3A_84 : memref<16x128xf32, #tpu.memory_space<vmem>>) dst(%dma_wait3A_87 : memref<10000x128xf32, #tpu.memory_space<vmem_shared>>)
    %dma_wait3A_88 = arith.constant 32 : i32
    %dma_wait3A_89 = arith.constant 0 : i32
    %dma_wait3A_90 = tpu.memref_slice %arg10[%dma_wait3A_88, %dma_wait3A_89] : memref<80x128xf32, #tpu.memory_space<vmem>> -> memref<16x128xf32, #tpu.memory_space<vmem>>
    %dma_wait3A_91 = arith.constant 0 : i32
    %dma_wait3A_92 = arith.constant 0 : i32
    %dma_wait3A_93 = tpu.memref_slice %arg12[%dma_wait3A_91, %dma_wait3A_92] : memref<10000x128xf32, #tpu.memory_space<vmem_shared>> -> memref<10000x128xf32, #tpu.memory_space<vmem_shared>>
    tpu.wait_indirect_dma semaphore(%arg15 : memref<!tpu.dma_semaphore, #tpu.memory_space<semaphore_mem>>) src(%dma_wait3A_90 : memref<16x128xf32, #tpu.memory_space<vmem>>) dst(%dma_wait3A_93 : memref<10000x128xf32, #tpu.memory_space<vmem_shared>>)
    %dma_wait3A_94 = arith.constant 48 : i32
    %dma_wait3A_95 = arith.constant 0 : i32
    %dma_wait3A_96 = tpu.memref_slice %arg10[%dma_wait3A_94, %dma_wait3A_95] : memref<80x128xf32, #tpu.memory_space<vmem>> -> memref<16x128xf32, #tpu.memory_space<vmem>>
    %dma_wait3A_97 = arith.constant 0 : i32
    %dma_wait3A_98 = arith.constant 0 : i32
    %dma_wait3A_99 = tpu.memref_slice %arg12[%dma_wait3A_97, %dma_wait3A_98] : memref<10000x128xf32, #tpu.memory_space<vmem_shared>> -> memref<10000x128xf32, #tpu.memory_space<vmem_shared>>
    tpu.wait_indirect_dma semaphore(%arg15 : memref<!tpu.dma_semaphore, #tpu.memory_space<semaphore_mem>>) src(%dma_wait3A_96 : memref<16x128xf32, #tpu.memory_space<vmem>>) dst(%dma_wait3A_99 : memref<10000x128xf32, #tpu.memory_space<vmem_shared>>)
    %dma_wait3A_100 = arith.constant 64 : i32
    %dma_wait3A_101 = arith.constant 0 : i32
    %dma_wait3A_102 = tpu.memref_slice %arg10[%dma_wait3A_100, %dma_wait3A_101] : memref<80x128xf32, #tpu.memory_space<vmem>> -> memref<16x128xf32, #tpu.memory_space<vmem>>
    %dma_wait3A_103 = arith.constant 0 : i32
    %dma_wait3A_104 = arith.constant 0 : i32
    %dma_wait3A_105 = tpu.memref_slice %arg12[%dma_wait3A_103, %dma_wait3A_104] : memref<10000x128xf32, #tpu.memory_space<vmem_shared>> -> memref<10000x128xf32, #tpu.memory_space<vmem_shared>>
    tpu.wait_indirect_dma semaphore(%arg15 : memref<!tpu.dma_semaphore, #tpu.memory_space<semaphore_mem>>) src(%dma_wait3A_102 : memref<16x128xf32, #tpu.memory_space<vmem>>) dst(%dma_wait3A_105 : memref<10000x128xf32, #tpu.memory_space<vmem_shared>>)
    %barrier3A_106 = arith.constant 0 : index
    tpu.barrier barrier_id(%barrier3A_106)
    "tpu.region"() ({
      %run_scoped3A = tpu.sem_alloc : memref<!tpu.dma_semaphore, #tpu.memory_space<semaphore_mem>>
      %dma_start3A_112 = arith.constant 0 : i32
      %dma_start3A_113 = arith.constant 0 : i32
      %dma_start3A_114 = tpu.memref_slice %arg6[%arg0, %dma_start3A_112, %dma_start3A_113] : memref<2x10000x128xf32, #tpu.memory_space<hbm>> -> memref<1x10000x128xf32, #tpu.memory_space<hbm>>
      %dma_start3A_115 = tpu.memref_squeeze %dma_start3A_114 : memref<1x10000x128xf32, #tpu.memory_space<hbm>> -> memref<10000x128xf32, #tpu.memory_space<hbm>>
      %dma_start3A_116 = arith.constant 0 : i32
      %dma_start3A_117 = tpu.memref_slice %dma_start3A_115[%mul3A_7, %dma_start3A_116] : memref<10000x128xf32, #tpu.memory_space<hbm>> -> memref<624x128xf32, #tpu.memory_space<hbm>>
      %dma_start3A_118 = arith.constant 0 : i32
      %dma_start3A_119 = tpu.memref_slice %arg12[%mul3A_7, %dma_start3A_118] : memref<10000x128xf32, #tpu.memory_space<vmem_shared>> -> memref<624x128xf32, #tpu.memory_space<vmem_shared>>
      tpu.enqueue_dma source(%dma_start3A_119 : memref<624x128xf32, #tpu.memory_space<vmem_shared>>) target(%dma_start3A_117 : memref<624x128xf32, #tpu.memory_space<hbm>>) target_semaphore(%run_scoped3A : memref<!tpu.dma_semaphore, #tpu.memory_space<semaphore_mem>>)
      %dma_wait3A_120 = arith.constant 0 : i32
      %dma_wait3A_121 = arith.constant 0 : i32
      %dma_wait3A_122 = tpu.memref_slice %arg6[%arg0, %dma_wait3A_120, %dma_wait3A_121] : memref<2x10000x128xf32, #tpu.memory_space<hbm>> -> memref<1x10000x128xf32, #tpu.memory_space<hbm>>
      %dma_wait3A_123 = tpu.memref_squeeze %dma_wait3A_122 : memref<1x10000x128xf32, #tpu.memory_space<hbm>> -> memref<10000x128xf32, #tpu.memory_space<hbm>>
      %dma_wait3A_124 = arith.constant 0 : i32
      %dma_wait3A_125 = tpu.memref_slice %dma_wait3A_123[%mul3A_7, %dma_wait3A_124] : memref<10000x128xf32, #tpu.memory_space<hbm>> -> memref<624x128xf32, #tpu.memory_space<hbm>>
      %dma_wait3A_126 = arith.constant 0 : i32
      %dma_wait3A_127 = tpu.memref_slice %arg12[%mul3A_7, %dma_wait3A_126] : memref<10000x128xf32, #tpu.memory_space<vmem_shared>> -> memref<624x128xf32, #tpu.memory_space<vmem_shared>>
      tpu.wait_dma2 semaphore(%run_scoped3A : memref<!tpu.dma_semaphore, #tpu.memory_space<semaphore_mem>>) src(%dma_wait3A_127 : memref<624x128xf32, #tpu.memory_space<vmem_shared>>) dst(%dma_wait3A_125 : memref<624x128xf32, #tpu.memory_space<hbm>>)
      tpu.yield
    }) : () -> ()
    %eq3A_107 = arith.constant 15 : i32
    %eq3A_108 = arith.cmpi eq, %arg1, %eq3A_107 : i32
    %convert_element_type3A_109 = arith.extui %eq3A_108 : i1 to i32
    %cond3A_110 = arith.constant 0 : i32
    %cond3A_111 = arith.cmpi ne, %convert_element_type3A_109, %cond3A_110 : i32
    scf.if %cond3A_111 {
      "tpu.region"() ({
        %run_scoped3A = tpu.sem_alloc : memref<!tpu.dma_semaphore, #tpu.memory_space<semaphore_mem>>
        %dma_start3A_112 = arith.constant 0 : i32
        %dma_start3A_113 = arith.constant 0 : i32
        %dma_start3A_114 = tpu.memref_slice %arg6[%arg0, %dma_start3A_112, %dma_start3A_113] : memref<2x10000x128xf32, #tpu.memory_space<hbm>> -> memref<1x10000x128xf32, #tpu.memory_space<hbm>>
        %dma_start3A_115 = tpu.memref_squeeze %dma_start3A_114 : memref<1x10000x128xf32, #tpu.memory_space<hbm>> -> memref<10000x128xf32, #tpu.memory_space<hbm>>
        %dma_start3A_116 = arith.constant 9984 : i32
        %dma_start3A_117 = arith.constant 0 : i32
        %dma_start3A_118 = tpu.memref_slice %dma_start3A_115[%dma_start3A_116, %dma_start3A_117] : memref<10000x128xf32, #tpu.memory_space<hbm>> -> memref<16x128xf32, #tpu.memory_space<hbm>>
        %dma_start3A_119 = arith.constant 9984 : i32
        %dma_start3A_120 = arith.constant 0 : i32
        %dma_start3A_121 = tpu.memref_slice %arg12[%dma_start3A_119, %dma_start3A_120] : memref<10000x128xf32, #tpu.memory_space<vmem_shared>> -> memref<16x128xf32, #tpu.memory_space<vmem_shared>>
        tpu.enqueue_dma source(%dma_start3A_121 : memref<16x128xf32, #tpu.memory_space<vmem_shared>>) target(%dma_start3A_118 : memref<16x128xf32, #tpu.memory_space<hbm>>) target_semaphore(%run_scoped3A : memref<!tpu.dma_semaphore, #tpu.memory_space<semaphore_mem>>)
        %dma_wait3A_122 = arith.constant 0 : i32
        %dma_wait3A_123 = arith.constant 0 : i32
        %dma_wait3A_124 = tpu.memref_slice %arg6[%arg0, %dma_wait3A_122, %dma_wait3A_123] : memref<2x10000x128xf32, #tpu.memory_space<hbm>> -> memref<1x10000x128xf32, #tpu.memory_space<hbm>>
        %dma_wait3A_125 = tpu.memref_squeeze %dma_wait3A_124 : memref<1x10000x128xf32, #tpu.memory_space<hbm>> -> memref<10000x128xf32, #tpu.memory_space<hbm>>
        %dma_wait3A_126 = arith.constant 9984 : i32
        %dma_wait3A_127 = arith.constant 0 : i32
        %dma_wait3A_128 = tpu.memref_slice %dma_wait3A_125[%dma_wait3A_126, %dma_wait3A_127] : memref<10000x128xf32, #tpu.memory_space<hbm>> -> memref<16x128xf32, #tpu.memory_space<hbm>>
        %dma_wait3A_129 = arith.constant 9984 : i32
        %dma_wait3A_130 = arith.constant 0 : i32
        %dma_wait3A_131 = tpu.memref_slice %arg12[%dma_wait3A_129, %dma_wait3A_130] : memref<10000x128xf32, #tpu.memory_space<vmem_shared>> -> memref<16x128xf32, #tpu.memory_space<vmem_shared>>
        tpu.wait_dma2 semaphore(%run_scoped3A : memref<!tpu.dma_semaphore, #tpu.memory_space<semaphore_mem>>) src(%dma_wait3A_131 : memref<16x128xf32, #tpu.memory_space<vmem_shared>>) dst(%dma_wait3A_128 : memref<16x128xf32, #tpu.memory_space<hbm>>)
        tpu.yield
      }) : () -> ()
    } else {
    }
    return
  }
}

#map = affine_map<(d0, d1) -> (0, 0)>
#map1 = affine_map<(d0, d1) -> (0, 0, 0)>
module attributes {stable_mosaic.version = 14 : i64} {
  func.func @_sc_phase_b(%arg0: i32, %arg1: i32, %arg2: memref<10000x128xf32, #tpu.memory_space<hbm>>, %arg3: memref<32x10000xi32, #tpu.memory_space<hbm>>, %arg4: memref<32x10000xi32, #tpu.memory_space<hbm>>, %arg5: memref<32x10000xf32, #tpu.memory_space<hbm>>, %arg6: memref<2x10000x128xf32, #tpu.memory_space<hbm>>, %arg7: memref<10000xi32, #tpu.memory_space<vmem>>, %arg8: memref<10000xi32, #tpu.memory_space<vmem>>, %arg9: memref<10000xf32, #tpu.memory_space<vmem>>, %arg10: memref<80x128xf32, #tpu.memory_space<vmem>>, %arg11: memref<80x128xf32, #tpu.memory_space<vmem>>, %arg12: memref<10000x128xf32, #tpu.memory_space<vmem_shared>>, %arg13: memref<!tpu.dma_semaphore, #tpu.memory_space<semaphore_mem>>, %arg14: memref<!tpu.dma_semaphore, #tpu.memory_space<semaphore_mem>>, %arg15: memref<!tpu.dma_semaphore, #tpu.memory_space<semaphore_mem>>, %arg16: memref<!tpu.dma_semaphore, #tpu.memory_space<semaphore_mem>>) attributes {dimension_semantics = [#tpu.dimension_semantics<core_parallel>, #tpu.dimension_semantics<subcore_parallel>], iteration_bounds = array<i64: 2, 16>, scalar_prefetch = 0 : i64, scratch_operands = 10 : i64, tpu.core_type = #tpu.core_type<sc_vector_subcore>, window_params = [{transform_indices = #map}, {transform_indices = #map}, {transform_indices = #map}, {transform_indices = #map}, {transform_indices = #map1}]} {
    %mul3A = arith.constant 2 : i32
    %mul3A_0 = arith.muli %arg1, %mul3A : i32
    %add3A = arith.addi %mul3A_0, %arg0 : i32
    %broadcast_in_dim3A = arith.constant 0.000000e+00 : f32
    %broadcast_in_dim3A_1 = vector.broadcast %broadcast_in_dim3A : f32 to vector<16xf32>
    %scan3A = arith.constant 0 : i32
    %scan3A_2 = arith.constant 80 : i32
    %scan3A_3 = arith.addi %scan3A, %scan3A_2 : i32
    %scan3A_4 = arith.constant 1 : i32
    scf.for %scan3A_112 = %scan3A to %scan3A_3 step %scan3A_4  : i32 {
      %swap3A = arith.index_cast %scan3A_112 : i32 to index
      %swap3A_113 = arith.constant 0 : index
      %swap3A_114 = tpu.vector_load %arg10[%swap3A, %swap3A_113] {strides = array<i32>} : memref<80x128xf32, #tpu.memory_space<vmem>>, vector<16xf32>,
      tpu.vector_store %arg10[%swap3A, %swap3A_113], %broadcast_in_dim3A_1 {strides = array<i32>} : memref<80x128xf32, #tpu.memory_space<vmem>>, vector<16xf32>,
      %swap3A_115 = arith.index_cast %scan3A_112 : i32 to index
      %swap3A_116 = arith.constant 16 : index
      %swap3A_117 = tpu.vector_load %arg10[%swap3A_115, %swap3A_116] {strides = array<i32>} : memref<80x128xf32, #tpu.memory_space<vmem>>, vector<16xf32>,
      tpu.vector_store %arg10[%swap3A_115, %swap3A_116], %broadcast_in_dim3A_1 {strides = array<i32>} : memref<80x128xf32, #tpu.memory_space<vmem>>, vector<16xf32>,
      %swap3A_118 = arith.index_cast %scan3A_112 : i32 to index
      %swap3A_119 = arith.constant 32 : index
      %swap3A_120 = tpu.vector_load %arg10[%swap3A_118, %swap3A_119] {strides = array<i32>} : memref<80x128xf32, #tpu.memory_space<vmem>>, vector<16xf32>,
      tpu.vector_store %arg10[%swap3A_118, %swap3A_119], %broadcast_in_dim3A_1 {strides = array<i32>} : memref<80x128xf32, #tpu.memory_space<vmem>>, vector<16xf32>,
      %swap3A_121 = arith.index_cast %scan3A_112 : i32 to index
      %swap3A_122 = arith.constant 48 : index
      %swap3A_123 = tpu.vector_load %arg10[%swap3A_121, %swap3A_122] {strides = array<i32>} : memref<80x128xf32, #tpu.memory_space<vmem>>, vector<16xf32>,
      tpu.vector_store %arg10[%swap3A_121, %swap3A_122], %broadcast_in_dim3A_1 {strides = array<i32>} : memref<80x128xf32, #tpu.memory_space<vmem>>, vector<16xf32>,
      %swap3A_124 = arith.index_cast %scan3A_112 : i32 to index
      %swap3A_125 = arith.constant 64 : index
      %swap3A_126 = tpu.vector_load %arg10[%swap3A_124, %swap3A_125] {strides = array<i32>} : memref<80x128xf32, #tpu.memory_space<vmem>>, vector<16xf32>,
      tpu.vector_store %arg10[%swap3A_124, %swap3A_125], %broadcast_in_dim3A_1 {strides = array<i32>} : memref<80x128xf32, #tpu.memory_space<vmem>>, vector<16xf32>,
      %swap3A_127 = arith.index_cast %scan3A_112 : i32 to index
      %swap3A_128 = arith.constant 80 : index
      %swap3A_129 = tpu.vector_load %arg10[%swap3A_127, %swap3A_128] {strides = array<i32>} : memref<80x128xf32, #tpu.memory_space<vmem>>, vector<16xf32>,
      tpu.vector_store %arg10[%swap3A_127, %swap3A_128], %broadcast_in_dim3A_1 {strides = array<i32>} : memref<80x128xf32, #tpu.memory_space<vmem>>, vector<16xf32>,
      %swap3A_130 = arith.index_cast %scan3A_112 : i32 to index
      %swap3A_131 = arith.constant 96 : index
      %swap3A_132 = tpu.vector_load %arg10[%swap3A_130, %swap3A_131] {strides = array<i32>} : memref<80x128xf32, #tpu.memory_space<vmem>>, vector<16xf32>,
      tpu.vector_store %arg10[%swap3A_130, %swap3A_131], %broadcast_in_dim3A_1 {strides = array<i32>} : memref<80x128xf32, #tpu.memory_space<vmem>>, vector<16xf32>,
      %swap3A_133 = arith.index_cast %scan3A_112 : i32 to index
      %swap3A_134 = arith.constant 112 : index
      %swap3A_135 = tpu.vector_load %arg10[%swap3A_133, %swap3A_134] {strides = array<i32>} : memref<80x128xf32, #tpu.memory_space<vmem>>, vector<16xf32>,
      tpu.vector_store %arg10[%swap3A_133, %swap3A_134], %broadcast_in_dim3A_1 {strides = array<i32>} : memref<80x128xf32, #tpu.memory_space<vmem>>, vector<16xf32>,
    }
    %scan3A_5 = arith.constant 80 : i32
    %mul3A_6 = arith.constant 624 : i32
    %mul3A_7 = arith.muli %arg1, %mul3A_6 : i32
    %scan3A_8 = arith.constant 0 : i32
    %scan3A_9 = arith.constant 7 : i32
    %scan3A_10 = arith.addi %scan3A_8, %scan3A_9 : i32
    %scan3A_11 = arith.constant 1 : i32
    scf.for %scan3A_112 = %scan3A_8 to %scan3A_10 step %scan3A_11  : i32 {
      %mul3A_113 = arith.constant 80 : i32
      %mul3A_114 = arith.muli %scan3A_112, %mul3A_113 : i32
      %add3A_115 = arith.addi %mul3A_7, %mul3A_114 : i32
      "tpu.region"() ({
        %run_scoped3A = tpu.sem_alloc : memref<!tpu.dma_semaphore, #tpu.memory_space<semaphore_mem>>
        %dma_start3A_116 = arith.constant 0 : i32
        %dma_start3A_117 = tpu.memref_slice %arg12[%add3A_115, %dma_start3A_116] : memref<10000x128xf32, #tpu.memory_space<vmem_shared>> -> memref<80x128xf32, #tpu.memory_space<vmem_shared>>
        %dma_start3A_118 = arith.constant 0 : i32
        %dma_start3A_119 = tpu.memref_slice %arg12[%add3A_115, %dma_start3A_118] : memref<10000x128xf32, #tpu.memory_space<vmem_shared>> -> memref<80x128xf32, #tpu.memory_space<vmem_shared>>
        tpu.enqueue_dma source(%arg10 : memref<80x128xf32, #tpu.memory_space<vmem>>) target(%dma_start3A_119 : memref<80x128xf32, #tpu.memory_space<vmem_shared>>) target_semaphore(%run_scoped3A : memref<!tpu.dma_semaphore, #tpu.memory_space<semaphore_mem>>)
        %dma_wait3A_120 = arith.constant 0 : i32
        %dma_wait3A_121 = tpu.memref_slice %arg12[%add3A_115, %dma_wait3A_120] : memref<10000x128xf32, #tpu.memory_space<vmem_shared>> -> memref<80x128xf32, #tpu.memory_space<vmem_shared>>
        %dma_wait3A_122 = arith.constant 0 : i32
        %dma_wait3A_123 = tpu.memref_slice %arg12[%add3A_115, %dma_wait3A_122] : memref<10000x128xf32, #tpu.memory_space<vmem_shared>> -> memref<80x128xf32, #tpu.memory_space<vmem_shared>>
        tpu.wait_dma2 semaphore(%run_scoped3A : memref<!tpu.dma_semaphore, #tpu.memory_space<semaphore_mem>>) src(%arg10 : memref<80x128xf32, #tpu.memory_space<vmem>>) dst(%dma_wait3A_123 : memref<80x128xf32, #tpu.memory_space<vmem_shared>>)
        tpu.yield
      }) : () -> ()
    }
    %scan3A_12 = arith.constant 7 : i32
    %add3A_13 = arith.constant 560 : i32
    %add3A_14 = arith.addi %mul3A_7, %add3A_13 : i32
    "tpu.region"() ({
      %run_scoped3A = tpu.sem_alloc : memref<!tpu.dma_semaphore, #tpu.memory_space<semaphore_mem>>
      %dma_start3A_112 = arith.constant 0 : i32
      %dma_start3A_113 = arith.constant 0 : i32
      %dma_start3A_114 = tpu.memref_slice %arg10[%dma_start3A_112, %dma_start3A_113] : memref<80x128xf32, #tpu.memory_space<vmem>> -> memref<64x128xf32, #tpu.memory_space<vmem>>
      %dma_start3A_115 = arith.constant 0 : i32
      %dma_start3A_116 = tpu.memref_slice %arg12[%add3A_14, %dma_start3A_115] : memref<10000x128xf32, #tpu.memory_space<vmem_shared>> -> memref<64x128xf32, #tpu.memory_space<vmem_shared>>
      %dma_start3A_117 = arith.constant 0 : i32
      %dma_start3A_118 = tpu.memref_slice %arg12[%add3A_14, %dma_start3A_117] : memref<10000x128xf32, #tpu.memory_space<vmem_shared>> -> memref<64x128xf32, #tpu.memory_space<vmem_shared>>
      %dma_start3A_119 = arith.constant 0 : i32
      %dma_start3A_120 = arith.constant 0 : i32
      %dma_start3A_121 = tpu.memref_slice %arg10[%dma_start3A_119, %dma_start3A_120] : memref<80x128xf32, #tpu.memory_space<vmem>> -> memref<64x128xf32, #tpu.memory_space<vmem>>
      tpu.enqueue_dma source(%dma_start3A_121 : memref<64x128xf32, #tpu.memory_space<vmem>>) target(%dma_start3A_118 : memref<64x128xf32, #tpu.memory_space<vmem_shared>>) target_semaphore(%run_scoped3A : memref<!tpu.dma_semaphore, #tpu.memory_space<semaphore_mem>>)
      %dma_wait3A_122 = arith.constant 0 : i32
      %dma_wait3A_123 = arith.constant 0 : i32
      %dma_wait3A_124 = tpu.memref_slice %arg10[%dma_wait3A_122, %dma_wait3A_123] : memref<80x128xf32, #tpu.memory_space<vmem>> -> memref<64x128xf32, #tpu.memory_space<vmem>>
      %dma_wait3A_125 = arith.constant 0 : i32
      %dma_wait3A_126 = tpu.memref_slice %arg12[%add3A_14, %dma_wait3A_125] : memref<10000x128xf32, #tpu.memory_space<vmem_shared>> -> memref<64x128xf32, #tpu.memory_space<vmem_shared>>
      %dma_wait3A_127 = arith.constant 0 : i32
      %dma_wait3A_128 = tpu.memref_slice %arg12[%add3A_14, %dma_wait3A_127] : memref<10000x128xf32, #tpu.memory_space<vmem_shared>> -> memref<64x128xf32, #tpu.memory_space<vmem_shared>>
      %dma_wait3A_129 = arith.constant 0 : i32
      %dma_wait3A_130 = arith.constant 0 : i32
      %dma_wait3A_131 = tpu.memref_slice %arg10[%dma_wait3A_129, %dma_wait3A_130] : memref<80x128xf32, #tpu.memory_space<vmem>> -> memref<64x128xf32, #tpu.memory_space<vmem>>
      tpu.wait_dma2 semaphore(%run_scoped3A : memref<!tpu.dma_semaphore, #tpu.memory_space<semaphore_mem>>) src(%dma_wait3A_131 : memref<64x128xf32, #tpu.memory_space<vmem>>) dst(%dma_wait3A_128 : memref<64x128xf32, #tpu.memory_space<vmem_shared>>)
      tpu.yield
    }) : () -> ()
    %eq3A = arith.constant 15 : i32
    %eq3A_15 = arith.cmpi eq, %arg1, %eq3A : i32
    %convert_element_type3A = arith.extui %eq3A_15 : i1 to i32
    %cond3A = arith.constant 0 : i32
    %cond3A_16 = arith.cmpi ne, %convert_element_type3A, %cond3A : i32
    scf.if %cond3A_16 {
      "tpu.region"() ({
        %run_scoped3A = tpu.sem_alloc : memref<!tpu.dma_semaphore, #tpu.memory_space<semaphore_mem>>
        %dma_start3A_112 = arith.constant 0 : i32
        %dma_start3A_113 = arith.constant 0 : i32
        %dma_start3A_114 = tpu.memref_slice %arg10[%dma_start3A_112, %dma_start3A_113] : memref<80x128xf32, #tpu.memory_space<vmem>> -> memref<16x128xf32, #tpu.memory_space<vmem>>
        %dma_start3A_115 = arith.constant 9984 : i32
        %dma_start3A_116 = arith.constant 0 : i32
        %dma_start3A_117 = tpu.memref_slice %arg12[%dma_start3A_115, %dma_start3A_116] : memref<10000x128xf32, #tpu.memory_space<vmem_shared>> -> memref<16x128xf32, #tpu.memory_space<vmem_shared>>
        %dma_start3A_118 = arith.constant 9984 : i32
        %dma_start3A_119 = arith.constant 0 : i32
        %dma_start3A_120 = tpu.memref_slice %arg12[%dma_start3A_118, %dma_start3A_119] : memref<10000x128xf32, #tpu.memory_space<vmem_shared>> -> memref<16x128xf32, #tpu.memory_space<vmem_shared>>
        %dma_start3A_121 = arith.constant 0 : i32
        %dma_start3A_122 = arith.constant 0 : i32
        %dma_start3A_123 = tpu.memref_slice %arg10[%dma_start3A_121, %dma_start3A_122] : memref<80x128xf32, #tpu.memory_space<vmem>> -> memref<16x128xf32, #tpu.memory_space<vmem>>
        tpu.enqueue_dma source(%dma_start3A_123 : memref<16x128xf32, #tpu.memory_space<vmem>>) target(%dma_start3A_120 : memref<16x128xf32, #tpu.memory_space<vmem_shared>>) target_semaphore(%run_scoped3A : memref<!tpu.dma_semaphore, #tpu.memory_space<semaphore_mem>>)
        %dma_wait3A_124 = arith.constant 0 : i32
        %dma_wait3A_125 = arith.constant 0 : i32
        %dma_wait3A_126 = tpu.memref_slice %arg10[%dma_wait3A_124, %dma_wait3A_125] : memref<80x128xf32, #tpu.memory_space<vmem>> -> memref<16x128xf32, #tpu.memory_space<vmem>>
        %dma_wait3A_127 = arith.constant 9984 : i32
        %dma_wait3A_128 = arith.constant 0 : i32
        %dma_wait3A_129 = tpu.memref_slice %arg12[%dma_wait3A_127, %dma_wait3A_128] : memref<10000x128xf32, #tpu.memory_space<vmem_shared>> -> memref<16x128xf32, #tpu.memory_space<vmem_shared>>
        %dma_wait3A_130 = arith.constant 9984 : i32
        %dma_wait3A_131 = arith.constant 0 : i32
        %dma_wait3A_132 = tpu.memref_slice %arg12[%dma_wait3A_130, %dma_wait3A_131] : memref<10000x128xf32, #tpu.memory_space<vmem_shared>> -> memref<16x128xf32, #tpu.memory_space<vmem_shared>>
        %dma_wait3A_133 = arith.constant 0 : i32
        %dma_wait3A_134 = arith.constant 0 : i32
        %dma_wait3A_135 = tpu.memref_slice %arg10[%dma_wait3A_133, %dma_wait3A_134] : memref<80x128xf32, #tpu.memory_space<vmem>> -> memref<16x128xf32, #tpu.memory_space<vmem>>
        tpu.wait_dma2 semaphore(%run_scoped3A : memref<!tpu.dma_semaphore, #tpu.memory_space<semaphore_mem>>) src(%dma_wait3A_135 : memref<16x128xf32, #tpu.memory_space<vmem>>) dst(%dma_wait3A_132 : memref<16x128xf32, #tpu.memory_space<vmem_shared>>)
        tpu.yield
      }) : () -> ()
    } else {
    }
    %barrier3A = arith.constant 0 : index
    tpu.barrier barrier_id(%barrier3A)
    "tpu.region"() ({
      %run_scoped3A = tpu.sem_alloc : memref<!tpu.dma_semaphore, #tpu.memory_space<semaphore_mem>>
      %dma_start3A_112 = arith.constant 0 : i32
      %dma_start3A_113 = tpu.memref_slice %arg3[%add3A, %dma_start3A_112] : memref<32x10000xi32, #tpu.memory_space<hbm>> -> memref<1x10000xi32, #tpu.memory_space<hbm>>
      %dma_start3A_114 = tpu.memref_squeeze %dma_start3A_113 : memref<1x10000xi32, #tpu.memory_space<hbm>> -> memref<10000xi32, #tpu.memory_space<hbm>>
      %dma_start3A_115 = arith.constant 0 : i32
      %dma_start3A_116 = tpu.memref_slice %arg3[%add3A, %dma_start3A_115] : memref<32x10000xi32, #tpu.memory_space<hbm>> -> memref<1x10000xi32, #tpu.memory_space<hbm>>
      %dma_start3A_117 = tpu.memref_squeeze %dma_start3A_116 : memref<1x10000xi32, #tpu.memory_space<hbm>> -> memref<10000xi32, #tpu.memory_space<hbm>>
      tpu.enqueue_dma source(%dma_start3A_117 : memref<10000xi32, #tpu.memory_space<hbm>>) target(%arg7 : memref<10000xi32, #tpu.memory_space<vmem>>) target_semaphore(%run_scoped3A : memref<!tpu.dma_semaphore, #tpu.memory_space<semaphore_mem>>)
      %dma_wait3A_118 = arith.constant 0 : i32
      %dma_wait3A_119 = tpu.memref_slice %arg3[%add3A, %dma_wait3A_118] : memref<32x10000xi32, #tpu.memory_space<hbm>> -> memref<1x10000xi32, #tpu.memory_space<hbm>>
      %dma_wait3A_120 = tpu.memref_squeeze %dma_wait3A_119 : memref<1x10000xi32, #tpu.memory_space<hbm>> -> memref<10000xi32, #tpu.memory_space<hbm>>
      %dma_wait3A_121 = arith.constant 0 : i32
      %dma_wait3A_122 = tpu.memref_slice %arg3[%add3A, %dma_wait3A_121] : memref<32x10000xi32, #tpu.memory_space<hbm>> -> memref<1x10000xi32, #tpu.memory_space<hbm>>
      %dma_wait3A_123 = tpu.memref_squeeze %dma_wait3A_122 : memref<1x10000xi32, #tpu.memory_space<hbm>> -> memref<10000xi32, #tpu.memory_space<hbm>>
      tpu.wait_dma2 semaphore(%run_scoped3A : memref<!tpu.dma_semaphore, #tpu.memory_space<semaphore_mem>>) src(%dma_wait3A_123 : memref<10000xi32, #tpu.memory_space<hbm>>) dst(%arg7 : memref<10000xi32, #tpu.memory_space<vmem>>)
      tpu.yield
    }) : () -> ()
    "tpu.region"() ({
      %run_scoped3A = tpu.sem_alloc : memref<!tpu.dma_semaphore, #tpu.memory_space<semaphore_mem>>
      %dma_start3A_112 = arith.constant 0 : i32
      %dma_start3A_113 = tpu.memref_slice %arg4[%add3A, %dma_start3A_112] : memref<32x10000xi32, #tpu.memory_space<hbm>> -> memref<1x10000xi32, #tpu.memory_space<hbm>>
      %dma_start3A_114 = tpu.memref_squeeze %dma_start3A_113 : memref<1x10000xi32, #tpu.memory_space<hbm>> -> memref<10000xi32, #tpu.memory_space<hbm>>
      %dma_start3A_115 = arith.constant 0 : i32
      %dma_start3A_116 = tpu.memref_slice %arg4[%add3A, %dma_start3A_115] : memref<32x10000xi32, #tpu.memory_space<hbm>> -> memref<1x10000xi32, #tpu.memory_space<hbm>>
      %dma_start3A_117 = tpu.memref_squeeze %dma_start3A_116 : memref<1x10000xi32, #tpu.memory_space<hbm>> -> memref<10000xi32, #tpu.memory_space<hbm>>
      tpu.enqueue_dma source(%dma_start3A_117 : memref<10000xi32, #tpu.memory_space<hbm>>) target(%arg8 : memref<10000xi32, #tpu.memory_space<vmem>>) target_semaphore(%run_scoped3A : memref<!tpu.dma_semaphore, #tpu.memory_space<semaphore_mem>>)
      %dma_wait3A_118 = arith.constant 0 : i32
      %dma_wait3A_119 = tpu.memref_slice %arg4[%add3A, %dma_wait3A_118] : memref<32x10000xi32, #tpu.memory_space<hbm>> -> memref<1x10000xi32, #tpu.memory_space<hbm>>
      %dma_wait3A_120 = tpu.memref_squeeze %dma_wait3A_119 : memref<1x10000xi32, #tpu.memory_space<hbm>> -> memref<10000xi32, #tpu.memory_space<hbm>>
      %dma_wait3A_121 = arith.constant 0 : i32
      %dma_wait3A_122 = tpu.memref_slice %arg4[%add3A, %dma_wait3A_121] : memref<32x10000xi32, #tpu.memory_space<hbm>> -> memref<1x10000xi32, #tpu.memory_space<hbm>>
      %dma_wait3A_123 = tpu.memref_squeeze %dma_wait3A_122 : memref<1x10000xi32, #tpu.memory_space<hbm>> -> memref<10000xi32, #tpu.memory_space<hbm>>
      tpu.wait_dma2 semaphore(%run_scoped3A : memref<!tpu.dma_semaphore, #tpu.memory_space<semaphore_mem>>) src(%dma_wait3A_123 : memref<10000xi32, #tpu.memory_space<hbm>>) dst(%arg8 : memref<10000xi32, #tpu.memory_space<vmem>>)
      tpu.yield
    }) : () -> ()
    "tpu.region"() ({
      %run_scoped3A = tpu.sem_alloc : memref<!tpu.dma_semaphore, #tpu.memory_space<semaphore_mem>>
      %dma_start3A_112 = arith.constant 0 : i32
      %dma_start3A_113 = tpu.memref_slice %arg5[%add3A, %dma_start3A_112] : memref<32x10000xf32, #tpu.memory_space<hbm>> -> memref<1x10000xf32, #tpu.memory_space<hbm>>
      %dma_start3A_114 = tpu.memref_squeeze %dma_start3A_113 : memref<1x10000xf32, #tpu.memory_space<hbm>> -> memref<10000xf32, #tpu.memory_space<hbm>>
      %dma_start3A_115 = arith.constant 0 : i32
      %dma_start3A_116 = tpu.memref_slice %arg5[%add3A, %dma_start3A_115] : memref<32x10000xf32, #tpu.memory_space<hbm>> -> memref<1x10000xf32, #tpu.memory_space<hbm>>
      %dma_start3A_117 = tpu.memref_squeeze %dma_start3A_116 : memref<1x10000xf32, #tpu.memory_space<hbm>> -> memref<10000xf32, #tpu.memory_space<hbm>>
      tpu.enqueue_dma source(%dma_start3A_117 : memref<10000xf32, #tpu.memory_space<hbm>>) target(%arg9 : memref<10000xf32, #tpu.memory_space<vmem>>) target_semaphore(%run_scoped3A : memref<!tpu.dma_semaphore, #tpu.memory_space<semaphore_mem>>)
      %dma_wait3A_118 = arith.constant 0 : i32
      %dma_wait3A_119 = tpu.memref_slice %arg5[%add3A, %dma_wait3A_118] : memref<32x10000xf32, #tpu.memory_space<hbm>> -> memref<1x10000xf32, #tpu.memory_space<hbm>>
      %dma_wait3A_120 = tpu.memref_squeeze %dma_wait3A_119 : memref<1x10000xf32, #tpu.memory_space<hbm>> -> memref<10000xf32, #tpu.memory_space<hbm>>
      %dma_wait3A_121 = arith.constant 0 : i32
      %dma_wait3A_122 = tpu.memref_slice %arg5[%add3A, %dma_wait3A_121] : memref<32x10000xf32, #tpu.memory_space<hbm>> -> memref<1x10000xf32, #tpu.memory_space<hbm>>
      %dma_wait3A_123 = tpu.memref_squeeze %dma_wait3A_122 : memref<1x10000xf32, #tpu.memory_space<hbm>> -> memref<10000xf32, #tpu.memory_space<hbm>>
      tpu.wait_dma2 semaphore(%run_scoped3A : memref<!tpu.dma_semaphore, #tpu.memory_space<semaphore_mem>>) src(%dma_wait3A_123 : memref<10000xf32, #tpu.memory_space<hbm>>) dst(%arg9 : memref<10000xf32, #tpu.memory_space<vmem>>)
      tpu.yield
    }) : () -> ()
    %dma_start3A = arith.constant 0 : i32
    %dma_start3A_17 = tpu.memref_slice %arg7[%dma_start3A] : memref<10000xi32, #tpu.memory_space<vmem>> -> memref<80xi32, #tpu.memory_space<vmem>>
    %dma_start3A_18 = arith.constant 0 : i32
    %dma_start3A_19 = arith.constant 0 : i32
    %dma_start3A_20 = tpu.memref_slice %arg2[%dma_start3A_18, %dma_start3A_19] : memref<10000x128xf32, #tpu.memory_space<hbm>> -> memref<10000x128xf32, #tpu.memory_space<hbm>>
    tpu.enqueue_indirect_dma source(%dma_start3A_20 : memref<10000x128xf32, #tpu.memory_space<hbm>>) target(%arg10 : memref<80x128xf32, #tpu.memory_space<vmem>>) offsets(%dma_start3A_17 : memref<80xi32, #tpu.memory_space<vmem>>) semaphore(%arg13 : memref<!tpu.dma_semaphore, #tpu.memory_space<semaphore_mem>>)
    %dma_start3A_21 = arith.constant 80 : i32
    %dma_start3A_22 = tpu.memref_slice %arg7[%dma_start3A_21] : memref<10000xi32, #tpu.memory_space<vmem>> -> memref<80xi32, #tpu.memory_space<vmem>>
    %dma_start3A_23 = arith.constant 0 : i32
    %dma_start3A_24 = arith.constant 0 : i32
    %dma_start3A_25 = tpu.memref_slice %arg2[%dma_start3A_23, %dma_start3A_24] : memref<10000x128xf32, #tpu.memory_space<hbm>> -> memref<10000x128xf32, #tpu.memory_space<hbm>>
    tpu.enqueue_indirect_dma source(%dma_start3A_25 : memref<10000x128xf32, #tpu.memory_space<hbm>>) target(%arg11 : memref<80x128xf32, #tpu.memory_space<vmem>>) offsets(%dma_start3A_22 : memref<80xi32, #tpu.memory_space<vmem>>) semaphore(%arg14 : memref<!tpu.dma_semaphore, #tpu.memory_space<semaphore_mem>>)
    %scan3A_26 = arith.constant 0 : i32
    %scan3A_27 = arith.constant 62 : i32
    %scan3A_28 = arith.addi %scan3A_26, %scan3A_27 : i32
    %scan3A_29 = arith.constant 1 : i32
    scf.for %scan3A_112 = %scan3A_26 to %scan3A_28 step %scan3A_29  : i32 {
      %mul3A_113 = arith.constant 2 : i32
      %mul3A_114 = arith.muli %scan3A_112, %mul3A_113 : i32
      %mul3A_115 = arith.constant 80 : i32
      %mul3A_116 = arith.muli %mul3A_114, %mul3A_115 : i32
      %dma_wait3A_117 = tpu.memref_slice %arg7[%mul3A_116] : memref<10000xi32, #tpu.memory_space<vmem>> -> memref<80xi32, #tpu.memory_space<vmem>>
      %dma_wait3A_118 = arith.constant 0 : i32
      %dma_wait3A_119 = arith.constant 0 : i32
      %dma_wait3A_120 = tpu.memref_slice %arg2[%dma_wait3A_118, %dma_wait3A_119] : memref<10000x128xf32, #tpu.memory_space<hbm>> -> memref<10000x128xf32, #tpu.memory_space<hbm>>
      tpu.wait_indirect_dma semaphore(%arg13 : memref<!tpu.dma_semaphore, #tpu.memory_space<semaphore_mem>>) src(%dma_wait3A_120 : memref<10000x128xf32, #tpu.memory_space<hbm>>) dst(%arg10 : memref<80x128xf32, #tpu.memory_space<vmem>>)
      %parallel_loop3A_121 = arith.constant 0 : i32
      %parallel_loop3A_122 = arith.constant 80 : i32
      %parallel_loop3A_123 = arith.constant 1 : i32
      scf.for %parallel_loop3A_328 = %parallel_loop3A_121 to %parallel_loop3A_122 step %parallel_loop3A_123  : i32 {
        %parallel_loop3A_329 = arith.constant 80 : i32
        %parallel_loop3A_330 = arith.muli %mul3A_114, %parallel_loop3A_329 : i32
        %parallel_loop3A_331 = arith.addi %parallel_loop3A_330, %parallel_loop3A_328 : i32
        %parallel_loop3A_332 = vector.broadcast %parallel_loop3A_331 : i32 to vector<16xi32>
        %parallel_loop3A_333 = tpu.vector_load_idx %arg9[%parallel_loop3A_332] : memref<10000xf32, #tpu.memory_space<vmem>>[vector<16xi32>], vector<16xf32>,
        %parallel_loop3A_334 = arith.index_cast %parallel_loop3A_328 : i32 to index
        %parallel_loop3A_335 = arith.constant 0 : index
        %parallel_loop3A_336 = tpu.vector_load %arg10[%parallel_loop3A_334, %parallel_loop3A_335] {strides = array<i32>} : memref<80x128xf32, #tpu.memory_space<vmem>>, vector<16xf32>,
        %parallel_loop3A_337 = arith.mulf %parallel_loop3A_336, %parallel_loop3A_333 : vector<16xf32>
        %parallel_loop3A_338 = arith.index_cast %parallel_loop3A_328 : i32 to index
        %parallel_loop3A_339 = arith.constant 0 : index
        %parallel_loop3A_340 = tpu.vector_load %arg10[%parallel_loop3A_338, %parallel_loop3A_339] {strides = array<i32>} : memref<80x128xf32, #tpu.memory_space<vmem>>, vector<16xf32>,
        tpu.vector_store %arg10[%parallel_loop3A_338, %parallel_loop3A_339], %parallel_loop3A_337 {strides = array<i32>} : memref<80x128xf32, #tpu.memory_space<vmem>>, vector<16xf32>,
        %parallel_loop3A_341 = arith.index_cast %parallel_loop3A_328 : i32 to index
        %parallel_loop3A_342 = arith.constant 16 : index
        %parallel_loop3A_343 = tpu.vector_load %arg10[%parallel_loop3A_341, %parallel_loop3A_342] {strides = array<i32>} : memref<80x128xf32, #tpu.memory_space<vmem>>, vector<16xf32>,
        %parallel_loop3A_344 = arith.mulf %parallel_loop3A_343, %parallel_loop3A_333 : vector<16xf32>
        %parallel_loop3A_345 = arith.index_cast %parallel_loop3A_328 : i32 to index
        %parallel_loop3A_346 = arith.constant 16 : index
        %parallel_loop3A_347 = tpu.vector_load %arg10[%parallel_loop3A_345, %parallel_loop3A_346] {strides = array<i32>} : memref<80x128xf32, #tpu.memory_space<vmem>>, vector<16xf32>,
        tpu.vector_store %arg10[%parallel_loop3A_345, %parallel_loop3A_346], %parallel_loop3A_344 {strides = array<i32>} : memref<80x128xf32, #tpu.memory_space<vmem>>, vector<16xf32>,
        %parallel_loop3A_348 = arith.index_cast %parallel_loop3A_328 : i32 to index
        %parallel_loop3A_349 = arith.constant 32 : index
        %parallel_loop3A_350 = tpu.vector_load %arg10[%parallel_loop3A_348, %parallel_loop3A_349] {strides = array<i32>} : memref<80x128xf32, #tpu.memory_space<vmem>>, vector<16xf32>,
        %parallel_loop3A_351 = arith.mulf %parallel_loop3A_350, %parallel_loop3A_333 : vector<16xf32>
        %parallel_loop3A_352 = arith.index_cast %parallel_loop3A_328 : i32 to index
        %parallel_loop3A_353 = arith.constant 32 : index
        %parallel_loop3A_354 = tpu.vector_load %arg10[%parallel_loop3A_352, %parallel_loop3A_353] {strides = array<i32>} : memref<80x128xf32, #tpu.memory_space<vmem>>, vector<16xf32>,
        tpu.vector_store %arg10[%parallel_loop3A_352, %parallel_loop3A_353], %parallel_loop3A_351 {strides = array<i32>} : memref<80x128xf32, #tpu.memory_space<vmem>>, vector<16xf32>,
        %parallel_loop3A_355 = arith.index_cast %parallel_loop3A_328 : i32 to index
        %parallel_loop3A_356 = arith.constant 48 : index
        %parallel_loop3A_357 = tpu.vector_load %arg10[%parallel_loop3A_355, %parallel_loop3A_356] {strides = array<i32>} : memref<80x128xf32, #tpu.memory_space<vmem>>, vector<16xf32>,
        %parallel_loop3A_358 = arith.mulf %parallel_loop3A_357, %parallel_loop3A_333 : vector<16xf32>
        %parallel_loop3A_359 = arith.index_cast %parallel_loop3A_328 : i32 to index
        %parallel_loop3A_360 = arith.constant 48 : index
        %parallel_loop3A_361 = tpu.vector_load %arg10[%parallel_loop3A_359, %parallel_loop3A_360] {strides = array<i32>} : memref<80x128xf32, #tpu.memory_space<vmem>>, vector<16xf32>,
        tpu.vector_store %arg10[%parallel_loop3A_359, %parallel_loop3A_360], %parallel_loop3A_358 {strides = array<i32>} : memref<80x128xf32, #tpu.memory_space<vmem>>, vector<16xf32>,
        %parallel_loop3A_362 = arith.index_cast %parallel_loop3A_328 : i32 to index
        %parallel_loop3A_363 = arith.constant 64 : index
        %parallel_loop3A_364 = tpu.vector_load %arg10[%parallel_loop3A_362, %parallel_loop3A_363] {strides = array<i32>} : memref<80x128xf32, #tpu.memory_space<vmem>>, vector<16xf32>,
        %parallel_loop3A_365 = arith.mulf %parallel_loop3A_364, %parallel_loop3A_333 : vector<16xf32>
        %parallel_loop3A_366 = arith.index_cast %parallel_loop3A_328 : i32 to index
        %parallel_loop3A_367 = arith.constant 64 : index
        %parallel_loop3A_368 = tpu.vector_load %arg10[%parallel_loop3A_366, %parallel_loop3A_367] {strides = array<i32>} : memref<80x128xf32, #tpu.memory_space<vmem>>, vector<16xf32>,
        tpu.vector_store %arg10[%parallel_loop3A_366, %parallel_loop3A_367], %parallel_loop3A_365 {strides = array<i32>} : memref<80x128xf32, #tpu.memory_space<vmem>>, vector<16xf32>,
        %parallel_loop3A_369 = arith.index_cast %parallel_loop3A_328 : i32 to index
        %parallel_loop3A_370 = arith.constant 80 : index
        %parallel_loop3A_371 = tpu.vector_load %arg10[%parallel_loop3A_369, %parallel_loop3A_370] {strides = array<i32>} : memref<80x128xf32, #tpu.memory_space<vmem>>, vector<16xf32>,
        %parallel_loop3A_372 = arith.mulf %parallel_loop3A_371, %parallel_loop3A_333 : vector<16xf32>
        %parallel_loop3A_373 = arith.index_cast %parallel_loop3A_328 : i32 to index
        %parallel_loop3A_374 = arith.constant 80 : index
        %parallel_loop3A_375 = tpu.vector_load %arg10[%parallel_loop3A_373, %parallel_loop3A_374] {strides = array<i32>} : memref<80x128xf32, #tpu.memory_space<vmem>>, vector<16xf32>,
        tpu.vector_store %arg10[%parallel_loop3A_373, %parallel_loop3A_374], %parallel_loop3A_372 {strides = array<i32>} : memref<80x128xf32, #tpu.memory_space<vmem>>, vector<16xf32>,
        %parallel_loop3A_376 = arith.index_cast %parallel_loop3A_328 : i32 to index
        %parallel_loop3A_377 = arith.constant 96 : index
        %parallel_loop3A_378 = tpu.vector_load %arg10[%parallel_loop3A_376, %parallel_loop3A_377] {strides = array<i32>} : memref<80x128xf32, #tpu.memory_space<vmem>>, vector<16xf32>,
        %parallel_loop3A_379 = arith.mulf %parallel_loop3A_378, %parallel_loop3A_333 : vector<16xf32>
        %parallel_loop3A_380 = arith.index_cast %parallel_loop3A_328 : i32 to index
        %parallel_loop3A_381 = arith.constant 96 : index
        %parallel_loop3A_382 = tpu.vector_load %arg10[%parallel_loop3A_380, %parallel_loop3A_381] {strides = array<i32>} : memref<80x128xf32, #tpu.memory_space<vmem>>, vector<16xf32>,
        tpu.vector_store %arg10[%parallel_loop3A_380, %parallel_loop3A_381], %parallel_loop3A_379 {strides = array<i32>} : memref<80x128xf32, #tpu.memory_space<vmem>>, vector<16xf32>,
        %parallel_loop3A_383 = arith.index_cast %parallel_loop3A_328 : i32 to index
        %parallel_loop3A_384 = arith.constant 112 : index
        %parallel_loop3A_385 = tpu.vector_load %arg10[%parallel_loop3A_383, %parallel_loop3A_384] {strides = array<i32>} : memref<80x128xf32, #tpu.memory_space<vmem>>, vector<16xf32>,
        %parallel_loop3A_386 = arith.mulf %parallel_loop3A_385, %parallel_loop3A_333 : vector<16xf32>
        %parallel_loop3A_387 = arith.index_cast %parallel_loop3A_328 : i32 to index
        %parallel_loop3A_388 = arith.constant 112 : index
        %parallel_loop3A_389 = tpu.vector_load %arg10[%parallel_loop3A_387, %parallel_loop3A_388] {strides = array<i32>} : memref<80x128xf32, #tpu.memory_space<vmem>>, vector<16xf32>,
        tpu.vector_store %arg10[%parallel_loop3A_387, %parallel_loop3A_388], %parallel_loop3A_386 {strides = array<i32>} : memref<80x128xf32, #tpu.memory_space<vmem>>, vector<16xf32>,
      } {sc.loop_unroll_factor = 4 : i64, sc.parallel_access}
      %mul3A_124 = arith.constant 80 : i32
      %mul3A_125 = arith.muli %mul3A_114, %mul3A_124 : i32
      %add3A_126 = arith.constant 0 : i32
      %add3A_127 = arith.addi %mul3A_125, %add3A_126 : i32
      %get3A_128 = arith.index_cast %add3A_127 : i32 to index
      %get3A_129 = tpu.vector_load %arg8[%get3A_128] {strides = array<i32>} : memref<10000xi32, #tpu.memory_space<vmem>>, vector<16xi32>,
      %dma_start3A_130 = arith.constant 0 : i32
      %dma_start3A_131 = arith.constant 0 : i32
      %dma_start3A_132 = tpu.memref_slice %arg10[%dma_start3A_130, %dma_start3A_131] : memref<80x128xf32, #tpu.memory_space<vmem>> -> memref<16x128xf32, #tpu.memory_space<vmem>>
      %dma_start3A_133 = arith.constant 0 : i32
      %dma_start3A_134 = arith.constant 0 : i32
      %dma_start3A_135 = tpu.memref_slice %arg12[%dma_start3A_133, %dma_start3A_134] : memref<10000x128xf32, #tpu.memory_space<vmem_shared>> -> memref<10000x128xf32, #tpu.memory_space<vmem_shared>>
      tpu.enqueue_indirect_dma source(%dma_start3A_132 : memref<16x128xf32, #tpu.memory_space<vmem>>) target(%dma_start3A_135 : memref<10000x128xf32, #tpu.memory_space<vmem_shared>>) offsets(%get3A_129 : vector<16xi32>) semaphore(%arg15 : memref<!tpu.dma_semaphore, #tpu.memory_space<semaphore_mem>>) {add = true}
      %mul3A_136 = arith.constant 80 : i32
      %mul3A_137 = arith.muli %mul3A_114, %mul3A_136 : i32
      %add3A_138 = arith.constant 16 : i32
      %add3A_139 = arith.addi %mul3A_137, %add3A_138 : i32
      %get3A_140 = arith.index_cast %add3A_139 : i32 to index
      %get3A_141 = tpu.vector_load %arg8[%get3A_140] {strides = array<i32>} : memref<10000xi32, #tpu.memory_space<vmem>>, vector<16xi32>,
      %dma_start3A_142 = arith.constant 16 : i32
      %dma_start3A_143 = arith.constant 0 : i32
      %dma_start3A_144 = tpu.memref_slice %arg10[%dma_start3A_142, %dma_start3A_143] : memref<80x128xf32, #tpu.memory_space<vmem>> -> memref<16x128xf32, #tpu.memory_space<vmem>>
      %dma_start3A_145 = arith.constant 0 : i32
      %dma_start3A_146 = arith.constant 0 : i32
      %dma_start3A_147 = tpu.memref_slice %arg12[%dma_start3A_145, %dma_start3A_146] : memref<10000x128xf32, #tpu.memory_space<vmem_shared>> -> memref<10000x128xf32, #tpu.memory_space<vmem_shared>>
      tpu.enqueue_indirect_dma source(%dma_start3A_144 : memref<16x128xf32, #tpu.memory_space<vmem>>) target(%dma_start3A_147 : memref<10000x128xf32, #tpu.memory_space<vmem_shared>>) offsets(%get3A_141 : vector<16xi32>) semaphore(%arg15 : memref<!tpu.dma_semaphore, #tpu.memory_space<semaphore_mem>>) {add = true}
      %mul3A_148 = arith.constant 80 : i32
      %mul3A_149 = arith.muli %mul3A_114, %mul3A_148 : i32
      %add3A_150 = arith.constant 32 : i32
      %add3A_151 = arith.addi %mul3A_149, %add3A_150 : i32
      %get3A_152 = arith.index_cast %add3A_151 : i32 to index
      %get3A_153 = tpu.vector_load %arg8[%get3A_152] {strides = array<i32>} : memref<10000xi32, #tpu.memory_space<vmem>>, vector<16xi32>,
      %dma_start3A_154 = arith.constant 32 : i32
      %dma_start3A_155 = arith.constant 0 : i32
      %dma_start3A_156 = tpu.memref_slice %arg10[%dma_start3A_154, %dma_start3A_155] : memref<80x128xf32, #tpu.memory_space<vmem>> -> memref<16x128xf32, #tpu.memory_space<vmem>>
      %dma_start3A_157 = arith.constant 0 : i32
      %dma_start3A_158 = arith.constant 0 : i32
      %dma_start3A_159 = tpu.memref_slice %arg12[%dma_start3A_157, %dma_start3A_158] : memref<10000x128xf32, #tpu.memory_space<vmem_shared>> -> memref<10000x128xf32, #tpu.memory_space<vmem_shared>>
      tpu.enqueue_indirect_dma source(%dma_start3A_156 : memref<16x128xf32, #tpu.memory_space<vmem>>) target(%dma_start3A_159 : memref<10000x128xf32, #tpu.memory_space<vmem_shared>>) offsets(%get3A_153 : vector<16xi32>) semaphore(%arg15 : memref<!tpu.dma_semaphore, #tpu.memory_space<semaphore_mem>>) {add = true}
      %mul3A_160 = arith.constant 80 : i32
      %mul3A_161 = arith.muli %mul3A_114, %mul3A_160 : i32
      %add3A_162 = arith.constant 48 : i32
      %add3A_163 = arith.addi %mul3A_161, %add3A_162 : i32
      %get3A_164 = arith.index_cast %add3A_163 : i32 to index
      %get3A_165 = tpu.vector_load %arg8[%get3A_164] {strides = array<i32>} : memref<10000xi32, #tpu.memory_space<vmem>>, vector<16xi32>,
      %dma_start3A_166 = arith.constant 48 : i32
      %dma_start3A_167 = arith.constant 0 : i32
      %dma_start3A_168 = tpu.memref_slice %arg10[%dma_start3A_166, %dma_start3A_167] : memref<80x128xf32, #tpu.memory_space<vmem>> -> memref<16x128xf32, #tpu.memory_space<vmem>>
      %dma_start3A_169 = arith.constant 0 : i32
      %dma_start3A_170 = arith.constant 0 : i32
      %dma_start3A_171 = tpu.memref_slice %arg12[%dma_start3A_169, %dma_start3A_170] : memref<10000x128xf32, #tpu.memory_space<vmem_shared>> -> memref<10000x128xf32, #tpu.memory_space<vmem_shared>>
      tpu.enqueue_indirect_dma source(%dma_start3A_168 : memref<16x128xf32, #tpu.memory_space<vmem>>) target(%dma_start3A_171 : memref<10000x128xf32, #tpu.memory_space<vmem_shared>>) offsets(%get3A_165 : vector<16xi32>) semaphore(%arg15 : memref<!tpu.dma_semaphore, #tpu.memory_space<semaphore_mem>>) {add = true}
      %mul3A_172 = arith.constant 80 : i32
      %mul3A_173 = arith.muli %mul3A_114, %mul3A_172 : i32
      %add3A_174 = arith.constant 64 : i32
      %add3A_175 = arith.addi %mul3A_173, %add3A_174 : i32
      %get3A_176 = arith.index_cast %add3A_175 : i32 to index
      %get3A_177 = tpu.vector_load %arg8[%get3A_176] {strides = array<i32>} : memref<10000xi32, #tpu.memory_space<vmem>>, vector<16xi32>,
      %dma_start3A_178 = arith.constant 64 : i32
      %dma_start3A_179 = arith.constant 0 : i32
      %dma_start3A_180 = tpu.memref_slice %arg10[%dma_start3A_178, %dma_start3A_179] : memref<80x128xf32, #tpu.memory_space<vmem>> -> memref<16x128xf32, #tpu.memory_space<vmem>>
      %dma_start3A_181 = arith.constant 0 : i32
      %dma_start3A_182 = arith.constant 0 : i32
      %dma_start3A_183 = tpu.memref_slice %arg12[%dma_start3A_181, %dma_start3A_182] : memref<10000x128xf32, #tpu.memory_space<vmem_shared>> -> memref<10000x128xf32, #tpu.memory_space<vmem_shared>>
      tpu.enqueue_indirect_dma source(%dma_start3A_180 : memref<16x128xf32, #tpu.memory_space<vmem>>) target(%dma_start3A_183 : memref<10000x128xf32, #tpu.memory_space<vmem_shared>>) offsets(%get3A_177 : vector<16xi32>) semaphore(%arg15 : memref<!tpu.dma_semaphore, #tpu.memory_space<semaphore_mem>>) {add = true}
      %dma_wait3A_184 = arith.constant 0 : i32
      %dma_wait3A_185 = arith.constant 0 : i32
      %dma_wait3A_186 = tpu.memref_slice %arg10[%dma_wait3A_184, %dma_wait3A_185] : memref<80x128xf32, #tpu.memory_space<vmem>> -> memref<16x128xf32, #tpu.memory_space<vmem>>
      %dma_wait3A_187 = arith.constant 0 : i32
      %dma_wait3A_188 = arith.constant 0 : i32
      %dma_wait3A_189 = tpu.memref_slice %arg12[%dma_wait3A_187, %dma_wait3A_188] : memref<10000x128xf32, #tpu.memory_space<vmem_shared>> -> memref<10000x128xf32, #tpu.memory_space<vmem_shared>>
      tpu.wait_indirect_dma semaphore(%arg15 : memref<!tpu.dma_semaphore, #tpu.memory_space<semaphore_mem>>) src(%dma_wait3A_186 : memref<16x128xf32, #tpu.memory_space<vmem>>) dst(%dma_wait3A_189 : memref<10000x128xf32, #tpu.memory_space<vmem_shared>>)
      %dma_wait3A_190 = arith.constant 16 : i32
      %dma_wait3A_191 = arith.constant 0 : i32
      %dma_wait3A_192 = tpu.memref_slice %arg10[%dma_wait3A_190, %dma_wait3A_191] : memref<80x128xf32, #tpu.memory_space<vmem>> -> memref<16x128xf32, #tpu.memory_space<vmem>>
      %dma_wait3A_193 = arith.constant 0 : i32
      %dma_wait3A_194 = arith.constant 0 : i32
      %dma_wait3A_195 = tpu.memref_slice %arg12[%dma_wait3A_193, %dma_wait3A_194] : memref<10000x128xf32, #tpu.memory_space<vmem_shared>> -> memref<10000x128xf32, #tpu.memory_space<vmem_shared>>
      tpu.wait_indirect_dma semaphore(%arg15 : memref<!tpu.dma_semaphore, #tpu.memory_space<semaphore_mem>>) src(%dma_wait3A_192 : memref<16x128xf32, #tpu.memory_space<vmem>>) dst(%dma_wait3A_195 : memref<10000x128xf32, #tpu.memory_space<vmem_shared>>)
      %dma_wait3A_196 = arith.constant 32 : i32
      %dma_wait3A_197 = arith.constant 0 : i32
      %dma_wait3A_198 = tpu.memref_slice %arg10[%dma_wait3A_196, %dma_wait3A_197] : memref<80x128xf32, #tpu.memory_space<vmem>> -> memref<16x128xf32, #tpu.memory_space<vmem>>
      %dma_wait3A_199 = arith.constant 0 : i32
      %dma_wait3A_200 = arith.constant 0 : i32
      %dma_wait3A_201 = tpu.memref_slice %arg12[%dma_wait3A_199, %dma_wait3A_200] : memref<10000x128xf32, #tpu.memory_space<vmem_shared>> -> memref<10000x128xf32, #tpu.memory_space<vmem_shared>>
      tpu.wait_indirect_dma semaphore(%arg15 : memref<!tpu.dma_semaphore, #tpu.memory_space<semaphore_mem>>) src(%dma_wait3A_198 : memref<16x128xf32, #tpu.memory_space<vmem>>) dst(%dma_wait3A_201 : memref<10000x128xf32, #tpu.memory_space<vmem_shared>>)
      %dma_wait3A_202 = arith.constant 48 : i32
      %dma_wait3A_203 = arith.constant 0 : i32
      %dma_wait3A_204 = tpu.memref_slice %arg10[%dma_wait3A_202, %dma_wait3A_203] : memref<80x128xf32, #tpu.memory_space<vmem>> -> memref<16x128xf32, #tpu.memory_space<vmem>>
      %dma_wait3A_205 = arith.constant 0 : i32
      %dma_wait3A_206 = arith.constant 0 : i32
      %dma_wait3A_207 = tpu.memref_slice %arg12[%dma_wait3A_205, %dma_wait3A_206] : memref<10000x128xf32, #tpu.memory_space<vmem_shared>> -> memref<10000x128xf32, #tpu.memory_space<vmem_shared>>
      tpu.wait_indirect_dma semaphore(%arg15 : memref<!tpu.dma_semaphore, #tpu.memory_space<semaphore_mem>>) src(%dma_wait3A_204 : memref<16x128xf32, #tpu.memory_space<vmem>>) dst(%dma_wait3A_207 : memref<10000x128xf32, #tpu.memory_space<vmem_shared>>)
      %dma_wait3A_208 = arith.constant 64 : i32
      %dma_wait3A_209 = arith.constant 0 : i32
      %dma_wait3A_210 = tpu.memref_slice %arg10[%dma_wait3A_208, %dma_wait3A_209] : memref<80x128xf32, #tpu.memory_space<vmem>> -> memref<16x128xf32, #tpu.memory_space<vmem>>
      %dma_wait3A_211 = arith.constant 0 : i32
      %dma_wait3A_212 = arith.constant 0 : i32
      %dma_wait3A_213 = tpu.memref_slice %arg12[%dma_wait3A_211, %dma_wait3A_212] : memref<10000x128xf32, #tpu.memory_space<vmem_shared>> -> memref<10000x128xf32, #tpu.memory_space<vmem_shared>>
      tpu.wait_indirect_dma semaphore(%arg15 : memref<!tpu.dma_semaphore, #tpu.memory_space<semaphore_mem>>) src(%dma_wait3A_210 : memref<16x128xf32, #tpu.memory_space<vmem>>) dst(%dma_wait3A_213 : memref<10000x128xf32, #tpu.memory_space<vmem_shared>>)
      %add3A_214 = arith.constant 2 : i32
      %add3A_215 = arith.addi %mul3A_114, %add3A_214 : i32
      %lt3A = arith.constant 125 : i32
      %lt3A_216 = arith.cmpi slt, %add3A_215, %lt3A : i32
      %convert_element_type3A_217 = arith.extui %lt3A_216 : i1 to i32
      %cond3A_218 = arith.constant 0 : i32
      %cond3A_219 = arith.cmpi ne, %convert_element_type3A_217, %cond3A_218 : i32
      scf.if %cond3A_219 {
        %add3A_328 = arith.constant 2 : i32
        %add3A_329 = arith.addi %mul3A_114, %add3A_328 : i32
        %mul3A_330 = arith.constant 80 : i32
        %mul3A_331 = arith.muli %add3A_329, %mul3A_330 : i32
        %dma_start3A_332 = tpu.memref_slice %arg7[%mul3A_331] : memref<10000xi32, #tpu.memory_space<vmem>> -> memref<80xi32, #tpu.memory_space<vmem>>
        %dma_start3A_333 = arith.constant 0 : i32
        %dma_start3A_334 = arith.constant 0 : i32
        %dma_start3A_335 = tpu.memref_slice %arg2[%dma_start3A_333, %dma_start3A_334] : memref<10000x128xf32, #tpu.memory_space<hbm>> -> memref<10000x128xf32, #tpu.memory_space<hbm>>
        tpu.enqueue_indirect_dma source(%dma_start3A_335 : memref<10000x128xf32, #tpu.memory_space<hbm>>) target(%arg10 : memref<80x128xf32, #tpu.memory_space<vmem>>) offsets(%dma_start3A_332 : memref<80xi32, #tpu.memory_space<vmem>>) semaphore(%arg13 : memref<!tpu.dma_semaphore, #tpu.memory_space<semaphore_mem>>)
      } else {
      }
      %add3A_220 = arith.constant 1 : i32
      %add3A_221 = arith.addi %mul3A_114, %add3A_220 : i32
      %mul3A_222 = arith.constant 80 : i32
      %mul3A_223 = arith.muli %add3A_221, %mul3A_222 : i32
      %dma_wait3A_224 = tpu.memref_slice %arg7[%mul3A_223] : memref<10000xi32, #tpu.memory_space<vmem>> -> memref<80xi32, #tpu.memory_space<vmem>>
      %dma_wait3A_225 = arith.constant 0 : i32
      %dma_wait3A_226 = arith.constant 0 : i32
      %dma_wait3A_227 = tpu.memref_slice %arg2[%dma_wait3A_225, %dma_wait3A_226] : memref<10000x128xf32, #tpu.memory_space<hbm>> -> memref<10000x128xf32, #tpu.memory_space<hbm>>
      tpu.wait_indirect_dma semaphore(%arg14 : memref<!tpu.dma_semaphore, #tpu.memory_space<semaphore_mem>>) src(%dma_wait3A_227 : memref<10000x128xf32, #tpu.memory_space<hbm>>) dst(%arg11 : memref<80x128xf32, #tpu.memory_space<vmem>>)
      %parallel_loop3A_228 = arith.constant 0 : i32
      %parallel_loop3A_229 = arith.constant 80 : i32
      %parallel_loop3A_230 = arith.constant 1 : i32
      scf.for %parallel_loop3A_328 = %parallel_loop3A_228 to %parallel_loop3A_229 step %parallel_loop3A_230  : i32 {
        %parallel_loop3A_329 = arith.constant 80 : i32
        %parallel_loop3A_330 = arith.muli %add3A_221, %parallel_loop3A_329 : i32
        %parallel_loop3A_331 = arith.addi %parallel_loop3A_330, %parallel_loop3A_328 : i32
        %parallel_loop3A_332 = vector.broadcast %parallel_loop3A_331 : i32 to vector<16xi32>
        %parallel_loop3A_333 = tpu.vector_load_idx %arg9[%parallel_loop3A_332] : memref<10000xf32, #tpu.memory_space<vmem>>[vector<16xi32>], vector<16xf32>,
        %parallel_loop3A_334 = arith.index_cast %parallel_loop3A_328 : i32 to index
        %parallel_loop3A_335 = arith.constant 0 : index
        %parallel_loop3A_336 = tpu.vector_load %arg11[%parallel_loop3A_334, %parallel_loop3A_335] {strides = array<i32>} : memref<80x128xf32, #tpu.memory_space<vmem>>, vector<16xf32>,
        %parallel_loop3A_337 = arith.mulf %parallel_loop3A_336, %parallel_loop3A_333 : vector<16xf32>
        %parallel_loop3A_338 = arith.index_cast %parallel_loop3A_328 : i32 to index
        %parallel_loop3A_339 = arith.constant 0 : index
        %parallel_loop3A_340 = tpu.vector_load %arg11[%parallel_loop3A_338, %parallel_loop3A_339] {strides = array<i32>} : memref<80x128xf32, #tpu.memory_space<vmem>>, vector<16xf32>,
        tpu.vector_store %arg11[%parallel_loop3A_338, %parallel_loop3A_339], %parallel_loop3A_337 {strides = array<i32>} : memref<80x128xf32, #tpu.memory_space<vmem>>, vector<16xf32>,
        %parallel_loop3A_341 = arith.index_cast %parallel_loop3A_328 : i32 to index
        %parallel_loop3A_342 = arith.constant 16 : index
        %parallel_loop3A_343 = tpu.vector_load %arg11[%parallel_loop3A_341, %parallel_loop3A_342] {strides = array<i32>} : memref<80x128xf32, #tpu.memory_space<vmem>>, vector<16xf32>,
        %parallel_loop3A_344 = arith.mulf %parallel_loop3A_343, %parallel_loop3A_333 : vector<16xf32>
        %parallel_loop3A_345 = arith.index_cast %parallel_loop3A_328 : i32 to index
        %parallel_loop3A_346 = arith.constant 16 : index
        %parallel_loop3A_347 = tpu.vector_load %arg11[%parallel_loop3A_345, %parallel_loop3A_346] {strides = array<i32>} : memref<80x128xf32, #tpu.memory_space<vmem>>, vector<16xf32>,
        tpu.vector_store %arg11[%parallel_loop3A_345, %parallel_loop3A_346], %parallel_loop3A_344 {strides = array<i32>} : memref<80x128xf32, #tpu.memory_space<vmem>>, vector<16xf32>,
        %parallel_loop3A_348 = arith.index_cast %parallel_loop3A_328 : i32 to index
        %parallel_loop3A_349 = arith.constant 32 : index
        %parallel_loop3A_350 = tpu.vector_load %arg11[%parallel_loop3A_348, %parallel_loop3A_349] {strides = array<i32>} : memref<80x128xf32, #tpu.memory_space<vmem>>, vector<16xf32>,
        %parallel_loop3A_351 = arith.mulf %parallel_loop3A_350, %parallel_loop3A_333 : vector<16xf32>
        %parallel_loop3A_352 = arith.index_cast %parallel_loop3A_328 : i32 to index
        %parallel_loop3A_353 = arith.constant 32 : index
        %parallel_loop3A_354 = tpu.vector_load %arg11[%parallel_loop3A_352, %parallel_loop3A_353] {strides = array<i32>} : memref<80x128xf32, #tpu.memory_space<vmem>>, vector<16xf32>,
        tpu.vector_store %arg11[%parallel_loop3A_352, %parallel_loop3A_353], %parallel_loop3A_351 {strides = array<i32>} : memref<80x128xf32, #tpu.memory_space<vmem>>, vector<16xf32>,
        %parallel_loop3A_355 = arith.index_cast %parallel_loop3A_328 : i32 to index
        %parallel_loop3A_356 = arith.constant 48 : index
        %parallel_loop3A_357 = tpu.vector_load %arg11[%parallel_loop3A_355, %parallel_loop3A_356] {strides = array<i32>} : memref<80x128xf32, #tpu.memory_space<vmem>>, vector<16xf32>,
        %parallel_loop3A_358 = arith.mulf %parallel_loop3A_357, %parallel_loop3A_333 : vector<16xf32>
        %parallel_loop3A_359 = arith.index_cast %parallel_loop3A_328 : i32 to index
        %parallel_loop3A_360 = arith.constant 48 : index
        %parallel_loop3A_361 = tpu.vector_load %arg11[%parallel_loop3A_359, %parallel_loop3A_360] {strides = array<i32>} : memref<80x128xf32, #tpu.memory_space<vmem>>, vector<16xf32>,
        tpu.vector_store %arg11[%parallel_loop3A_359, %parallel_loop3A_360], %parallel_loop3A_358 {strides = array<i32>} : memref<80x128xf32, #tpu.memory_space<vmem>>, vector<16xf32>,
        %parallel_loop3A_362 = arith.index_cast %parallel_loop3A_328 : i32 to index
        %parallel_loop3A_363 = arith.constant 64 : index
        %parallel_loop3A_364 = tpu.vector_load %arg11[%parallel_loop3A_362, %parallel_loop3A_363] {strides = array<i32>} : memref<80x128xf32, #tpu.memory_space<vmem>>, vector<16xf32>,
        %parallel_loop3A_365 = arith.mulf %parallel_loop3A_364, %parallel_loop3A_333 : vector<16xf32>
        %parallel_loop3A_366 = arith.index_cast %parallel_loop3A_328 : i32 to index
        %parallel_loop3A_367 = arith.constant 64 : index
        %parallel_loop3A_368 = tpu.vector_load %arg11[%parallel_loop3A_366, %parallel_loop3A_367] {strides = array<i32>} : memref<80x128xf32, #tpu.memory_space<vmem>>, vector<16xf32>,
        tpu.vector_store %arg11[%parallel_loop3A_366, %parallel_loop3A_367], %parallel_loop3A_365 {strides = array<i32>} : memref<80x128xf32, #tpu.memory_space<vmem>>, vector<16xf32>,
        %parallel_loop3A_369 = arith.index_cast %parallel_loop3A_328 : i32 to index
        %parallel_loop3A_370 = arith.constant 80 : index
        %parallel_loop3A_371 = tpu.vector_load %arg11[%parallel_loop3A_369, %parallel_loop3A_370] {strides = array<i32>} : memref<80x128xf32, #tpu.memory_space<vmem>>, vector<16xf32>,
        %parallel_loop3A_372 = arith.mulf %parallel_loop3A_371, %parallel_loop3A_333 : vector<16xf32>
        %parallel_loop3A_373 = arith.index_cast %parallel_loop3A_328 : i32 to index
        %parallel_loop3A_374 = arith.constant 80 : index
        %parallel_loop3A_375 = tpu.vector_load %arg11[%parallel_loop3A_373, %parallel_loop3A_374] {strides = array<i32>} : memref<80x128xf32, #tpu.memory_space<vmem>>, vector<16xf32>,
        tpu.vector_store %arg11[%parallel_loop3A_373, %parallel_loop3A_374], %parallel_loop3A_372 {strides = array<i32>} : memref<80x128xf32, #tpu.memory_space<vmem>>, vector<16xf32>,
        %parallel_loop3A_376 = arith.index_cast %parallel_loop3A_328 : i32 to index
        %parallel_loop3A_377 = arith.constant 96 : index
        %parallel_loop3A_378 = tpu.vector_load %arg11[%parallel_loop3A_376, %parallel_loop3A_377] {strides = array<i32>} : memref<80x128xf32, #tpu.memory_space<vmem>>, vector<16xf32>,
        %parallel_loop3A_379 = arith.mulf %parallel_loop3A_378, %parallel_loop3A_333 : vector<16xf32>
        %parallel_loop3A_380 = arith.index_cast %parallel_loop3A_328 : i32 to index
        %parallel_loop3A_381 = arith.constant 96 : index
        %parallel_loop3A_382 = tpu.vector_load %arg11[%parallel_loop3A_380, %parallel_loop3A_381] {strides = array<i32>} : memref<80x128xf32, #tpu.memory_space<vmem>>, vector<16xf32>,
        tpu.vector_store %arg11[%parallel_loop3A_380, %parallel_loop3A_381], %parallel_loop3A_379 {strides = array<i32>} : memref<80x128xf32, #tpu.memory_space<vmem>>, vector<16xf32>,
        %parallel_loop3A_383 = arith.index_cast %parallel_loop3A_328 : i32 to index
        %parallel_loop3A_384 = arith.constant 112 : index
        %parallel_loop3A_385 = tpu.vector_load %arg11[%parallel_loop3A_383, %parallel_loop3A_384] {strides = array<i32>} : memref<80x128xf32, #tpu.memory_space<vmem>>, vector<16xf32>,
        %parallel_loop3A_386 = arith.mulf %parallel_loop3A_385, %parallel_loop3A_333 : vector<16xf32>
        %parallel_loop3A_387 = arith.index_cast %parallel_loop3A_328 : i32 to index
        %parallel_loop3A_388 = arith.constant 112 : index
        %parallel_loop3A_389 = tpu.vector_load %arg11[%parallel_loop3A_387, %parallel_loop3A_388] {strides = array<i32>} : memref<80x128xf32, #tpu.memory_space<vmem>>, vector<16xf32>,
        tpu.vector_store %arg11[%parallel_loop3A_387, %parallel_loop3A_388], %parallel_loop3A_386 {strides = array<i32>} : memref<80x128xf32, #tpu.memory_space<vmem>>, vector<16xf32>,
      } {sc.loop_unroll_factor = 4 : i64, sc.parallel_access}
      %mul3A_231 = arith.constant 80 : i32
      %mul3A_232 = arith.muli %add3A_221, %mul3A_231 : i32
      %add3A_233 = arith.constant 0 : i32
      %add3A_234 = arith.addi %mul3A_232, %add3A_233 : i32
      %get3A_235 = arith.index_cast %add3A_234 : i32 to index
      %get3A_236 = tpu.vector_load %arg8[%get3A_235] {strides = array<i32>} : memref<10000xi32, #tpu.memory_space<vmem>>, vector<16xi32>,
      %dma_start3A_237 = arith.constant 0 : i32
      %dma_start3A_238 = arith.constant 0 : i32
      %dma_start3A_239 = tpu.memref_slice %arg11[%dma_start3A_237, %dma_start3A_238] : memref<80x128xf32, #tpu.memory_space<vmem>> -> memref<16x128xf32, #tpu.memory_space<vmem>>
      %dma_start3A_240 = arith.constant 0 : i32
      %dma_start3A_241 = arith.constant 0 : i32
      %dma_start3A_242 = tpu.memref_slice %arg12[%dma_start3A_240, %dma_start3A_241] : memref<10000x128xf32, #tpu.memory_space<vmem_shared>> -> memref<10000x128xf32, #tpu.memory_space<vmem_shared>>
      tpu.enqueue_indirect_dma source(%dma_start3A_239 : memref<16x128xf32, #tpu.memory_space<vmem>>) target(%dma_start3A_242 : memref<10000x128xf32, #tpu.memory_space<vmem_shared>>) offsets(%get3A_236 : vector<16xi32>) semaphore(%arg16 : memref<!tpu.dma_semaphore, #tpu.memory_space<semaphore_mem>>) {add = true}
      %mul3A_243 = arith.constant 80 : i32
      %mul3A_244 = arith.muli %add3A_221, %mul3A_243 : i32
      %add3A_245 = arith.constant 16 : i32
      %add3A_246 = arith.addi %mul3A_244, %add3A_245 : i32
      %get3A_247 = arith.index_cast %add3A_246 : i32 to index
      %get3A_248 = tpu.vector_load %arg8[%get3A_247] {strides = array<i32>} : memref<10000xi32, #tpu.memory_space<vmem>>, vector<16xi32>,
      %dma_start3A_249 = arith.constant 16 : i32
      %dma_start3A_250 = arith.constant 0 : i32
      %dma_start3A_251 = tpu.memref_slice %arg11[%dma_start3A_249, %dma_start3A_250] : memref<80x128xf32, #tpu.memory_space<vmem>> -> memref<16x128xf32, #tpu.memory_space<vmem>>
      %dma_start3A_252 = arith.constant 0 : i32
      %dma_start3A_253 = arith.constant 0 : i32
      %dma_start3A_254 = tpu.memref_slice %arg12[%dma_start3A_252, %dma_start3A_253] : memref<10000x128xf32, #tpu.memory_space<vmem_shared>> -> memref<10000x128xf32, #tpu.memory_space<vmem_shared>>
      tpu.enqueue_indirect_dma source(%dma_start3A_251 : memref<16x128xf32, #tpu.memory_space<vmem>>) target(%dma_start3A_254 : memref<10000x128xf32, #tpu.memory_space<vmem_shared>>) offsets(%get3A_248 : vector<16xi32>) semaphore(%arg16 : memref<!tpu.dma_semaphore, #tpu.memory_space<semaphore_mem>>) {add = true}
      %mul3A_255 = arith.constant 80 : i32
      %mul3A_256 = arith.muli %add3A_221, %mul3A_255 : i32
      %add3A_257 = arith.constant 32 : i32
      %add3A_258 = arith.addi %mul3A_256, %add3A_257 : i32
      %get3A_259 = arith.index_cast %add3A_258 : i32 to index
      %get3A_260 = tpu.vector_load %arg8[%get3A_259] {strides = array<i32>} : memref<10000xi32, #tpu.memory_space<vmem>>, vector<16xi32>,
      %dma_start3A_261 = arith.constant 32 : i32
      %dma_start3A_262 = arith.constant 0 : i32
      %dma_start3A_263 = tpu.memref_slice %arg11[%dma_start3A_261, %dma_start3A_262] : memref<80x128xf32, #tpu.memory_space<vmem>> -> memref<16x128xf32, #tpu.memory_space<vmem>>
      %dma_start3A_264 = arith.constant 0 : i32
      %dma_start3A_265 = arith.constant 0 : i32
      %dma_start3A_266 = tpu.memref_slice %arg12[%dma_start3A_264, %dma_start3A_265] : memref<10000x128xf32, #tpu.memory_space<vmem_shared>> -> memref<10000x128xf32, #tpu.memory_space<vmem_shared>>
      tpu.enqueue_indirect_dma source(%dma_start3A_263 : memref<16x128xf32, #tpu.memory_space<vmem>>) target(%dma_start3A_266 : memref<10000x128xf32, #tpu.memory_space<vmem_shared>>) offsets(%get3A_260 : vector<16xi32>) semaphore(%arg16 : memref<!tpu.dma_semaphore, #tpu.memory_space<semaphore_mem>>) {add = true}
      %mul3A_267 = arith.constant 80 : i32
      %mul3A_268 = arith.muli %add3A_221, %mul3A_267 : i32
      %add3A_269 = arith.constant 48 : i32
      %add3A_270 = arith.addi %mul3A_268, %add3A_269 : i32
      %get3A_271 = arith.index_cast %add3A_270 : i32 to index
      %get3A_272 = tpu.vector_load %arg8[%get3A_271] {strides = array<i32>} : memref<10000xi32, #tpu.memory_space<vmem>>, vector<16xi32>,
      %dma_start3A_273 = arith.constant 48 : i32
      %dma_start3A_274 = arith.constant 0 : i32
      %dma_start3A_275 = tpu.memref_slice %arg11[%dma_start3A_273, %dma_start3A_274] : memref<80x128xf32, #tpu.memory_space<vmem>> -> memref<16x128xf32, #tpu.memory_space<vmem>>
      %dma_start3A_276 = arith.constant 0 : i32
      %dma_start3A_277 = arith.constant 0 : i32
      %dma_start3A_278 = tpu.memref_slice %arg12[%dma_start3A_276, %dma_start3A_277] : memref<10000x128xf32, #tpu.memory_space<vmem_shared>> -> memref<10000x128xf32, #tpu.memory_space<vmem_shared>>
      tpu.enqueue_indirect_dma source(%dma_start3A_275 : memref<16x128xf32, #tpu.memory_space<vmem>>) target(%dma_start3A_278 : memref<10000x128xf32, #tpu.memory_space<vmem_shared>>) offsets(%get3A_272 : vector<16xi32>) semaphore(%arg16 : memref<!tpu.dma_semaphore, #tpu.memory_space<semaphore_mem>>) {add = true}
      %mul3A_279 = arith.constant 80 : i32
      %mul3A_280 = arith.muli %add3A_221, %mul3A_279 : i32
      %add3A_281 = arith.constant 64 : i32
      %add3A_282 = arith.addi %mul3A_280, %add3A_281 : i32
      %get3A_283 = arith.index_cast %add3A_282 : i32 to index
      %get3A_284 = tpu.vector_load %arg8[%get3A_283] {strides = array<i32>} : memref<10000xi32, #tpu.memory_space<vmem>>, vector<16xi32>,
      %dma_start3A_285 = arith.constant 64 : i32
      %dma_start3A_286 = arith.constant 0 : i32
      %dma_start3A_287 = tpu.memref_slice %arg11[%dma_start3A_285, %dma_start3A_286] : memref<80x128xf32, #tpu.memory_space<vmem>> -> memref<16x128xf32, #tpu.memory_space<vmem>>
      %dma_start3A_288 = arith.constant 0 : i32
      %dma_start3A_289 = arith.constant 0 : i32
      %dma_start3A_290 = tpu.memref_slice %arg12[%dma_start3A_288, %dma_start3A_289] : memref<10000x128xf32, #tpu.memory_space<vmem_shared>> -> memref<10000x128xf32, #tpu.memory_space<vmem_shared>>
      tpu.enqueue_indirect_dma source(%dma_start3A_287 : memref<16x128xf32, #tpu.memory_space<vmem>>) target(%dma_start3A_290 : memref<10000x128xf32, #tpu.memory_space<vmem_shared>>) offsets(%get3A_284 : vector<16xi32>) semaphore(%arg16 : memref<!tpu.dma_semaphore, #tpu.memory_space<semaphore_mem>>) {add = true}
      %dma_wait3A_291 = arith.constant 0 : i32
      %dma_wait3A_292 = arith.constant 0 : i32
      %dma_wait3A_293 = tpu.memref_slice %arg11[%dma_wait3A_291, %dma_wait3A_292] : memref<80x128xf32, #tpu.memory_space<vmem>> -> memref<16x128xf32, #tpu.memory_space<vmem>>
      %dma_wait3A_294 = arith.constant 0 : i32
      %dma_wait3A_295 = arith.constant 0 : i32
      %dma_wait3A_296 = tpu.memref_slice %arg12[%dma_wait3A_294, %dma_wait3A_295] : memref<10000x128xf32, #tpu.memory_space<vmem_shared>> -> memref<10000x128xf32, #tpu.memory_space<vmem_shared>>
      tpu.wait_indirect_dma semaphore(%arg16 : memref<!tpu.dma_semaphore, #tpu.memory_space<semaphore_mem>>) src(%dma_wait3A_293 : memref<16x128xf32, #tpu.memory_space<vmem>>) dst(%dma_wait3A_296 : memref<10000x128xf32, #tpu.memory_space<vmem_shared>>)
      %dma_wait3A_297 = arith.constant 16 : i32
      %dma_wait3A_298 = arith.constant 0 : i32
      %dma_wait3A_299 = tpu.memref_slice %arg11[%dma_wait3A_297, %dma_wait3A_298] : memref<80x128xf32, #tpu.memory_space<vmem>> -> memref<16x128xf32, #tpu.memory_space<vmem>>
      %dma_wait3A_300 = arith.constant 0 : i32
      %dma_wait3A_301 = arith.constant 0 : i32
      %dma_wait3A_302 = tpu.memref_slice %arg12[%dma_wait3A_300, %dma_wait3A_301] : memref<10000x128xf32, #tpu.memory_space<vmem_shared>> -> memref<10000x128xf32, #tpu.memory_space<vmem_shared>>
      tpu.wait_indirect_dma semaphore(%arg16 : memref<!tpu.dma_semaphore, #tpu.memory_space<semaphore_mem>>) src(%dma_wait3A_299 : memref<16x128xf32, #tpu.memory_space<vmem>>) dst(%dma_wait3A_302 : memref<10000x128xf32, #tpu.memory_space<vmem_shared>>)
      %dma_wait3A_303 = arith.constant 32 : i32
      %dma_wait3A_304 = arith.constant 0 : i32
      %dma_wait3A_305 = tpu.memref_slice %arg11[%dma_wait3A_303, %dma_wait3A_304] : memref<80x128xf32, #tpu.memory_space<vmem>> -> memref<16x128xf32, #tpu.memory_space<vmem>>
      %dma_wait3A_306 = arith.constant 0 : i32
      %dma_wait3A_307 = arith.constant 0 : i32
      %dma_wait3A_308 = tpu.memref_slice %arg12[%dma_wait3A_306, %dma_wait3A_307] : memref<10000x128xf32, #tpu.memory_space<vmem_shared>> -> memref<10000x128xf32, #tpu.memory_space<vmem_shared>>
      tpu.wait_indirect_dma semaphore(%arg16 : memref<!tpu.dma_semaphore, #tpu.memory_space<semaphore_mem>>) src(%dma_wait3A_305 : memref<16x128xf32, #tpu.memory_space<vmem>>) dst(%dma_wait3A_308 : memref<10000x128xf32, #tpu.memory_space<vmem_shared>>)
      %dma_wait3A_309 = arith.constant 48 : i32
      %dma_wait3A_310 = arith.constant 0 : i32
      %dma_wait3A_311 = tpu.memref_slice %arg11[%dma_wait3A_309, %dma_wait3A_310] : memref<80x128xf32, #tpu.memory_space<vmem>> -> memref<16x128xf32, #tpu.memory_space<vmem>>
      %dma_wait3A_312 = arith.constant 0 : i32
      %dma_wait3A_313 = arith.constant 0 : i32
      %dma_wait3A_314 = tpu.memref_slice %arg12[%dma_wait3A_312, %dma_wait3A_313] : memref<10000x128xf32, #tpu.memory_space<vmem_shared>> -> memref<10000x128xf32, #tpu.memory_space<vmem_shared>>
      tpu.wait_indirect_dma semaphore(%arg16 : memref<!tpu.dma_semaphore, #tpu.memory_space<semaphore_mem>>) src(%dma_wait3A_311 : memref<16x128xf32, #tpu.memory_space<vmem>>) dst(%dma_wait3A_314 : memref<10000x128xf32, #tpu.memory_space<vmem_shared>>)
      %dma_wait3A_315 = arith.constant 64 : i32
      %dma_wait3A_316 = arith.constant 0 : i32
      %dma_wait3A_317 = tpu.memref_slice %arg11[%dma_wait3A_315, %dma_wait3A_316] : memref<80x128xf32, #tpu.memory_space<vmem>> -> memref<16x128xf32, #tpu.memory_space<vmem>>
      %dma_wait3A_318 = arith.constant 0 : i32
      %dma_wait3A_319 = arith.constant 0 : i32
      %dma_wait3A_320 = tpu.memref_slice %arg12[%dma_wait3A_318, %dma_wait3A_319] : memref<10000x128xf32, #tpu.memory_space<vmem_shared>> -> memref<10000x128xf32, #tpu.memory_space<vmem_shared>>
      tpu.wait_indirect_dma semaphore(%arg16 : memref<!tpu.dma_semaphore, #tpu.memory_space<semaphore_mem>>) src(%dma_wait3A_317 : memref<16x128xf32, #tpu.memory_space<vmem>>) dst(%dma_wait3A_320 : memref<10000x128xf32, #tpu.memory_space<vmem_shared>>)
      %add3A_321 = arith.constant 2 : i32
      %add3A_322 = arith.addi %add3A_221, %add3A_321 : i32
      %lt3A_323 = arith.constant 125 : i32
      %lt3A_324 = arith.cmpi slt, %add3A_322, %lt3A_323 : i32
      %convert_element_type3A_325 = arith.extui %lt3A_324 : i1 to i32
      %cond3A_326 = arith.constant 0 : i32
      %cond3A_327 = arith.cmpi ne, %convert_element_type3A_325, %cond3A_326 : i32
      scf.if %cond3A_327 {
        %add3A_328 = arith.constant 2 : i32
        %add3A_329 = arith.addi %add3A_221, %add3A_328 : i32
        %mul3A_330 = arith.constant 80 : i32
        %mul3A_331 = arith.muli %add3A_329, %mul3A_330 : i32
        %dma_start3A_332 = tpu.memref_slice %arg7[%mul3A_331] : memref<10000xi32, #tpu.memory_space<vmem>> -> memref<80xi32, #tpu.memory_space<vmem>>
        %dma_start3A_333 = arith.constant 0 : i32
        %dma_start3A_334 = arith.constant 0 : i32
        %dma_start3A_335 = tpu.memref_slice %arg2[%dma_start3A_333, %dma_start3A_334] : memref<10000x128xf32, #tpu.memory_space<hbm>> -> memref<10000x128xf32, #tpu.memory_space<hbm>>
        tpu.enqueue_indirect_dma source(%dma_start3A_335 : memref<10000x128xf32, #tpu.memory_space<hbm>>) target(%arg11 : memref<80x128xf32, #tpu.memory_space<vmem>>) offsets(%dma_start3A_332 : memref<80xi32, #tpu.memory_space<vmem>>) semaphore(%arg14 : memref<!tpu.dma_semaphore, #tpu.memory_space<semaphore_mem>>)
      } else {
      }
    }
    %scan3A_30 = arith.constant 62 : i32
    %dma_wait3A = arith.constant 9920 : i32
    %dma_wait3A_31 = tpu.memref_slice %arg7[%dma_wait3A] : memref<10000xi32, #tpu.memory_space<vmem>> -> memref<80xi32, #tpu.memory_space<vmem>>
    %dma_wait3A_32 = arith.constant 0 : i32
    %dma_wait3A_33 = arith.constant 0 : i32
    %dma_wait3A_34 = tpu.memref_slice %arg2[%dma_wait3A_32, %dma_wait3A_33] : memref<10000x128xf32, #tpu.memory_space<hbm>> -> memref<10000x128xf32, #tpu.memory_space<hbm>>
    tpu.wait_indirect_dma semaphore(%arg13 : memref<!tpu.dma_semaphore, #tpu.memory_space<semaphore_mem>>) src(%dma_wait3A_34 : memref<10000x128xf32, #tpu.memory_space<hbm>>) dst(%arg10 : memref<80x128xf32, #tpu.memory_space<vmem>>)
    %parallel_loop3A = arith.constant 0 : i32
    %parallel_loop3A_35 = arith.constant 80 : i32
    %parallel_loop3A_36 = arith.constant 1 : i32
    scf.for %parallel_loop3A_112 = %parallel_loop3A to %parallel_loop3A_35 step %parallel_loop3A_36  : i32 {
      %parallel_loop3A_113 = arith.constant 9920 : i32
      %parallel_loop3A_114 = arith.addi %parallel_loop3A_113, %parallel_loop3A_112 : i32
      %parallel_loop3A_115 = vector.broadcast %parallel_loop3A_114 : i32 to vector<16xi32>
      %parallel_loop3A_116 = tpu.vector_load_idx %arg9[%parallel_loop3A_115] : memref<10000xf32, #tpu.memory_space<vmem>>[vector<16xi32>], vector<16xf32>,
      %parallel_loop3A_117 = arith.index_cast %parallel_loop3A_112 : i32 to index
      %parallel_loop3A_118 = arith.constant 0 : index
      %parallel_loop3A_119 = tpu.vector_load %arg10[%parallel_loop3A_117, %parallel_loop3A_118] {strides = array<i32>} : memref<80x128xf32, #tpu.memory_space<vmem>>, vector<16xf32>,
      %parallel_loop3A_120 = arith.mulf %parallel_loop3A_119, %parallel_loop3A_116 : vector<16xf32>
      %parallel_loop3A_121 = arith.index_cast %parallel_loop3A_112 : i32 to index
      %parallel_loop3A_122 = arith.constant 0 : index
      %parallel_loop3A_123 = tpu.vector_load %arg10[%parallel_loop3A_121, %parallel_loop3A_122] {strides = array<i32>} : memref<80x128xf32, #tpu.memory_space<vmem>>, vector<16xf32>,
      tpu.vector_store %arg10[%parallel_loop3A_121, %parallel_loop3A_122], %parallel_loop3A_120 {strides = array<i32>} : memref<80x128xf32, #tpu.memory_space<vmem>>, vector<16xf32>,
      %parallel_loop3A_124 = arith.index_cast %parallel_loop3A_112 : i32 to index
      %parallel_loop3A_125 = arith.constant 16 : index
      %parallel_loop3A_126 = tpu.vector_load %arg10[%parallel_loop3A_124, %parallel_loop3A_125] {strides = array<i32>} : memref<80x128xf32, #tpu.memory_space<vmem>>, vector<16xf32>,
      %parallel_loop3A_127 = arith.mulf %parallel_loop3A_126, %parallel_loop3A_116 : vector<16xf32>
      %parallel_loop3A_128 = arith.index_cast %parallel_loop3A_112 : i32 to index
      %parallel_loop3A_129 = arith.constant 16 : index
      %parallel_loop3A_130 = tpu.vector_load %arg10[%parallel_loop3A_128, %parallel_loop3A_129] {strides = array<i32>} : memref<80x128xf32, #tpu.memory_space<vmem>>, vector<16xf32>,
      tpu.vector_store %arg10[%parallel_loop3A_128, %parallel_loop3A_129], %parallel_loop3A_127 {strides = array<i32>} : memref<80x128xf32, #tpu.memory_space<vmem>>, vector<16xf32>,
      %parallel_loop3A_131 = arith.index_cast %parallel_loop3A_112 : i32 to index
      %parallel_loop3A_132 = arith.constant 32 : index
      %parallel_loop3A_133 = tpu.vector_load %arg10[%parallel_loop3A_131, %parallel_loop3A_132] {strides = array<i32>} : memref<80x128xf32, #tpu.memory_space<vmem>>, vector<16xf32>,
      %parallel_loop3A_134 = arith.mulf %parallel_loop3A_133, %parallel_loop3A_116 : vector<16xf32>
      %parallel_loop3A_135 = arith.index_cast %parallel_loop3A_112 : i32 to index
      %parallel_loop3A_136 = arith.constant 32 : index
      %parallel_loop3A_137 = tpu.vector_load %arg10[%parallel_loop3A_135, %parallel_loop3A_136] {strides = array<i32>} : memref<80x128xf32, #tpu.memory_space<vmem>>, vector<16xf32>,
      tpu.vector_store %arg10[%parallel_loop3A_135, %parallel_loop3A_136], %parallel_loop3A_134 {strides = array<i32>} : memref<80x128xf32, #tpu.memory_space<vmem>>, vector<16xf32>,
      %parallel_loop3A_138 = arith.index_cast %parallel_loop3A_112 : i32 to index
      %parallel_loop3A_139 = arith.constant 48 : index
      %parallel_loop3A_140 = tpu.vector_load %arg10[%parallel_loop3A_138, %parallel_loop3A_139] {strides = array<i32>} : memref<80x128xf32, #tpu.memory_space<vmem>>, vector<16xf32>,
      %parallel_loop3A_141 = arith.mulf %parallel_loop3A_140, %parallel_loop3A_116 : vector<16xf32>
      %parallel_loop3A_142 = arith.index_cast %parallel_loop3A_112 : i32 to index
      %parallel_loop3A_143 = arith.constant 48 : index
      %parallel_loop3A_144 = tpu.vector_load %arg10[%parallel_loop3A_142, %parallel_loop3A_143] {strides = array<i32>} : memref<80x128xf32, #tpu.memory_space<vmem>>, vector<16xf32>,
      tpu.vector_store %arg10[%parallel_loop3A_142, %parallel_loop3A_143], %parallel_loop3A_141 {strides = array<i32>} : memref<80x128xf32, #tpu.memory_space<vmem>>, vector<16xf32>,
      %parallel_loop3A_145 = arith.index_cast %parallel_loop3A_112 : i32 to index
      %parallel_loop3A_146 = arith.constant 64 : index
      %parallel_loop3A_147 = tpu.vector_load %arg10[%parallel_loop3A_145, %parallel_loop3A_146] {strides = array<i32>} : memref<80x128xf32, #tpu.memory_space<vmem>>, vector<16xf32>,
      %parallel_loop3A_148 = arith.mulf %parallel_loop3A_147, %parallel_loop3A_116 : vector<16xf32>
      %parallel_loop3A_149 = arith.index_cast %parallel_loop3A_112 : i32 to index
      %parallel_loop3A_150 = arith.constant 64 : index
      %parallel_loop3A_151 = tpu.vector_load %arg10[%parallel_loop3A_149, %parallel_loop3A_150] {strides = array<i32>} : memref<80x128xf32, #tpu.memory_space<vmem>>, vector<16xf32>,
      tpu.vector_store %arg10[%parallel_loop3A_149, %parallel_loop3A_150], %parallel_loop3A_148 {strides = array<i32>} : memref<80x128xf32, #tpu.memory_space<vmem>>, vector<16xf32>,
      %parallel_loop3A_152 = arith.index_cast %parallel_loop3A_112 : i32 to index
      %parallel_loop3A_153 = arith.constant 80 : index
      %parallel_loop3A_154 = tpu.vector_load %arg10[%parallel_loop3A_152, %parallel_loop3A_153] {strides = array<i32>} : memref<80x128xf32, #tpu.memory_space<vmem>>, vector<16xf32>,
      %parallel_loop3A_155 = arith.mulf %parallel_loop3A_154, %parallel_loop3A_116 : vector<16xf32>
      %parallel_loop3A_156 = arith.index_cast %parallel_loop3A_112 : i32 to index
      %parallel_loop3A_157 = arith.constant 80 : index
      %parallel_loop3A_158 = tpu.vector_load %arg10[%parallel_loop3A_156, %parallel_loop3A_157] {strides = array<i32>} : memref<80x128xf32, #tpu.memory_space<vmem>>, vector<16xf32>,
      tpu.vector_store %arg10[%parallel_loop3A_156, %parallel_loop3A_157], %parallel_loop3A_155 {strides = array<i32>} : memref<80x128xf32, #tpu.memory_space<vmem>>, vector<16xf32>,
      %parallel_loop3A_159 = arith.index_cast %parallel_loop3A_112 : i32 to index
      %parallel_loop3A_160 = arith.constant 96 : index
      %parallel_loop3A_161 = tpu.vector_load %arg10[%parallel_loop3A_159, %parallel_loop3A_160] {strides = array<i32>} : memref<80x128xf32, #tpu.memory_space<vmem>>, vector<16xf32>,
      %parallel_loop3A_162 = arith.mulf %parallel_loop3A_161, %parallel_loop3A_116 : vector<16xf32>
      %parallel_loop3A_163 = arith.index_cast %parallel_loop3A_112 : i32 to index
      %parallel_loop3A_164 = arith.constant 96 : index
      %parallel_loop3A_165 = tpu.vector_load %arg10[%parallel_loop3A_163, %parallel_loop3A_164] {strides = array<i32>} : memref<80x128xf32, #tpu.memory_space<vmem>>, vector<16xf32>,
      tpu.vector_store %arg10[%parallel_loop3A_163, %parallel_loop3A_164], %parallel_loop3A_162 {strides = array<i32>} : memref<80x128xf32, #tpu.memory_space<vmem>>, vector<16xf32>,
      %parallel_loop3A_166 = arith.index_cast %parallel_loop3A_112 : i32 to index
      %parallel_loop3A_167 = arith.constant 112 : index
      %parallel_loop3A_168 = tpu.vector_load %arg10[%parallel_loop3A_166, %parallel_loop3A_167] {strides = array<i32>} : memref<80x128xf32, #tpu.memory_space<vmem>>, vector<16xf32>,
      %parallel_loop3A_169 = arith.mulf %parallel_loop3A_168, %parallel_loop3A_116 : vector<16xf32>
      %parallel_loop3A_170 = arith.index_cast %parallel_loop3A_112 : i32 to index
      %parallel_loop3A_171 = arith.constant 112 : index
      %parallel_loop3A_172 = tpu.vector_load %arg10[%parallel_loop3A_170, %parallel_loop3A_171] {strides = array<i32>} : memref<80x128xf32, #tpu.memory_space<vmem>>, vector<16xf32>,
      tpu.vector_store %arg10[%parallel_loop3A_170, %parallel_loop3A_171], %parallel_loop3A_169 {strides = array<i32>} : memref<80x128xf32, #tpu.memory_space<vmem>>, vector<16xf32>,
    } {sc.loop_unroll_factor = 4 : i64, sc.parallel_access}
    %get3A = arith.constant 9920 : index
    %get3A_37 = tpu.vector_load %arg8[%get3A] {strides = array<i32>} : memref<10000xi32, #tpu.memory_space<vmem>>, vector<16xi32>,
    %dma_start3A_38 = arith.constant 0 : i32
    %dma_start3A_39 = arith.constant 0 : i32
    %dma_start3A_40 = tpu.memref_slice %arg10[%dma_start3A_38, %dma_start3A_39] : memref<80x128xf32, #tpu.memory_space<vmem>> -> memref<16x128xf32, #tpu.memory_space<vmem>>
    %dma_start3A_41 = arith.constant 0 : i32
    %dma_start3A_42 = arith.constant 0 : i32
    %dma_start3A_43 = tpu.memref_slice %arg12[%dma_start3A_41, %dma_start3A_42] : memref<10000x128xf32, #tpu.memory_space<vmem_shared>> -> memref<10000x128xf32, #tpu.memory_space<vmem_shared>>
    tpu.enqueue_indirect_dma source(%dma_start3A_40 : memref<16x128xf32, #tpu.memory_space<vmem>>) target(%dma_start3A_43 : memref<10000x128xf32, #tpu.memory_space<vmem_shared>>) offsets(%get3A_37 : vector<16xi32>) semaphore(%arg15 : memref<!tpu.dma_semaphore, #tpu.memory_space<semaphore_mem>>) {add = true}
    %get3A_44 = arith.constant 9936 : index
    %get3A_45 = tpu.vector_load %arg8[%get3A_44] {strides = array<i32>} : memref<10000xi32, #tpu.memory_space<vmem>>, vector<16xi32>,
    %dma_start3A_46 = arith.constant 16 : i32
    %dma_start3A_47 = arith.constant 0 : i32
    %dma_start3A_48 = tpu.memref_slice %arg10[%dma_start3A_46, %dma_start3A_47] : memref<80x128xf32, #tpu.memory_space<vmem>> -> memref<16x128xf32, #tpu.memory_space<vmem>>
    %dma_start3A_49 = arith.constant 0 : i32
    %dma_start3A_50 = arith.constant 0 : i32
    %dma_start3A_51 = tpu.memref_slice %arg12[%dma_start3A_49, %dma_start3A_50] : memref<10000x128xf32, #tpu.memory_space<vmem_shared>> -> memref<10000x128xf32, #tpu.memory_space<vmem_shared>>
    tpu.enqueue_indirect_dma source(%dma_start3A_48 : memref<16x128xf32, #tpu.memory_space<vmem>>) target(%dma_start3A_51 : memref<10000x128xf32, #tpu.memory_space<vmem_shared>>) offsets(%get3A_45 : vector<16xi32>) semaphore(%arg15 : memref<!tpu.dma_semaphore, #tpu.memory_space<semaphore_mem>>) {add = true}
    %get3A_52 = arith.constant 9952 : index
    %get3A_53 = tpu.vector_load %arg8[%get3A_52] {strides = array<i32>} : memref<10000xi32, #tpu.memory_space<vmem>>, vector<16xi32>,
    %dma_start3A_54 = arith.constant 32 : i32
    %dma_start3A_55 = arith.constant 0 : i32
    %dma_start3A_56 = tpu.memref_slice %arg10[%dma_start3A_54, %dma_start3A_55] : memref<80x128xf32, #tpu.memory_space<vmem>> -> memref<16x128xf32, #tpu.memory_space<vmem>>
    %dma_start3A_57 = arith.constant 0 : i32
    %dma_start3A_58 = arith.constant 0 : i32
    %dma_start3A_59 = tpu.memref_slice %arg12[%dma_start3A_57, %dma_start3A_58] : memref<10000x128xf32, #tpu.memory_space<vmem_shared>> -> memref<10000x128xf32, #tpu.memory_space<vmem_shared>>
    tpu.enqueue_indirect_dma source(%dma_start3A_56 : memref<16x128xf32, #tpu.memory_space<vmem>>) target(%dma_start3A_59 : memref<10000x128xf32, #tpu.memory_space<vmem_shared>>) offsets(%get3A_53 : vector<16xi32>) semaphore(%arg15 : memref<!tpu.dma_semaphore, #tpu.memory_space<semaphore_mem>>) {add = true}
    %get3A_60 = arith.constant 9968 : index
    %get3A_61 = tpu.vector_load %arg8[%get3A_60] {strides = array<i32>} : memref<10000xi32, #tpu.memory_space<vmem>>, vector<16xi32>,
    %dma_start3A_62 = arith.constant 48 : i32
    %dma_start3A_63 = arith.constant 0 : i32
    %dma_start3A_64 = tpu.memref_slice %arg10[%dma_start3A_62, %dma_start3A_63] : memref<80x128xf32, #tpu.memory_space<vmem>> -> memref<16x128xf32, #tpu.memory_space<vmem>>
    %dma_start3A_65 = arith.constant 0 : i32
    %dma_start3A_66 = arith.constant 0 : i32
    %dma_start3A_67 = tpu.memref_slice %arg12[%dma_start3A_65, %dma_start3A_66] : memref<10000x128xf32, #tpu.memory_space<vmem_shared>> -> memref<10000x128xf32, #tpu.memory_space<vmem_shared>>
    tpu.enqueue_indirect_dma source(%dma_start3A_64 : memref<16x128xf32, #tpu.memory_space<vmem>>) target(%dma_start3A_67 : memref<10000x128xf32, #tpu.memory_space<vmem_shared>>) offsets(%get3A_61 : vector<16xi32>) semaphore(%arg15 : memref<!tpu.dma_semaphore, #tpu.memory_space<semaphore_mem>>) {add = true}
    %get3A_68 = arith.constant 9984 : index
    %get3A_69 = tpu.vector_load %arg8[%get3A_68] {strides = array<i32>} : memref<10000xi32, #tpu.memory_space<vmem>>, vector<16xi32>,
    %dma_start3A_70 = arith.constant 64 : i32
    %dma_start3A_71 = arith.constant 0 : i32
    %dma_start3A_72 = tpu.memref_slice %arg10[%dma_start3A_70, %dma_start3A_71] : memref<80x128xf32, #tpu.memory_space<vmem>> -> memref<16x128xf32, #tpu.memory_space<vmem>>
    %dma_start3A_73 = arith.constant 0 : i32
    %dma_start3A_74 = arith.constant 0 : i32
    %dma_start3A_75 = tpu.memref_slice %arg12[%dma_start3A_73, %dma_start3A_74] : memref<10000x128xf32, #tpu.memory_space<vmem_shared>> -> memref<10000x128xf32, #tpu.memory_space<vmem_shared>>
    tpu.enqueue_indirect_dma source(%dma_start3A_72 : memref<16x128xf32, #tpu.memory_space<vmem>>) target(%dma_start3A_75 : memref<10000x128xf32, #tpu.memory_space<vmem_shared>>) offsets(%get3A_69 : vector<16xi32>) semaphore(%arg15 : memref<!tpu.dma_semaphore, #tpu.memory_space<semaphore_mem>>) {add = true}
    %dma_wait3A_76 = arith.constant 0 : i32
    %dma_wait3A_77 = arith.constant 0 : i32
    %dma_wait3A_78 = tpu.memref_slice %arg10[%dma_wait3A_76, %dma_wait3A_77] : memref<80x128xf32, #tpu.memory_space<vmem>> -> memref<16x128xf32, #tpu.memory_space<vmem>>
    %dma_wait3A_79 = arith.constant 0 : i32
    %dma_wait3A_80 = arith.constant 0 : i32
    %dma_wait3A_81 = tpu.memref_slice %arg12[%dma_wait3A_79, %dma_wait3A_80] : memref<10000x128xf32, #tpu.memory_space<vmem_shared>> -> memref<10000x128xf32, #tpu.memory_space<vmem_shared>>
    tpu.wait_indirect_dma semaphore(%arg15 : memref<!tpu.dma_semaphore, #tpu.memory_space<semaphore_mem>>) src(%dma_wait3A_78 : memref<16x128xf32, #tpu.memory_space<vmem>>) dst(%dma_wait3A_81 : memref<10000x128xf32, #tpu.memory_space<vmem_shared>>)
    %dma_wait3A_82 = arith.constant 16 : i32
    %dma_wait3A_83 = arith.constant 0 : i32
    %dma_wait3A_84 = tpu.memref_slice %arg10[%dma_wait3A_82, %dma_wait3A_83] : memref<80x128xf32, #tpu.memory_space<vmem>> -> memref<16x128xf32, #tpu.memory_space<vmem>>
    %dma_wait3A_85 = arith.constant 0 : i32
    %dma_wait3A_86 = arith.constant 0 : i32
    %dma_wait3A_87 = tpu.memref_slice %arg12[%dma_wait3A_85, %dma_wait3A_86] : memref<10000x128xf32, #tpu.memory_space<vmem_shared>> -> memref<10000x128xf32, #tpu.memory_space<vmem_shared>>
    tpu.wait_indirect_dma semaphore(%arg15 : memref<!tpu.dma_semaphore, #tpu.memory_space<semaphore_mem>>) src(%dma_wait3A_84 : memref<16x128xf32, #tpu.memory_space<vmem>>) dst(%dma_wait3A_87 : memref<10000x128xf32, #tpu.memory_space<vmem_shared>>)
    %dma_wait3A_88 = arith.constant 32 : i32
    %dma_wait3A_89 = arith.constant 0 : i32
    %dma_wait3A_90 = tpu.memref_slice %arg10[%dma_wait3A_88, %dma_wait3A_89] : memref<80x128xf32, #tpu.memory_space<vmem>> -> memref<16x128xf32, #tpu.memory_space<vmem>>
    %dma_wait3A_91 = arith.constant 0 : i32
    %dma_wait3A_92 = arith.constant 0 : i32
    %dma_wait3A_93 = tpu.memref_slice %arg12[%dma_wait3A_91, %dma_wait3A_92] : memref<10000x128xf32, #tpu.memory_space<vmem_shared>> -> memref<10000x128xf32, #tpu.memory_space<vmem_shared>>
    tpu.wait_indirect_dma semaphore(%arg15 : memref<!tpu.dma_semaphore, #tpu.memory_space<semaphore_mem>>) src(%dma_wait3A_90 : memref<16x128xf32, #tpu.memory_space<vmem>>) dst(%dma_wait3A_93 : memref<10000x128xf32, #tpu.memory_space<vmem_shared>>)
    %dma_wait3A_94 = arith.constant 48 : i32
    %dma_wait3A_95 = arith.constant 0 : i32
    %dma_wait3A_96 = tpu.memref_slice %arg10[%dma_wait3A_94, %dma_wait3A_95] : memref<80x128xf32, #tpu.memory_space<vmem>> -> memref<16x128xf32, #tpu.memory_space<vmem>>
    %dma_wait3A_97 = arith.constant 0 : i32
    %dma_wait3A_98 = arith.constant 0 : i32
    %dma_wait3A_99 = tpu.memref_slice %arg12[%dma_wait3A_97, %dma_wait3A_98] : memref<10000x128xf32, #tpu.memory_space<vmem_shared>> -> memref<10000x128xf32, #tpu.memory_space<vmem_shared>>
    tpu.wait_indirect_dma semaphore(%arg15 : memref<!tpu.dma_semaphore, #tpu.memory_space<semaphore_mem>>) src(%dma_wait3A_96 : memref<16x128xf32, #tpu.memory_space<vmem>>) dst(%dma_wait3A_99 : memref<10000x128xf32, #tpu.memory_space<vmem_shared>>)
    %dma_wait3A_100 = arith.constant 64 : i32
    %dma_wait3A_101 = arith.constant 0 : i32
    %dma_wait3A_102 = tpu.memref_slice %arg10[%dma_wait3A_100, %dma_wait3A_101] : memref<80x128xf32, #tpu.memory_space<vmem>> -> memref<16x128xf32, #tpu.memory_space<vmem>>
    %dma_wait3A_103 = arith.constant 0 : i32
    %dma_wait3A_104 = arith.constant 0 : i32
    %dma_wait3A_105 = tpu.memref_slice %arg12[%dma_wait3A_103, %dma_wait3A_104] : memref<10000x128xf32, #tpu.memory_space<vmem_shared>> -> memref<10000x128xf32, #tpu.memory_space<vmem_shared>>
    tpu.wait_indirect_dma semaphore(%arg15 : memref<!tpu.dma_semaphore, #tpu.memory_space<semaphore_mem>>) src(%dma_wait3A_102 : memref<16x128xf32, #tpu.memory_space<vmem>>) dst(%dma_wait3A_105 : memref<10000x128xf32, #tpu.memory_space<vmem_shared>>)
    %barrier3A_106 = arith.constant 0 : index
    tpu.barrier barrier_id(%barrier3A_106)
    "tpu.region"() ({
      %run_scoped3A = tpu.sem_alloc : memref<!tpu.dma_semaphore, #tpu.memory_space<semaphore_mem>>
      %dma_start3A_112 = arith.constant 0 : i32
      %dma_start3A_113 = arith.constant 0 : i32
      %dma_start3A_114 = tpu.memref_slice %arg6[%arg0, %dma_start3A_112, %dma_start3A_113] : memref<2x10000x128xf32, #tpu.memory_space<hbm>> -> memref<1x10000x128xf32, #tpu.memory_space<hbm>>
      %dma_start3A_115 = tpu.memref_squeeze %dma_start3A_114 : memref<1x10000x128xf32, #tpu.memory_space<hbm>> -> memref<10000x128xf32, #tpu.memory_space<hbm>>
      %dma_start3A_116 = arith.constant 0 : i32
      %dma_start3A_117 = tpu.memref_slice %dma_start3A_115[%mul3A_7, %dma_start3A_116] : memref<10000x128xf32, #tpu.memory_space<hbm>> -> memref<624x128xf32, #tpu.memory_space<hbm>>
      %dma_start3A_118 = arith.constant 0 : i32
      %dma_start3A_119 = tpu.memref_slice %arg12[%mul3A_7, %dma_start3A_118] : memref<10000x128xf32, #tpu.memory_space<vmem_shared>> -> memref<624x128xf32, #tpu.memory_space<vmem_shared>>
      tpu.enqueue_dma source(%dma_start3A_119 : memref<624x128xf32, #tpu.memory_space<vmem_shared>>) target(%dma_start3A_117 : memref<624x128xf32, #tpu.memory_space<hbm>>) target_semaphore(%run_scoped3A : memref<!tpu.dma_semaphore, #tpu.memory_space<semaphore_mem>>)
      %dma_wait3A_120 = arith.constant 0 : i32
      %dma_wait3A_121 = arith.constant 0 : i32
      %dma_wait3A_122 = tpu.memref_slice %arg6[%arg0, %dma_wait3A_120, %dma_wait3A_121] : memref<2x10000x128xf32, #tpu.memory_space<hbm>> -> memref<1x10000x128xf32, #tpu.memory_space<hbm>>
      %dma_wait3A_123 = tpu.memref_squeeze %dma_wait3A_122 : memref<1x10000x128xf32, #tpu.memory_space<hbm>> -> memref<10000x128xf32, #tpu.memory_space<hbm>>
      %dma_wait3A_124 = arith.constant 0 : i32
      %dma_wait3A_125 = tpu.memref_slice %dma_wait3A_123[%mul3A_7, %dma_wait3A_124] : memref<10000x128xf32, #tpu.memory_space<hbm>> -> memref<624x128xf32, #tpu.memory_space<hbm>>
      %dma_wait3A_126 = arith.constant 0 : i32
      %dma_wait3A_127 = tpu.memref_slice %arg12[%mul3A_7, %dma_wait3A_126] : memref<10000x128xf32, #tpu.memory_space<vmem_shared>> -> memref<624x128xf32, #tpu.memory_space<vmem_shared>>
      tpu.wait_dma2 semaphore(%run_scoped3A : memref<!tpu.dma_semaphore, #tpu.memory_space<semaphore_mem>>) src(%dma_wait3A_127 : memref<624x128xf32, #tpu.memory_space<vmem_shared>>) dst(%dma_wait3A_125 : memref<624x128xf32, #tpu.memory_space<hbm>>)
      tpu.yield
    }) : () -> ()
    %eq3A_107 = arith.constant 15 : i32
    %eq3A_108 = arith.cmpi eq, %arg1, %eq3A_107 : i32
    %convert_element_type3A_109 = arith.extui %eq3A_108 : i1 to i32
    %cond3A_110 = arith.constant 0 : i32
    %cond3A_111 = arith.cmpi ne, %convert_element_type3A_109, %cond3A_110 : i32
    scf.if %cond3A_111 {
      "tpu.region"() ({
        %run_scoped3A = tpu.sem_alloc : memref<!tpu.dma_semaphore, #tpu.memory_space<semaphore_mem>>
        %dma_start3A_112 = arith.constant 0 : i32
        %dma_start3A_113 = arith.constant 0 : i32
        %dma_start3A_114 = tpu.memref_slice %arg6[%arg0, %dma_start3A_112, %dma_start3A_113] : memref<2x10000x128xf32, #tpu.memory_space<hbm>> -> memref<1x10000x128xf32, #tpu.memory_space<hbm>>
        %dma_start3A_115 = tpu.memref_squeeze %dma_start3A_114 : memref<1x10000x128xf32, #tpu.memory_space<hbm>> -> memref<10000x128xf32, #tpu.memory_space<hbm>>
        %dma_start3A_116 = arith.constant 9984 : i32
        %dma_start3A_117 = arith.constant 0 : i32
        %dma_start3A_118 = tpu.memref_slice %dma_start3A_115[%dma_start3A_116, %dma_start3A_117] : memref<10000x128xf32, #tpu.memory_space<hbm>> -> memref<16x128xf32, #tpu.memory_space<hbm>>
        %dma_start3A_119 = arith.constant 9984 : i32
        %dma_start3A_120 = arith.constant 0 : i32
        %dma_start3A_121 = tpu.memref_slice %arg12[%dma_start3A_119, %dma_start3A_120] : memref<10000x128xf32, #tpu.memory_space<vmem_shared>> -> memref<16x128xf32, #tpu.memory_space<vmem_shared>>
        tpu.enqueue_dma source(%dma_start3A_121 : memref<16x128xf32, #tpu.memory_space<vmem_shared>>) target(%dma_start3A_118 : memref<16x128xf32, #tpu.memory_space<hbm>>) target_semaphore(%run_scoped3A : memref<!tpu.dma_semaphore, #tpu.memory_space<semaphore_mem>>)
        %dma_wait3A_122 = arith.constant 0 : i32
        %dma_wait3A_123 = arith.constant 0 : i32
        %dma_wait3A_124 = tpu.memref_slice %arg6[%arg0, %dma_wait3A_122, %dma_wait3A_123] : memref<2x10000x128xf32, #tpu.memory_space<hbm>> -> memref<1x10000x128xf32, #tpu.memory_space<hbm>>
        %dma_wait3A_125 = tpu.memref_squeeze %dma_wait3A_124 : memref<1x10000x128xf32, #tpu.memory_space<hbm>> -> memref<10000x128xf32, #tpu.memory_space<hbm>>
        %dma_wait3A_126 = arith.constant 9984 : i32
        %dma_wait3A_127 = arith.constant 0 : i32
        %dma_wait3A_128 = tpu.memref_slice %dma_wait3A_125[%dma_wait3A_126, %dma_wait3A_127] : memref<10000x128xf32, #tpu.memory_space<hbm>> -> memref<16x128xf32, #tpu.memory_space<hbm>>
        %dma_wait3A_129 = arith.constant 9984 : i32
        %dma_wait3A_130 = arith.constant 0 : i32
        %dma_wait3A_131 = tpu.memref_slice %arg12[%dma_wait3A_129, %dma_wait3A_130] : memref<10000x128xf32, #tpu.memory_space<vmem_shared>> -> memref<16x128xf32, #tpu.memory_space<vmem_shared>>
        tpu.wait_dma2 semaphore(%run_scoped3A : memref<!tpu.dma_semaphore, #tpu.memory_space<semaphore_mem>>) src(%dma_wait3A_131 : memref<16x128xf32, #tpu.memory_space<vmem_shared>>) dst(%dma_wait3A_128 : memref<16x128xf32, #tpu.memory_space<hbm>>)
        tpu.yield
      }) : () -> ()
    } else {
    }
    return
  }
}

module attributes {stable_mosaic.version = 14 : i64} {
  func.func @_tc_in_body(%arg0: i32, %arg1: memref<2048x128xf32, #tpu.memory_space<vmem>>, %arg2: memref<128x128xf32, #tpu.memory_space<vmem>>, %arg3: memref<128xf32, #tpu.memory_space<vmem>>, %arg4: memref<128xf32, #tpu.memory_space<vmem>>, %arg5: memref<2048x128xf32, #tpu.memory_space<vmem>>, %arg6: memref<10240xf32, #tpu.memory_space<vmem>>, %arg7: memref<10240xf32, #tpu.memory_space<vmem>>) attributes {dimension_semantics = [#tpu.dimension_semantics<arbitrary>], iteration_bounds = array<i64: 5>, scalar_prefetch = 0 : i64, scratch_operands = 0 : i64, tpu.core_type = #tpu.core_type<tc>, window_params = [{transform_indices = @transform_0, window_bounds = array<i64: 2048, 128>}, {pipeline_mode = #tpu.pipeline_mode<synchronous>, transform_indices = @transform_1, window_bounds = array<i64: 128, 128>}, {pipeline_mode = #tpu.pipeline_mode<synchronous>, transform_indices = @transform_2, window_bounds = array<i64: 128>}, {pipeline_mode = #tpu.pipeline_mode<synchronous>, transform_indices = @transform_3, window_bounds = array<i64: 128>}, {transform_indices = @transform_4, window_bounds = array<i64: 2048, 128>}, {pipeline_mode = #tpu.pipeline_mode<synchronous>, transform_indices = @transform_5, window_bounds = array<i64: 10240>}, {pipeline_mode = #tpu.pipeline_mode<synchronous>, transform_indices = @transform_6, window_bounds = array<i64: 10240>}]} {
    %get3A = arith.constant 0 : index
    %get3A_0 = arith.constant 0 : index
    %get3A_1 = vector.load %arg1[%get3A, %get3A_0] : memref<2048x128xf32, #tpu.memory_space<vmem>>, vector<2048x128xf32>
    %get3A_2 = arith.constant 0 : index
    %get3A_3 = arith.constant 0 : index
    %get3A_4 = vector.load %arg2[%get3A_2, %get3A_3] : memref<128x128xf32, #tpu.memory_space<vmem>>, vector<128x128xf32>
    %dot_general3A = arith.constant dense<0.000000e+00> : vector<2048x128xf32>
    %dot_general3A_5 = tpu.matmul %get3A_1, %get3A_4, %dot_general3A {dimension_numbers = #tpu.dot_dimension_numbers<[1], [0], [0], [1], [0, 0, 1, 1], [], []>, transpose_lhs_hint = false} : vector<2048x128xf32>, vector<128x128xf32>, vector<2048x128xf32> -> vector<2048x128xf32>
    %swap3A = arith.constant 0 : index
    %swap3A_6 = arith.constant 0 : index
    %swap3A_7 = vector.load %arg5[%swap3A, %swap3A_6] : memref<2048x128xf32, #tpu.memory_space<vmem>>, vector<2048x128xf32>
    tpu.vector_store %arg5[%swap3A, %swap3A_6], %dot_general3A_5 {strides = array<i32>} : memref<2048x128xf32, #tpu.memory_space<vmem>>, vector<2048x128xf32>,
    %mul3A = arith.constant 2048 : i32
    %mul3A_8 = arith.muli %arg0, %mul3A : i32
    %multiple_of3A = tpu.assume_multiple %mul3A_8, 128 : i32
    %get3A_9 = arith.constant 0 : index
    %get3A_10 = vector.load %arg3[%get3A_9] : memref<128xf32, #tpu.memory_space<vmem>>, vector<128xf32>
    %dot_general3A_11 = arith.constant dense<0.000000e+00> : vector<2048xf32>
    %dot_general3A_12 = tpu.matmul %dot_general3A_5, %get3A_10, %dot_general3A_11 {dimension_numbers = #tpu.dot_dimension_numbers<[1], [0], [0], [], [0, 0], [], []>, transpose_lhs_hint = false} : vector<2048x128xf32>, vector<128xf32>, vector<2048xf32> -> vector<2048xf32>
    %swap3A_13 = arith.index_cast %multiple_of3A : i32 to index
    %swap3A_14 = vector.load %arg6[%swap3A_13] : memref<10240xf32, #tpu.memory_space<vmem>>, vector<2048xf32>
    tpu.vector_store %arg6[%swap3A_13], %dot_general3A_12 {strides = array<i32>} : memref<10240xf32, #tpu.memory_space<vmem>>, vector<2048xf32>,
    %get3A_15 = arith.constant 0 : index
    %get3A_16 = vector.load %arg4[%get3A_15] : memref<128xf32, #tpu.memory_space<vmem>>, vector<128xf32>
    %dot_general3A_17 = arith.constant dense<0.000000e+00> : vector<2048xf32>
    %dot_general3A_18 = tpu.matmul %dot_general3A_5, %get3A_16, %dot_general3A_17 {dimension_numbers = #tpu.dot_dimension_numbers<[1], [0], [0], [], [0, 0], [], []>, transpose_lhs_hint = false} : vector<2048x128xf32>, vector<128xf32>, vector<2048xf32> -> vector<2048xf32>
    %swap3A_19 = arith.index_cast %multiple_of3A : i32 to index
    %swap3A_20 = vector.load %arg7[%swap3A_19] : memref<10240xf32, #tpu.memory_space<vmem>>, vector<2048xf32>
    tpu.vector_store %arg7[%swap3A_19], %dot_general3A_18 {strides = array<i32>} : memref<10240xf32, #tpu.memory_space<vmem>>, vector<2048xf32>,
    return
  }
  func.func @transform_0(%arg0: i32) -> (i32, i32) {
    %c0_i32 = arith.constant 0 : i32
    %c0_i32_0 = arith.constant 0 : i32
    return %arg0, %c0_i32 : i32, i32
  }
  func.func @transform_1(%arg0: i32) -> (i32, i32) {
    %c0_i32 = arith.constant 0 : i32
    %c0_i32_0 = arith.constant 0 : i32
    %c0_i32_1 = arith.constant 0 : i32
    return %c0_i32, %c0_i32_0 : i32, i32
  }
  func.func @transform_2(%arg0: i32) -> i32 {
    %c0_i32 = arith.constant 0 : i32
    %c0_i32_0 = arith.constant 0 : i32
    return %c0_i32 : i32
  }
  func.func @transform_3(%arg0: i32) -> i32 {
    %c0_i32 = arith.constant 0 : i32
    %c0_i32_0 = arith.constant 0 : i32
    return %c0_i32 : i32
  }
  func.func @transform_4(%arg0: i32) -> (i32, i32) {
    %c0_i32 = arith.constant 0 : i32
    %c0_i32_0 = arith.constant 0 : i32
    return %arg0, %c0_i32 : i32, i32
  }
  func.func @transform_5(%arg0: i32) -> i32 {
    %c0_i32 = arith.constant 0 : i32
    %c0_i32_0 = arith.constant 0 : i32
    return %c0_i32 : i32
  }
  func.func @transform_6(%arg0: i32) -> i32 {
    %c0_i32 = arith.constant 0 : i32
    %c0_i32_0 = arith.constant 0 : i32
    return %c0_i32 : i32
  }
}

module attributes {stable_mosaic.version = 14 : i64} {
  func.func @_tc_mid_body(%arg0: i32, %arg1: memref<2x2048x128xf32, #tpu.memory_space<vmem>>, %arg2: memref<2048x32xf32, #tpu.memory_space<vmem>>, %arg3: memref<128xf32, #tpu.memory_space<vmem>>, %arg4: memref<128x128xf32, #tpu.memory_space<vmem>>, %arg5: memref<128xf32, #tpu.memory_space<vmem>>, %arg6: memref<128xf32, #tpu.memory_space<vmem>>, %arg7: memref<2048x128xf32, #tpu.memory_space<vmem>>, %arg8: memref<10240xf32, #tpu.memory_space<vmem>>, %arg9: memref<10240xf32, #tpu.memory_space<vmem>>) attributes {dimension_semantics = [#tpu.dimension_semantics<arbitrary>], iteration_bounds = array<i64: 5>, scalar_prefetch = 0 : i64, scratch_operands = 0 : i64, tpu.core_type = #tpu.core_type<tc>, window_params = [{transform_indices = @transform_0, window_bounds = array<i64: 2, 2048, 128>}, {transform_indices = @transform_1, window_bounds = array<i64: 2048, 32>}, {pipeline_mode = #tpu.pipeline_mode<synchronous>, transform_indices = @transform_2, window_bounds = array<i64: 128>}, {pipeline_mode = #tpu.pipeline_mode<synchronous>, transform_indices = @transform_3, window_bounds = array<i64: 128, 128>}, {pipeline_mode = #tpu.pipeline_mode<synchronous>, transform_indices = @transform_4, window_bounds = array<i64: 128>}, {pipeline_mode = #tpu.pipeline_mode<synchronous>, transform_indices = @transform_5, window_bounds = array<i64: 128>}, {transform_indices = @transform_6, window_bounds = array<i64: 2048, 128>}, {pipeline_mode = #tpu.pipeline_mode<synchronous>, transform_indices = @transform_7, window_bounds = array<i64: 10240>}, {pipeline_mode = #tpu.pipeline_mode<synchronous>, transform_indices = @transform_8, window_bounds = array<i64: 10240>}]} {
    %get3A = arith.constant 0 : index
    %get3A_0 = arith.constant 0 : index
    %get3A_1 = vector.load %arg2[%get3A, %get3A_0] : memref<2048x32xf32, #tpu.memory_space<vmem>>, vector<2048x32xf32>
    %reduce_sum3A = arith.constant dense<0.000000e+00> : vector<2048xf32>
    %reduce_sum3A_2 = vector.multi_reduction <add>, %get3A_1, %reduce_sum3A [1] : vector<2048x32xf32> to vector<2048xf32>
    %add3A = arith.constant 1.000000e-16 : f32
    %add3A_3 = vector.broadcast %add3A : f32 to vector<2048xf32>
    %add3A_4 = arith.addf %reduce_sum3A_2, %add3A_3 : vector<2048xf32>
    %div3A = arith.constant 1.000000e+00 : f32
    %div3A_5 = vector.broadcast %div3A : f32 to vector<2048xf32>
    %div3A_6 = arith.divf %div3A_5, %add3A_4 : vector<2048xf32>
    %get3A_7 = arith.constant 0 : index
    %get3A_8 = arith.constant 0 : index
    %get3A_9 = arith.constant 0 : index
    %get3A_10 = vector.load %arg1[%get3A_7, %get3A_8, %get3A_9] : memref<2x2048x128xf32, #tpu.memory_space<vmem>>, vector<1x2048x128xf32>
    %get3A_11 = vector.shape_cast %get3A_10 : vector<1x2048x128xf32> to vector<2048x128xf32>
    %get3A_12 = arith.constant 1 : index
    %get3A_13 = arith.constant 0 : index
    %get3A_14 = arith.constant 0 : index
    %get3A_15 = vector.load %arg1[%get3A_12, %get3A_13, %get3A_14] : memref<2x2048x128xf32, #tpu.memory_space<vmem>>, vector<1x2048x128xf32>
    %get3A_16 = vector.shape_cast %get3A_15 : vector<1x2048x128xf32> to vector<2048x128xf32>
    %add3A_17 = arith.addf %get3A_11, %get3A_16 : vector<2048x128xf32>
    %broadcast_in_dim3A = vector.shape_cast %div3A_6 : vector<2048xf32> to vector<2048x1xf32>
    %mul3A = vector.broadcast %broadcast_in_dim3A : vector<2048x1xf32> to vector<2048x128xf32>
    %mul3A_18 = arith.mulf %add3A_17, %mul3A : vector<2048x128xf32>
    %get3A_19 = arith.constant 0 : index
    %get3A_20 = vector.load %arg3[%get3A_19] : memref<128xf32, #tpu.memory_space<vmem>>, vector<128xf32>
    %broadcast_in_dim3A_21 = vector.shape_cast %get3A_20 : vector<128xf32> to vector<1x128xf32>
    %add3A_22 = vector.broadcast %broadcast_in_dim3A_21 : vector<1x128xf32> to vector<2048x128xf32>
    %add3A_23 = arith.addf %mul3A_18, %add3A_22 : vector<2048x128xf32>
    %max3A = arith.constant 0.000000e+00 : f32
    %max3A_24 = vector.broadcast %max3A : f32 to vector<2048x128xf32>
    %max3A_25 = arith.maximumf %add3A_23, %max3A_24 : vector<2048x128xf32>
    %get3A_26 = arith.constant 0 : index
    %get3A_27 = arith.constant 0 : index
    %get3A_28 = vector.load %arg4[%get3A_26, %get3A_27] : memref<128x128xf32, #tpu.memory_space<vmem>>, vector<128x128xf32>
    %dot_general3A = arith.constant dense<0.000000e+00> : vector<2048x128xf32>
    %dot_general3A_29 = tpu.matmul %max3A_25, %get3A_28, %dot_general3A {dimension_numbers = #tpu.dot_dimension_numbers<[1], [0], [0], [1], [0, 0, 1, 1], [], []>, transpose_lhs_hint = false} : vector<2048x128xf32>, vector<128x128xf32>, vector<2048x128xf32> -> vector<2048x128xf32>
    %swap3A = arith.constant 0 : index
    %swap3A_30 = arith.constant 0 : index
    %swap3A_31 = vector.load %arg7[%swap3A, %swap3A_30] : memref<2048x128xf32, #tpu.memory_space<vmem>>, vector<2048x128xf32>
    tpu.vector_store %arg7[%swap3A, %swap3A_30], %dot_general3A_29 {strides = array<i32>} : memref<2048x128xf32, #tpu.memory_space<vmem>>, vector<2048x128xf32>,
    %mul3A_32 = arith.constant 2048 : i32
    %mul3A_33 = arith.muli %arg0, %mul3A_32 : i32
    %multiple_of3A = tpu.assume_multiple %mul3A_33, 128 : i32
    %get3A_34 = arith.constant 0 : index
    %get3A_35 = vector.load %arg5[%get3A_34] : memref<128xf32, #tpu.memory_space<vmem>>, vector<128xf32>
    %dot_general3A_36 = arith.constant dense<0.000000e+00> : vector<2048xf32>
    %dot_general3A_37 = tpu.matmul %dot_general3A_29, %get3A_35, %dot_general3A_36 {dimension_numbers = #tpu.dot_dimension_numbers<[1], [0], [0], [], [0, 0], [], []>, transpose_lhs_hint = false} : vector<2048x128xf32>, vector<128xf32>, vector<2048xf32> -> vector<2048xf32>
    %swap3A_38 = arith.index_cast %multiple_of3A : i32 to index
    %swap3A_39 = vector.load %arg8[%swap3A_38] : memref<10240xf32, #tpu.memory_space<vmem>>, vector<2048xf32>
    tpu.vector_store %arg8[%swap3A_38], %dot_general3A_37 {strides = array<i32>} : memref<10240xf32, #tpu.memory_space<vmem>>, vector<2048xf32>,
    %get3A_40 = arith.constant 0 : index
    %get3A_41 = vector.load %arg6[%get3A_40] : memref<128xf32, #tpu.memory_space<vmem>>, vector<128xf32>
    %dot_general3A_42 = arith.constant dense<0.000000e+00> : vector<2048xf32>
    %dot_general3A_43 = tpu.matmul %dot_general3A_29, %get3A_41, %dot_general3A_42 {dimension_numbers = #tpu.dot_dimension_numbers<[1], [0], [0], [], [0, 0], [], []>, transpose_lhs_hint = false} : vector<2048x128xf32>, vector<128xf32>, vector<2048xf32> -> vector<2048xf32>
    %swap3A_44 = arith.index_cast %multiple_of3A : i32 to index
    %swap3A_45 = vector.load %arg9[%swap3A_44] : memref<10240xf32, #tpu.memory_space<vmem>>, vector<2048xf32>
    tpu.vector_store %arg9[%swap3A_44], %dot_general3A_43 {strides = array<i32>} : memref<10240xf32, #tpu.memory_space<vmem>>, vector<2048xf32>,
    return
  }
  func.func @transform_0(%arg0: i32) -> (i32, i32, i32) {
    %c0_i32 = arith.constant 0 : i32
    %c0_i32_0 = arith.constant 0 : i32
    %c0_i32_1 = arith.constant 0 : i32
    return %c0_i32, %arg0, %c0_i32_0 : i32, i32, i32
  }
  func.func @transform_1(%arg0: i32) -> (i32, i32) {
    %c0_i32 = arith.constant 0 : i32
    %c0_i32_0 = arith.constant 0 : i32
    return %arg0, %c0_i32 : i32, i32
  }
  func.func @transform_2(%arg0: i32) -> i32 {
    %c0_i32 = arith.constant 0 : i32
    %c0_i32_0 = arith.constant 0 : i32
    return %c0_i32 : i32
  }
  func.func @transform_3(%arg0: i32) -> (i32, i32) {
    %c0_i32 = arith.constant 0 : i32
    %c0_i32_0 = arith.constant 0 : i32
    %c0_i32_1 = arith.constant 0 : i32
    return %c0_i32, %c0_i32_0 : i32, i32
  }
  func.func @transform_4(%arg0: i32) -> i32 {
    %c0_i32 = arith.constant 0 : i32
    %c0_i32_0 = arith.constant 0 : i32
    return %c0_i32 : i32
  }
  func.func @transform_5(%arg0: i32) -> i32 {
    %c0_i32 = arith.constant 0 : i32
    %c0_i32_0 = arith.constant 0 : i32
    return %c0_i32 : i32
  }
  func.func @transform_6(%arg0: i32) -> (i32, i32) {
    %c0_i32 = arith.constant 0 : i32
    %c0_i32_0 = arith.constant 0 : i32
    return %arg0, %c0_i32 : i32, i32
  }
  func.func @transform_7(%arg0: i32) -> i32 {
    %c0_i32 = arith.constant 0 : i32
    %c0_i32_0 = arith.constant 0 : i32
    return %c0_i32 : i32
  }
  func.func @transform_8(%arg0: i32) -> i32 {
    %c0_i32 = arith.constant 0 : i32
    %c0_i32_0 = arith.constant 0 : i32
    return %c0_i32 : i32
  }
}

module attributes {stable_mosaic.version = 14 : i64} {
  func.func @_tc_fin_body(%arg0: i32, %arg1: memref<2x2048x128xf32, #tpu.memory_space<vmem>>, %arg2: memref<2048x32xf32, #tpu.memory_space<vmem>>, %arg3: memref<128xf32, #tpu.memory_space<vmem>>, %arg4: memref<2048x128xf32, #tpu.memory_space<vmem>>) attributes {dimension_semantics = [#tpu.dimension_semantics<arbitrary>], iteration_bounds = array<i64: 5>, scalar_prefetch = 0 : i64, scratch_operands = 0 : i64, tpu.core_type = #tpu.core_type<tc>, window_params = [{transform_indices = @transform_0, window_bounds = array<i64: 2, 2048, 128>}, {transform_indices = @transform_1, window_bounds = array<i64: 2048, 32>}, {pipeline_mode = #tpu.pipeline_mode<synchronous>, transform_indices = @transform_2, window_bounds = array<i64: 128>}, {transform_indices = @transform_3, window_bounds = array<i64: 2048, 128>}]} {
    %get3A = arith.constant 0 : index
    %get3A_0 = arith.constant 0 : index
    %get3A_1 = vector.load %arg2[%get3A, %get3A_0] : memref<2048x32xf32, #tpu.memory_space<vmem>>, vector<2048x32xf32>
    %reduce_sum3A = arith.constant dense<0.000000e+00> : vector<2048xf32>
    %reduce_sum3A_2 = vector.multi_reduction <add>, %get3A_1, %reduce_sum3A [1] : vector<2048x32xf32> to vector<2048xf32>
    %add3A = arith.constant 1.000000e-16 : f32
    %add3A_3 = vector.broadcast %add3A : f32 to vector<2048xf32>
    %add3A_4 = arith.addf %reduce_sum3A_2, %add3A_3 : vector<2048xf32>
    %div3A = arith.constant 1.000000e+00 : f32
    %div3A_5 = vector.broadcast %div3A : f32 to vector<2048xf32>
    %div3A_6 = arith.divf %div3A_5, %add3A_4 : vector<2048xf32>
    %get3A_7 = arith.constant 0 : index
    %get3A_8 = arith.constant 0 : index
    %get3A_9 = arith.constant 0 : index
    %get3A_10 = vector.load %arg1[%get3A_7, %get3A_8, %get3A_9] : memref<2x2048x128xf32, #tpu.memory_space<vmem>>, vector<1x2048x128xf32>
    %get3A_11 = vector.shape_cast %get3A_10 : vector<1x2048x128xf32> to vector<2048x128xf32>
    %get3A_12 = arith.constant 1 : index
    %get3A_13 = arith.constant 0 : index
    %get3A_14 = arith.constant 0 : index
    %get3A_15 = vector.load %arg1[%get3A_12, %get3A_13, %get3A_14] : memref<2x2048x128xf32, #tpu.memory_space<vmem>>, vector<1x2048x128xf32>
    %get3A_16 = vector.shape_cast %get3A_15 : vector<1x2048x128xf32> to vector<2048x128xf32>
    %add3A_17 = arith.addf %get3A_11, %get3A_16 : vector<2048x128xf32>
    %broadcast_in_dim3A = vector.shape_cast %div3A_6 : vector<2048xf32> to vector<2048x1xf32>
    %mul3A = vector.broadcast %broadcast_in_dim3A : vector<2048x1xf32> to vector<2048x128xf32>
    %mul3A_18 = arith.mulf %add3A_17, %mul3A : vector<2048x128xf32>
    %get3A_19 = arith.constant 0 : index
    %get3A_20 = vector.load %arg3[%get3A_19] : memref<128xf32, #tpu.memory_space<vmem>>, vector<128xf32>
    %broadcast_in_dim3A_21 = vector.shape_cast %get3A_20 : vector<128xf32> to vector<1x128xf32>
    %add3A_22 = vector.broadcast %broadcast_in_dim3A_21 : vector<1x128xf32> to vector<2048x128xf32>
    %add3A_23 = arith.addf %mul3A_18, %add3A_22 : vector<2048x128xf32>
    %swap3A = arith.constant 0 : index
    %swap3A_24 = arith.constant 0 : index
    %swap3A_25 = vector.load %arg4[%swap3A, %swap3A_24] : memref<2048x128xf32, #tpu.memory_space<vmem>>, vector<2048x128xf32>
    tpu.vector_store %arg4[%swap3A, %swap3A_24], %add3A_23 {strides = array<i32>} : memref<2048x128xf32, #tpu.memory_space<vmem>>, vector<2048x128xf32>,
    return
  }
  func.func @transform_0(%arg0: i32) -> (i32, i32, i32) {
    %c0_i32 = arith.constant 0 : i32
    %c0_i32_0 = arith.constant 0 : i32
    %c0_i32_1 = arith.constant 0 : i32
    return %c0_i32, %arg0, %c0_i32_0 : i32, i32, i32
  }
  func.func @transform_1(%arg0: i32) -> (i32, i32) {
    %c0_i32 = arith.constant 0 : i32
    %c0_i32_0 = arith.constant 0 : i32
    return %arg0, %c0_i32 : i32, i32
  }
  func.func @transform_2(%arg0: i32) -> i32 {
    %c0_i32 = arith.constant 0 : i32
    %c0_i32_0 = arith.constant 0 : i32
    return %c0_i32 : i32
  }
  func.func @transform_3(%arg0: i32) -> (i32, i32) {
    %c0_i32 = arith.constant 0 : i32
    %c0_i32_0 = arith.constant 0 : i32
    return %arg0, %c0_i32 : i32, i32
  }
}

</mosaic_0001>

<sc_bundles>
// kernel: kernel.12.cloned.1.call-start
scs
__scs_entry_jumppad:
0x0: {  	(pc) =	sbr.rel $0x88, $3  }
0x1: {  	(tag) =	ssettag $0x0;
	lr =	simm.s32 $0x1  }
0x2: {  	[smem:$0x3F97] =	sst lr;
	_ =	strace $0xD0000000  }
0x3: {  	_ = 	snop  }
0x4: {  	_ = 	snop  }
0x5: {  	_ = 	snop  }
0x6: {  	_ = 	snop  }
0x7: {  	_ = 	snop  }
__scs_overlays_trampoline_lowered:
0x8: {  	[smem:$0x3FA6] =	sst s0  }
0x9: {  	[smem:$0x3FA7] =	sst s1  }
0xa: {  	[smem:$0x3FA8] =	sst s2  }
0xb: {  	[smem:$0x3FA9] =	sst s3  }
0xc: {  	[smem:$0x3FAA] =	sst s4  }
0xd: {  	[smem:$0x3FAB] =	sst s5  }
0xe: {  	[smem:$0x3FAC] =	sst s6  }
0xf: {  	[smem:$0x3FAD] =	sst s7  }
0x10: {  	[smem:$0x3FAE] =	sst s8  }
0x11: {  	[smem:$0x3FAF] =	sst s9;
	s0 =	simm.s32 @!p0 $0x0  }
0x12: {  	s1 =	sld [smem:$0x3F95];
	s0 =	simm.s32 @p0 $0x1  }
0x13: {  	[smem:$0x3FB0] =	sst s0;
	s0 =	simm.s32 @!p1 $0x0  }
0x14: {  	s2 =	sld [smem:$0x3F94];
	s0 =	simm.s32 @p1 $0x1  }
0x15: {  	[smem:$0x3FB1] =	sst s0;
	s0 =	simm.s32 @!p2 $0x0  }
0x16: {  	s3 =	sld [smem:$0x3FDB];
	s0 =	simm.s32 @p2 $0x1  }
0x17: {  	s4 =	simm.s32 $0x1BF5;
	[smem:$0x3FB3] =	sst s0  }
0x18: {  	s0 =	sld [smem:$0x3F96];
	_ =	swait.ge [sflag:s4], $0x0  }
0x19: {  	s7 =	sld [smem:$0x3F97]  }
0x1a: {  	s8 =	sadd.s32 $0xFFFFE003, lr  }
0x1b: {  	s9 =	sadd.s32 $0xFFFFFEF7, lr;
	s5 =	simm.s32 $0xFFFFFFFF;
	p2 =	slt.u32 s8, $0xFFFFF086  }
0x1c: {  	p1 =	slt.u32 s9, $0xF7A;
	s5 =	simm.s32 @!p2 $0x0  }
0x1d: {  	s5 =	simm.s32 @p1 $0x1;
	p0 =	seq.s32 s7, s2  }
0x1e: {  	s7 =	smul.u32 @!p0 $0xF7A, s2;
	p2 =	seq.s32 @!p0 s5, $0x0  }
0x1f: {  	s9 =	smul.u32 $0xF7A, s1;
	s8 =	simm.s32 @!p0 $0x1BF5;
	p2 =	por !p2, p0  }
0x20: {  	[sflag:s8] =	ssyncset.s32 @!p0 $0xFFFFF086;
	s6 =	sadd.s32 @!p0 s3, s7;
	s7 =	simm.s32 @!p0 $0x108  }
0x21: {  	s3 =	sadd.s32 s3, s9;
	s6 =	sadd.s32 @!p0 $0x88, s6;
	s7 =	simm.s32 @p2 $0x1082  }
0x22: {  	[simem:s7], [sflag:s8] =	dma.local @!p0 [hbm:s6], $0xF7A  }
0x23: {  	s9 =	sor.u32 $0xD0000000, s2;
	s6 =	simm.s32 $0x108;
	_ =	swait.ge @!p0 [sflag:s8], $0x0  }
0x24: {  	s3 =	sadd.s32 $0x88, s3;
	s6 =	simm.s32 @!p1 $0x1082;
	[sflag:s4] =	ssyncset.s32 $0xFFFFF086  }
0x25: {  	[simem:s6], [sflag:s4] =	dma.local [hbm:s3], $0xF7A  }
0x26: {  	[smem:$0x3F97] =	sst s1;
	(tag) =	ssettag s2;
	_ =	strace s9  }
0x27: {  	s1 =	sld [smem:$0x3FA7]  }
0x28: {  	s2 =	sld [smem:$0x3FA8]  }
0x29: {  	s4 =	sld [smem:$0x3FAA]  }
0x2a: {  	p0 =	seq.s32 s5, $0x0;
	s5 =	sld [smem:$0x3FAB]  }
0x2b: {  	s6 =	sld [smem:$0x3FAC]  }
0x2c: {  	s7 =	sld [smem:$0x3FAD]  }
0x2d: {  	s3 =	simm.s32 $0x108;
	s8 =	sld [smem:$0x3FAE]  }
0x2e: {  	s3 =	simm.s32 @!p0 $0x1082;
	s9 =	sld [smem:$0x3FAF]  }
0x2f: {  	lr =	sadd.s32 s0, s3;
	s0 =	sld [smem:$0x3FA6]  }
0x30: {  	s3 =	sld [smem:$0x3FA9]  }
0x31: {  	[smem:$0x3FB2] =	sst s10  }
0x32: {  	s10 =	sld [smem:$0x3FB0];
	_ =	sdelay $0x3  }
0x33: {  	p0 =	seq.s32 s10, $0x1;
	s10 =	sld [smem:$0x3FB2];
	_ =	sdelay $0x3  }
0x34: {  	[smem:$0x3FB2] =	sst s10  }
0x35: {  	s10 =	sld [smem:$0x3FB1];
	_ =	sdelay $0x3  }
0x36: {  	p1 =	seq.s32 s10, $0x1;
	s10 =	sld [smem:$0x3FB2];
	_ =	sdelay $0x3  }
0x37: {  	[smem:$0x3FB2] =	sst s10  }
0x38: {  	s10 =	sld [smem:$0x3FB3]  }
0x39: {  	_ = 	snop;
	(pc) =	sbr.ind lr, $3  }
0x3a: {  	_ = 	snop  }
0x3b: {  	_ = 	snop  }
0x3c: {  	p2 =	seq.s32 s10, $0x1;
	s10 =	sld [smem:$0x3FB2]  }
0x3d: {  	_ =	shalt  }
0x3e: {  	_ =	shalt  }
0x3f: {  	_ =	shalt  }
0x40: {  	_ =	shalt  }
0x41: {  	_ =	shalt  }
0x42: {  	_ =	shalt  }
0x43: {  	_ =	shalt  }
0x44: {  	_ =	shalt  }
0x45: {  	_ =	shalt  }
0x46: {  	_ =	shalt  }
0x47: {  	_ =	shalt  }
0x48: {  	_ =	shalt  }
0x49: {  	_ =	shalt  }
0x4a: {  	_ =	shalt  }
0x4b: {  	_ =	shalt  }
0x4c: {  	_ =	shalt  }
0x4d: {  	_ =	shalt  }
0x4e: {  	_ =	shalt  }
0x4f: {  	_ =	shalt  }
0x50: {  	_ =	shalt  }
0x51: {  	_ =	shalt  }
0x52: {  	_ =	shalt  }
0x53: {  	_ =	shalt  }
0x54: {  	_ =	shalt  }
0x55: {  	_ =	shalt  }
0x56: {  	_ =	shalt  }
0x57: {  	_ =	shalt  }
0x58: {  	_ =	shalt  }
0x59: {  	_ =	shalt  }
0x5a: {  	_ =	shalt  }
0x5b: {  	_ =	shalt  }
0x5c: {  	_ =	shalt  }
0x5d: {  	_ =	shalt  }
0x5e: {  	_ =	shalt  }
0x5f: {  	_ =	shalt  }
0x60: {  	_ =	shalt  }
0x61: {  	_ =	shalt  }
0x62: {  	_ =	shalt  }
0x63: {  	_ =	shalt  }
0x64: {  	_ =	shalt  }
0x65: {  	_ =	shalt  }
0x66: {  	_ =	shalt  }
0x67: {  	_ =	shalt  }
0x68: {  	_ =	shalt  }
0x69: {  	_ =	shalt  }
0x6a: {  	_ =	shalt  }
0x6b: {  	_ =	shalt  }
0x6c: {  	_ =	shalt  }
0x6d: {  	_ =	shalt  }
0x6e: {  	_ =	shalt  }
0x6f: {  	_ =	shalt  }
0x70: {  	_ =	shalt  }
0x71: {  	_ =	shalt  }
0x72: {  	_ =	shalt  }
0x73: {  	_ =	shalt  }
0x74: {  	_ =	shalt  }
0x75: {  	_ =	shalt  }
0x76: {  	_ =	shalt  }
0x77: {  	_ =	shalt  }
0x78: {  	_ =	shalt  }
0x79: {  	_ =	shalt  }
0x7a: {  	_ =	shalt  }
0x7b: {  	_ =	shalt  }
0x7c: {  	_ =	shalt  }
0x7d: {  	_ =	shalt  }
0x7e: {  	_ =	shalt  }
0x7f: {  	_ =	shalt  }
0x80: {  	_ =	shalt  }
0x81: {  	_ =	shalt  }
0x82: {  	_ =	shalt  }
0x83: {  	_ =	shalt  }
0x84: {  	_ =	shalt  }
0x85: {  	_ =	shalt  }
0x86: {  	_ =	shalt  }
0x87: {  	_ =	shalt  }
.Lfunc_end0:
.L_simem_size_0:
called_computation.1_lowered:
.L_overlay_start_0:
0x88: {  	s2 =	sld [smem:$0x3FD9]  }
0x89: {  	s3 =	sld [smem:$0x3FFE];
	_ =	sdelay $0x1  }
0x8a: {  	s1 =	srdreg.scid  }
0x8b: {  	s0 =	sand.u32 $0x1, s1  }
0x8c: {  	s17 =	sshll.u32 s0, $0xA;
	s2 =	sadd.s32 s3, s2  }
0x8d: {  	s2 =	sadd.s32 s2, s17  }
0x8e: {  	[smem:$0x3FBE] =	sst s2  }
0x8f: {  	_ = 	snop  }
0x90: {  	s2 =	sld [smem:$0x3FD0];
	(tm) =	ssettm $0x1  }
0x91: {  	s18 =	sld [smem:$0x3FFB];
	_ =	sdelay $0x3  }
0x92: {  	_ =	strace s18  }
0x93: {  	s3 =	sld [smem:$0x3FFC];
	_ =	sdelay $0x3  }
0x94: {  	_ =	strace s3  }
0x95: {  	s3 =	sld [smem:$0x3FFD];
	_ =	sdelay $0x3  }
0x96: {  	_ =	strace s3  }
0x97: {  	_ =	strace $0x8FFFFFFF  }
0x98: {  	s19 =	sld [smem:$0x3FDB];
	_ =	sdelay $0x1  }
0x99: {  	s4 =	simm.s32 $_scs_section_size  }
0x9a: {  	s5 =	simm.s32 $_size__tile_overlayer_lowered;
	s6 =	simm.s32 $_tile_overlayer_lowered  }
0x9b: {  	s22 =	simm.s32 $0x1BFF;
	s21 =	sshll.u32 s6, $0x1;
	s3 =	sadd.s32 s4, s19  }
0x9c: {  	s7 =	simm.s32 $0x0;
	s20 =	sshll.u32 s5, $0x1;
	s5 =	sadd.s32 s21, s3  }
0x9d: {  	[timem:s7], [sflag:s22] =	dma.local [hbm:s5], s20  }
0x9e: {  	_ =	swait.ge [sflag:s22], s20  }
0x9f: {  	s4 =	ssub.s32 $0x0, s20;
	[sflag:s22] =	ssyncset.done $0x0  }
0xa0: {  	[sflag:s22] =	ssyncadd.s32 s4;
	_ =	sdelay $0x1  }
0xa1: {  	s23 =	simm.s32 $0x1B8B  }
0xa2: {  	_ =	swait.ge [sflag:s23], $0x1  }
0xa3: {  	[sflag:s23] =	ssyncset.done $0x0  }
0xa4: {  	s25 =	simm.s32 $0x1B8E;
	s24 =	sld [smem:$0x3FFE];
	[sflag:s23] =	ssyncadd.s32 $0xFFFFFFFF  }
0xa5: {  	s26 =	simm.s32 $execute0_lowered;
	[smem:$0x3FD2] =	sst s25  }
0xa6: {  	s5 =	sshll.u32 s26, $0x1;
	_ =	strace $0x80000049;
	[dreg:$0x1] =	wrdreg $0xFFFFFFFF  }
0xa7: {  	s28 =	simm.s32 $_size_execute0_lowered;
	s3 =	sadd.s32 s3, s5;
	[dreg:$0x0] =	wrdreg $0x0  }
0xa8: {  	s5 =	sshll.u32 s28, $0x1;
	[dreg:$0x2] =	wrdreg s3  }
0xa9: {  	[dreg:$0x3] =	wrdreg s5  }
0xaa: {  	[dreg:$0x4] =	wrdreg $0xC0  }
0xab: {  	_ =	task [dreg:s7], $0x5FFFF  }
0xac: {  	[dreg:$0x1] =	wrdreg $0xFFFFFFFF  }
0xad: {  	[dreg:$0x0] =	wrdreg $0x60  }
0xae: {  	[dreg:$0x2] =	wrdreg s2  }
0xaf: {  	[dreg:$0x3] =	wrdreg s24  }
0xb0: {  	[dreg:$0x4] =	wrdreg $0xC6800  }
0xb1: {  	[dreg:$0x5] =	wrdreg $0x9  }
0xb2: {  	_ =	task.clear_ibuf [dreg:s7], $0x6FFFF;
	_ =	strace $0x90000049  }
0xb3: {  	s29 =	simm.s32 $0x9;
	_ =	strace $0x8000004B  }
0xb4: {  	_ =	swait.ge [sflag:s29], $0x1  }
0xb5: {  	[sflag:s29] =	ssyncadd.s32 $0xFFFFFFFF  }
0xb6: {  	_ =	strace $0x9000004B  }
0xb7: {  	_ =	sfence  }
0xb8: {  	s30 =	sld [smem:$0x0];
	_ =	sdelay $0x2  }
0xb9: {  	s31 =	sshll.u32 s1, $0xD;
	s1 =	sshrl.u32 s1, $0x2  }
0xba: {  	s3 =	sand.u32 $0x4000, s31;
	s1 =	sadd.s32 s1, s30  }
0xbb: {  	s0 =	sor.u32 s3, s0;
	s1 =	sshll.u32 s1, $0x11  }
0xbc: {  	s0 =	sor.u32 s1, s0  }
0xbd: {  	s0 =	sadd.s32 $0x8F2B, s0  }
0xbe: {  	[sflag:s0] =	ssyncadd.remote.s32 $0x1  }
0xbf: {  	_ =	sfence.sel $0xFFFF  }
0xc0: {  	[dreg:$0x0] =	wrdreg $0xFFFFFFFF;
	(pc) =	sbr.abs _section_cstart, $3  }
0xc1: {  	[dreg:$0x1] =	wrdreg $0xFFFFFFFF  }
0xc2: {  	_ =	task.clear_ibuf [dreg:s7], $0x2FFFF;
	_ =	strace $0x9FFFFFFF  }
0xc3: {  	(tm) =	ssettm $0x7FFFFFFF  }
tec
execute0_lowered:
.L_overlay_start_1:
0x0: {  	(tag) =	ssettag $0x1  }
0x1: {  	s1 =	rddreg [dreg:$0x0]  }
0x2: {  	s0 =	rddreg [dreg:$0x1]  }
0x3: {  	s3 =	rddreg [dreg:$0x2];
	s4 =	simm.s32 $0x0  }
0x4: {  	s2 =	srdreg.scid;
	s9 =	stileid.u32;
	s19 =	simm.s32 $0x7680  }
0x5: {  	s20 =	simm.s32 $0x5;
	s28 =	simm.s32 $0x9E80;
	s29 =	simm.s32 $0x1  }
0x6: {  	s2 =	sand.u32 $0x1, s2;
	s5 =	sshrl.u32 s9, $0x2;
	s6 =	sshll.u32 s9, $0x8  }
0x7: {  	[smem:$0x7FF] =	sst s4;
	s5 =	smul.u32 $0x13C00, s5;
	s7 =	sshll.u32 s2, $0x7  }
0x8: {  	s6 =	sand.u32 $0x300, s6;
	s10 =	smul.u32 $0x27100, s2;
	s2 =	ssub.s32 $0x2, s2  }
0x9: {  	s6 =	sor.u32 s7, s6;
	s7 =	smul.u32 $0x4E000, s9;
	s11 =	sshrl.u32 s2, $0x1  }
0xa: {  	s30 =	simm.s32 $0x7E80;
	_ =	strace $0x8000004A;
	s2 =	ssub.s32 s2, s11  }
0xb: {  	s5 =	sor.u32 s5, s6;
	s6 =	sshrl.u32 s7, $0x2;
	s2 =	smax.u32 s2, $0x1  }
0xc: {  	s5 =	sshrl.u32 s5, $0x3;
	s16 =	sadd.s32 s6, s3;
	[dreg:$0xa] =	wrdreg s2  }
0xd: {  	s8 =	sadd.s32 s5, s0;
	s6 =	sadd.s32 $0x11800, s16;
	[dreg:$0x5] =	wrdreg s16  }
0xe: {  	s31 =	simm.s32 $0x8680;
	s12 =	sadd.s32 $0x3A00, s8;
	[dreg:$0x4] =	wrdreg s6  }
0xf: {  	s15 =	sadd.s32 $0x138000, s3;
	s13 =	sadd.s32 $0xD800, s8;
	[dreg:$0x6] =	wrdreg s12  }
0x10: {  	s18 =	smul.u32 $0x2700, s9;
	s14 =	sadd.s32 $0x22000, s8;
	[dreg:$0x7] =	wrdreg s13  }
0x11: {  	p0 =	sne.s32 s9, $0xF;
	s21 =	sadd.s32 $0x2800, s16;
	[dreg:$0x8] =	wrdreg s14  }
0x12: {  	s9 =	simm.s32 $0xAE80;
	s22 =	sadd.s32 $0x5000, s16;
	[dreg:$0xb] =	wrdreg s21  }
0x13: {  	s0 =	sadd.s32 s10, s0;
	s23 =	sadd.s32 $0x7800, s16;
	[dreg:$0xc] =	wrdreg s22  }
0x14: {  	s2 =	simm.s32 $0x3;
	s24 =	sadd.s32 $0xA000, s16;
	[dreg:$0xd] =	wrdreg s23  }
0x15: {  	s10 =	simm.s32 $0xB680;
	s25 =	sadd.s32 $0xC800, s16;
	[dreg:$0xe] =	wrdreg s24  }
0x16: {  	s17 =	sadd.s32 $0x2BE00, s0;
	s26 =	sadd.s32 $0xF000, s16;
	[dreg:$0xf] =	wrdreg s25  }
0x17: {  	s8 =	simm.s32 $0xA680;
	[dreg:$0x10] =	wrdreg s26;
	s24 =	simm.s32 $0x4F00  }
0x18: {  	[dreg:$0x9] =	wrdreg s17;
	s0 =	sadd.s32 s18, s17;
	s26 =	simm.s32 $0x50  }
0x19: {  	s23 =	simm.s32 $0x9680;
	s6 =	simm.s32 $0x2;
	s12 =	simm.s32 $0xBE80  }
0x1a: {  	v0 =	vimm.f32 $0.0e+00;
	vm0 =	vmmov $0xffff;
	s13 =	simm.s32 $0x4;
	[dreg:$0x11] =	wrdreg s0;
	s0 =	simm.s32 $0x8E80  }
.LBB2_1:
0x1b: {  	s11 =	simm.s32 $0x0;
	s14 =	simm.s32 $0x200  }
.LBB2_2:
0x1c: {  	p1 =	sne.s32 s14, $0x9E00;
	[tilespmem:s11+$0x76F0] =	vst v0  }
0x1d: {  	[tilespmem:s11+$0x7680] =	vst v0  }
0x1e: {  	[tilespmem:s11+$0x7690] =	vst v0  }
.Ltmp0:
0x1f: {  	[tilespmem:s11+$0x76A0] =	vst v0;
	(pc) =	sbr.rel @p1 .LBB2_2-.Ltmp0, $4  }
0x20: {  	[tilespmem:s11+$0x76B0] =	vst v0  }
0x21: {  	[tilespmem:s11+$0x76C0] =	vst v0  }
0x22: {  	[tilespmem:s11+$0x76D0] =	vst v0  }
0x23: {  	[tilespmem:s11+$0x76E0] =	vst v0;
	s11 =	sshra.s32 s14, $0x2;
	s14 =	sadd.s32 $0x200, s14  }
0x24: {  	[tilespmem:s11+$0x76F0] =	vst v0  }
0x25: {  	[tilespmem:s11+$0x7680] =	vst v0  }
0x26: {  	[tilespmem:s11+$0x7690] =	vst v0  }
0x27: {  	[tilespmem:s11+$0x76A0] =	vst v0  }
0x28: {  	[tilespmem:s11+$0x76B0] =	vst v0  }
0x29: {  	[tilespmem:s11+$0x76C0] =	vst v0  }
0x2a: {  	[tilespmem:s11+$0x76D0] =	vst v0  }
0x2b: {  	[tilespmem:s11+$0x76E0] =	vst v0  }
0x2c: {  	[spmem:s16] =	stream.linear.scatter [tilespmem:s19], [sflag:$0x5], $0x2800, $0x38;
	[tilespmem:$0x1FF00] =	vst v63  }
0x2d: {  	_ =	swait.ge [sflag:s20], $0x2800  }
0x2e: {  	[sflag:s20] =	ssyncset.done $0x0  }
0x2f: {  	s5 =	rddreg [dreg:$0xb];
	[sflag:s20] =	ssyncadd.s32 $0xFFFFD800  }
0x30: {  	[spmem:s5] =	stream.linear.scatter [tilespmem:s19], [sflag:$0x5], $0x2800, $0x38;
	[tilespmem:$0x1FF00] =	vst v63  }
0x31: {  	_ =	swait.ge [sflag:s20], $0x2800  }
0x32: {  	[sflag:s20] =	ssyncset.done $0x0  }
0x33: {  	s22 =	rddreg [dreg:$0xc];
	[sflag:s20] =	ssyncadd.s32 $0xFFFFD800  }
0x34: {  	[spmem:s22] =	stream.linear.scatter [tilespmem:s19], [sflag:$0x5], $0x2800, $0x38;
	[tilespmem:$0x1FF00] =	vst v63  }
0x35: {  	_ =	swait.ge [sflag:s20], $0x2800  }
0x36: {  	[sflag:s20] =	ssyncset.done $0x0  }
0x37: {  	s25 =	rddreg [dreg:$0xd];
	[sflag:s20] =	ssyncadd.s32 $0xFFFFD800  }
0x38: {  	[spmem:s25] =	stream.linear.scatter [tilespmem:s19], [sflag:$0x5], $0x2800, $0x38;
	[tilespmem:$0x1FF00] =	vst v63  }
0x39: {  	_ =	swait.ge [sflag:s20], $0x2800  }
0x3a: {  	[sflag:s20] =	ssyncset.done $0x0  }
0x3b: {  	s7 =	rddreg [dreg:$0xe];
	[sflag:s20] =	ssyncadd.s32 $0xFFFFD800  }
0x3c: {  	[spmem:s7] =	stream.linear.scatter [tilespmem:s19], [sflag:$0x5], $0x2800, $0x38;
	[tilespmem:$0x1FF00] =	vst v63  }
0x3d: {  	_ =	swait.ge [sflag:s20], $0x2800  }
0x3e: {  	[sflag:s20] =	ssyncset.done $0x0  }
0x3f: {  	s11 =	rddreg [dreg:$0xf];
	[sflag:s20] =	ssyncadd.s32 $0xFFFFD800  }
0x40: {  	[spmem:s11] =	stream.linear.scatter [tilespmem:s19], [sflag:$0x5], $0x2800, $0x38;
	[tilespmem:$0x1FF00] =	vst v63  }
0x41: {  	_ =	swait.ge [sflag:s20], $0x2800  }
0x42: {  	[sflag:s20] =	ssyncset.done $0x0  }
0x43: {  	s14 =	rddreg [dreg:$0x10];
	[sflag:s20] =	ssyncadd.s32 $0xFFFFD800  }
0x44: {  	[spmem:s14] =	stream.linear.scatter [tilespmem:s19], [sflag:$0x5], $0x2800, $0x38;
	[tilespmem:$0x1FF00] =	vst v63  }
0x45: {  	_ =	swait.ge [sflag:s20], $0x2800  }
0x46: {  	[sflag:s20] =	ssyncset.done $0x0  }
0x47: {  	s7 =	rddreg [dreg:$0x4];
	[sflag:s20] =	ssyncadd.s32 $0xFFFFD800  }
0x48: {  	[spmem:s7] =	stream.linear.scatter [tilespmem:s19], [sflag:$0x5], $0x2000, $0x38;
	[tilespmem:$0x1FF00] =	vst v63  }
0x49: {  	_ =	swait.ge [sflag:s20], $0x2000  }
0x4a: {  	[sflag:s20] =	ssyncset.done $0x0  }
0x4b: {  	s11 =	simm.s32 @!p0 $0x7680;
	[sflag:s20] =	ssyncadd.s32 $0xFFFFE000  }
0x4c: {  	[spmem:s15] =	stream.linear.scatter @!p0 [tilespmem:s11], [sflag:$0x5], $0x800, $0x38;
	[tilespmem:$0x1FF00] =	vst v63  }
0x4d: {  	s11 =	simm.s32 @!p0 $0x5  }
0x4e: {  	_ =	swait.ge @!p0 [sflag:s11], $0x800  }
0x4f: {  	[sflag:s11] =	ssyncset.done @!p0 $0x0  }
0x50: {  	[sflag:s11] =	ssyncadd.s32 @!p0 $0xFFFFF800  }
0x51: {  	s17 =	simm.s32 $0x80;
	[bflag:$0x0] =	sbarrier.arrive $0xFFFF  }
0x52: {  	s18 =	simm.s32 $0x400;
	s14 =	simm.s32 $0x0;
	s16 =	rddreg [dreg:$0x6]  }
0x53: {  	[tilespmem:s14], [sflag:$0x5] =	stream.strided.gather [hbm4b:s16+s17], $0x2780, s18, s17, $0x38;
	[tilespmem:$0x1FF00] =	vst v63  }
0x54: {  	_ =	swait.ge [sflag:s20], $0x2780  }
0x55: {  	[sflag:s20] =	ssyncset.done $0x0  }
0x56: {  	s22 =	simm.s32 $0x2780;
	s21 =	rddreg [dreg:$0x7];
	[sflag:s20] =	ssyncadd.s32 $0xFFFFD880  }
0x57: {  	[tilespmem:s22], [sflag:$0x5] =	stream.strided.gather [hbm4b:s21+s17], $0x2780, s18, s17, $0x38;
	[tilespmem:$0x1FF00] =	vst v63  }
0x58: {  	_ =	swait.ge [sflag:s20], $0x2780  }
0x59: {  	[sflag:s20] =	ssyncset.done $0x0  }
0x5a: {  	s25 =	rddreg [dreg:$0x8];
	[sflag:s20] =	ssyncadd.s32 $0xFFFFD880  }
0x5b: {  	[tilespmem:s24], [sflag:$0x5] =	stream.strided.gather [hbm4b:s25+s17], $0x2780, s18, s17, $0x38;
	[tilespmem:$0x1FF00] =	vst v63  }
0x5c: {  	_ =	swait.ge [sflag:s20], $0x2780  }
0x5d: {  	[sflag:s20] =	ssyncset.done $0x0  }
0x5e: {  	[sflag:s20] =	ssyncadd.s32 $0xFFFFD880  }
0x5f: {  	[tilespmem:s19], [sflag:$0x1] =	stream.indirect.gather [hbm4b:s1+s26], $0x80, s14, s26, $0xb8;
	[tilespmem:$0x1FF00] =	vst v63  }
0x60: {  	s5 =	smov.u32 s15;
	s15 =	simm.s32 $0x0  }
0x61: {  	[tilespmem:s28], [sflag:$0x2] =	stream.indirect.gather [hbm4b:s1+s26], $0x80, s26, s26, $0xb8;
	[tilespmem:$0x1FF00] =	vst v63  }
.LBB2_4:
0x62: {  	s11 =	sadd.s32 $0xFFFFFFFC, s14  }
0x63: {  	s25 =	sadd.s32 $0x4, s11  }
0x64: {  	s16 =	sadd.s32 $0x6, s11;
	v2 =	vmov s25  }
0x65: {  	_ =	swait.ge [sflag:s29], $0x2800;
	v1 =	vmov s16;
	v2 =	vand.u32 $0xFFFFFFFC, v2  }
0x66: {  	[sflag:s29] =	ssyncset.done $0x0;
	v1 =	vand.u32 $0xFFFFFFFE, v1;
	v2 =	vbroadcast v2, $0x0  }
0x67: {  	[sflag:s29] =	ssyncadd.s32 $0xFFFFD800;
	s16 =	simm.s32 $0x7780;
	v1 =	vbroadcast v1, $0x0  }
0x68: {  	v3 =	vld [tilespmem:s16+$0x70]  }
0x69: {  	v5 =	vld [tilespmem:s16+$0xFFFFFF00]  }
0x6a: {  	s17 =	sadd.s32 $0x5, s11;
	v6 =	vld [tilespmem:s16+$0xFFFFFF10]  }
0x6b: {  	v4 =	vmov s17;
	v7 =	vld [tilespmem:s16+$0xFFFFFF20]  }
0x6c: {  	v4 =	vand.u32 $0xFFFFFFFD, v4;
	v2 =	vld.idx.msk [tilespmem:v2+s24+$0x0], $0xffff  }
0x6d: {  	v4 =	vbroadcast v4, $0x0;
	v1 =	vld.idx.msk [tilespmem:v1+s24+$0x0], $0xffff  }
0x6e: {  	v8 =	vld [tilespmem:s16+$0xFFFFFF30]  }
0x6f: {  	v9 =	vld [tilespmem:s16+$0xFFFFFF40]  }
0x70: {  	v10 =	vld [tilespmem:s16+$0xFFFFFF50]  }
0x71: {  	v11 =	vld [tilespmem:s16+$0xFFFFFF60];
	v5 =	vmul.f32 v5, v2  }
0x72: {  	v13 =	vld [tilespmem:s16+$0xFFFFFFD0];
	v3 =	vmul.f32 v3, v1  }
0x73: {  	v4 =	vld.idx.msk [tilespmem:v4+s24+$0x0], $0xffff;
	[tilespmem:s16+$0xFFFFFF00] =	vst v5;
	v5 =	vmul.f32 v6, v2  }
0x74: {  	v6 =	vld [tilespmem:s16+$0xFFFFFF70];
	[tilespmem:s16+$0x70] =	vst v3;
	v3 =	vmul.f32 v7, v2  }
0x75: {  	s11 =	sadd.s32 $0x7, s11;
	v7 =	vld [tilespmem:s16+$0xFFFFFF80];
	[tilespmem:s16+$0xFFFFFF10] =	vst v5;
	v5 =	vmul.f32 v8, v2  }
0x76: {  	v12 =	vmov s11;
	v8 =	vld [tilespmem:s16+$0xFFFFFF90];
	[tilespmem:s16+$0xFFFFFF20] =	vst v3;
	v3 =	vmul.f32 v9, v2  }
0x77: {  	v9 =	vld [tilespmem:s16+$0xFFFFFFA0];
	[tilespmem:s16+$0xFFFFFF30] =	vst v5;
	v5 =	vmul.f32 v10, v2  }
0x78: {  	v10 =	vld [tilespmem:s16+$0xFFFFFFB0];
	[tilespmem:s16+$0xFFFFFF40] =	vst v3;
	v3 =	vmul.f32 v11, v2  }
0x79: {  	v11 =	vld [tilespmem:s16+$0xFFFFFFC0];
	v6 =	vmul.f32 v6, v2;
	[tilespmem:s16+$0xFFFFFF50] =	vst v5  }
0x7a: {  	v14 =	vld [tilespmem:s16+$0xFFFFFFE0];
	v5 =	vmul.f32 v7, v4;
	[tilespmem:s16+$0xFFFFFF60] =	vst v3  }
0x7b: {  	v2 =	vld.idx.msk [tilespmem:v12+s24+$0x0], $0xffff;
	v3 =	vmul.f32 v8, v4;
	[tilespmem:s16+$0xFFFFFF70] =	vst v6  }
0x7c: {  	v8 =	vld [tilespmem:s16+$0xFFFFFFF0];
	[tilespmem:s16+$0xFFFFFF80] =	vst v5;
	v5 =	vmul.f32 v9, v4  }
0x7d: {  	v7 =	vld [tilespmem:s16+$0x0];
	[tilespmem:s16+$0xFFFFFF90] =	vst v3;
	v3 =	vmul.f32 v10, v4  }
0x7e: {  	v6 =	vld [tilespmem:s16+$0x10];
	v9 =	vmul.f32 v11, v4;
	[tilespmem:s16+$0xFFFFFFA0] =	vst v5  }
0x7f: {  	v10 =	vmul.f32 v13, v4;
	v5 =	vld [tilespmem:s16+$0x20];
	[tilespmem:s16+$0xFFFFFFB0] =	vst v3  }
0x80: {  	[tilespmem:s16+$0xFFFFFFC0] =	vst v9;
	v3 =	vld [tilespmem:s16+$0x30];
	v9 =	vmul.f32 v14, v4  }
0x81: {  	s18 =	simm.s32 $0x0;
	s17 =	simm.s32 $0x7780;
	[tilespmem:s16+$0xFFFFFFD0] =	vst v10;
	v8 =	vmul.f32 v8, v4;
	v4 =	vld [tilespmem:s16+$0x40]  }
.LBB2_5:
0x82: {  	s11 =	sadd.s32 s18, s14;
	s18 =	sadd.s32 $0x4, s18;
	[tilespmem:s16+$0xFFFFFFE0] =	vst v9;
	v7 =	vmul.f32 v7, v1;
	v9 =	vld [tilespmem:s16+$0x50]  }
0x83: {  	s25 =	sadd.s32 $0x4, s11;
	s21 =	sadd.s32 $0x6, s11;
	p1 =	slt.u32 s18, $0x4C;
	[tilespmem:s16+$0xFFFFFFF0] =	vst v8;
	v6 =	vmul.f32 v6, v1;
	v8 =	vld [tilespmem:s16+$0x60]  }
0x84: {  	v10 =	vmov s25;
	s25 =	sadd.s32 $0x5, s11;
	v11 =	vmov s21;
	s11 =	sadd.s32 $0x7, s11;
	[tilespmem:s16+$0x0] =	vst v7;
	v5 =	vmul.f32 v5, v1;
	v7 =	vld [tilespmem:s16+$0x80]  }
0x85: {  	v10 =	vand.u32 $0xFFFFFFFC, v10;
	v12 =	vmov s25;
	v11 =	vand.u32 $0xFFFFFFFE, v11;
	[tilespmem:s16+$0x10] =	vst v6;
	v6 =	vld [tilespmem:s16+$0x90]  }
0x86: {  	v10 =	vbroadcast v10, $0x0;
	v12 =	vand.u32 $0xFFFFFFFD, v12;
	v11 =	vbroadcast v11, $0x0;
	[tilespmem:s16+$0x20] =	vst v5;
	v5 =	vld [tilespmem:s16+$0xA0]  }
0x87: {  	v13 =	vmov s11;
	v3 =	vmul.f32 v3, v1;
	v12 =	vbroadcast v12, $0x0;
	v14 =	vld [tilespmem:s16+$0xB0]  }
0x88: {  	v4 =	vmul.f32 v4, v1;
	v9 =	vmul.f32 v9, v1;
	v15 =	vld [tilespmem:s16+$0xC0]  }
0x89: {  	[tilespmem:s16+$0x30] =	vst v3;
	v3 =	vmul.f32 v8, v1;
	v7 =	vmul.f32 v7, v2;
	v8 =	vld [tilespmem:s16+$0xD0]  }
0x8a: {  	[tilespmem:s16+$0x40] =	vst v4;
	v4 =	vmul.f32 v6, v2;
	v6 =	vld [tilespmem:s16+$0xE0]  }
0x8b: {  	[tilespmem:s16+$0x50] =	vst v9;
	v5 =	vmul.f32 v5, v2;
	v9 =	vld [tilespmem:s16+$0xF0]  }
0x8c: {  	s16 =	sadd.s32 $0x200, s16;
	v1 =	vld.idx.msk [tilespmem:v11+s24+$0x0], $0xffff;
	[tilespmem:s17+$0x60] =	vst v3;
	v3 =	vmul.f32 v14, v2  }
0x8d: {  	v11 =	vld [tilespmem:s16+$0x70];
	[tilespmem:s17+$0x80] =	vst v7;
	v7 =	vmul.f32 v15, v2  }
0x8e: {  	v10 =	vld.idx.msk [tilespmem:v10+s24+$0x0], $0xffff;
	[tilespmem:s17+$0x90] =	vst v4;
	v4 =	vmul.f32 v8, v2  }
0x8f: {  	v8 =	vld.idx.msk [tilespmem:v12+s24+$0x0], $0xffff;
	[tilespmem:s17+$0xA0] =	vst v5;
	v5 =	vmul.f32 v6, v2  }
0x90: {  	[tilespmem:s17+$0xB0] =	vst v3;
	v3 =	vmul.f32 v9, v2;
	v2 =	vld.idx.msk [tilespmem:v13+s24+$0x0], $0xffff  }
0x91: {  	v6 =	vld [tilespmem:s16+$0xFFFFFF00];
	[tilespmem:s17+$0xC0] =	vst v7  }
0x92: {  	v7 =	vld [tilespmem:s16+$0xFFFFFF10];
	v9 =	vmul.f32 v11, v1;
	[tilespmem:s17+$0xD0] =	vst v4  }
0x93: {  	v4 =	vld [tilespmem:s16+$0xFFFFFF20];
	[tilespmem:s17+$0xE0] =	vst v5  }
0x94: {  	v5 =	vld [tilespmem:s16+$0xFFFFFF30];
	[tilespmem:s16+$0x70] =	vst v9  }
0x95: {  	v9 =	vld [tilespmem:s16+$0xFFFFFF40];
	[tilespmem:s17+$0xF0] =	vst v3;
	s17 =	smov.u32 s16  }
0x96: {  	v3 =	vmul.f32 v6, v10;
	v6 =	vld [tilespmem:s16+$0xFFFFFF50]  }
0x97: {  	v7 =	vmul.f32 v7, v10;
	v11 =	vld [tilespmem:s16+$0xFFFFFF60]  }
0x98: {  	[tilespmem:s16+$0xFFFFFF00] =	vst v3;
	v3 =	vmul.f32 v4, v10;
	v4 =	vld [tilespmem:s16+$0xFFFFFF70]  }
0x99: {  	[tilespmem:s16+$0xFFFFFF10] =	vst v7;
	v5 =	vmul.f32 v5, v10;
	v7 =	vld [tilespmem:s16+$0xFFFFFF80]  }
0x9a: {  	[tilespmem:s16+$0xFFFFFF20] =	vst v3;
	v3 =	vmul.f32 v9, v10;
	v9 =	vld [tilespmem:s16+$0xFFFFFF90]  }
0x9b: {  	[tilespmem:s16+$0xFFFFFF30] =	vst v5;
	v5 =	vmul.f32 v6, v10;
	v6 =	vld [tilespmem:s16+$0xFFFFFFA0]  }
0x9c: {  	[tilespmem:s16+$0xFFFFFF40] =	vst v3;
	v3 =	vmul.f32 v11, v10;
	v11 =	vld [tilespmem:s16+$0xFFFFFFB0]  }
0x9d: {  	[tilespmem:s16+$0xFFFFFF50] =	vst v5;
	v4 =	vmul.f32 v4, v10;
	v5 =	vld [tilespmem:s16+$0xFFFFFFC0]  }
0x9e: {  	[tilespmem:s16+$0xFFFFFF60] =	vst v3;
	v3 =	vmul.f32 v7, v8;
	v10 =	vld [tilespmem:s16+$0xFFFFFFD0]  }
0x9f: {  	[tilespmem:s16+$0xFFFFFF70] =	vst v4;
	v4 =	vmul.f32 v9, v8;
	v9 =	vld [tilespmem:s16+$0xFFFFFFE0]  }
0xa0: {  	[tilespmem:s16+$0xFFFFFF80] =	vst v3;
	v3 =	vmul.f32 v6, v8;
	v12 =	vld [tilespmem:s16+$0xFFFFFFF0]  }
.Ltmp1:
0xa1: {  	[tilespmem:s16+$0xFFFFFF90] =	vst v4;
	v4 =	vmul.f32 v11, v8;
	v7 =	vld [tilespmem:s16+$0x0];
	(pc) =	sbr.rel @p1 .LBB2_5-.Ltmp1, $4  }
0xa2: {  	[tilespmem:s16+$0xFFFFFFA0] =	vst v3;
	v3 =	vmul.f32 v5, v8;
	v6 =	vld [tilespmem:s16+$0x10]  }
0xa3: {  	[tilespmem:s16+$0xFFFFFFB0] =	vst v4;
	v4 =	vmul.f32 v10, v8;
	v5 =	vld [tilespmem:s16+$0x20]  }
0xa4: {  	[tilespmem:s16+$0xFFFFFFC0] =	vst v3;
	v9 =	vmul.f32 v9, v8;
	v3 =	vld [tilespmem:s16+$0x30]  }
0xa5: {  	[tilespmem:s16+$0xFFFFFFD0] =	vst v4;
	v8 =	vmul.f32 v12, v8;
	v4 =	vld [tilespmem:s16+$0x40]  }
0xa6: {  	v10 =	vld [tilespmem:s16+$0x50];
	[tilespmem:s16+$0xFFFFFFE0] =	vst v9;
	v7 =	vmul.f32 v7, v1  }
0xa7: {  	v9 =	vld [tilespmem:s16+$0x60];
	[tilespmem:s16+$0xFFFFFFF0] =	vst v8;
	v6 =	vmul.f32 v6, v1  }
0xa8: {  	v8 =	vld [tilespmem:s16+$0x80];
	[tilespmem:s16+$0x0] =	vst v7;
	v5 =	vmul.f32 v5, v1  }
0xa9: {  	v7 =	vld [tilespmem:s16+$0x90];
	[tilespmem:s16+$0x10] =	vst v6;
	v3 =	vmul.f32 v3, v1  }
0xaa: {  	v6 =	vld [tilespmem:s16+$0xA0];
	[tilespmem:s16+$0x20] =	vst v5;
	v4 =	vmul.f32 v4, v1  }
0xab: {  	v5 =	vld [tilespmem:s16+$0xB0];
	v10 =	vmul.f32 v10, v1;
	[tilespmem:s16+$0x30] =	vst v3  }
0xac: {  	v11 =	vld [tilespmem:s16+$0xC0];
	v1 =	vmul.f32 v9, v1;
	[tilespmem:s16+$0x40] =	vst v4  }
0xad: {  	v3 =	vld [tilespmem:s16+$0xD0];
	v4 =	vmul.f32 v8, v2;
	[tilespmem:s16+$0x50] =	vst v10  }
0xae: {  	v8 =	vld [tilespmem:s16+$0xE0];
	v7 =	vmul.f32 v7, v2;
	[tilespmem:s17+$0x60] =	vst v1  }
0xaf: {  	v9 =	vld [tilespmem:s16+$0xF0];
	v1 =	vmul.f32 v6, v2;
	[tilespmem:s17+$0x80] =	vst v4  }
0xb0: {  	v4 =	vmul.f32 v5, v2;
	[tilespmem:s17+$0x90] =	vst v7  }
0xb1: {  	v5 =	vmul.f32 v11, v2;
	[tilespmem:s17+$0xA0] =	vst v1  }
0xb2: {  	v1 =	vmul.f32 v3, v2;
	[tilespmem:s17+$0xB0] =	vst v4  }
0xb3: {  	v3 =	vmul.f32 v8, v2;
	[tilespmem:s17+$0xC0] =	vst v5  }
0xb4: {  	s11 =	smul.u32 $0x280, s15;
	v2 =	vmul.f32 v9, v2;
	[tilespmem:s17+$0xD0] =	vst v1  }
0xb5: {  	[tilespmem:s17+$0xE0] =	vst v3  }
0xb6: {  	s16 =	sshra.s32 s11, $0x2;
	[tilespmem:s17+$0xF0] =	vst v2  }
0xb7: {  	v1 =	vld [tilespmem:s16+$0x2780];
	_ =	sdelay $0x7  }
0xb8: {  	[spmem:s3] =	stream.indirect_vreg.scatter.add.f32 [tilespmem:s19], [sflag:$0x3], $0x80, v1, vm0, $0xb8;
	[tilespmem:$0x1FF00] =	vst v63  }
0xb9: {  	v1 =	vld [tilespmem:s16+$0x2790];
	_ =	sdelay $0x7  }
0xba: {  	[spmem:s3] =	stream.indirect_vreg.scatter.add.f32 [tilespmem:s30], [sflag:$0x3], $0x80, v1, vm0, $0xb8;
	[tilespmem:$0x1FF00] =	vst v63  }
0xbb: {  	v1 =	vld [tilespmem:s16+$0x27A0];
	_ =	sdelay $0x7  }
0xbc: {  	[spmem:s3] =	stream.indirect_vreg.scatter.add.f32 [tilespmem:s31], [sflag:$0x3], $0x80, v1, vm0, $0xb8;
	[tilespmem:$0x1FF00] =	vst v63  }
0xbd: {  	v1 =	vld [tilespmem:s16+$0x27B0];
	_ =	sdelay $0x7  }
0xbe: {  	[spmem:s3] =	stream.indirect_vreg.scatter.add.f32 [tilespmem:s0], [sflag:$0x3], $0x80, v1, vm0, $0xb8;
	[tilespmem:$0x1FF00] =	vst v63  }
0xbf: {  	v1 =	vld [tilespmem:s16+$0x27C0];
	_ =	sdelay $0x7  }
0xc0: {  	[spmem:s3] =	stream.indirect_vreg.scatter.add.f32 [tilespmem:s23], [sflag:$0x3], $0x80, v1, vm0, $0xb8;
	[tilespmem:$0x1FF00] =	vst v63  }
0xc1: {  	_ =	swait.ge [sflag:s2], $0x800  }
0xc2: {  	[sflag:s2] =	ssyncset.done $0x0  }
0xc3: {  	[sflag:s2] =	ssyncadd.s32 $0xFFFFF800  }
0xc4: {  	_ =	swait.ge [sflag:s2], $0x800  }
0xc5: {  	[sflag:s2] =	ssyncset.done $0x0  }
0xc6: {  	[sflag:s2] =	ssyncadd.s32 $0xFFFFF800  }
0xc7: {  	_ =	swait.ge [sflag:s2], $0x800  }
0xc8: {  	[sflag:s2] =	ssyncset.done $0x0  }
0xc9: {  	[sflag:s2] =	ssyncadd.s32 $0xFFFFF800  }
0xca: {  	s7 =	sadd.s32 $0xFFFFFFFC, s14;
	_ =	swait.ge [sflag:s2], $0x800  }
0xcb: {  	s21 =	sadd.s32 $0x56, s7;
	[sflag:s2] =	ssyncset.done $0x0  }
0xcc: {  	v1 =	vmov s21;
	[sflag:s2] =	ssyncadd.s32 $0xFFFFF800  }
0xcd: {  	s22 =	sadd.s32 $0x54, s7;
	v1 =	vand.u32 $0xFFFFFFFE, v1;
	_ =	swait.ge [sflag:s2], $0x800  }
0xce: {  	v2 =	vmov s22;
	v1 =	vbroadcast v1, $0x0;
	[sflag:s2] =	ssyncset.done $0x0  }
0xcf: {  	s25 =	sadd.s32 $0xA0, s16;
	v2 =	vand.u32 $0xFFFFFFFC, v2;
	[sflag:s2] =	ssyncadd.s32 $0xFFFFF800  }
0xd0: {  	v2 =	vbroadcast v2, $0x0;
	[tilespmem:s19], [sflag:$0x1] =	stream.indirect.gather [hbm4b:s1+s26], $0x80, s25, s26, $0xb8;
	[tilespmem:$0x1FF00] =	vst v63  }
0xd1: {  	_ =	swait.ge [sflag:s6], $0x2800  }
0xd2: {  	[sflag:s6] =	ssyncset.done $0x0  }
0xd3: {  	[sflag:s6] =	ssyncadd.s32 $0xFFFFD800  }
0xd4: {  	s17 =	simm.s32 $0x9F80;
	v1 =	vld.idx.msk [tilespmem:v1+s24+$0x0], $0xffff  }
0xd5: {  	s18 =	sadd.s32 $0x55, s7;
	v3 =	vld [tilespmem:s17+$0x70]  }
0xd6: {  	v4 =	vmov s18;
	v2 =	vld.idx.msk [tilespmem:v2+s24+$0x0], $0xffff  }
0xd7: {  	v4 =	vand.u32 $0xFFFFFFFD, v4;
	v5 =	vld [tilespmem:s17+$0xFFFFFF00]  }
0xd8: {  	v4 =	vbroadcast v4, $0x0;
	v6 =	vld [tilespmem:s17+$0xFFFFFF10]  }
0xd9: {  	v7 =	vld [tilespmem:s17+$0xFFFFFF20]  }
0xda: {  	v8 =	vld [tilespmem:s17+$0xFFFFFF30]  }
0xdb: {  	v9 =	vld [tilespmem:s17+$0xFFFFFF40]  }
0xdc: {  	v10 =	vld [tilespmem:s17+$0xFFFFFF50]  }
0xdd: {  	v11 =	vld [tilespmem:s17+$0xFFFFFF60];
	v5 =	vmul.f32 v5, v2  }
0xde: {  	v4 =	vld.idx.msk [tilespmem:v4+s24+$0x0], $0xffff;
	v3 =	vmul.f32 v3, v1  }
0xdf: {  	v13 =	vld [tilespmem:s17+$0xFFFFFFD0];
	[tilespmem:s17+$0xFFFFFF00] =	vst v5;
	v5 =	vmul.f32 v6, v2  }
0xe0: {  	v6 =	vld [tilespmem:s17+$0xFFFFFF70];
	[tilespmem:s17+$0x70] =	vst v3;
	v3 =	vmul.f32 v7, v2  }
0xe1: {  	s11 =	sadd.s32 $0x57, s7;
	v7 =	vld [tilespmem:s17+$0xFFFFFF80];
	[tilespmem:s17+$0xFFFFFF10] =	vst v5;
	v5 =	vmul.f32 v8, v2  }
0xe2: {  	v12 =	vmov s11;
	v8 =	vld [tilespmem:s17+$0xFFFFFF90];
	[tilespmem:s17+$0xFFFFFF20] =	vst v3;
	v3 =	vmul.f32 v9, v2  }
0xe3: {  	v9 =	vld [tilespmem:s17+$0xFFFFFFA0];
	[tilespmem:s17+$0xFFFFFF30] =	vst v5;
	v5 =	vmul.f32 v10, v2  }
0xe4: {  	v10 =	vld [tilespmem:s17+$0xFFFFFFB0];
	[tilespmem:s17+$0xFFFFFF40] =	vst v3;
	v3 =	vmul.f32 v11, v2  }
0xe5: {  	v11 =	vld [tilespmem:s17+$0xFFFFFFC0];
	v6 =	vmul.f32 v6, v2;
	[tilespmem:s17+$0xFFFFFF50] =	vst v5  }
0xe6: {  	v14 =	vld [tilespmem:s17+$0xFFFFFFE0];
	v5 =	vmul.f32 v7, v4;
	[tilespmem:s17+$0xFFFFFF60] =	vst v3  }
0xe7: {  	v2 =	vld.idx.msk [tilespmem:v12+s24+$0x0], $0xffff;
	v3 =	vmul.f32 v8, v4;
	[tilespmem:s17+$0xFFFFFF70] =	vst v6  }
0xe8: {  	v8 =	vld [tilespmem:s17+$0xFFFFFFF0];
	[tilespmem:s17+$0xFFFFFF80] =	vst v5;
	v5 =	vmul.f32 v9, v4  }
0xe9: {  	v7 =	vld [tilespmem:s17+$0x0];
	[tilespmem:s17+$0xFFFFFF90] =	vst v3;
	v3 =	vmul.f32 v10, v4  }
0xea: {  	v6 =	vld [tilespmem:s17+$0x10];
	v9 =	vmul.f32 v11, v4;
	[tilespmem:s17+$0xFFFFFFA0] =	vst v5  }
0xeb: {  	v10 =	vmul.f32 v13, v4;
	v5 =	vld [tilespmem:s17+$0x20];
	[tilespmem:s17+$0xFFFFFFB0] =	vst v3  }
0xec: {  	[tilespmem:s17+$0xFFFFFFC0] =	vst v9;
	v3 =	vld [tilespmem:s17+$0x30];
	v9 =	vmul.f32 v14, v4  }
0xed: {  	s11 =	simm.s32 $0x0;
	s18 =	sshllo.u32 s15, $0x1;
	s25 =	simm.s32 $0x9F80;
	[tilespmem:s17+$0xFFFFFFD0] =	vst v10;
	v8 =	vmul.f32 v8, v4;
	v4 =	vld [tilespmem:s17+$0x40]  }
.LBB2_7:
0xee: {  	s21 =	sadd.s32 s11, s14;
	s11 =	sadd.s32 $0x4, s11;
	[tilespmem:s17+$0xFFFFFFE0] =	vst v9;
	v7 =	vmul.f32 v7, v1;
	v9 =	vld [tilespmem:s17+$0x50]  }
0xef: {  	s22 =	sadd.s32 $0x54, s21;
	s7 =	sadd.s32 $0x56, s21;
	p1 =	slt.u32 s11, $0x4C;
	[tilespmem:s17+$0xFFFFFFF0] =	vst v8;
	v6 =	vmul.f32 v6, v1;
	v8 =	vld [tilespmem:s17+$0x60]  }
0xf0: {  	v10 =	vmov s22;
	s22 =	sadd.s32 $0x55, s21;
	v11 =	vmov s7;
	s7 =	sadd.s32 $0x57, s21;
	[tilespmem:s17+$0x0] =	vst v7;
	v5 =	vmul.f32 v5, v1;
	v7 =	vld [tilespmem:s17+$0x80]  }
0xf1: {  	v10 =	vand.u32 $0xFFFFFFFC, v10;
	v12 =	vmov s22;
	v11 =	vand.u32 $0xFFFFFFFE, v11;
	[tilespmem:s17+$0x10] =	vst v6;
	v6 =	vld [tilespmem:s17+$0x90]  }
0xf2: {  	v10 =	vbroadcast v10, $0x0;
	v12 =	vand.u32 $0xFFFFFFFD, v12;
	v11 =	vbroadcast v11, $0x0;
	[tilespmem:s17+$0x20] =	vst v5;
	v5 =	vld [tilespmem:s17+$0xA0]  }
0xf3: {  	v13 =	vmov s7;
	v3 =	vmul.f32 v3, v1;
	v12 =	vbroadcast v12, $0x0;
	v14 =	vld [tilespmem:s17+$0xB0]  }
0xf4: {  	v4 =	vmul.f32 v4, v1;
	v9 =	vmul.f32 v9, v1;
	v15 =	vld [tilespmem:s17+$0xC0]  }
0xf5: {  	[tilespmem:s17+$0x30] =	vst v3;
	v3 =	vmul.f32 v8, v1;
	v7 =	vmul.f32 v7, v2;
	v8 =	vld [tilespmem:s17+$0xD0]  }
0xf6: {  	[tilespmem:s17+$0x40] =	vst v4;
	v4 =	vmul.f32 v6, v2;
	v6 =	vld [tilespmem:s17+$0xE0]  }
0xf7: {  	[tilespmem:s17+$0x50] =	vst v9;
	v5 =	vmul.f32 v5, v2;
	v9 =	vld [tilespmem:s17+$0xF0]  }
0xf8: {  	s17 =	sadd.s32 $0x200, s17;
	v1 =	vld.idx.msk [tilespmem:v11+s24+$0x0], $0xffff;
	[tilespmem:s25+$0x60] =	vst v3;
	v3 =	vmul.f32 v14, v2  }
0xf9: {  	v11 =	vld [tilespmem:s17+$0x70];
	[tilespmem:s25+$0x80] =	vst v7;
	v7 =	vmul.f32 v15, v2  }
0xfa: {  	v10 =	vld.idx.msk [tilespmem:v10+s24+$0x0], $0xffff;
	[tilespmem:s25+$0x90] =	vst v4;
	v4 =	vmul.f32 v8, v2  }
0xfb: {  	v8 =	vld.idx.msk [tilespmem:v12+s24+$0x0], $0xffff;
	[tilespmem:s25+$0xA0] =	vst v5;
	v5 =	vmul.f32 v6, v2  }
0xfc: {  	[tilespmem:s25+$0xB0] =	vst v3;
	v3 =	vmul.f32 v9, v2;
	v2 =	vld.idx.msk [tilespmem:v13+s24+$0x0], $0xffff  }
0xfd: {  	v6 =	vld [tilespmem:s17+$0xFFFFFF00];
	[tilespmem:s25+$0xC0] =	vst v7  }
0xfe: {  	v7 =	vld [tilespmem:s17+$0xFFFFFF10];
	v9 =	vmul.f32 v11, v1;
	[tilespmem:s25+$0xD0] =	vst v4  }
0xff: {  	v4 =	vld [tilespmem:s17+$0xFFFFFF20];
	[tilespmem:s25+$0xE0] =	vst v5  }
0x100: {  	v5 =	vld [tilespmem:s17+$0xFFFFFF30];
	[tilespmem:s17+$0x70] =	vst v9  }
0x101: {  	v9 =	vld [tilespmem:s17+$0xFFFFFF40];
	[tilespmem:s25+$0xF0] =	vst v3;
	s25 =	smov.u32 s17  }
0x102: {  	v3 =	vmul.f32 v6, v10;
	v6 =	vld [tilespmem:s17+$0xFFFFFF50]  }
0x103: {  	v7 =	vmul.f32 v7, v10;
	v11 =	vld [tilespmem:s17+$0xFFFFFF60]  }
0x104: {  	[tilespmem:s17+$0xFFFFFF00] =	vst v3;
	v3 =	vmul.f32 v4, v10;
	v4 =	vld [tilespmem:s17+$0xFFFFFF70]  }
0x105: {  	[tilespmem:s17+$0xFFFFFF10] =	vst v7;
	v5 =	vmul.f32 v5, v10;
	v7 =	vld [tilespmem:s17+$0xFFFFFF80]  }
0x106: {  	[tilespmem:s17+$0xFFFFFF20] =	vst v3;
	v3 =	vmul.f32 v9, v10;
	v9 =	vld [tilespmem:s17+$0xFFFFFF90]  }
0x107: {  	[tilespmem:s17+$0xFFFFFF30] =	vst v5;
	v5 =	vmul.f32 v6, v10;
	v6 =	vld [tilespmem:s17+$0xFFFFFFA0]  }
0x108: {  	[tilespmem:s17+$0xFFFFFF40] =	vst v3;
	v3 =	vmul.f32 v11, v10;
	v11 =	vld [tilespmem:s17+$0xFFFFFFB0]  }
0x109: {  	[tilespmem:s17+$0xFFFFFF50] =	vst v5;
	v4 =	vmul.f32 v4, v10;
	v5 =	vld [tilespmem:s17+$0xFFFFFFC0]  }
0x10a: {  	[tilespmem:s17+$0xFFFFFF60] =	vst v3;
	v3 =	vmul.f32 v7, v8;
	v10 =	vld [tilespmem:s17+$0xFFFFFFD0]  }
0x10b: {  	[tilespmem:s17+$0xFFFFFF70] =	vst v4;
	v4 =	vmul.f32 v9, v8;
	v9 =	vld [tilespmem:s17+$0xFFFFFFE0]  }
0x10c: {  	[tilespmem:s17+$0xFFFFFF80] =	vst v3;
	v3 =	vmul.f32 v6, v8;
	v12 =	vld [tilespmem:s17+$0xFFFFFFF0]  }
.Ltmp2:
0x10d: {  	[tilespmem:s17+$0xFFFFFF90] =	vst v4;
	v4 =	vmul.f32 v11, v8;
	v7 =	vld [tilespmem:s17+$0x0];
	(pc) =	sbr.rel @p1 .LBB2_7-.Ltmp2, $4  }
0x10e: {  	[tilespmem:s17+$0xFFFFFFA0] =	vst v3;
	v3 =	vmul.f32 v5, v8;
	v6 =	vld [tilespmem:s17+$0x10]  }
0x10f: {  	[tilespmem:s17+$0xFFFFFFB0] =	vst v4;
	v4 =	vmul.f32 v10, v8;
	v5 =	vld [tilespmem:s17+$0x20]  }
0x110: {  	[tilespmem:s17+$0xFFFFFFC0] =	vst v3;
	v9 =	vmul.f32 v9, v8;
	v3 =	vld [tilespmem:s17+$0x30]  }
0x111: {  	[tilespmem:s17+$0xFFFFFFD0] =	vst v4;
	v8 =	vmul.f32 v12, v8;
	v4 =	vld [tilespmem:s17+$0x40]  }
0x112: {  	v10 =	vld [tilespmem:s17+$0x50]  }
0x113: {  	[tilespmem:s17+$0xFFFFFFE0] =	vst v9;
	v7 =	vmul.f32 v7, v1;
	v54 =	vld [tilespmem:s17+$0x60]  }
0x114: {  	v55 =	vld [tilespmem:s17+$0x80];
	[tilespmem:s17+$0xFFFFFFF0] =	vst v8;
	v6 =	vmul.f32 v6, v1  }
0x115: {  	v56 =	vld [tilespmem:s17+$0x90];
	[tilespmem:s17+$0x0] =	vst v7;
	v5 =	vmul.f32 v5, v1  }
0x116: {  	v57 =	vld [tilespmem:s17+$0xA0];
	[tilespmem:s17+$0x10] =	vst v6;
	v3 =	vmul.f32 v3, v1  }
0x117: {  	v58 =	vld [tilespmem:s17+$0xB0];
	[tilespmem:s17+$0x20] =	vst v5;
	v4 =	vmul.f32 v4, v1  }
0x118: {  	v11 =	vld [tilespmem:s17+$0xC0];
	v10 =	vmul.f32 v10, v1;
	[tilespmem:s17+$0x30] =	vst v3  }
0x119: {  	v60 =	vld [tilespmem:s17+$0xE0];
	v59 =	vmul.f32 v55, v2;
	[tilespmem:s17+$0x40] =	vst v4  }
0x11a: {  	v3 =	vld [tilespmem:s17+$0xD0];
	v7 =	vmul.f32 v56, v2;
	[tilespmem:s17+$0x50] =	vst v10  }
0x11b: {  	v61 =	vld [tilespmem:s17+$0xF0];
	v1 =	vmul.f32 v54, v1;
	[tilespmem:s25+$0x80] =	vst v59  }
0x11c: {  	v62 =	vmul.f32 v58, v2;
	[tilespmem:s25+$0x90] =	vst v7  }
0x11d: {  	[tilespmem:s25+$0x60] =	vst v1;
	v1 =	vmul.f32 v57, v2  }
0x11e: {  	v63 =	vmul.f32 v11, v2;
	[tilespmem:s25+$0xB0] =	vst v62  }
0x11f: {  	[tilespmem:s25+$0xA0] =	vst v1;
	v1 =	vmul.f32 v3, v2  }
0x120: {  	[tilespmem:s25+$0xC0] =	vst v63;
	v3 =	vmul.f32 v60, v2  }
0x121: {  	s7 =	smul.u32 $0x140, s18;
	v2 =	vmul.f32 v61, v2;
	[tilespmem:s25+$0xD0] =	vst v1  }
0x122: {  	[tilespmem:s25+$0xE0] =	vst v3  }
0x123: {  	s7 =	sshra.s32 s7, $0x2;
	[tilespmem:s25+$0xF0] =	vst v2  }
0x124: {  	v1 =	vld [tilespmem:s7+$0x2780];
	_ =	sdelay $0x7  }
0x125: {  	[spmem:s3] =	stream.indirect_vreg.scatter.add.f32 [tilespmem:s28], [sflag:$0x4], $0x80, v1, vm0, $0xb8;
	[tilespmem:$0x1FF00] =	vst v63  }
0x126: {  	v1 =	vld [tilespmem:s7+$0x2790];
	_ =	sdelay $0x7  }
0x127: {  	[spmem:s3] =	stream.indirect_vreg.scatter.add.f32 [tilespmem:s8], [sflag:$0x4], $0x80, v1, vm0, $0xb8;
	[tilespmem:$0x1FF00] =	vst v63  }
0x128: {  	v1 =	vld [tilespmem:s7+$0x27A0];
	_ =	sdelay $0x7  }
0x129: {  	[spmem:s3] =	stream.indirect_vreg.scatter.add.f32 [tilespmem:s9], [sflag:$0x4], $0x80, v1, vm0, $0xb8;
	[tilespmem:$0x1FF00] =	vst v63  }
0x12a: {  	v1 =	vld [tilespmem:s7+$0x27B0];
	_ =	sdelay $0x7  }
0x12b: {  	[spmem:s3] =	stream.indirect_vreg.scatter.add.f32 [tilespmem:s10], [sflag:$0x4], $0x80, v1, vm0, $0xb8;
	[tilespmem:$0x1FF00] =	vst v63  }
0x12c: {  	v1 =	vld [tilespmem:s7+$0x27C0];
	_ =	sdelay $0x7  }
0x12d: {  	[spmem:s3] =	stream.indirect_vreg.scatter.add.f32 [tilespmem:s12], [sflag:$0x4], $0x80, v1, vm0, $0xb8;
	[tilespmem:$0x1FF00] =	vst v63  }
0x12e: {  	_ =	swait.ge [sflag:s13], $0x800  }
0x12f: {  	[sflag:s13] =	ssyncset.done $0x0  }
0x130: {  	[sflag:s13] =	ssyncadd.s32 $0xFFFFF800  }
0x131: {  	_ =	swait.ge [sflag:s13], $0x800  }
0x132: {  	[sflag:s13] =	ssyncset.done $0x0  }
0x133: {  	[sflag:s13] =	ssyncadd.s32 $0xFFFFF800  }
0x134: {  	_ =	swait.ge [sflag:s13], $0x800  }
0x135: {  	[sflag:s13] =	ssyncset.done $0x0  }
0x136: {  	[sflag:s13] =	ssyncadd.s32 $0xFFFFF800  }
0x137: {  	p1 =	seq.s32 s15, $0x3D;
	_ =	swait.ge [sflag:s13], $0x800  }
.Ltmp3:
0x138: {  	[sflag:s13] =	ssyncset.done $0x0;
	(pc) =	sbr.rel @p1 .LBB2_10-.Ltmp3, $4  }
0x139: {  	[sflag:s13] =	ssyncadd.s32 $0xFFFFF800  }
0x13a: {  	_ =	swait.ge [sflag:s13], $0x800  }
0x13b: {  	[sflag:s13] =	ssyncset.done $0x0  }
0x13c: {  	[sflag:s13] =	ssyncadd.s32 $0xFFFFF800  }
.Ltmp4:
0x13d: {  	(pc) =	sbr.rel .LBB2_4-.Ltmp4, $3  }
0x13e: {  	_ =	sdelay $0x1  }
0x13f: {  	s7 =	sadd.s32 $0xF0, s16;
	s15 =	sadd.s32 $0x1, s15;
	s14 =	sadd.s32 $0xA0, s14  }
0x140: {  	[tilespmem:s28], [sflag:$0x2] =	stream.indirect.gather [hbm4b:s1+s26], $0x80, s7, s26, $0xb8;
	[tilespmem:$0x1FF00] =	vst v63  }
.LBB2_10:
0x141: {  	s7 =	simm.s32 $0x26C0  }
0x142: {  	s21 =	simm.s32 $0x26C2;
	v1 =	vmov s7  }
0x143: {  	v2 =	vmov s21;
	v1 =	vand.u32 $0xFFFFFFFC, v1  }
0x144: {  	v2 =	vand.u32 $0xFFFFFFFE, v2;
	v1 =	vbroadcast v1, $0x0  }
0x145: {  	v2 =	vbroadcast v2, $0x0  }
0x146: {  	_ =	swait.ge [sflag:s29], $0x2800  }
0x147: {  	[sflag:s29] =	ssyncset.done $0x0  }
0x148: {  	s14 =	simm.s32 $0x7780;
	[sflag:s29] =	ssyncadd.s32 $0xFFFFD800  }
0x149: {  	v4 =	vld [tilespmem:s14+$0x70]  }
0x14a: {  	s22 =	simm.s32 $0x26C1;
	v3 =	vld.idx.msk [tilespmem:v1+s24+$0x0], $0xffff  }
0x14b: {  	v1 =	vld.idx.msk [tilespmem:v2+s24+$0x0], $0xffff;
	v2 =	vmov s22  }
0x14c: {  	v5 =	vld [tilespmem:s14+$0xFFFFFF00];
	v2 =	vand.u32 $0xFFFFFFFD, v2  }
0x14d: {  	v6 =	vld [tilespmem:s14+$0xFFFFFF10];
	v2 =	vbroadcast v2, $0x0  }
0x14e: {  	v7 =	vld [tilespmem:s14+$0xFFFFFF20]  }
0x14f: {  	v8 =	vld [tilespmem:s14+$0xFFFFFF30]  }
0x150: {  	v9 =	vld [tilespmem:s14+$0xFFFFFF40]  }
0x151: {  	v10 =	vld [tilespmem:s14+$0xFFFFFF50]  }
0x152: {  	v11 =	vld [tilespmem:s14+$0xFFFFFF60];
	v5 =	vmul.f32 v5, v3  }
0x153: {  	v12 =	vld.idx.msk [tilespmem:v2+s24+$0x0], $0xffff;
	v2 =	vmul.f32 v4, v1  }
0x154: {  	[tilespmem:s14+$0xFFFFFF00] =	vst v5;
	v5 =	vld [tilespmem:s14+$0xFFFFFF70];
	v4 =	vmul.f32 v6, v3  }
0x155: {  	v6 =	vld [tilespmem:s14+$0xFFFFFF80];
	[tilespmem:s14+$0x70] =	vst v2;
	v2 =	vmul.f32 v7, v3  }
0x156: {  	s25 =	simm.s32 $0x26C3;
	[tilespmem:s14+$0xFFFFFF10] =	vst v4;
	v4 =	vmul.f32 v8, v3;
	v7 =	vld [tilespmem:s14+$0xFFFFFF90]  }
0x157: {  	v8 =	vmov s25;
	[tilespmem:s14+$0xFFFFFF20] =	vst v2;
	v2 =	vmul.f32 v9, v3;
	v9 =	vld [tilespmem:s14+$0xFFFFFFA0]  }
0x158: {  	[tilespmem:s14+$0xFFFFFF30] =	vst v4;
	v4 =	vmul.f32 v10, v3;
	v10 =	vld [tilespmem:s14+$0xFFFFFFB0]  }
0x159: {  	[tilespmem:s14+$0xFFFFFF40] =	vst v2;
	v2 =	vmul.f32 v11, v3;
	v11 =	vld [tilespmem:s14+$0xFFFFFFC0]  }
0x15a: {  	[tilespmem:s14+$0xFFFFFF50] =	vst v4;
	v4 =	vmul.f32 v6, v12;
	v6 =	vld [tilespmem:s14+$0xFFFFFFD0]  }
0x15b: {  	v3 =	vmul.f32 v5, v3;
	v5 =	vld [tilespmem:s14+$0xFFFFFFE0];
	[tilespmem:s14+$0xFFFFFF60] =	vst v2  }
0x15c: {  	v7 =	vmul.f32 v7, v12;
	v2 =	vld.idx.msk [tilespmem:v8+s24+$0x0], $0xffff;
	[tilespmem:s14+$0xFFFFFF80] =	vst v4  }
0x15d: {  	[tilespmem:s14+$0xFFFFFF70] =	vst v3;
	v8 =	vld [tilespmem:s14+$0xFFFFFFF0];
	v3 =	vmul.f32 v9, v12  }
0x15e: {  	[tilespmem:s14+$0xFFFFFF90] =	vst v7;
	v4 =	vmul.f32 v10, v12;
	v10 =	vld [tilespmem:s14+$0x0]  }
0x15f: {  	v7 =	vld [tilespmem:s14+$0x10];
	[tilespmem:s14+$0xFFFFFFA0] =	vst v3;
	v3 =	vmul.f32 v11, v12  }
0x160: {  	[tilespmem:s14+$0xFFFFFFB0] =	vst v4;
	v4 =	vmul.f32 v6, v12;
	v6 =	vld [tilespmem:s14+$0x20]  }
0x161: {  	[tilespmem:s14+$0xFFFFFFC0] =	vst v3;
	v3 =	vmul.f32 v5, v12;
	v5 =	vld [tilespmem:s14+$0x30]  }
0x162: {  	[tilespmem:s14+$0xFFFFFFD0] =	vst v4;
	v4 =	vld [tilespmem:s14+$0x40];
	v9 =	vmul.f32 v8, v12  }
0x163: {  	s11 =	simm.s32 $0x0;
	s15 =	simm.s32 $0x7780;
	v8 =	vmul.f32 v10, v1;
	[tilespmem:s14+$0xFFFFFFE0] =	vst v3;
	v3 =	vld [tilespmem:s14+$0x50]  }
.LBB2_11:
0x164: {  	s7 =	sadd.s32 $0x26C7, s11;
	[tilespmem:s14+$0xFFFFFFF0] =	vst v9;
	v7 =	vmul.f32 v7, v1;
	v9 =	vld [tilespmem:s14+$0x60]  }
0x165: {  	s16 =	sadd.s32 $0x26C4, s11;
	s17 =	sadd.s32 $0x26C5, s11;
	v10 =	vmov s7;
	[tilespmem:s14+$0x0] =	vst v8;
	v6 =	vmul.f32 v6, v1;
	v8 =	vld [tilespmem:s14+$0x80]  }
0x166: {  	v11 =	vmov s16;
	v12 =	vmov s17;
	[tilespmem:s14+$0x10] =	vst v7;
	v5 =	vmul.f32 v5, v1;
	v7 =	vld [tilespmem:s14+$0x90]  }
0x167: {  	s7 =	sadd.s32 $0x26C6, s11;
	s11 =	sadd.s32 $0x4, s11;
	v11 =	vand.u32 $0xFFFFFFFC, v11;
	v12 =	vand.u32 $0xFFFFFFFD, v12;
	[tilespmem:s14+$0x20] =	vst v6;
	v4 =	vmul.f32 v4, v1;
	v6 =	vld [tilespmem:s14+$0xA0]  }
0x168: {  	v13 =	vmov s7;
	p1 =	slt.u32 s11, $0x4C;
	v11 =	vbroadcast v11, $0x0;
	[tilespmem:s14+$0x30] =	vst v5;
	v3 =	vmul.f32 v3, v1;
	v5 =	vld [tilespmem:s14+$0xB0]  }
0x169: {  	v12 =	vbroadcast v12, $0x0;
	v13 =	vand.u32 $0xFFFFFFFE, v13;
	[tilespmem:s14+$0x40] =	vst v4;
	v1 =	vmul.f32 v9, v1;
	v4 =	vld [tilespmem:s14+$0xC0]  }
0x16a: {  	v9 =	vbroadcast v13, $0x0;
	[tilespmem:s14+$0x50] =	vst v3;
	v3 =	vmul.f32 v8, v2;
	v8 =	vld [tilespmem:s14+$0xD0]  }
0x16b: {  	[tilespmem:s14+$0x60] =	vst v1;
	v1 =	vmul.f32 v7, v2;
	v7 =	vld [tilespmem:s14+$0xE0]  }
0x16c: {  	[tilespmem:s14+$0x80] =	vst v3;
	v3 =	vmul.f32 v6, v2;
	v6 =	vld [tilespmem:s14+$0xF0]  }
0x16d: {  	v10 =	vld.idx.msk [tilespmem:v10+s24+$0x0], $0xffff;
	[tilespmem:s14+$0x90] =	vst v1;
	v1 =	vmul.f32 v5, v2  }
0x16e: {  	v5 =	vld.idx.msk [tilespmem:v11+s24+$0x0], $0xffff;
	[tilespmem:s14+$0xA0] =	vst v3;
	v3 =	vmul.f32 v4, v2  }
0x16f: {  	v4 =	vld.idx.msk [tilespmem:v12+s24+$0x0], $0xffff;
	[tilespmem:s14+$0xB0] =	vst v1;
	v8 =	vmul.f32 v8, v2  }
0x170: {  	s14 =	sadd.s32 $0x200, s14;
	v1 =	vld.idx.msk [tilespmem:v9+s24+$0x0], $0xffff;
	[tilespmem:s15+$0xC0] =	vst v3;
	v3 =	vmul.f32 v7, v2  }
0x171: {  	v7 =	vld [tilespmem:s14+$0x70];
	[tilespmem:s15+$0xD0] =	vst v8;
	v8 =	vmul.f32 v6, v2  }
0x172: {  	v6 =	vld [tilespmem:s14+$0xFFFFFF00];
	[tilespmem:s15+$0xE0] =	vst v3  }
0x173: {  	v2 =	vmov v10;
	v3 =	vld [tilespmem:s14+$0xFFFFFF10];
	[tilespmem:s15+$0xF0] =	vst v8;
	s15 =	smov.u32 s14  }
0x174: {  	v8 =	vld [tilespmem:s14+$0xFFFFFF20]  }
0x175: {  	v9 =	vld [tilespmem:s14+$0xFFFFFF30]  }
0x176: {  	v10 =	vld [tilespmem:s14+$0xFFFFFF40];
	v7 =	vmul.f32 v7, v1  }
0x177: {  	v6 =	vmul.f32 v6, v5;
	v11 =	vld [tilespmem:s14+$0xFFFFFF50]  }
0x178: {  	v3 =	vmul.f32 v3, v5;
	v12 =	vld [tilespmem:s14+$0xFFFFFF60];
	[tilespmem:s14+$0x70] =	vst v7  }
0x179: {  	[tilespmem:s14+$0xFFFFFF00] =	vst v6;
	v6 =	vmul.f32 v8, v5;
	v7 =	vld [tilespmem:s14+$0xFFFFFF70]  }
0x17a: {  	[tilespmem:s14+$0xFFFFFF10] =	vst v3;
	v3 =	vmul.f32 v9, v5;
	v8 =	vld [tilespmem:s14+$0xFFFFFF80]  }
0x17b: {  	[tilespmem:s14+$0xFFFFFF20] =	vst v6;
	v6 =	vmul.f32 v10, v5;
	v9 =	vld [tilespmem:s14+$0xFFFFFF90]  }
0x17c: {  	[tilespmem:s14+$0xFFFFFF30] =	vst v3;
	v3 =	vmul.f32 v11, v5;
	v10 =	vld [tilespmem:s14+$0xFFFFFFA0]  }
0x17d: {  	[tilespmem:s14+$0xFFFFFF40] =	vst v6;
	v6 =	vmul.f32 v12, v5;
	v11 =	vld [tilespmem:s14+$0xFFFFFFB0]  }
0x17e: {  	[tilespmem:s14+$0xFFFFFF50] =	vst v3;
	v3 =	vmul.f32 v7, v5;
	v5 =	vld [tilespmem:s14+$0xFFFFFFC0]  }
0x17f: {  	[tilespmem:s14+$0xFFFFFF60] =	vst v6;
	v6 =	vmul.f32 v8, v4;
	v8 =	vld [tilespmem:s14+$0xFFFFFFD0]  }
0x180: {  	[tilespmem:s14+$0xFFFFFF70] =	vst v3;
	v3 =	vmul.f32 v9, v4;
	v9 =	vld [tilespmem:s14+$0xFFFFFFE0]  }
0x181: {  	[tilespmem:s14+$0xFFFFFF80] =	vst v6;
	v6 =	vmul.f32 v10, v4;
	v10 =	vld [tilespmem:s14+$0xFFFFFFF0]  }
0x182: {  	[tilespmem:s14+$0xFFFFFF90] =	vst v3;
	v3 =	vmul.f32 v11, v4;
	v11 =	vld [tilespmem:s14+$0x0]  }
.Ltmp5:
0x183: {  	[tilespmem:s14+$0xFFFFFFA0] =	vst v6;
	v5 =	vmul.f32 v5, v4;
	v7 =	vld [tilespmem:s14+$0x10];
	(pc) =	sbr.rel @p1 .LBB2_11-.Ltmp5, $4  }
0x184: {  	[tilespmem:s14+$0xFFFFFFB0] =	vst v3;
	v3 =	vmul.f32 v8, v4;
	v6 =	vld [tilespmem:s14+$0x20]  }
0x185: {  	[tilespmem:s14+$0xFFFFFFC0] =	vst v5;
	v8 =	vmul.f32 v9, v4;
	v5 =	vld [tilespmem:s14+$0x30]  }
0x186: {  	[tilespmem:s14+$0xFFFFFFD0] =	vst v3;
	v9 =	vmul.f32 v10, v4;
	v4 =	vld [tilespmem:s14+$0x40]  }
0x187: {  	[tilespmem:s14+$0xFFFFFFE0] =	vst v8;
	v8 =	vmul.f32 v11, v1;
	v3 =	vld [tilespmem:s14+$0x50]  }
0x188: {  	[tilespmem:s14+$0xFFFFFFF0] =	vst v9;
	v7 =	vmul.f32 v7, v1;
	v55 =	vld [tilespmem:s14+$0x80]  }
0x189: {  	v10 =	vld [tilespmem:s14+$0x60];
	[tilespmem:s14+$0x0] =	vst v8;
	v6 =	vmul.f32 v6, v1  }
0x18a: {  	v56 =	vld [tilespmem:s14+$0x90];
	[tilespmem:s14+$0x10] =	vst v7;
	v5 =	vmul.f32 v5, v1  }
0x18b: {  	v57 =	vld [tilespmem:s14+$0xA0];
	[tilespmem:s14+$0x20] =	vst v6;
	v4 =	vmul.f32 v4, v1  }
0x18c: {  	v58 =	vld [tilespmem:s14+$0xB0];
	[tilespmem:s14+$0x30] =	vst v5;
	v3 =	vmul.f32 v3, v1  }
0x18d: {  	v59 =	vld [tilespmem:s14+$0xC0];
	[tilespmem:s14+$0x40] =	vst v4;
	v60 =	vmul.f32 v55, v2  }
0x18e: {  	v61 =	vld [tilespmem:s14+$0xD0];
	v1 =	vmul.f32 v10, v1;
	[tilespmem:s14+$0x50] =	vst v3  }
0x18f: {  	v8 =	vmul.f32 v56, v2;
	v3 =	vld [tilespmem:s14+$0xE0];
	[tilespmem:s14+$0x80] =	vst v60  }
0x190: {  	v62 =	vld [tilespmem:s14+$0xF0];
	[tilespmem:s14+$0x60] =	vst v1;
	v1 =	vmul.f32 v57, v2  }
0x191: {  	v6 =	vmul.f32 v58, v2;
	[tilespmem:s14+$0x90] =	vst v8  }
0x192: {  	[tilespmem:s14+$0xA0] =	vst v1;
	v1 =	vmul.f32 v59, v2  }
0x193: {  	v63 =	vmul.f32 v61, v2;
	[tilespmem:s14+$0xB0] =	vst v6  }
0x194: {  	[tilespmem:s15+$0xC0] =	vst v1;
	v1 =	vmul.f32 v3, v2  }
0x195: {  	[tilespmem:s15+$0xD0] =	vst v63;
	v2 =	vmul.f32 v62, v2  }
0x196: {  	[tilespmem:s15+$0xE0] =	vst v1  }
0x197: {  	[tilespmem:s15+$0xF0] =	vst v2  }
0x198: {  	v1 =	vld [tilespmem:$0x4E40];
	_ =	sdelay $0x7  }
0x199: {  	[spmem:s3] =	stream.indirect_vreg.scatter.add.f32 [tilespmem:s19], [sflag:$0x3], $0x80, v1, vm0, $0xb8;
	[tilespmem:$0x1FF00] =	vst v63  }
0x19a: {  	v1 =	vld [tilespmem:$0x4E50];
	_ =	sdelay $0x7  }
0x19b: {  	[spmem:s3] =	stream.indirect_vreg.scatter.add.f32 [tilespmem:s30], [sflag:$0x3], $0x80, v1, vm0, $0xb8;
	[tilespmem:$0x1FF00] =	vst v63  }
0x19c: {  	v1 =	vld [tilespmem:$0x4E60];
	_ =	sdelay $0x7  }
0x19d: {  	[spmem:s3] =	stream.indirect_vreg.scatter.add.f32 [tilespmem:s31], [sflag:$0x3], $0x80, v1, vm0, $0xb8;
	[tilespmem:$0x1FF00] =	vst v63  }
0x19e: {  	v1 =	vld [tilespmem:$0x4E70];
	_ =	sdelay $0x7  }
0x19f: {  	[spmem:s3] =	stream.indirect_vreg.scatter.add.f32 [tilespmem:s0], [sflag:$0x3], $0x80, v1, vm0, $0xb8;
	[tilespmem:$0x1FF00] =	vst v63  }
0x1a0: {  	v1 =	vld [tilespmem:$0x4E80];
	_ =	sdelay $0x7  }
0x1a1: {  	[spmem:s3] =	stream.indirect_vreg.scatter.add.f32 [tilespmem:s23], [sflag:$0x3], $0x80, v1, vm0, $0xb8;
	[tilespmem:$0x1FF00] =	vst v63  }
0x1a2: {  	_ =	swait.ge [sflag:s2], $0x800  }
0x1a3: {  	[sflag:s2] =	ssyncset.done $0x0  }
0x1a4: {  	[sflag:s2] =	ssyncadd.s32 $0xFFFFF800  }
0x1a5: {  	_ =	swait.ge [sflag:s2], $0x800  }
0x1a6: {  	[sflag:s2] =	ssyncset.done $0x0  }
0x1a7: {  	[sflag:s2] =	ssyncadd.s32 $0xFFFFF800  }
0x1a8: {  	_ =	swait.ge [sflag:s2], $0x800  }
0x1a9: {  	[sflag:s2] =	ssyncset.done $0x0  }
0x1aa: {  	[sflag:s2] =	ssyncadd.s32 $0xFFFFF800  }
0x1ab: {  	_ =	swait.ge [sflag:s2], $0x800  }
0x1ac: {  	[sflag:s2] =	ssyncset.done $0x0  }
0x1ad: {  	[sflag:s2] =	ssyncadd.s32 $0xFFFFF800  }
0x1ae: {  	_ =	swait.ge [sflag:s2], $0x800  }
0x1af: {  	[sflag:s2] =	ssyncset.done $0x0  }
0x1b0: {  	[sflag:s2] =	ssyncadd.s32 $0xFFFFF800  }
0x1b1: {  	s7 =	stileid.u32;
	[bflag:$0x0] =	sbarrier.arrive $0xFFFF  }
0x1b2: {  	s7 =	sshll.u32 s7, $0x6;
	s16 =	rddreg [dreg:$0x5]  }
0x1b3: {  	s7 =	sor.u32 $0x1C05, s7;
	s22 =	rddreg [dreg:$0x11];
	s11 =	sshrl.u32 s16, $0x3  }
0x1b4: {  	[hbm:s22], [sflag:s7] =	dma.local [spmem:s11], $0x2700  }
0x1b5: {  	_ =	swait.ge [sflag:s20], $0x2700  }
0x1b6: {  	[sflag:s20] =	ssyncset.done $0x0;
	s11 =	rddreg [dreg:$0x9]  }
0x1b7: {  	s14 =	sshrl.u32 @!p0 s5, $0x3;
	[sflag:s20] =	ssyncadd.s32 $0xFFFFD900;
	s11 =	sadd.s32 @!p0 $0x27000, s11  }
0x1b8: {  	[hbm:s11], [sflag:s7] =	dma.local @!p0 [spmem:s14], $0x100  }
0x1b9: {  	s7 =	simm.s32 @!p0 $0x5  }
0x1ba: {  	_ =	swait.ge @!p0 [sflag:s7], $0x100  }
0x1bb: {  	s4 =	sadd.s32 $0x1, s4;
	s25 =	rddreg [dreg:$0xa]  }
0x1bc: {  	p1 =	sne.s32 s4, s25  }
.Ltmp6:
0x1bd: {  	_ = 	snop;
	(pc) =	sbr.rel @p1 .LBB2_1-.Ltmp6, $3  }
0x1be: {  	_ =	sdelay $0x1  }
0x1bf: {  	[sflag:s7] =	ssyncset.done @!p0 $0x0  }
0x1c0: {  	s15 =	smov.u32 s5;
	[sflag:s7] =	ssyncadd.s32 @!p0 $0xFFFFFF00  }
0x1c1: {  	_ =	sfence.sel $0x180000  }
0x1c2: {  	[bflag:$0x0] =	sbarrier.arrive $0xFFFF  }
0x1c3: {  	_ =	strace $0x9000004A  }
0x1c4: {  	s0 =	stileid.u32;
	[bflag:$0x2] =	sbarrier.arrive $0xFFFF  }
0x1c5: {  	p0 =	sne.s32 s0, $0x0;
	s0 =	rddreg [dreg:$0x3]  }
0x1c6: {  	s0 =	sadd.s32 @!p0 $0x100000, s0  }
0x1c7: {  	[sflag:s0] =	ssyncadd.tile.s32 @!p0 $0x1;
	_ =	shalt  }
.Lfunc_end2:
_tile_overlayer_lowered:
.L_overlay_start_2:
0x1c8: {  	(tag) =	ssettag $0x2  }
0x1c9: {  	s0 =	rddreg [dreg:$0x0];
	s2 =	stileid.u32  }
0x1ca: {  	s1 =	rddreg [dreg:$0x1];
	p0 =	sne.s32 s2, $0x0  }
0x1cb: {  	s3 =	rddreg [dreg:$0x2];
	[bflag:$0x3] =	sbarrier.arrive $0xFFFF;
	s2 =	simm.s32 @!p0 $0x1C05  }
0x1cc: {  	[timem:s3], [sflag:s2] =	dma.local @!p0 [hbm:s0], s1  }
0x1cd: {  	s0 =	simm.s32 @!p0 $0x5  }
0x1ce: {  	_ =	swait.ge @!p0 [sflag:s0], s1  }
0x1cf: {  	s1 =	ssub.s32 @!p0 $0x0, s1;
	[sflag:s0] =	ssyncset.done @!p0 $0x0  }
0x1d0: {  	[sflag:s0] =	ssyncadd.s32 @!p0 s1  }
0x1d1: {  	[bflag:$0x3] =	sbarrier.arrive $0xFFFF  }
0x1d2: {  	_ =	shalt  }

// kernel: kernel.15.cloned.1.call-start
scs
__scs_entry_jumppad:
0x0: {  	(pc) =	sbr.rel $0x88, $3  }
0x1: {  	(tag) =	ssettag $0x0;
	lr =	simm.s32 $0x1  }
0x2: {  	[smem:$0x3F97] =	sst lr;
	_ =	strace $0xD0000000  }
0x3: {  	_ = 	snop  }
0x4: {  	_ = 	snop  }
0x5: {  	_ = 	snop  }
0x6: {  	_ = 	snop  }
0x7: {  	_ = 	snop  }
__scs_overlays_trampoline_lowered:
0x8: {  	[smem:$0x3FA6] =	sst s0  }
0x9: {  	[smem:$0x3FA7] =	sst s1  }
0xa: {  	[smem:$0x3FA8] =	sst s2  }
0xb: {  	[smem:$0x3FA9] =	sst s3  }
0xc: {  	[smem:$0x3FAA] =	sst s4  }
0xd: {  	[smem:$0x3FAB] =	sst s5  }
0xe: {  	[smem:$0x3FAC] =	sst s6  }
0xf: {  	[smem:$0x3FAD] =	sst s7  }
0x10: {  	[smem:$0x3FAE] =	sst s8  }
0x11: {  	[smem:$0x3FAF] =	sst s9;
	s0 =	simm.s32 @!p0 $0x0  }
0x12: {  	s1 =	sld [smem:$0x3F95];
	s0 =	simm.s32 @p0 $0x1  }
0x13: {  	[smem:$0x3FB0] =	sst s0;
	s0 =	simm.s32 @!p1 $0x0  }
0x14: {  	s2 =	sld [smem:$0x3F94];
	s0 =	simm.s32 @p1 $0x1  }
0x15: {  	[smem:$0x3FB1] =	sst s0;
	s0 =	simm.s32 @!p2 $0x0  }
0x16: {  	s3 =	sld [smem:$0x3FDB];
	s0 =	simm.s32 @p2 $0x1  }
0x17: {  	s4 =	simm.s32 $0x1BF5;
	[smem:$0x3FB3] =	sst s0  }
0x18: {  	s0 =	sld [smem:$0x3F96];
	_ =	swait.ge [sflag:s4], $0x0  }
0x19: {  	s7 =	sld [smem:$0x3F97]  }
0x1a: {  	s8 =	sadd.s32 $0xFFFFE003, lr  }
0x1b: {  	s9 =	sadd.s32 $0xFFFFFEF7, lr;
	s5 =	simm.s32 $0xFFFFFFFF;
	p2 =	slt.u32 s8, $0xFFFFF086  }
0x1c: {  	p1 =	slt.u32 s9, $0xF7A;
	s5 =	simm.s32 @!p2 $0x0  }
0x1d: {  	s5 =	simm.s32 @p1 $0x1;
	p0 =	seq.s32 s7, s2  }
0x1e: {  	s7 =	smul.u32 @!p0 $0xF7A, s2;
	p2 =	seq.s32 @!p0 s5, $0x0  }
0x1f: {  	s9 =	smul.u32 $0xF7A, s1;
	s8 =	simm.s32 @!p0 $0x1BF5;
	p2 =	por !p2, p0  }
0x20: {  	[sflag:s8] =	ssyncset.s32 @!p0 $0xFFFFF086;
	s6 =	sadd.s32 @!p0 s3, s7;
	s7 =	simm.s32 @!p0 $0x108  }
0x21: {  	s3 =	sadd.s32 s3, s9;
	s6 =	sadd.s32 @!p0 $0x88, s6;
	s7 =	simm.s32 @p2 $0x1082  }
0x22: {  	[simem:s7], [sflag:s8] =	dma.local @!p0 [hbm:s6], $0xF7A  }
0x23: {  	s9 =	sor.u32 $0xD0000000, s2;
	s6 =	simm.s32 $0x108;
	_ =	swait.ge @!p0 [sflag:s8], $0x0  }
0x24: {  	s3 =	sadd.s32 $0x88, s3;
	s6 =	simm.s32 @!p1 $0x1082;
	[sflag:s4] =	ssyncset.s32 $0xFFFFF086  }
0x25: {  	[simem:s6], [sflag:s4] =	dma.local [hbm:s3], $0xF7A  }
0x26: {  	[smem:$0x3F97] =	sst s1;
	(tag) =	ssettag s2;
	_ =	strace s9  }
0x27: {  	s1 =	sld [smem:$0x3FA7]  }
0x28: {  	s2 =	sld [smem:$0x3FA8]  }
0x29: {  	s4 =	sld [smem:$0x3FAA]  }
0x2a: {  	p0 =	seq.s32 s5, $0x0;
	s5 =	sld [smem:$0x3FAB]  }
0x2b: {  	s6 =	sld [smem:$0x3FAC]  }
0x2c: {  	s7 =	sld [smem:$0x3FAD]  }
0x2d: {  	s3 =	simm.s32 $0x108;
	s8 =	sld [smem:$0x3FAE]  }
0x2e: {  	s3 =	simm.s32 @!p0 $0x1082;
	s9 =	sld [smem:$0x3FAF]  }
0x2f: {  	lr =	sadd.s32 s0, s3;
	s0 =	sld [smem:$0x3FA6]  }
0x30: {  	s3 =	sld [smem:$0x3FA9]  }
0x31: {  	[smem:$0x3FB2] =	sst s10  }
0x32: {  	s10 =	sld [smem:$0x3FB0];
	_ =	sdelay $0x3  }
0x33: {  	p0 =	seq.s32 s10, $0x1;
	s10 =	sld [smem:$0x3FB2];
	_ =	sdelay $0x3  }
0x34: {  	[smem:$0x3FB2] =	sst s10  }
0x35: {  	s10 =	sld [smem:$0x3FB1];
	_ =	sdelay $0x3  }
0x36: {  	p1 =	seq.s32 s10, $0x1;
	s10 =	sld [smem:$0x3FB2];
	_ =	sdelay $0x3  }
0x37: {  	[smem:$0x3FB2] =	sst s10  }
0x38: {  	s10 =	sld [smem:$0x3FB3]  }
0x39: {  	_ = 	snop;
	(pc) =	sbr.ind lr, $3  }
0x3a: {  	_ = 	snop  }
0x3b: {  	_ = 	snop  }
0x3c: {  	p2 =	seq.s32 s10, $0x1;
	s10 =	sld [smem:$0x3FB2]  }
0x3d: {  	_ =	shalt  }
0x3e: {  	_ =	shalt  }
0x3f: {  	_ =	shalt  }
0x40: {  	_ =	shalt  }
0x41: {  	_ =	shalt  }
0x42: {  	_ =	shalt  }
0x43: {  	_ =	shalt  }
0x44: {  	_ =	shalt  }
0x45: {  	_ =	shalt  }
0x46: {  	_ =	shalt  }
0x47: {  	_ =	shalt  }
0x48: {  	_ =	shalt  }
0x49: {  	_ =	shalt  }
0x4a: {  	_ =	shalt  }
0x4b: {  	_ =	shalt  }
0x4c: {  	_ =	shalt  }
0x4d: {  	_ =	shalt  }
0x4e: {  	_ =	shalt  }
0x4f: {  	_ =	shalt  }
0x50: {  	_ =	shalt  }
0x51: {  	_ =	shalt  }
0x52: {  	_ =	shalt  }
0x53: {  	_ =	shalt  }
0x54: {  	_ =	shalt  }
0x55: {  	_ =	shalt  }
0x56: {  	_ =	shalt  }
0x57: {  	_ =	shalt  }
0x58: {  	_ =	shalt  }
0x59: {  	_ =	shalt  }
0x5a: {  	_ =	shalt  }
0x5b: {  	_ =	shalt  }
0x5c: {  	_ =	shalt  }
0x5d: {  	_ =	shalt  }
0x5e: {  	_ =	shalt  }
0x5f: {  	_ =	shalt  }
0x60: {  	_ =	shalt  }
0x61: {  	_ =	shalt  }
0x62: {  	_ =	shalt  }
0x63: {  	_ =	shalt  }
0x64: {  	_ =	shalt  }
0x65: {  	_ =	shalt  }
0x66: {  	_ =	shalt  }
0x67: {  	_ =	shalt  }
0x68: {  	_ =	shalt  }
0x69: {  	_ =	shalt  }
0x6a: {  	_ =	shalt  }
0x6b: {  	_ =	shalt  }
0x6c: {  	_ =	shalt  }
0x6d: {  	_ =	shalt  }
0x6e: {  	_ =	shalt  }
0x6f: {  	_ =	shalt  }
0x70: {  	_ =	shalt  }
0x71: {  	_ =	shalt  }
0x72: {  	_ =	shalt  }
0x73: {  	_ =	shalt  }
0x74: {  	_ =	shalt  }
0x75: {  	_ =	shalt  }
0x76: {  	_ =	shalt  }
0x77: {  	_ =	shalt  }
0x78: {  	_ =	shalt  }
0x79: {  	_ =	shalt  }
0x7a: {  	_ =	shalt  }
0x7b: {  	_ =	shalt  }
0x7c: {  	_ =	shalt  }
0x7d: {  	_ =	shalt  }
0x7e: {  	_ =	shalt  }
0x7f: {  	_ =	shalt  }
0x80: {  	_ =	shalt  }
0x81: {  	_ =	shalt  }
0x82: {  	_ =	shalt  }
0x83: {  	_ =	shalt  }
0x84: {  	_ =	shalt  }
0x85: {  	_ =	shalt  }
0x86: {  	_ =	shalt  }
0x87: {  	_ =	shalt  }
.Lfunc_end0:
.L_simem_size_0:
called_computation.2_lowered:
.L_overlay_start_0:
0x88: {  	s2 =	sld [smem:$0x3FD9]  }
0x89: {  	s3 =	sld [smem:$0x3FFE];
	_ =	sdelay $0x1  }
0x8a: {  	s1 =	srdreg.scid  }
0x8b: {  	s0 =	sand.u32 $0x1, s1  }
0x8c: {  	s16 =	sshll.u32 s0, $0xA;
	s2 =	sadd.s32 s3, s2  }
0x8d: {  	s2 =	sadd.s32 s2, s16  }
0x8e: {  	[smem:$0x3FBE] =	sst s2  }
0x8f: {  	_ = 	snop  }
0x90: {  	(tm) =	ssettm $0x1  }
0x91: {  	s17 =	sld [smem:$0x3FFB];
	_ =	sdelay $0x3  }
0x92: {  	_ =	strace s17  }
0x93: {  	s2 =	sld [smem:$0x3FFC];
	_ =	sdelay $0x3  }
0x94: {  	_ =	strace s2  }
0x95: {  	s2 =	sld [smem:$0x3FFD];
	_ =	sdelay $0x3  }
0x96: {  	_ =	strace s2  }
0x97: {  	_ =	strace $0x8FFFFFFF  }
0x98: {  	s18 =	sld [smem:$0x3FDB];
	_ =	sdelay $0x1  }
0x99: {  	s19 =	simm.s32 $_scs_section_size  }
0x9a: {  	s4 =	simm.s32 $_size__tile_overlayer_lowered;
	s5 =	simm.s32 $_tile_overlayer_lowered  }
0x9b: {  	s22 =	simm.s32 $0x1BFF;
	s21 =	sshll.u32 s5, $0x1;
	s2 =	sadd.s32 s19, s18  }
0x9c: {  	s6 =	simm.s32 $0x0;
	s20 =	sshll.u32 s4, $0x1;
	s4 =	sadd.s32 s21, s2  }
0x9d: {  	[timem:s6], [sflag:s22] =	dma.local [hbm:s4], s20  }
0x9e: {  	_ =	swait.ge [sflag:s22], s20  }
0x9f: {  	s3 =	ssub.s32 $0x0, s20;
	[sflag:s22] =	ssyncset.done $0x0  }
0xa0: {  	[sflag:s22] =	ssyncadd.s32 s3;
	_ =	sdelay $0x1  }
0xa1: {  	s23 =	simm.s32 $0x1B8B  }
0xa2: {  	_ =	swait.ge [sflag:s23], $0x1  }
0xa3: {  	[sflag:s23] =	ssyncset.done $0x0  }
0xa4: {  	s25 =	simm.s32 $0x1B8E;
	s24 =	sld [smem:$0x3FFE];
	[sflag:s23] =	ssyncadd.s32 $0xFFFFFFFF  }
0xa5: {  	s26 =	simm.s32 $execute0_lowered;
	[smem:$0x3FD2] =	sst s25  }
0xa6: {  	s4 =	sshll.u32 s26, $0x1;
	_ =	strace $0x8000004C;
	[dreg:$0x1] =	wrdreg $0xFFFFFFFF  }
0xa7: {  	s28 =	simm.s32 $_size_execute0_lowered;
	s2 =	sadd.s32 s2, s4;
	[dreg:$0x0] =	wrdreg $0x0  }
0xa8: {  	s4 =	sshll.u32 s28, $0x1;
	[dreg:$0x2] =	wrdreg s2  }
0xa9: {  	[dreg:$0x3] =	wrdreg s4  }
0xaa: {  	[dreg:$0x4] =	wrdreg $0xC0  }
0xab: {  	_ =	task [dreg:s6], $0x5FFFF  }
0xac: {  	[dreg:$0x1] =	wrdreg $0xFFFFFFFF  }
0xad: {  	[dreg:$0x0] =	wrdreg $0x60  }
0xae: {  	[dreg:$0x2] =	wrdreg s24  }
0xaf: {  	[dreg:$0x3] =	wrdreg $0x9  }
0xb0: {  	_ =	task.clear_ibuf [dreg:s6], $0x4FFFF;
	_ =	strace $0x9000004C  }
0xb1: {  	s29 =	simm.s32 $0x9;
	_ =	strace $0x8000004E  }
0xb2: {  	_ =	swait.ge [sflag:s29], $0x1  }
0xb3: {  	[sflag:s29] =	ssyncadd.s32 $0xFFFFFFFF  }
0xb4: {  	_ =	strace $0x9000004E  }
0xb5: {  	_ =	sfence  }
0xb6: {  	s30 =	sld [smem:$0x0];
	_ =	sdelay $0x2  }
0xb7: {  	s31 =	sshll.u32 s1, $0xD;
	s1 =	sshrl.u32 s1, $0x2  }
0xb8: {  	s3 =	sand.u32 $0x4000, s31;
	s1 =	sadd.s32 s1, s30  }
0xb9: {  	s0 =	sor.u32 s3, s0;
	s1 =	sshll.u32 s1, $0x11  }
0xba: {  	s0 =	sor.u32 s1, s0  }
0xbb: {  	s0 =	sadd.s32 $0x8F2B, s0  }
0xbc: {  	[sflag:s0] =	ssyncadd.remote.s32 $0x1  }
0xbd: {  	_ =	sfence.sel $0xFFFF  }
0xbe: {  	[dreg:$0x0] =	wrdreg $0xFFFFFFFF;
	(pc) =	sbr.abs _section_cstart, $3  }
0xbf: {  	[dreg:$0x1] =	wrdreg $0xFFFFFFFF  }
0xc0: {  	_ =	task.clear_ibuf [dreg:s6], $0x2FFFF;
	_ =	strace $0x9FFFFFFF  }
0xc1: {  	(tm) =	ssettm $0x7FFFFFFF  }
tec
execute0_lowered:
.L_overlay_start_1:
0x0: {  	(tag) =	ssettag $0x1  }
0x1: {  	s5 =	rddreg [dreg:$0x0]  }
0x2: {  	s0 =	rddreg [dreg:$0x1];
	s2 =	simm.s32 $0x0  }
0x3: {  	s3 =	srdreg.scid;
	s1 =	stileid.u32;
	s10 =	simm.s32 $0x1  }
0x4: {  	s11 =	simm.s32 $0x2780;
	s12 =	simm.s32 $0x80;
	s13 =	simm.s32 $0x400  }
0x5: {  	s14 =	simm.s32 $0x4F00;
	s15 =	simm.s32 $0x7680;
	s16 =	simm.s32 $0xC580  }
0x6: {  	s4 =	sand.u32 $0x1, s3;
	s29 =	sshrl.u32 s1, $0x2;
	s6 =	sshll.u32 s1, $0x8  }
0x7: {  	s3 =	smul.u32 $0x13C00, s29;
	s7 =	sshll.u32 s4, $0x7;
	s6 =	sand.u32 $0x300, s6  }
0x8: {  	s17 =	simm.s32 $0x9E00;
	s18 =	simm.s32 $0x0;
	s6 =	sor.u32 s7, s6  }
0x9: {  	[smem:$0x7FF] =	sst s2;
	s30 =	ssub.s32 $0x2, s4;
	s6 =	sor.u32 s3, s6  }
0xa: {  	_ =	strace $0x8000004D;
	s31 =	sshrl.u32 s30, $0x1;
	s6 =	sshrl.u32 s6, $0x3  }
0xb: {  	s4 =	sadd.s32 $0x17C00, s5;
	s9 =	ssub.s32 s30, s31;
	s8 =	sadd.s32 s6, s5  }
0xc: {  	s3 =	sadd.s32 $0x17600, s5;
	s9 =	smax.u32 s9, $0x1;
	s5 =	sadd.s32 $0x3A00, s8  }
0xd: {  	v0 =	vimm.f32 $0.0e+00;
	s6 =	sadd.s32 $0xD800, s8;
	s7 =	sadd.s32 $0x22000, s8;
	s8 =	sadd.s32 $0x18200, s8  }
.LBB2_1:
0xe: {  	[tilespmem:s2], [sflag:$0x1] =	stream.linear.gather [hbm4b:s3+s2], $0x2780, $0x38;
	[tilespmem:$0xED00] =	vst v63  }
0xf: {  	_ =	swait.ge [sflag:s10], $0x2780  }
0x10: {  	[sflag:s10] =	ssyncset.done $0x0  }
0x11: {  	[sflag:s10] =	ssyncadd.s32 $0xFFFFD880  }
0x12: {  	[tilespmem:s11], [sflag:$0x1] =	stream.linear.gather [hbm4b:s4+s2], $0x2780, $0x38;
	[tilespmem:$0xED00] =	vst v63  }
0x13: {  	_ =	swait.ge [sflag:s10], $0x2780  }
0x14: {  	[sflag:s10] =	ssyncset.done $0x0  }
0x15: {  	[sflag:s10] =	ssyncadd.s32 $0xFFFFD880  }
0x16: {  	[tilespmem:s14], [sflag:$0x1] =	stream.strided.gather [hbm4b:s5+s12], $0x2780, s13, s12, $0x38;
	[tilespmem:$0xED00] =	vst v63  }
0x17: {  	_ =	swait.ge [sflag:s10], $0x2780  }
0x18: {  	[sflag:s10] =	ssyncset.done $0x0  }
0x19: {  	[sflag:s10] =	ssyncadd.s32 $0xFFFFD880  }
0x1a: {  	[tilespmem:s15], [sflag:$0x1] =	stream.strided.gather [hbm4b:s6+s12], $0x2780, s13, s12, $0x38;
	[tilespmem:$0xED00] =	vst v63  }
0x1b: {  	_ =	swait.ge [sflag:s10], $0x2780  }
0x1c: {  	[sflag:s10] =	ssyncset.done $0x0  }
0x1d: {  	s19 =	simm.s32 $0xC5C0;
	[sflag:s10] =	ssyncadd.s32 $0xFFFFD880  }
0x1e: {  	[tilespmem:s19+$0xFFFFFFC0] =	vst v0  }
0x1f: {  	[tilespmem:s19+$0x30] =	vst v0  }
0x20: {  	[tilespmem:s19+$0x20] =	vst v0  }
0x21: {  	[tilespmem:s19+$0x10] =	vst v0  }
0x22: {  	[tilespmem:s19+$0x0] =	vst v0  }
0x23: {  	[tilespmem:s19+$0xFFFFFFF0] =	vst v0  }
0x24: {  	s20 =	simm.s32 $0x0;
	[tilespmem:s19+$0xFFFFFFE0] =	vst v0  }
.LBB2_2:
0x25: {  	s20 =	sadd.s32 $0x8, s20;
	[tilespmem:s19+$0xFFFFFFD0] =	vst v0;
	s19 =	sadd.s32 $0x80, s19  }
0x26: {  	[tilespmem:s19+$0xFFFFFFC0] =	vst v0;
	p0 =	slt.u32 s20, $0x268  }
0x27: {  	[tilespmem:s19+$0x30] =	vst v0  }
.Ltmp0:
0x28: {  	[tilespmem:s19+$0x20] =	vst v0;
	(pc) =	sbr.rel @p0 .LBB2_2-.Ltmp0, $4  }
0x29: {  	[tilespmem:s19+$0x10] =	vst v0  }
0x2a: {  	[tilespmem:s19+$0x0] =	vst v0  }
0x2b: {  	[tilespmem:s19+$0xFFFFFFF0] =	vst v0  }
0x2c: {  	[tilespmem:s19+$0xFFFFFFE0] =	vst v0  }
0x2d: {  	[tilespmem:s19+$0xFFFFFFD0] =	vst v0  }
0x2e: {  	s30 =	simm.s32 $0x76A0;
	[tilespmem:$0xEC80] =	vst v0  }
0x2f: {  	s20 =	simm.s32 $0x4F20;
	v16 =	vld [tilespmem:s30+$0xFFFFFFF0]  }
0x30: {  	v1 =	vld [tilespmem:s20+$0xFFFFFFF0]  }
0x31: {  	v3 =	vld [tilespmem:s30+$0x0]  }
0x32: {  	v2 =	vld [tilespmem:s30+$0x10]  }
0x33: {  	v4 =	vld [tilespmem:s30+$0xFFFFFFE0]  }
0x34: {  	v5 =	vld [tilespmem:s20+$0x10]  }
0x35: {  	v6 =	vld [tilespmem:s20+$0xFFFFFFE0]  }
0x36: {  	v7 =	vld [tilespmem:s20+$0x0]  }
0x37: {  	v8 =	vld.idx.msk [tilespmem:v16+s11+$0x0], $0xffff  }
0x38: {  	v1 =	vld.idx.msk [tilespmem:v1+s2+$0x0], $0xffff;
	_ =	sdelay $0x2  }
0x39: {  	v9 =	vld.idx.msk [tilespmem:v3+s11+$0x0], $0xffff  }
0x3a: {  	v10 =	vld.idx.msk [tilespmem:v2+s11+$0x0], $0xffff  }
0x3b: {  	v12 =	vld.idx.msk [tilespmem:v5+s2+$0x0], $0xffff;
	v5 =	vadd.f32 v8, v1  }
0x3c: {  	v13 =	vld.idx.msk [tilespmem:v6+s2+$0x0], $0xffff  }
0x3d: {  	v8 =	vld.idx.msk [tilespmem:v7+s2+$0x0], $0xffff;
	v6 =	vmul.f32 $2.000000030e-01, v5  }
0x3e: {  	s20 =	simm.s32 $0x4F60;
	v11 =	vld.idx.msk [tilespmem:v4+s11+$0x0], $0xffff;
	vm0 =	vge.f32 v5, $0.0e+00  }
0x3f: {  	s31 =	simm.s32 $0x76E0;
	v15 =	vld [tilespmem:s20+$0xFFFFFFF0];
	v6 =	vsel vm0, v5, v6  }
0x40: {  	v1 =	vld [tilespmem:s31+$0x0];
	v14 =	vmul.f32 $1.442695020e+00, v6  }
0x41: {  	v7 =	vld [tilespmem:s31+$0x10];
	v12 =	vadd.f32 v10, v12  }
0x42: {  	v5 =	vld [tilespmem:s31+$0xFFFFFFF0];
	v18 =	vadd.f32 v9, v8;
	(erf) = vpow2.f32 v14  }
0x43: {  	v11 =	vadd.f32 v11, v13;
	v13 =	vmul.f32 $2.000000030e-01, v12;
	v6 =	vld [tilespmem:s31+$0xFFFFFFE0]  }
0x44: {  	vm13 =	vge.f32 v12, $0.0e+00;
	v14 =	vld [tilespmem:s20+$0x10];
	v19 =	vmul.f32 $2.000000030e-01, v18  }
0x45: {  	v17 =	vld [tilespmem:s20+$0xFFFFFFE0];
	v13 =	vsel vm13, v12, v13;
	vm14 =	vge.f32 v18, $0.0e+00  }
0x46: {  	v10 =	vld [tilespmem:s20+$0x0];
	v20 =	vmul.f32 $2.000000030e-01, v11;
	v62 =	vmul.f32 $1.442695020e+00, v13;
	v18 =	vsel vm14, v18, v19  }
0x47: {  	vm15 =	vge.f32 v11, $0.0e+00;
	v13 =	vld.idx.msk [tilespmem:v15+s2+$0x0], $0xffff;
	v18 =	vmul.f32 $1.442695020e+00, v18  }
0x48: {  	v15 =	vsel vm15, v11, v20;
	v8 =	vld.idx.msk [tilespmem:v1+s11+$0x0], $0xffff;
	(erf) = vpow2.f32 v62  }
0x49: {  	v20 =	vmul.f32 $1.442695020e+00, v15;
	v9 =	vld.idx.msk [tilespmem:v7+s11+$0x0], $0xffff;
	(erf) = vpow2.f32 v18  }
0x4a: {  	v12 =	vld.idx.msk [tilespmem:v5+s11+$0x0], $0xffff  }
0x4b: {  	v11 =	vld.idx.msk [tilespmem:v6+s11+$0x0], $0xffff;
	v63 =	vpop (erf);
	(erf) = vpow2.f32 v20  }
0x4c: {  	s19 =	simm.s32 $0x9E20;
	v15 =	vld.idx.msk [tilespmem:v14+s2+$0x0], $0xffff  }
0x4d: {  	v14 =	vld.idx.msk [tilespmem:v17+s2+$0x0], $0xffff;
	[tilespmem:s19+$0xFFFFFFF0] =	vst v63  }
0x4e: {  	s22 =	simm.s32 $0x4;
	s23 =	simm.s32 $0x7720;
	s21 =	simm.s32 $0x9E20;
	[tilespmem:v16+s16+$0x0] =	vst.idx.add.f32.msk $0xffff, v63  }
.LBB2_4:
0x4f: {  	v16 =	vld [tilespmem:s23+$0x0];
	s22 =	sadd.s32 $0x4, s22;
	s20 =	sadd.s32 $0x40, s20;
	s19 =	sadd.s32 $0x40, s19  }
0x50: {  	v12 =	vadd.f32 v12, v13;
	p0 =	slt.u32 s22, $0x26C;
	v10 =	vld.idx.msk [tilespmem:v10+s2+$0x0], $0xffff  }
0x51: {  	v13 =	vld [tilespmem:s23+$0x10];
	v17 =	vpop (erf)  }
0x52: {  	v19 =	vmul.f32 $2.000000030e-01, v12;
	v9 =	vadd.f32 v9, v15;
	v18 =	vld [tilespmem:s20+$0xFFFFFFF0];
	[tilespmem:s21+$0x10] =	vst v17;
	v15 =	vpop (erf)  }
0x53: {  	vm0 =	vge.f32 v12, $0.0e+00;
	v11 =	vadd.f32 v11, v14;
	v20 =	vld [tilespmem:s23+$0xFFFFFFF0];
	[tilespmem:s21+$0x0] =	vst v15  }
0x54: {  	v12 =	vsel vm0, v12, v19;
	v14 =	vmul.f32 $2.000000030e-01, v9;
	[tilespmem:v2+s16+$0x0] =	vst.idx.add.f32.msk $0xffff, v17;
	v17 =	vpop (erf);
	v2 =	vmov v7  }
0x55: {  	vm0 =	vge.f32 v9, $0.0e+00;
	v21 =	vmul.f32 $1.442695020e+00, v12;
	v19 =	vld [tilespmem:s23+$0xFFFFFFE0];
	[tilespmem:s21+$0xFFFFFFE0] =	vst v17;
	s21 =	smov.u32 s19  }
0x56: {  	v12 =	vmul.f32 $2.000000030e-01, v11;
	v10 =	vadd.f32 v8, v10;
	v8 =	vsel vm0, v9, v14;
	[tilespmem:v3+s16+$0x0] =	vst.idx.add.f32.msk $0xffff, v15  }
0x57: {  	vm0 =	vge.f32 v11, $0.0e+00;
	v14 =	vmul.f32 $1.442695020e+00, v8;
	v3 =	vmovc v1;
	v1 =	vmovc v16;
	(erf) = vpow2.f32 v21;
	[tilespmem:v4+s16+$0x0] =	vst.idx.add.f32.msk $0xffff, v17  }
0x58: {  	v8 =	vsel vm0, v11, v12;
	v7 =	vmovc v13;
	v9 =	vmul.f32 $2.000000030e-01, v10;
	v4 =	vmov v6;
	v15 =	vld [tilespmem:s20+$0x10]  }
0x59: {  	v21 =	vmul.f32 $1.442695020e+00, v8;
	vm0 =	vge.f32 v10, $0.0e+00;
	v17 =	vld [tilespmem:s20+$0xFFFFFFE0]  }
0x5a: {  	v9 =	vsel vm0, v10, v9;
	v8 =	vld.idx.msk [tilespmem:v16+s11+$0x0], $0xffff;
	v6 =	vmov v19  }
0x5b: {  	v11 =	vmul.f32 $1.442695020e+00, v9;
	v10 =	vld [tilespmem:s20+$0x0]  }
0x5c: {  	v9 =	vld.idx.msk [tilespmem:v13+s11+$0x0], $0xffff;
	(erf) = vpow2.f32 v14  }
0x5d: {  	v12 =	vld.idx.msk [tilespmem:v20+s11+$0x0], $0xffff;
	(erf) = vpow2.f32 v11  }
.Ltmp1:
0x5e: {  	v13 =	vld.idx.msk [tilespmem:v18+s2+$0x0], $0xffff;
	(pc) =	sbr.rel @p0 .LBB2_4-.Ltmp1, $4  }
0x5f: {  	v11 =	vld.idx.msk [tilespmem:v19+s11+$0x0], $0xffff;
	(erf) = vpow2.f32 v21  }
0x60: {  	v15 =	vld.idx.msk [tilespmem:v15+s2+$0x0], $0xffff;
	v16 =	vpop (erf)  }
0x61: {  	v14 =	vld.idx.msk [tilespmem:v17+s2+$0x0], $0xffff;
	[tilespmem:s19+$0xFFFFFFF0] =	vst v16  }
0x62: {  	s23 =	sadd.s32 $0x40, s23;
	[tilespmem:v5+s16+$0x0] =	vst.idx.add.f32.msk $0xffff, v16;
	v5 =	vmov v20  }
0x63: {  	_ =	sdelay $0x3  }
0x64: {  	v10 =	vld.idx.msk [tilespmem:v10+s2+$0x0], $0xffff  }
0x65: {  	v12 =	vadd.f32 v12, v13;
	_ =	sdelay $0x1  }
0x66: {  	v13 =	vmul.f32 $2.000000030e-01, v12;
	v9 =	vadd.f32 v9, v15  }
0x67: {  	vm0 =	vge.f32 v12, $0.0e+00;
	v57 =	vadd.f32 v11, v14  }
0x68: {  	v58 =	vsel vm0, v12, v13;
	v59 =	vmul.f32 $2.000000030e-01, v9;
	v8 =	vadd.f32 v8, v10  }
0x69: {  	vm12 =	vge.f32 v9, $0.0e+00;
	v11 =	vmul.f32 $1.442695020e+00, v58  }
0x6a: {  	v14 =	vmul.f32 $2.000000030e-01, v57;
	v9 =	vsel vm12, v9, v59;
	v60 =	vmul.f32 $2.000000030e-01, v8  }
0x6b: {  	vm13 =	vge.f32 v8, $0.0e+00;
	v9 =	vmul.f32 $1.442695020e+00, v9;
	(erf) = vpow2.f32 v11  }
0x6c: {  	vm14 =	vge.f32 v57, $0.0e+00;
	v8 =	vsel vm13, v8, v60  }
0x6d: {  	v10 =	vsel vm14, v57, v14;
	(erf) = vpow2.f32 v9;
	v8 =	vmul.f32 $1.442695020e+00, v8  }
0x6e: {  	v61 =	vpop (erf);
	v10 =	vmul.f32 $1.442695020e+00, v10  }
0x6f: {  	[tilespmem:s21+$0x10] =	vst v61;
	v62 =	vpop (erf);
	(erf) = vpow2.f32 v8  }
0x70: {  	[tilespmem:s21+$0x0] =	vst v62;
	(erf) = vpow2.f32 v10  }
0x71: {  	[tilespmem:v2+s16+$0x0] =	vst.idx.add.f32.msk $0xffff, v61  }
0x72: {  	v63 =	vpop (erf);
	[tilespmem:v3+s16+$0x0] =	vst.idx.add.f32.msk $0xffff, v62  }
0x73: {  	[tilespmem:s21+$0xFFFFFFE0] =	vst v63  }
0x74: {  	s19 =	sadd.s32 $0x40, s19;
	[tilespmem:v4+s16+$0x0] =	vst.idx.add.f32.msk $0xffff, v63;
	v2 =	vpop (erf)  }
0x75: {  	[tilespmem:s19+$0xFFFFFFF0] =	vst v2  }
0x76: {  	[tilespmem:v5+s16+$0x0] =	vst.idx.add.f32.msk $0xffff, v2;
	v2 =	vpop (erf)  }
0x77: {  	[tilespmem:s19+$0x10] =	vst v2  }
0x78: {  	[tilespmem:v7+s16+$0x0] =	vst.idx.add.f32.msk $0xffff, v2;
	v3 =	vpop (erf)  }
0x79: {  	[tilespmem:s19+$0x0] =	vst v3;
	v2 =	vpop (erf)  }
0x7a: {  	[tilespmem:s19+$0xFFFFFFE0] =	vst v2  }
0x7b: {  	[tilespmem:v1+s16+$0x0] =	vst.idx.add.f32.msk $0xffff, v3  }
0x7c: {  	[tilespmem:v6+s16+$0x0] =	vst.idx.add.f32.msk $0xffff, v2  }
0x7d: {  	v1 =	vld [tilespmem:$0x7600]  }
0x7e: {  	v2 =	vld [tilespmem:$0x9D80];
	_ =	sdelay $0x6  }
0x7f: {  	v1 =	vld.idx.msk [tilespmem:v1+s2+$0x0], $0xffff  }
0x80: {  	v3 =	vld.idx.msk [tilespmem:v2+s11+$0x0], $0xffff;
	_ =	sdelay $0x4  }
0x81: {  	v1 =	vadd.f32 v3, v1;
	_ =	sdelay $0x1  }
0x82: {  	v3 =	vmul.f32 $2.000000030e-01, v1  }
0x83: {  	vm15 =	vge.f32 v1, $0.0e+00  }
0x84: {  	v1 =	vsel vm15, v1, v3  }
0x85: {  	v1 =	vmul.f32 $1.442695020e+00, v1;
	_ =	sdelay $0x1  }
0x86: {  	(erf) = vpow2.f32 v1;
	_ =	sdelay $0x8  }
0x87: {  	v1 =	vpop (erf)  }
0x88: {  	[tilespmem:$0xC500] =	vst v1  }
0x89: {  	[tilespmem:v2+s16+$0x0] =	vst.idx.add.f32.msk $0xffff, v1  }
0x8a: {  	[hbm4b:s7+s12] =	stream.strided.scatter [tilespmem:s17], [sflag:$0x1], $0x2780, s13, s12, $0x38;
	[tilespmem:$0xED00] =	vst v63  }
0x8b: {  	s18 =	sadd.s32 $0x1, s18;
	_ =	swait.ge [sflag:s10], $0x2780  }
0x8c: {  	p0 =	sne.s32 s18, s9;
	[sflag:s10] =	ssyncset.done $0x0  }
.Ltmp2:
0x8d: {  	[sflag:s10] =	ssyncadd.s32 $0xFFFFD880;
	(pc) =	sbr.rel @p0 .LBB2_1-.Ltmp2, $4  }
0x8e: {  	[hbm4b:s8+s12] =	stream.strided.scatter [tilespmem:s16], [sflag:$0x1], $0x2780, s13, s12, $0x38;
	[tilespmem:$0xED00] =	vst v63  }
0x8f: {  	_ =	swait.ge [sflag:s10], $0x2780  }
0x90: {  	[sflag:s10] =	ssyncset.done $0x0  }
0x91: {  	[sflag:s10] =	ssyncadd.s32 $0xFFFFD880  }
0x92: {  	_ =	sfence.sel $0x180000  }
0x93: {  	[bflag:$0x0] =	sbarrier.arrive $0xFFFF  }
0x94: {  	p0 =	sne.s32 s1, $0x0;
	_ =	strace $0x9000004D  }
0x95: {  	s0 =	sadd.s32 @!p0 $0x100000, s0;
	[bflag:$0x2] =	sbarrier.arrive $0xFFFF  }
0x96: {  	[sflag:s0] =	ssyncadd.tile.s32 @!p0 $0x1;
	_ =	shalt  }
.Lfunc_end2:
_tile_overlayer_lowered:
.L_overlay_start_2:
0x97: {  	(tag) =	ssettag $0x2  }
0x98: {  	s0 =	rddreg [dreg:$0x0];
	s2 =	stileid.u32  }
0x99: {  	s1 =	rddreg [dreg:$0x1];
	p0 =	sne.s32 s2, $0x0  }
0x9a: {  	s3 =	rddreg [dreg:$0x2];
	[bflag:$0x3] =	sbarrier.arrive $0xFFFF;
	s2 =	simm.s32 @!p0 $0x1C01  }
0x9b: {  	[timem:s3], [sflag:s2] =	dma.local @!p0 [hbm:s0], s1  }
0x9c: {  	s0 =	simm.s32 @!p0 $0x1  }
0x9d: {  	_ =	swait.ge @!p0 [sflag:s0], s1  }
0x9e: {  	s1 =	ssub.s32 @!p0 $0x0, s1;
	[sflag:s0] =	ssyncset.done @!p0 $0x0  }
0x9f: {  	[sflag:s0] =	ssyncadd.s32 @!p0 s1  }
0xa0: {  	[bflag:$0x3] =	sbarrier.arrive $0xFFFF  }
0xa1: {  	_ =	shalt  }

// kernel: kernel.18.cloned.1.call-start
scs
__scs_entry_jumppad:
0x0: {  	(pc) =	sbr.rel $0x88, $3  }
0x1: {  	(tag) =	ssettag $0x0;
	lr =	simm.s32 $0x1  }
0x2: {  	[smem:$0x3F97] =	sst lr;
	_ =	strace $0xD0000000  }
0x3: {  	_ = 	snop  }
0x4: {  	_ = 	snop  }
0x5: {  	_ = 	snop  }
0x6: {  	_ = 	snop  }
0x7: {  	_ = 	snop  }
__scs_overlays_trampoline_lowered:
0x8: {  	[smem:$0x3FA6] =	sst s0  }
0x9: {  	[smem:$0x3FA7] =	sst s1  }
0xa: {  	[smem:$0x3FA8] =	sst s2  }
0xb: {  	[smem:$0x3FA9] =	sst s3  }
0xc: {  	[smem:$0x3FAA] =	sst s4  }
0xd: {  	[smem:$0x3FAB] =	sst s5  }
0xe: {  	[smem:$0x3FAC] =	sst s6  }
0xf: {  	[smem:$0x3FAD] =	sst s7  }
0x10: {  	[smem:$0x3FAE] =	sst s8  }
0x11: {  	[smem:$0x3FAF] =	sst s9;
	s0 =	simm.s32 @!p0 $0x0  }
0x12: {  	s1 =	sld [smem:$0x3F95];
	s0 =	simm.s32 @p0 $0x1  }
0x13: {  	[smem:$0x3FB0] =	sst s0;
	s0 =	simm.s32 @!p1 $0x0  }
0x14: {  	s2 =	sld [smem:$0x3F94];
	s0 =	simm.s32 @p1 $0x1  }
0x15: {  	[smem:$0x3FB1] =	sst s0;
	s0 =	simm.s32 @!p2 $0x0  }
0x16: {  	s3 =	sld [smem:$0x3FDB];
	s0 =	simm.s32 @p2 $0x1  }
0x17: {  	s4 =	simm.s32 $0x1BF5;
	[smem:$0x3FB3] =	sst s0  }
0x18: {  	s0 =	sld [smem:$0x3F96];
	_ =	swait.ge [sflag:s4], $0x0  }
0x19: {  	s7 =	sld [smem:$0x3F97]  }
0x1a: {  	s8 =	sadd.s32 $0xFFFFE003, lr  }
0x1b: {  	s9 =	sadd.s32 $0xFFFFFEF7, lr;
	s5 =	simm.s32 $0xFFFFFFFF;
	p2 =	slt.u32 s8, $0xFFFFF086  }
0x1c: {  	p1 =	slt.u32 s9, $0xF7A;
	s5 =	simm.s32 @!p2 $0x0  }
0x1d: {  	s5 =	simm.s32 @p1 $0x1;
	p0 =	seq.s32 s7, s2  }
0x1e: {  	s7 =	smul.u32 @!p0 $0xF7A, s2;
	p2 =	seq.s32 @!p0 s5, $0x0  }
0x1f: {  	s9 =	smul.u32 $0xF7A, s1;
	s8 =	simm.s32 @!p0 $0x1BF5;
	p2 =	por !p2, p0  }
0x20: {  	[sflag:s8] =	ssyncset.s32 @!p0 $0xFFFFF086;
	s6 =	sadd.s32 @!p0 s3, s7;
	s7 =	simm.s32 @!p0 $0x108  }
0x21: {  	s3 =	sadd.s32 s3, s9;
	s6 =	sadd.s32 @!p0 $0x88, s6;
	s7 =	simm.s32 @p2 $0x1082  }
0x22: {  	[simem:s7], [sflag:s8] =	dma.local @!p0 [hbm:s6], $0xF7A  }
0x23: {  	s9 =	sor.u32 $0xD0000000, s2;
	s6 =	simm.s32 $0x108;
	_ =	swait.ge @!p0 [sflag:s8], $0x0  }
0x24: {  	s3 =	sadd.s32 $0x88, s3;
	s6 =	simm.s32 @!p1 $0x1082;
	[sflag:s4] =	ssyncset.s32 $0xFFFFF086  }
0x25: {  	[simem:s6], [sflag:s4] =	dma.local [hbm:s3], $0xF7A  }
0x26: {  	[smem:$0x3F97] =	sst s1;
	(tag) =	ssettag s2;
	_ =	strace s9  }
0x27: {  	s1 =	sld [smem:$0x3FA7]  }
0x28: {  	s2 =	sld [smem:$0x3FA8]  }
0x29: {  	s4 =	sld [smem:$0x3FAA]  }
0x2a: {  	p0 =	seq.s32 s5, $0x0;
	s5 =	sld [smem:$0x3FAB]  }
0x2b: {  	s6 =	sld [smem:$0x3FAC]  }
0x2c: {  	s7 =	sld [smem:$0x3FAD]  }
0x2d: {  	s3 =	simm.s32 $0x108;
	s8 =	sld [smem:$0x3FAE]  }
0x2e: {  	s3 =	simm.s32 @!p0 $0x1082;
	s9 =	sld [smem:$0x3FAF]  }
0x2f: {  	lr =	sadd.s32 s0, s3;
	s0 =	sld [smem:$0x3FA6]  }
0x30: {  	s3 =	sld [smem:$0x3FA9]  }
0x31: {  	[smem:$0x3FB2] =	sst s10  }
0x32: {  	s10 =	sld [smem:$0x3FB0];
	_ =	sdelay $0x3  }
0x33: {  	p0 =	seq.s32 s10, $0x1;
	s10 =	sld [smem:$0x3FB2];
	_ =	sdelay $0x3  }
0x34: {  	[smem:$0x3FB2] =	sst s10  }
0x35: {  	s10 =	sld [smem:$0x3FB1];
	_ =	sdelay $0x3  }
0x36: {  	p1 =	seq.s32 s10, $0x1;
	s10 =	sld [smem:$0x3FB2];
	_ =	sdelay $0x3  }
0x37: {  	[smem:$0x3FB2] =	sst s10  }
0x38: {  	s10 =	sld [smem:$0x3FB3]  }
0x39: {  	_ = 	snop;
	(pc) =	sbr.ind lr, $3  }
0x3a: {  	_ = 	snop  }
0x3b: {  	_ = 	snop  }
0x3c: {  	p2 =	seq.s32 s10, $0x1;
	s10 =	sld [smem:$0x3FB2]  }
0x3d: {  	_ =	shalt  }
0x3e: {  	_ =	shalt  }
0x3f: {  	_ =	shalt  }
0x40: {  	_ =	shalt  }
0x41: {  	_ =	shalt  }
0x42: {  	_ =	shalt  }
0x43: {  	_ =	shalt  }
0x44: {  	_ =	shalt  }
0x45: {  	_ =	shalt  }
0x46: {  	_ =	shalt  }
0x47: {  	_ =	shalt  }
0x48: {  	_ =	shalt  }
0x49: {  	_ =	shalt  }
0x4a: {  	_ =	shalt  }
0x4b: {  	_ =	shalt  }
0x4c: {  	_ =	shalt  }
0x4d: {  	_ =	shalt  }
0x4e: {  	_ =	shalt  }
0x4f: {  	_ =	shalt  }
0x50: {  	_ =	shalt  }
0x51: {  	_ =	shalt  }
0x52: {  	_ =	shalt  }
0x53: {  	_ =	shalt  }
0x54: {  	_ =	shalt  }
0x55: {  	_ =	shalt  }
0x56: {  	_ =	shalt  }
0x57: {  	_ =	shalt  }
0x58: {  	_ =	shalt  }
0x59: {  	_ =	shalt  }
0x5a: {  	_ =	shalt  }
0x5b: {  	_ =	shalt  }
0x5c: {  	_ =	shalt  }
0x5d: {  	_ =	shalt  }
0x5e: {  	_ =	shalt  }
0x5f: {  	_ =	shalt  }
0x60: {  	_ =	shalt  }
0x61: {  	_ =	shalt  }
0x62: {  	_ =	shalt  }
0x63: {  	_ =	shalt  }
0x64: {  	_ =	shalt  }
0x65: {  	_ =	shalt  }
0x66: {  	_ =	shalt  }
0x67: {  	_ =	shalt  }
0x68: {  	_ =	shalt  }
0x69: {  	_ =	shalt  }
0x6a: {  	_ =	shalt  }
0x6b: {  	_ =	shalt  }
0x6c: {  	_ =	shalt  }
0x6d: {  	_ =	shalt  }
0x6e: {  	_ =	shalt  }
0x6f: {  	_ =	shalt  }
0x70: {  	_ =	shalt  }
0x71: {  	_ =	shalt  }
0x72: {  	_ =	shalt  }
0x73: {  	_ =	shalt  }
0x74: {  	_ =	shalt  }
0x75: {  	_ =	shalt  }
0x76: {  	_ =	shalt  }
0x77: {  	_ =	shalt  }
0x78: {  	_ =	shalt  }
0x79: {  	_ =	shalt  }
0x7a: {  	_ =	shalt  }
0x7b: {  	_ =	shalt  }
0x7c: {  	_ =	shalt  }
0x7d: {  	_ =	shalt  }
0x7e: {  	_ =	shalt  }
0x7f: {  	_ =	shalt  }
0x80: {  	_ =	shalt  }
0x81: {  	_ =	shalt  }
0x82: {  	_ =	shalt  }
0x83: {  	_ =	shalt  }
0x84: {  	_ =	shalt  }
0x85: {  	_ =	shalt  }
0x86: {  	_ =	shalt  }
0x87: {  	_ =	shalt  }
.Lfunc_end0:
.L_simem_size_0:
called_computation.3_lowered:
.L_overlay_start_0:
0x88: {  	s2 =	sld [smem:$0x3FD9]  }
0x89: {  	s3 =	sld [smem:$0x3FFE];
	_ =	sdelay $0x1  }
0x8a: {  	s1 =	srdreg.scid  }
0x8b: {  	s0 =	sand.u32 $0x1, s1  }
0x8c: {  	s17 =	sshll.u32 s0, $0xA;
	s2 =	sadd.s32 s3, s2  }
0x8d: {  	s2 =	sadd.s32 s2, s17  }
0x8e: {  	[smem:$0x3FBE] =	sst s2  }
0x8f: {  	_ = 	snop  }
0x90: {  	s2 =	sld [smem:$0x3FD0];
	(tm) =	ssettm $0x1  }
0x91: {  	s18 =	sld [smem:$0x3FFB];
	_ =	sdelay $0x3  }
0x92: {  	_ =	strace s18  }
0x93: {  	s3 =	sld [smem:$0x3FFC];
	_ =	sdelay $0x3  }
0x94: {  	_ =	strace s3  }
0x95: {  	s3 =	sld [smem:$0x3FFD];
	_ =	sdelay $0x3  }
0x96: {  	_ =	strace s3  }
0x97: {  	_ =	strace $0x8FFFFFFF  }
0x98: {  	s19 =	sld [smem:$0x3FDB];
	_ =	sdelay $0x1  }
0x99: {  	s4 =	simm.s32 $_scs_section_size  }
0x9a: {  	s5 =	simm.s32 $_size__tile_overlayer_lowered;
	s6 =	simm.s32 $_tile_overlayer_lowered  }
0x9b: {  	s22 =	simm.s32 $0x1BFF;
	s21 =	sshll.u32 s6, $0x1;
	s3 =	sadd.s32 s4, s19  }
0x9c: {  	s7 =	simm.s32 $0x0;
	s20 =	sshll.u32 s5, $0x1;
	s5 =	sadd.s32 s21, s3  }
0x9d: {  	[timem:s7], [sflag:s22] =	dma.local [hbm:s5], s20  }
0x9e: {  	_ =	swait.ge [sflag:s22], s20  }
0x9f: {  	s4 =	ssub.s32 $0x0, s20;
	[sflag:s22] =	ssyncset.done $0x0  }
0xa0: {  	[sflag:s22] =	ssyncadd.s32 s4;
	_ =	sdelay $0x1  }
0xa1: {  	s23 =	simm.s32 $0x1B8B  }
0xa2: {  	_ =	swait.ge [sflag:s23], $0x1  }
0xa3: {  	[sflag:s23] =	ssyncset.done $0x0  }
0xa4: {  	s25 =	simm.s32 $0x1B8E;
	s24 =	sld [smem:$0x3FFE];
	[sflag:s23] =	ssyncadd.s32 $0xFFFFFFFF  }
0xa5: {  	s26 =	simm.s32 $execute0_lowered;
	[smem:$0x3FD2] =	sst s25  }
0xa6: {  	s5 =	sshll.u32 s26, $0x1;
	_ =	strace $0x8000004F;
	[dreg:$0x1] =	wrdreg $0xFFFFFFFF  }
0xa7: {  	s28 =	simm.s32 $_size_execute0_lowered;
	s3 =	sadd.s32 s3, s5;
	[dreg:$0x0] =	wrdreg $0x0  }
0xa8: {  	s5 =	sshll.u32 s28, $0x1;
	[dreg:$0x2] =	wrdreg s3  }
0xa9: {  	[dreg:$0x3] =	wrdreg s5  }
0xaa: {  	[dreg:$0x4] =	wrdreg $0xC0  }
0xab: {  	_ =	task [dreg:s7], $0x5FFFF  }
0xac: {  	[dreg:$0x1] =	wrdreg $0xFFFFFFFF  }
0xad: {  	[dreg:$0x0] =	wrdreg $0x60  }
0xae: {  	[dreg:$0x2] =	wrdreg s2  }
0xaf: {  	[dreg:$0x3] =	wrdreg s24  }
0xb0: {  	[dreg:$0x4] =	wrdreg $0xC6800  }
0xb1: {  	[dreg:$0x5] =	wrdreg $0x9  }
0xb2: {  	_ =	task.clear_ibuf [dreg:s7], $0x6FFFF;
	_ =	strace $0x9000004F  }
0xb3: {  	s29 =	simm.s32 $0x9;
	_ =	strace $0x80000051  }
0xb4: {  	_ =	swait.ge [sflag:s29], $0x1  }
0xb5: {  	[sflag:s29] =	ssyncadd.s32 $0xFFFFFFFF  }
0xb6: {  	_ =	strace $0x90000051  }
0xb7: {  	_ =	sfence  }
0xb8: {  	s30 =	sld [smem:$0x0];
	_ =	sdelay $0x2  }
0xb9: {  	s31 =	sshll.u32 s1, $0xD;
	s1 =	sshrl.u32 s1, $0x2  }
0xba: {  	s3 =	sand.u32 $0x4000, s31;
	s1 =	sadd.s32 s1, s30  }
0xbb: {  	s0 =	sor.u32 s3, s0;
	s1 =	sshll.u32 s1, $0x11  }
0xbc: {  	s0 =	sor.u32 s1, s0  }
0xbd: {  	s0 =	sadd.s32 $0x8F2B, s0  }
0xbe: {  	[sflag:s0] =	ssyncadd.remote.s32 $0x1  }
0xbf: {  	_ =	sfence.sel $0xFFFF  }
0xc0: {  	[dreg:$0x0] =	wrdreg $0xFFFFFFFF;
	(pc) =	sbr.abs _section_cstart, $3  }
0xc1: {  	[dreg:$0x1] =	wrdreg $0xFFFFFFFF  }
0xc2: {  	_ =	task.clear_ibuf [dreg:s7], $0x2FFFF;
	_ =	strace $0x9FFFFFFF  }
0xc3: {  	(tm) =	ssettm $0x7FFFFFFF  }
tec
execute0_lowered:
.L_overlay_start_1:
0x0: {  	(tag) =	ssettag $0x1  }
0x1: {  	s1 =	rddreg [dreg:$0x0]  }
0x2: {  	s0 =	rddreg [dreg:$0x1]  }
0x3: {  	s3 =	rddreg [dreg:$0x2];
	s4 =	simm.s32 $0x0  }
0x4: {  	s2 =	srdreg.scid;
	s9 =	stileid.u32;
	s19 =	simm.s32 $0x7680  }
0x5: {  	s20 =	simm.s32 $0x5;
	s28 =	simm.s32 $0x9E80;
	s29 =	simm.s32 $0x1  }
0x6: {  	s2 =	sand.u32 $0x1, s2;
	s5 =	sshrl.u32 s9, $0x2;
	s6 =	sshll.u32 s9, $0x8  }
0x7: {  	[smem:$0x7FF] =	sst s4;
	s5 =	smul.u32 $0x13C00, s5;
	s7 =	sshll.u32 s2, $0x7  }
0x8: {  	s6 =	sand.u32 $0x300, s6;
	s10 =	smul.u32 $0x27100, s2;
	s2 =	ssub.s32 $0x2, s2  }
0x9: {  	s6 =	sor.u32 s7, s6;
	s7 =	smul.u32 $0x4E000, s9;
	s11 =	sshrl.u32 s2, $0x1  }
0xa: {  	s30 =	simm.s32 $0x7E80;
	_ =	strace $0x80000050;
	s2 =	ssub.s32 s2, s11  }
0xb: {  	s5 =	sor.u32 s5, s6;
	s6 =	sshrl.u32 s7, $0x2;
	s2 =	smax.u32 s2, $0x1  }
0xc: {  	s5 =	sshrl.u32 s5, $0x3;
	s16 =	sadd.s32 s6, s3;
	[dreg:$0xa] =	wrdreg s2  }
0xd: {  	s8 =	sadd.s32 s5, s0;
	s6 =	sadd.s32 $0x11800, s16;
	[dreg:$0x5] =	wrdreg s16  }
0xe: {  	s31 =	simm.s32 $0x8680;
	s12 =	sadd.s32 $0x3A00, s8;
	[dreg:$0x4] =	wrdreg s6  }
0xf: {  	s15 =	sadd.s32 $0x138000, s3;
	s13 =	sadd.s32 $0xD800, s8;
	[dreg:$0x6] =	wrdreg s12  }
0x10: {  	s18 =	smul.u32 $0x2700, s9;
	s14 =	sadd.s32 $0x22000, s8;
	[dreg:$0x7] =	wrdreg s13  }
0x11: {  	p0 =	sne.s32 s9, $0xF;
	s21 =	sadd.s32 $0x2800, s16;
	[dreg:$0x8] =	wrdreg s14  }
0x12: {  	s9 =	simm.s32 $0xAE80;
	s22 =	sadd.s32 $0x5000, s16;
	[dreg:$0xb] =	wrdreg s21  }
0x13: {  	s0 =	sadd.s32 s10, s0;
	s23 =	sadd.s32 $0x7800, s16;
	[dreg:$0xc] =	wrdreg s22  }
0x14: {  	s2 =	simm.s32 $0x3;
	s24 =	sadd.s32 $0xA000, s16;
	[dreg:$0xd] =	wrdreg s23  }
0x15: {  	s10 =	simm.s32 $0xB680;
	s25 =	sadd.s32 $0xC800, s16;
	[dreg:$0xe] =	wrdreg s24  }
0x16: {  	s17 =	sadd.s32 $0x2BE00, s0;
	s26 =	sadd.s32 $0xF000, s16;
	[dreg:$0xf] =	wrdreg s25  }
0x17: {  	s8 =	simm.s32 $0xA680;
	[dreg:$0x10] =	wrdreg s26;
	s24 =	simm.s32 $0x4F00  }
0x18: {  	[dreg:$0x9] =	wrdreg s17;
	s0 =	sadd.s32 s18, s17;
	s26 =	simm.s32 $0x50  }
0x19: {  	s23 =	simm.s32 $0x9680;
	s6 =	simm.s32 $0x2;
	s12 =	simm.s32 $0xBE80  }
0x1a: {  	v0 =	vimm.f32 $0.0e+00;
	vm0 =	vmmov $0xffff;
	s13 =	simm.s32 $0x4;
	[dreg:$0x11] =	wrdreg s0;
	s0 =	simm.s32 $0x8E80  }
.LBB2_1:
0x1b: {  	s11 =	simm.s32 $0x0;
	s14 =	simm.s32 $0x200  }
.LBB2_2:
0x1c: {  	p1 =	sne.s32 s14, $0x9E00;
	[tilespmem:s11+$0x76F0] =	vst v0  }
0x1d: {  	[tilespmem:s11+$0x7680] =	vst v0  }
0x1e: {  	[tilespmem:s11+$0x7690] =	vst v0  }
.Ltmp0:
0x1f: {  	[tilespmem:s11+$0x76A0] =	vst v0;
	(pc) =	sbr.rel @p1 .LBB2_2-.Ltmp0, $4  }
0x20: {  	[tilespmem:s11+$0x76B0] =	vst v0  }
0x21: {  	[tilespmem:s11+$0x76C0] =	vst v0  }
0x22: {  	[tilespmem:s11+$0x76D0] =	vst v0  }
0x23: {  	[tilespmem:s11+$0x76E0] =	vst v0;
	s11 =	sshra.s32 s14, $0x2;
	s14 =	sadd.s32 $0x200, s14  }
0x24: {  	[tilespmem:s11+$0x76F0] =	vst v0  }
0x25: {  	[tilespmem:s11+$0x7680] =	vst v0  }
0x26: {  	[tilespmem:s11+$0x7690] =	vst v0  }
0x27: {  	[tilespmem:s11+$0x76A0] =	vst v0  }
0x28: {  	[tilespmem:s11+$0x76B0] =	vst v0  }
0x29: {  	[tilespmem:s11+$0x76C0] =	vst v0  }
0x2a: {  	[tilespmem:s11+$0x76D0] =	vst v0  }
0x2b: {  	[tilespmem:s11+$0x76E0] =	vst v0  }
0x2c: {  	[spmem:s16] =	stream.linear.scatter [tilespmem:s19], [sflag:$0x5], $0x2800, $0x38;
	[tilespmem:$0x1FF00] =	vst v63  }
0x2d: {  	_ =	swait.ge [sflag:s20], $0x2800  }
0x2e: {  	[sflag:s20] =	ssyncset.done $0x0  }
0x2f: {  	s5 =	rddreg [dreg:$0xb];
	[sflag:s20] =	ssyncadd.s32 $0xFFFFD800  }
0x30: {  	[spmem:s5] =	stream.linear.scatter [tilespmem:s19], [sflag:$0x5], $0x2800, $0x38;
	[tilespmem:$0x1FF00] =	vst v63  }
0x31: {  	_ =	swait.ge [sflag:s20], $0x2800  }
0x32: {  	[sflag:s20] =	ssyncset.done $0x0  }
0x33: {  	s22 =	rddreg [dreg:$0xc];
	[sflag:s20] =	ssyncadd.s32 $0xFFFFD800  }
0x34: {  	[spmem:s22] =	stream.linear.scatter [tilespmem:s19], [sflag:$0x5], $0x2800, $0x38;
	[tilespmem:$0x1FF00] =	vst v63  }
0x35: {  	_ =	swait.ge [sflag:s20], $0x2800  }
0x36: {  	[sflag:s20] =	ssyncset.done $0x0  }
0x37: {  	s25 =	rddreg [dreg:$0xd];
	[sflag:s20] =	ssyncadd.s32 $0xFFFFD800  }
0x38: {  	[spmem:s25] =	stream.linear.scatter [tilespmem:s19], [sflag:$0x5], $0x2800, $0x38;
	[tilespmem:$0x1FF00] =	vst v63  }
0x39: {  	_ =	swait.ge [sflag:s20], $0x2800  }
0x3a: {  	[sflag:s20] =	ssyncset.done $0x0  }
0x3b: {  	s7 =	rddreg [dreg:$0xe];
	[sflag:s20] =	ssyncadd.s32 $0xFFFFD800  }
0x3c: {  	[spmem:s7] =	stream.linear.scatter [tilespmem:s19], [sflag:$0x5], $0x2800, $0x38;
	[tilespmem:$0x1FF00] =	vst v63  }
0x3d: {  	_ =	swait.ge [sflag:s20], $0x2800  }
0x3e: {  	[sflag:s20] =	ssyncset.done $0x0  }
0x3f: {  	s11 =	rddreg [dreg:$0xf];
	[sflag:s20] =	ssyncadd.s32 $0xFFFFD800  }
0x40: {  	[spmem:s11] =	stream.linear.scatter [tilespmem:s19], [sflag:$0x5], $0x2800, $0x38;
	[tilespmem:$0x1FF00] =	vst v63  }
0x41: {  	_ =	swait.ge [sflag:s20], $0x2800  }
0x42: {  	[sflag:s20] =	ssyncset.done $0x0  }
0x43: {  	s14 =	rddreg [dreg:$0x10];
	[sflag:s20] =	ssyncadd.s32 $0xFFFFD800  }
0x44: {  	[spmem:s14] =	stream.linear.scatter [tilespmem:s19], [sflag:$0x5], $0x2800, $0x38;
	[tilespmem:$0x1FF00] =	vst v63  }
0x45: {  	_ =	swait.ge [sflag:s20], $0x2800  }
0x46: {  	[sflag:s20] =	ssyncset.done $0x0  }
0x47: {  	s7 =	rddreg [dreg:$0x4];
	[sflag:s20] =	ssyncadd.s32 $0xFFFFD800  }
0x48: {  	[spmem:s7] =	stream.linear.scatter [tilespmem:s19], [sflag:$0x5], $0x2000, $0x38;
	[tilespmem:$0x1FF00] =	vst v63  }
0x49: {  	_ =	swait.ge [sflag:s20], $0x2000  }
0x4a: {  	[sflag:s20] =	ssyncset.done $0x0  }
0x4b: {  	s11 =	simm.s32 @!p0 $0x7680;
	[sflag:s20] =	ssyncadd.s32 $0xFFFFE000  }
0x4c: {  	[spmem:s15] =	stream.linear.scatter @!p0 [tilespmem:s11], [sflag:$0x5], $0x800, $0x38;
	[tilespmem:$0x1FF00] =	vst v63  }
0x4d: {  	s11 =	simm.s32 @!p0 $0x5  }
0x4e: {  	_ =	swait.ge @!p0 [sflag:s11], $0x800  }
0x4f: {  	[sflag:s11] =	ssyncset.done @!p0 $0x0  }
0x50: {  	[sflag:s11] =	ssyncadd.s32 @!p0 $0xFFFFF800  }
0x51: {  	s17 =	simm.s32 $0x80;
	[bflag:$0x0] =	sbarrier.arrive $0xFFFF  }
0x52: {  	s18 =	simm.s32 $0x400;
	s14 =	simm.s32 $0x0;
	s16 =	rddreg [dreg:$0x6]  }
0x53: {  	[tilespmem:s14], [sflag:$0x5] =	stream.strided.gather [hbm4b:s16+s17], $0x2780, s18, s17, $0x38;
	[tilespmem:$0x1FF00] =	vst v63  }
0x54: {  	_ =	swait.ge [sflag:s20], $0x2780  }
0x55: {  	[sflag:s20] =	ssyncset.done $0x0  }
0x56: {  	s22 =	simm.s32 $0x2780;
	s21 =	rddreg [dreg:$0x7];
	[sflag:s20] =	ssyncadd.s32 $0xFFFFD880  }
0x57: {  	[tilespmem:s22], [sflag:$0x5] =	stream.strided.gather [hbm4b:s21+s17], $0x2780, s18, s17, $0x38;
	[tilespmem:$0x1FF00] =	vst v63  }
0x58: {  	_ =	swait.ge [sflag:s20], $0x2780  }
0x59: {  	[sflag:s20] =	ssyncset.done $0x0  }
0x5a: {  	s25 =	rddreg [dreg:$0x8];
	[sflag:s20] =	ssyncadd.s32 $0xFFFFD880  }
0x5b: {  	[tilespmem:s24], [sflag:$0x5] =	stream.strided.gather [hbm4b:s25+s17], $0x2780, s18, s17, $0x38;
	[tilespmem:$0x1FF00] =	vst v63  }
0x5c: {  	_ =	swait.ge [sflag:s20], $0x2780  }
0x5d: {  	[sflag:s20] =	ssyncset.done $0x0  }
0x5e: {  	[sflag:s20] =	ssyncadd.s32 $0xFFFFD880  }
0x5f: {  	[tilespmem:s19], [sflag:$0x1] =	stream.indirect.gather [hbm4b:s1+s26], $0x80, s14, s26, $0xb8;
	[tilespmem:$0x1FF00] =	vst v63  }
0x60: {  	s5 =	smov.u32 s15;
	s15 =	simm.s32 $0x0  }
0x61: {  	[tilespmem:s28], [sflag:$0x2] =	stream.indirect.gather [hbm4b:s1+s26], $0x80, s26, s26, $0xb8;
	[tilespmem:$0x1FF00] =	vst v63  }
.LBB2_4:
0x62: {  	s11 =	sadd.s32 $0xFFFFFFFC, s14  }
0x63: {  	s25 =	sadd.s32 $0x4, s11  }
0x64: {  	s16 =	sadd.s32 $0x6, s11;
	v2 =	vmov s25  }
0x65: {  	_ =	swait.ge [sflag:s29], $0x2800;
	v1 =	vmov s16;
	v2 =	vand.u32 $0xFFFFFFFC, v2  }
0x66: {  	[sflag:s29] =	ssyncset.done $0x0;
	v1 =	vand.u32 $0xFFFFFFFE, v1;
	v2 =	vbroadcast v2, $0x0  }
0x67: {  	[sflag:s29] =	ssyncadd.s32 $0xFFFFD800;
	s16 =	simm.s32 $0x7780;
	v1 =	vbroadcast v1, $0x0  }
0x68: {  	v3 =	vld [tilespmem:s16+$0x70]  }
0x69: {  	v5 =	vld [tilespmem:s16+$0xFFFFFF00]  }
0x6a: {  	s17 =	sadd.s32 $0x5, s11;
	v6 =	vld [tilespmem:s16+$0xFFFFFF10]  }
0x6b: {  	v4 =	vmov s17;
	v7 =	vld [tilespmem:s16+$0xFFFFFF20]  }
0x6c: {  	v4 =	vand.u32 $0xFFFFFFFD, v4;
	v2 =	vld.idx.msk [tilespmem:v2+s24+$0x0], $0xffff  }
0x6d: {  	v4 =	vbroadcast v4, $0x0;
	v1 =	vld.idx.msk [tilespmem:v1+s24+$0x0], $0xffff  }
0x6e: {  	v8 =	vld [tilespmem:s16+$0xFFFFFF30]  }
0x6f: {  	v9 =	vld [tilespmem:s16+$0xFFFFFF40]  }
0x70: {  	v10 =	vld [tilespmem:s16+$0xFFFFFF50]  }
0x71: {  	v11 =	vld [tilespmem:s16+$0xFFFFFF60];
	v5 =	vmul.f32 v5, v2  }
0x72: {  	v13 =	vld [tilespmem:s16+$0xFFFFFFD0];
	v3 =	vmul.f32 v3, v1  }
0x73: {  	v4 =	vld.idx.msk [tilespmem:v4+s24+$0x0], $0xffff;
	[tilespmem:s16+$0xFFFFFF00] =	vst v5;
	v5 =	vmul.f32 v6, v2  }
0x74: {  	v6 =	vld [tilespmem:s16+$0xFFFFFF70];
	[tilespmem:s16+$0x70] =	vst v3;
	v3 =	vmul.f32 v7, v2  }
0x75: {  	s11 =	sadd.s32 $0x7, s11;
	v7 =	vld [tilespmem:s16+$0xFFFFFF80];
	[tilespmem:s16+$0xFFFFFF10] =	vst v5;
	v5 =	vmul.f32 v8, v2  }
0x76: {  	v12 =	vmov s11;
	v8 =	vld [tilespmem:s16+$0xFFFFFF90];
	[tilespmem:s16+$0xFFFFFF20] =	vst v3;
	v3 =	vmul.f32 v9, v2  }
0x77: {  	v9 =	vld [tilespmem:s16+$0xFFFFFFA0];
	[tilespmem:s16+$0xFFFFFF30] =	vst v5;
	v5 =	vmul.f32 v10, v2  }
0x78: {  	v10 =	vld [tilespmem:s16+$0xFFFFFFB0];
	[tilespmem:s16+$0xFFFFFF40] =	vst v3;
	v3 =	vmul.f32 v11, v2  }
0x79: {  	v11 =	vld [tilespmem:s16+$0xFFFFFFC0];
	v6 =	vmul.f32 v6, v2;
	[tilespmem:s16+$0xFFFFFF50] =	vst v5  }
0x7a: {  	v14 =	vld [tilespmem:s16+$0xFFFFFFE0];
	v5 =	vmul.f32 v7, v4;
	[tilespmem:s16+$0xFFFFFF60] =	vst v3  }
0x7b: {  	v2 =	vld.idx.msk [tilespmem:v12+s24+$0x0], $0xffff;
	v3 =	vmul.f32 v8, v4;
	[tilespmem:s16+$0xFFFFFF70] =	vst v6  }
0x7c: {  	v8 =	vld [tilespmem:s16+$0xFFFFFFF0];
	[tilespmem:s16+$0xFFFFFF80] =	vst v5;
	v5 =	vmul.f32 v9, v4  }
0x7d: {  	v7 =	vld [tilespmem:s16+$0x0];
	[tilespmem:s16+$0xFFFFFF90] =	vst v3;
	v3 =	vmul.f32 v10, v4  }
0x7e: {  	v6 =	vld [tilespmem:s16+$0x10];
	v9 =	vmul.f32 v11, v4;
	[tilespmem:s16+$0xFFFFFFA0] =	vst v5  }
0x7f: {  	v10 =	vmul.f32 v13, v4;
	v5 =	vld [tilespmem:s16+$0x20];
	[tilespmem:s16+$0xFFFFFFB0] =	vst v3  }
0x80: {  	[tilespmem:s16+$0xFFFFFFC0] =	vst v9;
	v3 =	vld [tilespmem:s16+$0x30];
	v9 =	vmul.f32 v14, v4  }
0x81: {  	s18 =	simm.s32 $0x0;
	s17 =	simm.s32 $0x7780;
	[tilespmem:s16+$0xFFFFFFD0] =	vst v10;
	v8 =	vmul.f32 v8, v4;
	v4 =	vld [tilespmem:s16+$0x40]  }
.LBB2_5:
0x82: {  	s11 =	sadd.s32 s18, s14;
	s18 =	sadd.s32 $0x4, s18;
	[tilespmem:s16+$0xFFFFFFE0] =	vst v9;
	v7 =	vmul.f32 v7, v1;
	v9 =	vld [tilespmem:s16+$0x50]  }
0x83: {  	s25 =	sadd.s32 $0x4, s11;
	s21 =	sadd.s32 $0x6, s11;
	p1 =	slt.u32 s18, $0x4C;
	[tilespmem:s16+$0xFFFFFFF0] =	vst v8;
	v6 =	vmul.f32 v6, v1;
	v8 =	vld [tilespmem:s16+$0x60]  }
0x84: {  	v10 =	vmov s25;
	s25 =	sadd.s32 $0x5, s11;
	v11 =	vmov s21;
	s11 =	sadd.s32 $0x7, s11;
	[tilespmem:s16+$0x0] =	vst v7;
	v5 =	vmul.f32 v5, v1;
	v7 =	vld [tilespmem:s16+$0x80]  }
0x85: {  	v10 =	vand.u32 $0xFFFFFFFC, v10;
	v12 =	vmov s25;
	v11 =	vand.u32 $0xFFFFFFFE, v11;
	[tilespmem:s16+$0x10] =	vst v6;
	v6 =	vld [tilespmem:s16+$0x90]  }
0x86: {  	v10 =	vbroadcast v10, $0x0;
	v12 =	vand.u32 $0xFFFFFFFD, v12;
	v11 =	vbroadcast v11, $0x0;
	[tilespmem:s16+$0x20] =	vst v5;
	v5 =	vld [tilespmem:s16+$0xA0]  }
0x87: {  	v13 =	vmov s11;
	v3 =	vmul.f32 v3, v1;
	v12 =	vbroadcast v12, $0x0;
	v14 =	vld [tilespmem:s16+$0xB0]  }
0x88: {  	v4 =	vmul.f32 v4, v1;
	v9 =	vmul.f32 v9, v1;
	v15 =	vld [tilespmem:s16+$0xC0]  }
0x89: {  	[tilespmem:s16+$0x30] =	vst v3;
	v3 =	vmul.f32 v8, v1;
	v7 =	vmul.f32 v7, v2;
	v8 =	vld [tilespmem:s16+$0xD0]  }
0x8a: {  	[tilespmem:s16+$0x40] =	vst v4;
	v4 =	vmul.f32 v6, v2;
	v6 =	vld [tilespmem:s16+$0xE0]  }
0x8b: {  	[tilespmem:s16+$0x50] =	vst v9;
	v5 =	vmul.f32 v5, v2;
	v9 =	vld [tilespmem:s16+$0xF0]  }
0x8c: {  	s16 =	sadd.s32 $0x200, s16;
	v1 =	vld.idx.msk [tilespmem:v11+s24+$0x0], $0xffff;
	[tilespmem:s17+$0x60] =	vst v3;
	v3 =	vmul.f32 v14, v2  }
0x8d: {  	v11 =	vld [tilespmem:s16+$0x70];
	[tilespmem:s17+$0x80] =	vst v7;
	v7 =	vmul.f32 v15, v2  }
0x8e: {  	v10 =	vld.idx.msk [tilespmem:v10+s24+$0x0], $0xffff;
	[tilespmem:s17+$0x90] =	vst v4;
	v4 =	vmul.f32 v8, v2  }
0x8f: {  	v8 =	vld.idx.msk [tilespmem:v12+s24+$0x0], $0xffff;
	[tilespmem:s17+$0xA0] =	vst v5;
	v5 =	vmul.f32 v6, v2  }
0x90: {  	[tilespmem:s17+$0xB0] =	vst v3;
	v3 =	vmul.f32 v9, v2;
	v2 =	vld.idx.msk [tilespmem:v13+s24+$0x0], $0xffff  }
0x91: {  	v6 =	vld [tilespmem:s16+$0xFFFFFF00];
	[tilespmem:s17+$0xC0] =	vst v7  }
0x92: {  	v7 =	vld [tilespmem:s16+$0xFFFFFF10];
	v9 =	vmul.f32 v11, v1;
	[tilespmem:s17+$0xD0] =	vst v4  }
0x93: {  	v4 =	vld [tilespmem:s16+$0xFFFFFF20];
	[tilespmem:s17+$0xE0] =	vst v5  }
0x94: {  	v5 =	vld [tilespmem:s16+$0xFFFFFF30];
	[tilespmem:s16+$0x70] =	vst v9  }
0x95: {  	v9 =	vld [tilespmem:s16+$0xFFFFFF40];
	[tilespmem:s17+$0xF0] =	vst v3;
	s17 =	smov.u32 s16  }
0x96: {  	v3 =	vmul.f32 v6, v10;
	v6 =	vld [tilespmem:s16+$0xFFFFFF50]  }
0x97: {  	v7 =	vmul.f32 v7, v10;
	v11 =	vld [tilespmem:s16+$0xFFFFFF60]  }
0x98: {  	[tilespmem:s16+$0xFFFFFF00] =	vst v3;
	v3 =	vmul.f32 v4, v10;
	v4 =	vld [tilespmem:s16+$0xFFFFFF70]  }
0x99: {  	[tilespmem:s16+$0xFFFFFF10] =	vst v7;
	v5 =	vmul.f32 v5, v10;
	v7 =	vld [tilespmem:s16+$0xFFFFFF80]  }
0x9a: {  	[tilespmem:s16+$0xFFFFFF20] =	vst v3;
	v3 =	vmul.f32 v9, v10;
	v9 =	vld [tilespmem:s16+$0xFFFFFF90]  }
0x9b: {  	[tilespmem:s16+$0xFFFFFF30] =	vst v5;
	v5 =	vmul.f32 v6, v10;
	v6 =	vld [tilespmem:s16+$0xFFFFFFA0]  }
0x9c: {  	[tilespmem:s16+$0xFFFFFF40] =	vst v3;
	v3 =	vmul.f32 v11, v10;
	v11 =	vld [tilespmem:s16+$0xFFFFFFB0]  }
0x9d: {  	[tilespmem:s16+$0xFFFFFF50] =	vst v5;
	v4 =	vmul.f32 v4, v10;
	v5 =	vld [tilespmem:s16+$0xFFFFFFC0]  }
0x9e: {  	[tilespmem:s16+$0xFFFFFF60] =	vst v3;
	v3 =	vmul.f32 v7, v8;
	v10 =	vld [tilespmem:s16+$0xFFFFFFD0]  }
0x9f: {  	[tilespmem:s16+$0xFFFFFF70] =	vst v4;
	v4 =	vmul.f32 v9, v8;
	v9 =	vld [tilespmem:s16+$0xFFFFFFE0]  }
0xa0: {  	[tilespmem:s16+$0xFFFFFF80] =	vst v3;
	v3 =	vmul.f32 v6, v8;
	v12 =	vld [tilespmem:s16+$0xFFFFFFF0]  }
.Ltmp1:
0xa1: {  	[tilespmem:s16+$0xFFFFFF90] =	vst v4;
	v4 =	vmul.f32 v11, v8;
	v7 =	vld [tilespmem:s16+$0x0];
	(pc) =	sbr.rel @p1 .LBB2_5-.Ltmp1, $4  }
0xa2: {  	[tilespmem:s16+$0xFFFFFFA0] =	vst v3;
	v3 =	vmul.f32 v5, v8;
	v6 =	vld [tilespmem:s16+$0x10]  }
0xa3: {  	[tilespmem:s16+$0xFFFFFFB0] =	vst v4;
	v4 =	vmul.f32 v10, v8;
	v5 =	vld [tilespmem:s16+$0x20]  }
0xa4: {  	[tilespmem:s16+$0xFFFFFFC0] =	vst v3;
	v9 =	vmul.f32 v9, v8;
	v3 =	vld [tilespmem:s16+$0x30]  }
0xa5: {  	[tilespmem:s16+$0xFFFFFFD0] =	vst v4;
	v8 =	vmul.f32 v12, v8;
	v4 =	vld [tilespmem:s16+$0x40]  }
0xa6: {  	v10 =	vld [tilespmem:s16+$0x50];
	[tilespmem:s16+$0xFFFFFFE0] =	vst v9;
	v7 =	vmul.f32 v7, v1  }
0xa7: {  	v9 =	vld [tilespmem:s16+$0x60];
	[tilespmem:s16+$0xFFFFFFF0] =	vst v8;
	v6 =	vmul.f32 v6, v1  }
0xa8: {  	v8 =	vld [tilespmem:s16+$0x80];
	[tilespmem:s16+$0x0] =	vst v7;
	v5 =	vmul.f32 v5, v1  }
0xa9: {  	v7 =	vld [tilespmem:s16+$0x90];
	[tilespmem:s16+$0x10] =	vst v6;
	v3 =	vmul.f32 v3, v1  }
0xaa: {  	v6 =	vld [tilespmem:s16+$0xA0];
	[tilespmem:s16+$0x20] =	vst v5;
	v4 =	vmul.f32 v4, v1  }
0xab: {  	v5 =	vld [tilespmem:s16+$0xB0];
	v10 =	vmul.f32 v10, v1;
	[tilespmem:s16+$0x30] =	vst v3  }
0xac: {  	v11 =	vld [tilespmem:s16+$0xC0];
	v1 =	vmul.f32 v9, v1;
	[tilespmem:s16+$0x40] =	vst v4  }
0xad: {  	v3 =	vld [tilespmem:s16+$0xD0];
	v4 =	vmul.f32 v8, v2;
	[tilespmem:s16+$0x50] =	vst v10  }
0xae: {  	v8 =	vld [tilespmem:s16+$0xE0];
	v7 =	vmul.f32 v7, v2;
	[tilespmem:s17+$0x60] =	vst v1  }
0xaf: {  	v9 =	vld [tilespmem:s16+$0xF0];
	v1 =	vmul.f32 v6, v2;
	[tilespmem:s17+$0x80] =	vst v4  }
0xb0: {  	v4 =	vmul.f32 v5, v2;
	[tilespmem:s17+$0x90] =	vst v7  }
0xb1: {  	v5 =	vmul.f32 v11, v2;
	[tilespmem:s17+$0xA0] =	vst v1  }
0xb2: {  	v1 =	vmul.f32 v3, v2;
	[tilespmem:s17+$0xB0] =	vst v4  }
0xb3: {  	v3 =	vmul.f32 v8, v2;
	[tilespmem:s17+$0xC0] =	vst v5  }
0xb4: {  	s11 =	smul.u32 $0x280, s15;
	v2 =	vmul.f32 v9, v2;
	[tilespmem:s17+$0xD0] =	vst v1  }
0xb5: {  	[tilespmem:s17+$0xE0] =	vst v3  }
0xb6: {  	s16 =	sshra.s32 s11, $0x2;
	[tilespmem:s17+$0xF0] =	vst v2  }
0xb7: {  	v1 =	vld [tilespmem:s16+$0x2780];
	_ =	sdelay $0x7  }
0xb8: {  	[spmem:s3] =	stream.indirect_vreg.scatter.add.f32 [tilespmem:s19], [sflag:$0x3], $0x80, v1, vm0, $0xb8;
	[tilespmem:$0x1FF00] =	vst v63  }
0xb9: {  	v1 =	vld [tilespmem:s16+$0x2790];
	_ =	sdelay $0x7  }
0xba: {  	[spmem:s3] =	stream.indirect_vreg.scatter.add.f32 [tilespmem:s30], [sflag:$0x3], $0x80, v1, vm0, $0xb8;
	[tilespmem:$0x1FF00] =	vst v63  }
0xbb: {  	v1 =	vld [tilespmem:s16+$0x27A0];
	_ =	sdelay $0x7  }
0xbc: {  	[spmem:s3] =	stream.indirect_vreg.scatter.add.f32 [tilespmem:s31], [sflag:$0x3], $0x80, v1, vm0, $0xb8;
	[tilespmem:$0x1FF00] =	vst v63  }
0xbd: {  	v1 =	vld [tilespmem:s16+$0x27B0];
	_ =	sdelay $0x7  }
0xbe: {  	[spmem:s3] =	stream.indirect_vreg.scatter.add.f32 [tilespmem:s0], [sflag:$0x3], $0x80, v1, vm0, $0xb8;
	[tilespmem:$0x1FF00] =	vst v63  }
0xbf: {  	v1 =	vld [tilespmem:s16+$0x27C0];
	_ =	sdelay $0x7  }
0xc0: {  	[spmem:s3] =	stream.indirect_vreg.scatter.add.f32 [tilespmem:s23], [sflag:$0x3], $0x80, v1, vm0, $0xb8;
	[tilespmem:$0x1FF00] =	vst v63  }
0xc1: {  	_ =	swait.ge [sflag:s2], $0x800  }
0xc2: {  	[sflag:s2] =	ssyncset.done $0x0  }
0xc3: {  	[sflag:s2] =	ssyncadd.s32 $0xFFFFF800  }
0xc4: {  	_ =	swait.ge [sflag:s2], $0x800  }
0xc5: {  	[sflag:s2] =	ssyncset.done $0x0  }
0xc6: {  	[sflag:s2] =	ssyncadd.s32 $0xFFFFF800  }
0xc7: {  	_ =	swait.ge [sflag:s2], $0x800  }
0xc8: {  	[sflag:s2] =	ssyncset.done $0x0  }
0xc9: {  	[sflag:s2] =	ssyncadd.s32 $0xFFFFF800  }
0xca: {  	s7 =	sadd.s32 $0xFFFFFFFC, s14;
	_ =	swait.ge [sflag:s2], $0x800  }
0xcb: {  	s21 =	sadd.s32 $0x56, s7;
	[sflag:s2] =	ssyncset.done $0x0  }
0xcc: {  	v1 =	vmov s21;
	[sflag:s2] =	ssyncadd.s32 $0xFFFFF800  }
0xcd: {  	s22 =	sadd.s32 $0x54, s7;
	v1 =	vand.u32 $0xFFFFFFFE, v1;
	_ =	swait.ge [sflag:s2], $0x800  }
0xce: {  	v2 =	vmov s22;
	v1 =	vbroadcast v1, $0x0;
	[sflag:s2] =	ssyncset.done $0x0  }
0xcf: {  	s25 =	sadd.s32 $0xA0, s16;
	v2 =	vand.u32 $0xFFFFFFFC, v2;
	[sflag:s2] =	ssyncadd.s32 $0xFFFFF800  }
0xd0: {  	v2 =	vbroadcast v2, $0x0;
	[tilespmem:s19], [sflag:$0x1] =	stream.indirect.gather [hbm4b:s1+s26], $0x80, s25, s26, $0xb8;
	[tilespmem:$0x1FF00] =	vst v63  }
0xd1: {  	_ =	swait.ge [sflag:s6], $0x2800  }
0xd2: {  	[sflag:s6] =	ssyncset.done $0x0  }
0xd3: {  	[sflag:s6] =	ssyncadd.s32 $0xFFFFD800  }
0xd4: {  	s17 =	simm.s32 $0x9F80;
	v1 =	vld.idx.msk [tilespmem:v1+s24+$0x0], $0xffff  }
0xd5: {  	s18 =	sadd.s32 $0x55, s7;
	v3 =	vld [tilespmem:s17+$0x70]  }
0xd6: {  	v4 =	vmov s18;
	v2 =	vld.idx.msk [tilespmem:v2+s24+$0x0], $0xffff  }
0xd7: {  	v4 =	vand.u32 $0xFFFFFFFD, v4;
	v5 =	vld [tilespmem:s17+$0xFFFFFF00]  }
0xd8: {  	v4 =	vbroadcast v4, $0x0;
	v6 =	vld [tilespmem:s17+$0xFFFFFF10]  }
0xd9: {  	v7 =	vld [tilespmem:s17+$0xFFFFFF20]  }
0xda: {  	v8 =	vld [tilespmem:s17+$0xFFFFFF30]  }
0xdb: {  	v9 =	vld [tilespmem:s17+$0xFFFFFF40]  }
0xdc: {  	v10 =	vld [tilespmem:s17+$0xFFFFFF50]  }
0xdd: {  	v11 =	vld [tilespmem:s17+$0xFFFFFF60];
	v5 =	vmul.f32 v5, v2  }
0xde: {  	v4 =	vld.idx.msk [tilespmem:v4+s24+$0x0], $0xffff;
	v3 =	vmul.f32 v3, v1  }
0xdf: {  	v13 =	vld [tilespmem:s17+$0xFFFFFFD0];
	[tilespmem:s17+$0xFFFFFF00] =	vst v5;
	v5 =	vmul.f32 v6, v2  }
0xe0: {  	v6 =	vld [tilespmem:s17+$0xFFFFFF70];
	[tilespmem:s17+$0x70] =	vst v3;
	v3 =	vmul.f32 v7, v2  }
0xe1: {  	s11 =	sadd.s32 $0x57, s7;
	v7 =	vld [tilespmem:s17+$0xFFFFFF80];
	[tilespmem:s17+$0xFFFFFF10] =	vst v5;
	v5 =	vmul.f32 v8, v2  }
0xe2: {  	v12 =	vmov s11;
	v8 =	vld [tilespmem:s17+$0xFFFFFF90];
	[tilespmem:s17+$0xFFFFFF20] =	vst v3;
	v3 =	vmul.f32 v9, v2  }
0xe3: {  	v9 =	vld [tilespmem:s17+$0xFFFFFFA0];
	[tilespmem:s17+$0xFFFFFF30] =	vst v5;
	v5 =	vmul.f32 v10, v2  }
0xe4: {  	v10 =	vld [tilespmem:s17+$0xFFFFFFB0];
	[tilespmem:s17+$0xFFFFFF40] =	vst v3;
	v3 =	vmul.f32 v11, v2  }
0xe5: {  	v11 =	vld [tilespmem:s17+$0xFFFFFFC0];
	v6 =	vmul.f32 v6, v2;
	[tilespmem:s17+$0xFFFFFF50] =	vst v5  }
0xe6: {  	v14 =	vld [tilespmem:s17+$0xFFFFFFE0];
	v5 =	vmul.f32 v7, v4;
	[tilespmem:s17+$0xFFFFFF60] =	vst v3  }
0xe7: {  	v2 =	vld.idx.msk [tilespmem:v12+s24+$0x0], $0xffff;
	v3 =	vmul.f32 v8, v4;
	[tilespmem:s17+$0xFFFFFF70] =	vst v6  }
0xe8: {  	v8 =	vld [tilespmem:s17+$0xFFFFFFF0];
	[tilespmem:s17+$0xFFFFFF80] =	vst v5;
	v5 =	vmul.f32 v9, v4  }
0xe9: {  	v7 =	vld [tilespmem:s17+$0x0];
	[tilespmem:s17+$0xFFFFFF90] =	vst v3;
	v3 =	vmul.f32 v10, v4  }
0xea: {  	v6 =	vld [tilespmem:s17+$0x10];
	v9 =	vmul.f32 v11, v4;
	[tilespmem:s17+$0xFFFFFFA0] =	vst v5  }
0xeb: {  	v10 =	vmul.f32 v13, v4;
	v5 =	vld [tilespmem:s17+$0x20];
	[tilespmem:s17+$0xFFFFFFB0] =	vst v3  }
0xec: {  	[tilespmem:s17+$0xFFFFFFC0] =	vst v9;
	v3 =	vld [tilespmem:s17+$0x30];
	v9 =	vmul.f32 v14, v4  }
0xed: {  	s11 =	simm.s32 $0x0;
	s18 =	sshllo.u32 s15, $0x1;
	s25 =	simm.s32 $0x9F80;
	[tilespmem:s17+$0xFFFFFFD0] =	vst v10;
	v8 =	vmul.f32 v8, v4;
	v4 =	vld [tilespmem:s17+$0x40]  }
.LBB2_7:
0xee: {  	s21 =	sadd.s32 s11, s14;
	s11 =	sadd.s32 $0x4, s11;
	[tilespmem:s17+$0xFFFFFFE0] =	vst v9;
	v7 =	vmul.f32 v7, v1;
	v9 =	vld [tilespmem:s17+$0x50]  }
0xef: {  	s22 =	sadd.s32 $0x54, s21;
	s7 =	sadd.s32 $0x56, s21;
	p1 =	slt.u32 s11, $0x4C;
	[tilespmem:s17+$0xFFFFFFF0] =	vst v8;
	v6 =	vmul.f32 v6, v1;
	v8 =	vld [tilespmem:s17+$0x60]  }
0xf0: {  	v10 =	vmov s22;
	s22 =	sadd.s32 $0x55, s21;
	v11 =	vmov s7;
	s7 =	sadd.s32 $0x57, s21;
	[tilespmem:s17+$0x0] =	vst v7;
	v5 =	vmul.f32 v5, v1;
	v7 =	vld [tilespmem:s17+$0x80]  }
0xf1: {  	v10 =	vand.u32 $0xFFFFFFFC, v10;
	v12 =	vmov s22;
	v11 =	vand.u32 $0xFFFFFFFE, v11;
	[tilespmem:s17+$0x10] =	vst v6;
	v6 =	vld [tilespmem:s17+$0x90]  }
0xf2: {  	v10 =	vbroadcast v10, $0x0;
	v12 =	vand.u32 $0xFFFFFFFD, v12;
	v11 =	vbroadcast v11, $0x0;
	[tilespmem:s17+$0x20] =	vst v5;
	v5 =	vld [tilespmem:s17+$0xA0]  }
0xf3: {  	v13 =	vmov s7;
	v3 =	vmul.f32 v3, v1;
	v12 =	vbroadcast v12, $0x0;
	v14 =	vld [tilespmem:s17+$0xB0]  }
0xf4: {  	v4 =	vmul.f32 v4, v1;
	v9 =	vmul.f32 v9, v1;
	v15 =	vld [tilespmem:s17+$0xC0]  }
0xf5: {  	[tilespmem:s17+$0x30] =	vst v3;
	v3 =	vmul.f32 v8, v1;
	v7 =	vmul.f32 v7, v2;
	v8 =	vld [tilespmem:s17+$0xD0]  }
0xf6: {  	[tilespmem:s17+$0x40] =	vst v4;
	v4 =	vmul.f32 v6, v2;
	v6 =	vld [tilespmem:s17+$0xE0]  }
0xf7: {  	[tilespmem:s17+$0x50] =	vst v9;
	v5 =	vmul.f32 v5, v2;
	v9 =	vld [tilespmem:s17+$0xF0]  }
0xf8: {  	s17 =	sadd.s32 $0x200, s17;
	v1 =	vld.idx.msk [tilespmem:v11+s24+$0x0], $0xffff;
	[tilespmem:s25+$0x60] =	vst v3;
	v3 =	vmul.f32 v14, v2  }
0xf9: {  	v11 =	vld [tilespmem:s17+$0x70];
	[tilespmem:s25+$0x80] =	vst v7;
	v7 =	vmul.f32 v15, v2  }
0xfa: {  	v10 =	vld.idx.msk [tilespmem:v10+s24+$0x0], $0xffff;
	[tilespmem:s25+$0x90] =	vst v4;
	v4 =	vmul.f32 v8, v2  }
0xfb: {  	v8 =	vld.idx.msk [tilespmem:v12+s24+$0x0], $0xffff;
	[tilespmem:s25+$0xA0] =	vst v5;
	v5 =	vmul.f32 v6, v2  }
0xfc: {  	[tilespmem:s25+$0xB0] =	vst v3;
	v3 =	vmul.f32 v9, v2;
	v2 =	vld.idx.msk [tilespmem:v13+s24+$0x0], $0xffff  }
0xfd: {  	v6 =	vld [tilespmem:s17+$0xFFFFFF00];
	[tilespmem:s25+$0xC0] =	vst v7  }
0xfe: {  	v7 =	vld [tilespmem:s17+$0xFFFFFF10];
	v9 =	vmul.f32 v11, v1;
	[tilespmem:s25+$0xD0] =	vst v4  }
0xff: {  	v4 =	vld [tilespmem:s17+$0xFFFFFF20];
	[tilespmem:s25+$0xE0] =	vst v5  }
0x100: {  	v5 =	vld [tilespmem:s17+$0xFFFFFF30];
	[tilespmem:s17+$0x70] =	vst v9  }
0x101: {  	v9 =	vld [tilespmem:s17+$0xFFFFFF40];
	[tilespmem:s25+$0xF0] =	vst v3;
	s25 =	smov.u32 s17  }
0x102: {  	v3 =	vmul.f32 v6, v10;
	v6 =	vld [tilespmem:s17+$0xFFFFFF50]  }
0x103: {  	v7 =	vmul.f32 v7, v10;
	v11 =	vld [tilespmem:s17+$0xFFFFFF60]  }
0x104: {  	[tilespmem:s17+$0xFFFFFF00] =	vst v3;
	v3 =	vmul.f32 v4, v10;
	v4 =	vld [tilespmem:s17+$0xFFFFFF70]  }
0x105: {  	[tilespmem:s17+$0xFFFFFF10] =	vst v7;
	v5 =	vmul.f32 v5, v10;
	v7 =	vld [tilespmem:s17+$0xFFFFFF80]  }
0x106: {  	[tilespmem:s17+$0xFFFFFF20] =	vst v3;
	v3 =	vmul.f32 v9, v10;
	v9 =	vld [tilespmem:s17+$0xFFFFFF90]  }
0x107: {  	[tilespmem:s17+$0xFFFFFF30] =	vst v5;
	v5 =	vmul.f32 v6, v10;
	v6 =	vld [tilespmem:s17+$0xFFFFFFA0]  }
0x108: {  	[tilespmem:s17+$0xFFFFFF40] =	vst v3;
	v3 =	vmul.f32 v11, v10;
	v11 =	vld [tilespmem:s17+$0xFFFFFFB0]  }
0x109: {  	[tilespmem:s17+$0xFFFFFF50] =	vst v5;
	v4 =	vmul.f32 v4, v10;
	v5 =	vld [tilespmem:s17+$0xFFFFFFC0]  }
0x10a: {  	[tilespmem:s17+$0xFFFFFF60] =	vst v3;
	v3 =	vmul.f32 v7, v8;
	v10 =	vld [tilespmem:s17+$0xFFFFFFD0]  }
0x10b: {  	[tilespmem:s17+$0xFFFFFF70] =	vst v4;
	v4 =	vmul.f32 v9, v8;
	v9 =	vld [tilespmem:s17+$0xFFFFFFE0]  }
0x10c: {  	[tilespmem:s17+$0xFFFFFF80] =	vst v3;
	v3 =	vmul.f32 v6, v8;
	v12 =	vld [tilespmem:s17+$0xFFFFFFF0]  }
.Ltmp2:
0x10d: {  	[tilespmem:s17+$0xFFFFFF90] =	vst v4;
	v4 =	vmul.f32 v11, v8;
	v7 =	vld [tilespmem:s17+$0x0];
	(pc) =	sbr.rel @p1 .LBB2_7-.Ltmp2, $4  }
0x10e: {  	[tilespmem:s17+$0xFFFFFFA0] =	vst v3;
	v3 =	vmul.f32 v5, v8;
	v6 =	vld [tilespmem:s17+$0x10]  }
0x10f: {  	[tilespmem:s17+$0xFFFFFFB0] =	vst v4;
	v4 =	vmul.f32 v10, v8;
	v5 =	vld [tilespmem:s17+$0x20]  }
0x110: {  	[tilespmem:s17+$0xFFFFFFC0] =	vst v3;
	v9 =	vmul.f32 v9, v8;
	v3 =	vld [tilespmem:s17+$0x30]  }
0x111: {  	[tilespmem:s17+$0xFFFFFFD0] =	vst v4;
	v8 =	vmul.f32 v12, v8;
	v4 =	vld [tilespmem:s17+$0x40]  }
0x112: {  	v10 =	vld [tilespmem:s17+$0x50]  }
0x113: {  	[tilespmem:s17+$0xFFFFFFE0] =	vst v9;
	v7 =	vmul.f32 v7, v1;
	v54 =	vld [tilespmem:s17+$0x60]  }
0x114: {  	v55 =	vld [tilespmem:s17+$0x80];
	[tilespmem:s17+$0xFFFFFFF0] =	vst v8;
	v6 =	vmul.f32 v6, v1  }
0x115: {  	v56 =	vld [tilespmem:s17+$0x90];
	[tilespmem:s17+$0x0] =	vst v7;
	v5 =	vmul.f32 v5, v1  }
0x116: {  	v57 =	vld [tilespmem:s17+$0xA0];
	[tilespmem:s17+$0x10] =	vst v6;
	v3 =	vmul.f32 v3, v1  }
0x117: {  	v58 =	vld [tilespmem:s17+$0xB0];
	[tilespmem:s17+$0x20] =	vst v5;
	v4 =	vmul.f32 v4, v1  }
0x118: {  	v11 =	vld [tilespmem:s17+$0xC0];
	v10 =	vmul.f32 v10, v1;
	[tilespmem:s17+$0x30] =	vst v3  }
0x119: {  	v60 =	vld [tilespmem:s17+$0xE0];
	v59 =	vmul.f32 v55, v2;
	[tilespmem:s17+$0x40] =	vst v4  }
0x11a: {  	v3 =	vld [tilespmem:s17+$0xD0];
	v7 =	vmul.f32 v56, v2;
	[tilespmem:s17+$0x50] =	vst v10  }
0x11b: {  	v61 =	vld [tilespmem:s17+$0xF0];
	v1 =	vmul.f32 v54, v1;
	[tilespmem:s25+$0x80] =	vst v59  }
0x11c: {  	v62 =	vmul.f32 v58, v2;
	[tilespmem:s25+$0x90] =	vst v7  }
0x11d: {  	[tilespmem:s25+$0x60] =	vst v1;
	v1 =	vmul.f32 v57, v2  }
0x11e: {  	v63 =	vmul.f32 v11, v2;
	[tilespmem:s25+$0xB0] =	vst v62  }
0x11f: {  	[tilespmem:s25+$0xA0] =	vst v1;
	v1 =	vmul.f32 v3, v2  }
0x120: {  	[tilespmem:s25+$0xC0] =	vst v63;
	v3 =	vmul.f32 v60, v2  }
0x121: {  	s7 =	smul.u32 $0x140, s18;
	v2 =	vmul.f32 v61, v2;
	[tilespmem:s25+$0xD0] =	vst v1  }
0x122: {  	[tilespmem:s25+$0xE0] =	vst v3  }
0x123: {  	s7 =	sshra.s32 s7, $0x2;
	[tilespmem:s25+$0xF0] =	vst v2  }
0x124: {  	v1 =	vld [tilespmem:s7+$0x2780];
	_ =	sdelay $0x7  }
0x125: {  	[spmem:s3] =	stream.indirect_vreg.scatter.add.f32 [tilespmem:s28], [sflag:$0x4], $0x80, v1, vm0, $0xb8;
	[tilespmem:$0x1FF00] =	vst v63  }
0x126: {  	v1 =	vld [tilespmem:s7+$0x2790];
	_ =	sdelay $0x7  }
0x127: {  	[spmem:s3] =	stream.indirect_vreg.scatter.add.f32 [tilespmem:s8], [sflag:$0x4], $0x80, v1, vm0, $0xb8;
	[tilespmem:$0x1FF00] =	vst v63  }
0x128: {  	v1 =	vld [tilespmem:s7+$0x27A0];
	_ =	sdelay $0x7  }
0x129: {  	[spmem:s3] =	stream.indirect_vreg.scatter.add.f32 [tilespmem:s9], [sflag:$0x4], $0x80, v1, vm0, $0xb8;
	[tilespmem:$0x1FF00] =	vst v63  }
0x12a: {  	v1 =	vld [tilespmem:s7+$0x27B0];
	_ =	sdelay $0x7  }
0x12b: {  	[spmem:s3] =	stream.indirect_vreg.scatter.add.f32 [tilespmem:s10], [sflag:$0x4], $0x80, v1, vm0, $0xb8;
	[tilespmem:$0x1FF00] =	vst v63  }
0x12c: {  	v1 =	vld [tilespmem:s7+$0x27C0];
	_ =	sdelay $0x7  }
0x12d: {  	[spmem:s3] =	stream.indirect_vreg.scatter.add.f32 [tilespmem:s12], [sflag:$0x4], $0x80, v1, vm0, $0xb8;
	[tilespmem:$0x1FF00] =	vst v63  }
0x12e: {  	_ =	swait.ge [sflag:s13], $0x800  }
0x12f: {  	[sflag:s13] =	ssyncset.done $0x0  }
0x130: {  	[sflag:s13] =	ssyncadd.s32 $0xFFFFF800  }
0x131: {  	_ =	swait.ge [sflag:s13], $0x800  }
0x132: {  	[sflag:s13] =	ssyncset.done $0x0  }
0x133: {  	[sflag:s13] =	ssyncadd.s32 $0xFFFFF800  }
0x134: {  	_ =	swait.ge [sflag:s13], $0x800  }
0x135: {  	[sflag:s13] =	ssyncset.done $0x0  }
0x136: {  	[sflag:s13] =	ssyncadd.s32 $0xFFFFF800  }
0x137: {  	p1 =	seq.s32 s15, $0x3D;
	_ =	swait.ge [sflag:s13], $0x800  }
.Ltmp3:
0x138: {  	[sflag:s13] =	ssyncset.done $0x0;
	(pc) =	sbr.rel @p1 .LBB2_10-.Ltmp3, $4  }
0x139: {  	[sflag:s13] =	ssyncadd.s32 $0xFFFFF800  }
0x13a: {  	_ =	swait.ge [sflag:s13], $0x800  }
0x13b: {  	[sflag:s13] =	ssyncset.done $0x0  }
0x13c: {  	[sflag:s13] =	ssyncadd.s32 $0xFFFFF800  }
.Ltmp4:
0x13d: {  	(pc) =	sbr.rel .LBB2_4-.Ltmp4, $3  }
0x13e: {  	_ =	sdelay $0x1  }
0x13f: {  	s7 =	sadd.s32 $0xF0, s16;
	s15 =	sadd.s32 $0x1, s15;
	s14 =	sadd.s32 $0xA0, s14  }
0x140: {  	[tilespmem:s28], [sflag:$0x2] =	stream.indirect.gather [hbm4b:s1+s26], $0x80, s7, s26, $0xb8;
	[tilespmem:$0x1FF00] =	vst v63  }
.LBB2_10:
0x141: {  	s7 =	simm.s32 $0x26C0  }
0x142: {  	s21 =	simm.s32 $0x26C2;
	v1 =	vmov s7  }
0x143: {  	v2 =	vmov s21;
	v1 =	vand.u32 $0xFFFFFFFC, v1  }
0x144: {  	v2 =	vand.u32 $0xFFFFFFFE, v2;
	v1 =	vbroadcast v1, $0x0  }
0x145: {  	v2 =	vbroadcast v2, $0x0  }
0x146: {  	_ =	swait.ge [sflag:s29], $0x2800  }
0x147: {  	[sflag:s29] =	ssyncset.done $0x0  }
0x148: {  	s14 =	simm.s32 $0x7780;
	[sflag:s29] =	ssyncadd.s32 $0xFFFFD800  }
0x149: {  	v4 =	vld [tilespmem:s14+$0x70]  }
0x14a: {  	s22 =	simm.s32 $0x26C1;
	v3 =	vld.idx.msk [tilespmem:v1+s24+$0x0], $0xffff  }
0x14b: {  	v1 =	vld.idx.msk [tilespmem:v2+s24+$0x0], $0xffff;
	v2 =	vmov s22  }
0x14c: {  	v5 =	vld [tilespmem:s14+$0xFFFFFF00];
	v2 =	vand.u32 $0xFFFFFFFD, v2  }
0x14d: {  	v6 =	vld [tilespmem:s14+$0xFFFFFF10];
	v2 =	vbroadcast v2, $0x0  }
0x14e: {  	v7 =	vld [tilespmem:s14+$0xFFFFFF20]  }
0x14f: {  	v8 =	vld [tilespmem:s14+$0xFFFFFF30]  }
0x150: {  	v9 =	vld [tilespmem:s14+$0xFFFFFF40]  }
0x151: {  	v10 =	vld [tilespmem:s14+$0xFFFFFF50]  }
0x152: {  	v11 =	vld [tilespmem:s14+$0xFFFFFF60];
	v5 =	vmul.f32 v5, v3  }
0x153: {  	v12 =	vld.idx.msk [tilespmem:v2+s24+$0x0], $0xffff;
	v2 =	vmul.f32 v4, v1  }
0x154: {  	[tilespmem:s14+$0xFFFFFF00] =	vst v5;
	v5 =	vld [tilespmem:s14+$0xFFFFFF70];
	v4 =	vmul.f32 v6, v3  }
0x155: {  	v6 =	vld [tilespmem:s14+$0xFFFFFF80];
	[tilespmem:s14+$0x70] =	vst v2;
	v2 =	vmul.f32 v7, v3  }
0x156: {  	s25 =	simm.s32 $0x26C3;
	[tilespmem:s14+$0xFFFFFF10] =	vst v4;
	v4 =	vmul.f32 v8, v3;
	v7 =	vld [tilespmem:s14+$0xFFFFFF90]  }
0x157: {  	v8 =	vmov s25;
	[tilespmem:s14+$0xFFFFFF20] =	vst v2;
	v2 =	vmul.f32 v9, v3;
	v9 =	vld [tilespmem:s14+$0xFFFFFFA0]  }
0x158: {  	[tilespmem:s14+$0xFFFFFF30] =	vst v4;
	v4 =	vmul.f32 v10, v3;
	v10 =	vld [tilespmem:s14+$0xFFFFFFB0]  }
0x159: {  	[tilespmem:s14+$0xFFFFFF40] =	vst v2;
	v2 =	vmul.f32 v11, v3;
	v11 =	vld [tilespmem:s14+$0xFFFFFFC0]  }
0x15a: {  	[tilespmem:s14+$0xFFFFFF50] =	vst v4;
	v4 =	vmul.f32 v6, v12;
	v6 =	vld [tilespmem:s14+$0xFFFFFFD0]  }
0x15b: {  	v3 =	vmul.f32 v5, v3;
	v5 =	vld [tilespmem:s14+$0xFFFFFFE0];
	[tilespmem:s14+$0xFFFFFF60] =	vst v2  }
0x15c: {  	v7 =	vmul.f32 v7, v12;
	v2 =	vld.idx.msk [tilespmem:v8+s24+$0x0], $0xffff;
	[tilespmem:s14+$0xFFFFFF80] =	vst v4  }
0x15d: {  	[tilespmem:s14+$0xFFFFFF70] =	vst v3;
	v8 =	vld [tilespmem:s14+$0xFFFFFFF0];
	v3 =	vmul.f32 v9, v12  }
0x15e: {  	[tilespmem:s14+$0xFFFFFF90] =	vst v7;
	v4 =	vmul.f32 v10, v12;
	v10 =	vld [tilespmem:s14+$0x0]  }
0x15f: {  	v7 =	vld [tilespmem:s14+$0x10];
	[tilespmem:s14+$0xFFFFFFA0] =	vst v3;
	v3 =	vmul.f32 v11, v12  }
0x160: {  	[tilespmem:s14+$0xFFFFFFB0] =	vst v4;
	v4 =	vmul.f32 v6, v12;
	v6 =	vld [tilespmem:s14+$0x20]  }
0x161: {  	[tilespmem:s14+$0xFFFFFFC0] =	vst v3;
	v3 =	vmul.f32 v5, v12;
	v5 =	vld [tilespmem:s14+$0x30]  }
0x162: {  	[tilespmem:s14+$0xFFFFFFD0] =	vst v4;
	v4 =	vld [tilespmem:s14+$0x40];
	v9 =	vmul.f32 v8, v12  }
0x163: {  	s11 =	simm.s32 $0x0;
	s15 =	simm.s32 $0x7780;
	v8 =	vmul.f32 v10, v1;
	[tilespmem:s14+$0xFFFFFFE0] =	vst v3;
	v3 =	vld [tilespmem:s14+$0x50]  }
.LBB2_11:
0x164: {  	s7 =	sadd.s32 $0x26C7, s11;
	[tilespmem:s14+$0xFFFFFFF0] =	vst v9;
	v7 =	vmul.f32 v7, v1;
	v9 =	vld [tilespmem:s14+$0x60]  }
0x165: {  	s16 =	sadd.s32 $0x26C4, s11;
	s17 =	sadd.s32 $0x26C5, s11;
	v10 =	vmov s7;
	[tilespmem:s14+$0x0] =	vst v8;
	v6 =	vmul.f32 v6, v1;
	v8 =	vld [tilespmem:s14+$0x80]  }
0x166: {  	v11 =	vmov s16;
	v12 =	vmov s17;
	[tilespmem:s14+$0x10] =	vst v7;
	v5 =	vmul.f32 v5, v1;
	v7 =	vld [tilespmem:s14+$0x90]  }
0x167: {  	s7 =	sadd.s32 $0x26C6, s11;
	s11 =	sadd.s32 $0x4, s11;
	v11 =	vand.u32 $0xFFFFFFFC, v11;
	v12 =	vand.u32 $0xFFFFFFFD, v12;
	[tilespmem:s14+$0x20] =	vst v6;
	v4 =	vmul.f32 v4, v1;
	v6 =	vld [tilespmem:s14+$0xA0]  }
0x168: {  	v13 =	vmov s7;
	p1 =	slt.u32 s11, $0x4C;
	v11 =	vbroadcast v11, $0x0;
	[tilespmem:s14+$0x30] =	vst v5;
	v3 =	vmul.f32 v3, v1;
	v5 =	vld [tilespmem:s14+$0xB0]  }
0x169: {  	v12 =	vbroadcast v12, $0x0;
	v13 =	vand.u32 $0xFFFFFFFE, v13;
	[tilespmem:s14+$0x40] =	vst v4;
	v1 =	vmul.f32 v9, v1;
	v4 =	vld [tilespmem:s14+$0xC0]  }
0x16a: {  	v9 =	vbroadcast v13, $0x0;
	[tilespmem:s14+$0x50] =	vst v3;
	v3 =	vmul.f32 v8, v2;
	v8 =	vld [tilespmem:s14+$0xD0]  }
0x16b: {  	[tilespmem:s14+$0x60] =	vst v1;
	v1 =	vmul.f32 v7, v2;
	v7 =	vld [tilespmem:s14+$0xE0]  }
0x16c: {  	[tilespmem:s14+$0x80] =	vst v3;
	v3 =	vmul.f32 v6, v2;
	v6 =	vld [tilespmem:s14+$0xF0]  }
0x16d: {  	v10 =	vld.idx.msk [tilespmem:v10+s24+$0x0], $0xffff;
	[tilespmem:s14+$0x90] =	vst v1;
	v1 =	vmul.f32 v5, v2  }
0x16e: {  	v5 =	vld.idx.msk [tilespmem:v11+s24+$0x0], $0xffff;
	[tilespmem:s14+$0xA0] =	vst v3;
	v3 =	vmul.f32 v4, v2  }
0x16f: {  	v4 =	vld.idx.msk [tilespmem:v12+s24+$0x0], $0xffff;
	[tilespmem:s14+$0xB0] =	vst v1;
	v8 =	vmul.f32 v8, v2  }
0x170: {  	s14 =	sadd.s32 $0x200, s14;
	v1 =	vld.idx.msk [tilespmem:v9+s24+$0x0], $0xffff;
	[tilespmem:s15+$0xC0] =	vst v3;
	v3 =	vmul.f32 v7, v2  }
0x171: {  	v7 =	vld [tilespmem:s14+$0x70];
	[tilespmem:s15+$0xD0] =	vst v8;
	v8 =	vmul.f32 v6, v2  }
0x172: {  	v6 =	vld [tilespmem:s14+$0xFFFFFF00];
	[tilespmem:s15+$0xE0] =	vst v3  }
0x173: {  	v2 =	vmov v10;
	v3 =	vld [tilespmem:s14+$0xFFFFFF10];
	[tilespmem:s15+$0xF0] =	vst v8;
	s15 =	smov.u32 s14  }
0x174: {  	v8 =	vld [tilespmem:s14+$0xFFFFFF20]  }
0x175: {  	v9 =	vld [tilespmem:s14+$0xFFFFFF30]  }
0x176: {  	v10 =	vld [tilespmem:s14+$0xFFFFFF40];
	v7 =	vmul.f32 v7, v1  }
0x177: {  	v6 =	vmul.f32 v6, v5;
	v11 =	vld [tilespmem:s14+$0xFFFFFF50]  }
0x178: {  	v3 =	vmul.f32 v3, v5;
	v12 =	vld [tilespmem:s14+$0xFFFFFF60];
	[tilespmem:s14+$0x70] =	vst v7  }
0x179: {  	[tilespmem:s14+$0xFFFFFF00] =	vst v6;
	v6 =	vmul.f32 v8, v5;
	v7 =	vld [tilespmem:s14+$0xFFFFFF70]  }
0x17a: {  	[tilespmem:s14+$0xFFFFFF10] =	vst v3;
	v3 =	vmul.f32 v9, v5;
	v8 =	vld [tilespmem:s14+$0xFFFFFF80]  }
0x17b: {  	[tilespmem:s14+$0xFFFFFF20] =	vst v6;
	v6 =	vmul.f32 v10, v5;
	v9 =	vld [tilespmem:s14+$0xFFFFFF90]  }
0x17c: {  	[tilespmem:s14+$0xFFFFFF30] =	vst v3;
	v3 =	vmul.f32 v11, v5;
	v10 =	vld [tilespmem:s14+$0xFFFFFFA0]  }
0x17d: {  	[tilespmem:s14+$0xFFFFFF40] =	vst v6;
	v6 =	vmul.f32 v12, v5;
	v11 =	vld [tilespmem:s14+$0xFFFFFFB0]  }
0x17e: {  	[tilespmem:s14+$0xFFFFFF50] =	vst v3;
	v3 =	vmul.f32 v7, v5;
	v5 =	vld [tilespmem:s14+$0xFFFFFFC0]  }
0x17f: {  	[tilespmem:s14+$0xFFFFFF60] =	vst v6;
	v6 =	vmul.f32 v8, v4;
	v8 =	vld [tilespmem:s14+$0xFFFFFFD0]  }
0x180: {  	[tilespmem:s14+$0xFFFFFF70] =	vst v3;
	v3 =	vmul.f32 v9, v4;
	v9 =	vld [tilespmem:s14+$0xFFFFFFE0]  }
0x181: {  	[tilespmem:s14+$0xFFFFFF80] =	vst v6;
	v6 =	vmul.f32 v10, v4;
	v10 =	vld [tilespmem:s14+$0xFFFFFFF0]  }
0x182: {  	[tilespmem:s14+$0xFFFFFF90] =	vst v3;
	v3 =	vmul.f32 v11, v4;
	v11 =	vld [tilespmem:s14+$0x0]  }
.Ltmp5:
0x183: {  	[tilespmem:s14+$0xFFFFFFA0] =	vst v6;
	v5 =	vmul.f32 v5, v4;
	v7 =	vld [tilespmem:s14+$0x10];
	(pc) =	sbr.rel @p1 .LBB2_11-.Ltmp5, $4  }
0x184: {  	[tilespmem:s14+$0xFFFFFFB0] =	vst v3;
	v3 =	vmul.f32 v8, v4;
	v6 =	vld [tilespmem:s14+$0x20]  }
0x185: {  	[tilespmem:s14+$0xFFFFFFC0] =	vst v5;
	v8 =	vmul.f32 v9, v4;
	v5 =	vld [tilespmem:s14+$0x30]  }
0x186: {  	[tilespmem:s14+$0xFFFFFFD0] =	vst v3;
	v9 =	vmul.f32 v10, v4;
	v4 =	vld [tilespmem:s14+$0x40]  }
0x187: {  	[tilespmem:s14+$0xFFFFFFE0] =	vst v8;
	v8 =	vmul.f32 v11, v1;
	v3 =	vld [tilespmem:s14+$0x50]  }
0x188: {  	[tilespmem:s14+$0xFFFFFFF0] =	vst v9;
	v7 =	vmul.f32 v7, v1;
	v55 =	vld [tilespmem:s14+$0x80]  }
0x189: {  	v10 =	vld [tilespmem:s14+$0x60];
	[tilespmem:s14+$0x0] =	vst v8;
	v6 =	vmul.f32 v6, v1  }
0x18a: {  	v56 =	vld [tilespmem:s14+$0x90];
	[tilespmem:s14+$0x10] =	vst v7;
	v5 =	vmul.f32 v5, v1  }
0x18b: {  	v57 =	vld [tilespmem:s14+$0xA0];
	[tilespmem:s14+$0x20] =	vst v6;
	v4 =	vmul.f32 v4, v1  }
0x18c: {  	v58 =	vld [tilespmem:s14+$0xB0];
	[tilespmem:s14+$0x30] =	vst v5;
	v3 =	vmul.f32 v3, v1  }
0x18d: {  	v59 =	vld [tilespmem:s14+$0xC0];
	[tilespmem:s14+$0x40] =	vst v4;
	v60 =	vmul.f32 v55, v2  }
0x18e: {  	v61 =	vld [tilespmem:s14+$0xD0];
	v1 =	vmul.f32 v10, v1;
	[tilespmem:s14+$0x50] =	vst v3  }
0x18f: {  	v8 =	vmul.f32 v56, v2;
	v3 =	vld [tilespmem:s14+$0xE0];
	[tilespmem:s14+$0x80] =	vst v60  }
0x190: {  	v62 =	vld [tilespmem:s14+$0xF0];
	[tilespmem:s14+$0x60] =	vst v1;
	v1 =	vmul.f32 v57, v2  }
0x191: {  	v6 =	vmul.f32 v58, v2;
	[tilespmem:s14+$0x90] =	vst v8  }
0x192: {  	[tilespmem:s14+$0xA0] =	vst v1;
	v1 =	vmul.f32 v59, v2  }
0x193: {  	v63 =	vmul.f32 v61, v2;
	[tilespmem:s14+$0xB0] =	vst v6  }
0x194: {  	[tilespmem:s15+$0xC0] =	vst v1;
	v1 =	vmul.f32 v3, v2  }
0x195: {  	[tilespmem:s15+$0xD0] =	vst v63;
	v2 =	vmul.f32 v62, v2  }
0x196: {  	[tilespmem:s15+$0xE0] =	vst v1  }
0x197: {  	[tilespmem:s15+$0xF0] =	vst v2  }
0x198: {  	v1 =	vld [tilespmem:$0x4E40];
	_ =	sdelay $0x7  }
0x199: {  	[spmem:s3] =	stream.indirect_vreg.scatter.add.f32 [tilespmem:s19], [sflag:$0x3], $0x80, v1, vm0, $0xb8;
	[tilespmem:$0x1FF00] =	vst v63  }
0x19a: {  	v1 =	vld [tilespmem:$0x4E50];
	_ =	sdelay $0x7  }
0x19b: {  	[spmem:s3] =	stream.indirect_vreg.scatter.add.f32 [tilespmem:s30], [sflag:$0x3], $0x80, v1, vm0, $0xb8;
	[tilespmem:$0x1FF00] =	vst v63  }
0x19c: {  	v1 =	vld [tilespmem:$0x4E60];
	_ =	sdelay $0x7  }
0x19d: {  	[spmem:s3] =	stream.indirect_vreg.scatter.add.f32 [tilespmem:s31], [sflag:$0x3], $0x80, v1, vm0, $0xb8;
	[tilespmem:$0x1FF00] =	vst v63  }
0x19e: {  	v1 =	vld [tilespmem:$0x4E70];
	_ =	sdelay $0x7  }
0x19f: {  	[spmem:s3] =	stream.indirect_vreg.scatter.add.f32 [tilespmem:s0], [sflag:$0x3], $0x80, v1, vm0, $0xb8;
	[tilespmem:$0x1FF00] =	vst v63  }
0x1a0: {  	v1 =	vld [tilespmem:$0x4E80];
	_ =	sdelay $0x7  }
0x1a1: {  	[spmem:s3] =	stream.indirect_vreg.scatter.add.f32 [tilespmem:s23], [sflag:$0x3], $0x80, v1, vm0, $0xb8;
	[tilespmem:$0x1FF00] =	vst v63  }
0x1a2: {  	_ =	swait.ge [sflag:s2], $0x800  }
0x1a3: {  	[sflag:s2] =	ssyncset.done $0x0  }
0x1a4: {  	[sflag:s2] =	ssyncadd.s32 $0xFFFFF800  }
0x1a5: {  	_ =	swait.ge [sflag:s2], $0x800  }
0x1a6: {  	[sflag:s2] =	ssyncset.done $0x0  }
0x1a7: {  	[sflag:s2] =	ssyncadd.s32 $0xFFFFF800  }
0x1a8: {  	_ =	swait.ge [sflag:s2], $0x800  }
0x1a9: {  	[sflag:s2] =	ssyncset.done $0x0  }
0x1aa: {  	[sflag:s2] =	ssyncadd.s32 $0xFFFFF800  }
0x1ab: {  	_ =	swait.ge [sflag:s2], $0x800  }
0x1ac: {  	[sflag:s2] =	ssyncset.done $0x0  }
0x1ad: {  	[sflag:s2] =	ssyncadd.s32 $0xFFFFF800  }
0x1ae: {  	_ =	swait.ge [sflag:s2], $0x800  }
0x1af: {  	[sflag:s2] =	ssyncset.done $0x0  }
0x1b0: {  	[sflag:s2] =	ssyncadd.s32 $0xFFFFF800  }
0x1b1: {  	s7 =	stileid.u32;
	[bflag:$0x0] =	sbarrier.arrive $0xFFFF  }
0x1b2: {  	s7 =	sshll.u32 s7, $0x6;
	s16 =	rddreg [dreg:$0x5]  }
0x1b3: {  	s7 =	sor.u32 $0x1C05, s7;
	s22 =	rddreg [dreg:$0x11];
	s11 =	sshrl.u32 s16, $0x3  }
0x1b4: {  	[hbm:s22], [sflag:s7] =	dma.local [spmem:s11], $0x2700  }
0x1b5: {  	_ =	swait.ge [sflag:s20], $0x2700  }
0x1b6: {  	[sflag:s20] =	ssyncset.done $0x0;
	s11 =	rddreg [dreg:$0x9]  }
0x1b7: {  	s14 =	sshrl.u32 @!p0 s5, $0x3;
	[sflag:s20] =	ssyncadd.s32 $0xFFFFD900;
	s11 =	sadd.s32 @!p0 $0x27000, s11  }
0x1b8: {  	[hbm:s11], [sflag:s7] =	dma.local @!p0 [spmem:s14], $0x100  }
0x1b9: {  	s7 =	simm.s32 @!p0 $0x5  }
0x1ba: {  	_ =	swait.ge @!p0 [sflag:s7], $0x100  }
0x1bb: {  	s4 =	sadd.s32 $0x1, s4;
	s25 =	rddreg [dreg:$0xa]  }
0x1bc: {  	p1 =	sne.s32 s4, s25  }
.Ltmp6:
0x1bd: {  	_ = 	snop;
	(pc) =	sbr.rel @p1 .LBB2_1-.Ltmp6, $3  }
0x1be: {  	_ =	sdelay $0x1  }
0x1bf: {  	[sflag:s7] =	ssyncset.done @!p0 $0x0  }
0x1c0: {  	s15 =	smov.u32 s5;
	[sflag:s7] =	ssyncadd.s32 @!p0 $0xFFFFFF00  }
0x1c1: {  	_ =	sfence.sel $0x180000  }
0x1c2: {  	[bflag:$0x0] =	sbarrier.arrive $0xFFFF  }
0x1c3: {  	_ =	strace $0x90000050  }
0x1c4: {  	s0 =	stileid.u32;
	[bflag:$0x2] =	sbarrier.arrive $0xFFFF  }
0x1c5: {  	p0 =	sne.s32 s0, $0x0;
	s0 =	rddreg [dreg:$0x3]  }
0x1c6: {  	s0 =	sadd.s32 @!p0 $0x100000, s0  }
0x1c7: {  	[sflag:s0] =	ssyncadd.tile.s32 @!p0 $0x1;
	_ =	shalt  }
.Lfunc_end2:
_tile_overlayer_lowered:
.L_overlay_start_2:
0x1c8: {  	(tag) =	ssettag $0x2  }
0x1c9: {  	s0 =	rddreg [dreg:$0x0];
	s2 =	stileid.u32  }
0x1ca: {  	s1 =	rddreg [dreg:$0x1];
	p0 =	sne.s32 s2, $0x0  }
0x1cb: {  	s3 =	rddreg [dreg:$0x2];
	[bflag:$0x3] =	sbarrier.arrive $0xFFFF;
	s2 =	simm.s32 @!p0 $0x1C05  }
0x1cc: {  	[timem:s3], [sflag:s2] =	dma.local @!p0 [hbm:s0], s1  }
0x1cd: {  	s0 =	simm.s32 @!p0 $0x5  }
0x1ce: {  	_ =	swait.ge @!p0 [sflag:s0], s1  }
0x1cf: {  	s1 =	ssub.s32 @!p0 $0x0, s1;
	[sflag:s0] =	ssyncset.done @!p0 $0x0  }
0x1d0: {  	[sflag:s0] =	ssyncadd.s32 @!p0 s1  }
0x1d1: {  	[bflag:$0x3] =	sbarrier.arrive $0xFFFF  }
0x1d2: {  	_ =	shalt  }

// kernel: kernel.9.cloned.1.call-start
scs
__scs_entry_jumppad:
0x0: {  	(pc) =	sbr.rel $0x88, $3  }
0x1: {  	(tag) =	ssettag $0x0;
	lr =	simm.s32 $0x1  }
0x2: {  	[smem:$0x3F97] =	sst lr;
	_ =	strace $0xD0000000  }
0x3: {  	_ = 	snop  }
0x4: {  	_ = 	snop  }
0x5: {  	_ = 	snop  }
0x6: {  	_ = 	snop  }
0x7: {  	_ = 	snop  }
__scs_overlays_trampoline_lowered:
0x8: {  	[smem:$0x3FA6] =	sst s0  }
0x9: {  	[smem:$0x3FA7] =	sst s1  }
0xa: {  	[smem:$0x3FA8] =	sst s2  }
0xb: {  	[smem:$0x3FA9] =	sst s3  }
0xc: {  	[smem:$0x3FAA] =	sst s4  }
0xd: {  	[smem:$0x3FAB] =	sst s5  }
0xe: {  	[smem:$0x3FAC] =	sst s6  }
0xf: {  	[smem:$0x3FAD] =	sst s7  }
0x10: {  	[smem:$0x3FAE] =	sst s8  }
0x11: {  	[smem:$0x3FAF] =	sst s9;
	s0 =	simm.s32 @!p0 $0x0  }
0x12: {  	s1 =	sld [smem:$0x3F95];
	s0 =	simm.s32 @p0 $0x1  }
0x13: {  	[smem:$0x3FB0] =	sst s0;
	s0 =	simm.s32 @!p1 $0x0  }
0x14: {  	s2 =	sld [smem:$0x3F94];
	s0 =	simm.s32 @p1 $0x1  }
0x15: {  	[smem:$0x3FB1] =	sst s0;
	s0 =	simm.s32 @!p2 $0x0  }
0x16: {  	s3 =	sld [smem:$0x3FDB];
	s0 =	simm.s32 @p2 $0x1  }
0x17: {  	s4 =	simm.s32 $0x1BF5;
	[smem:$0x3FB3] =	sst s0  }
0x18: {  	s0 =	sld [smem:$0x3F96];
	_ =	swait.ge [sflag:s4], $0x0  }
0x19: {  	s7 =	sld [smem:$0x3F97]  }
0x1a: {  	s8 =	sadd.s32 $0xFFFFE003, lr  }
0x1b: {  	s9 =	sadd.s32 $0xFFFFFEF7, lr;
	s5 =	simm.s32 $0xFFFFFFFF;
	p2 =	slt.u32 s8, $0xFFFFF086  }
0x1c: {  	p1 =	slt.u32 s9, $0xF7A;
	s5 =	simm.s32 @!p2 $0x0  }
0x1d: {  	s5 =	simm.s32 @p1 $0x1;
	p0 =	seq.s32 s7, s2  }
0x1e: {  	s7 =	smul.u32 @!p0 $0xF7A, s2;
	p2 =	seq.s32 @!p0 s5, $0x0  }
0x1f: {  	s9 =	smul.u32 $0xF7A, s1;
	s8 =	simm.s32 @!p0 $0x1BF5;
	p2 =	por !p2, p0  }
0x20: {  	[sflag:s8] =	ssyncset.s32 @!p0 $0xFFFFF086;
	s6 =	sadd.s32 @!p0 s3, s7;
	s7 =	simm.s32 @!p0 $0x108  }
0x21: {  	s3 =	sadd.s32 s3, s9;
	s6 =	sadd.s32 @!p0 $0x88, s6;
	s7 =	simm.s32 @p2 $0x1082  }
0x22: {  	[simem:s7], [sflag:s8] =	dma.local @!p0 [hbm:s6], $0xF7A  }
0x23: {  	s9 =	sor.u32 $0xD0000000, s2;
	s6 =	simm.s32 $0x108;
	_ =	swait.ge @!p0 [sflag:s8], $0x0  }
0x24: {  	s3 =	sadd.s32 $0x88, s3;
	s6 =	simm.s32 @!p1 $0x1082;
	[sflag:s4] =	ssyncset.s32 $0xFFFFF086  }
0x25: {  	[simem:s6], [sflag:s4] =	dma.local [hbm:s3], $0xF7A  }
0x26: {  	[smem:$0x3F97] =	sst s1;
	(tag) =	ssettag s2;
	_ =	strace s9  }
0x27: {  	s1 =	sld [smem:$0x3FA7]  }
0x28: {  	s2 =	sld [smem:$0x3FA8]  }
0x29: {  	s4 =	sld [smem:$0x3FAA]  }
0x2a: {  	p0 =	seq.s32 s5, $0x0;
	s5 =	sld [smem:$0x3FAB]  }
0x2b: {  	s6 =	sld [smem:$0x3FAC]  }
0x2c: {  	s7 =	sld [smem:$0x3FAD]  }
0x2d: {  	s3 =	simm.s32 $0x108;
	s8 =	sld [smem:$0x3FAE]  }
0x2e: {  	s3 =	simm.s32 @!p0 $0x1082;
	s9 =	sld [smem:$0x3FAF]  }
0x2f: {  	lr =	sadd.s32 s0, s3;
	s0 =	sld [smem:$0x3FA6]  }
0x30: {  	s3 =	sld [smem:$0x3FA9]  }
0x31: {  	[smem:$0x3FB2] =	sst s10  }
0x32: {  	s10 =	sld [smem:$0x3FB0];
	_ =	sdelay $0x3  }
0x33: {  	p0 =	seq.s32 s10, $0x1;
	s10 =	sld [smem:$0x3FB2];
	_ =	sdelay $0x3  }
0x34: {  	[smem:$0x3FB2] =	sst s10  }
0x35: {  	s10 =	sld [smem:$0x3FB1];
	_ =	sdelay $0x3  }
0x36: {  	p1 =	seq.s32 s10, $0x1;
	s10 =	sld [smem:$0x3FB2];
	_ =	sdelay $0x3  }
0x37: {  	[smem:$0x3FB2] =	sst s10  }
0x38: {  	s10 =	sld [smem:$0x3FB3]  }
0x39: {  	_ = 	snop;
	(pc) =	sbr.ind lr, $3  }
0x3a: {  	_ = 	snop  }
0x3b: {  	_ = 	snop  }
0x3c: {  	p2 =	seq.s32 s10, $0x1;
	s10 =	sld [smem:$0x3FB2]  }
0x3d: {  	_ =	shalt  }
0x3e: {  	_ =	shalt  }
0x3f: {  	_ =	shalt  }
0x40: {  	_ =	shalt  }
0x41: {  	_ =	shalt  }
0x42: {  	_ =	shalt  }
0x43: {  	_ =	shalt  }
0x44: {  	_ =	shalt  }
0x45: {  	_ =	shalt  }
0x46: {  	_ =	shalt  }
0x47: {  	_ =	shalt  }
0x48: {  	_ =	shalt  }
0x49: {  	_ =	shalt  }
0x4a: {  	_ =	shalt  }
0x4b: {  	_ =	shalt  }
0x4c: {  	_ =	shalt  }
0x4d: {  	_ =	shalt  }
0x4e: {  	_ =	shalt  }
0x4f: {  	_ =	shalt  }
0x50: {  	_ =	shalt  }
0x51: {  	_ =	shalt  }
0x52: {  	_ =	shalt  }
0x53: {  	_ =	shalt  }
0x54: {  	_ =	shalt  }
0x55: {  	_ =	shalt  }
0x56: {  	_ =	shalt  }
0x57: {  	_ =	shalt  }
0x58: {  	_ =	shalt  }
0x59: {  	_ =	shalt  }
0x5a: {  	_ =	shalt  }
0x5b: {  	_ =	shalt  }
0x5c: {  	_ =	shalt  }
0x5d: {  	_ =	shalt  }
0x5e: {  	_ =	shalt  }
0x5f: {  	_ =	shalt  }
0x60: {  	_ =	shalt  }
0x61: {  	_ =	shalt  }
0x62: {  	_ =	shalt  }
0x63: {  	_ =	shalt  }
0x64: {  	_ =	shalt  }
0x65: {  	_ =	shalt  }
0x66: {  	_ =	shalt  }
0x67: {  	_ =	shalt  }
0x68: {  	_ =	shalt  }
0x69: {  	_ =	shalt  }
0x6a: {  	_ =	shalt  }
0x6b: {  	_ =	shalt  }
0x6c: {  	_ =	shalt  }
0x6d: {  	_ =	shalt  }
0x6e: {  	_ =	shalt  }
0x6f: {  	_ =	shalt  }
0x70: {  	_ =	shalt  }
0x71: {  	_ =	shalt  }
0x72: {  	_ =	shalt  }
0x73: {  	_ =	shalt  }
0x74: {  	_ =	shalt  }
0x75: {  	_ =	shalt  }
0x76: {  	_ =	shalt  }
0x77: {  	_ =	shalt  }
0x78: {  	_ =	shalt  }
0x79: {  	_ =	shalt  }
0x7a: {  	_ =	shalt  }
0x7b: {  	_ =	shalt  }
0x7c: {  	_ =	shalt  }
0x7d: {  	_ =	shalt  }
0x7e: {  	_ =	shalt  }
0x7f: {  	_ =	shalt  }
0x80: {  	_ =	shalt  }
0x81: {  	_ =	shalt  }
0x82: {  	_ =	shalt  }
0x83: {  	_ =	shalt  }
0x84: {  	_ =	shalt  }
0x85: {  	_ =	shalt  }
0x86: {  	_ =	shalt  }
0x87: {  	_ =	shalt  }
.Lfunc_end0:
.L_simem_size_0:
called_computation_lowered:
.L_overlay_start_0:
0x88: {  	s2 =	sld [smem:$0x3FD9]  }
0x89: {  	s3 =	sld [smem:$0x3FFE];
	_ =	sdelay $0x1  }
0x8a: {  	s1 =	srdreg.scid  }
0x8b: {  	s0 =	sand.u32 $0x1, s1  }
0x8c: {  	s16 =	sshll.u32 s0, $0xA;
	s2 =	sadd.s32 s3, s2  }
0x8d: {  	s2 =	sadd.s32 s2, s16  }
0x8e: {  	[smem:$0x3FBE] =	sst s2  }
0x8f: {  	_ = 	snop  }
0x90: {  	(tm) =	ssettm $0x1  }
0x91: {  	s17 =	sld [smem:$0x3FFB];
	_ =	sdelay $0x3  }
0x92: {  	_ =	strace s17  }
0x93: {  	s2 =	sld [smem:$0x3FFC];
	_ =	sdelay $0x3  }
0x94: {  	_ =	strace s2  }
0x95: {  	s2 =	sld [smem:$0x3FFD];
	_ =	sdelay $0x3  }
0x96: {  	_ =	strace s2  }
0x97: {  	_ =	strace $0x8FFFFFFF  }
0x98: {  	s18 =	sld [smem:$0x3FDB];
	_ =	sdelay $0x1  }
0x99: {  	s19 =	simm.s32 $_scs_section_size  }
0x9a: {  	s4 =	simm.s32 $_size__tile_overlayer_lowered;
	s5 =	simm.s32 $_tile_overlayer_lowered  }
0x9b: {  	s22 =	simm.s32 $0x1BFF;
	s21 =	sshll.u32 s5, $0x1;
	s2 =	sadd.s32 s19, s18  }
0x9c: {  	s6 =	simm.s32 $0x0;
	s20 =	sshll.u32 s4, $0x1;
	s4 =	sadd.s32 s21, s2  }
0x9d: {  	[timem:s6], [sflag:s22] =	dma.local [hbm:s4], s20  }
0x9e: {  	_ =	swait.ge [sflag:s22], s20  }
0x9f: {  	s3 =	ssub.s32 $0x0, s20;
	[sflag:s22] =	ssyncset.done $0x0  }
0xa0: {  	[sflag:s22] =	ssyncadd.s32 s3;
	_ =	sdelay $0x1  }
0xa1: {  	s23 =	simm.s32 $0x1B8B  }
0xa2: {  	_ =	swait.ge [sflag:s23], $0x1  }
0xa3: {  	[sflag:s23] =	ssyncset.done $0x0  }
0xa4: {  	s25 =	simm.s32 $0x1B8E;
	s24 =	sld [smem:$0x3FFE];
	[sflag:s23] =	ssyncadd.s32 $0xFFFFFFFF  }
0xa5: {  	s26 =	simm.s32 $execute0_lowered;
	[smem:$0x3FD2] =	sst s25  }
0xa6: {  	s4 =	sshll.u32 s26, $0x1;
	_ =	strace $0x80000046;
	[dreg:$0x1] =	wrdreg $0xFFFFFFFF  }
0xa7: {  	s28 =	simm.s32 $_size_execute0_lowered;
	s2 =	sadd.s32 s2, s4;
	[dreg:$0x0] =	wrdreg $0x0  }
0xa8: {  	s4 =	sshll.u32 s28, $0x1;
	[dreg:$0x2] =	wrdreg s2  }
0xa9: {  	[dreg:$0x3] =	wrdreg s4  }
0xaa: {  	[dreg:$0x4] =	wrdreg $0xC0  }
0xab: {  	_ =	task [dreg:s6], $0x5FFFF  }
0xac: {  	[dreg:$0x1] =	wrdreg $0xFFFFFFFF  }
0xad: {  	[dreg:$0x0] =	wrdreg $0x60  }
0xae: {  	[dreg:$0x2] =	wrdreg s24  }
0xaf: {  	[dreg:$0x3] =	wrdreg $0x9  }
0xb0: {  	_ =	task.clear_ibuf [dreg:s6], $0x4FFFF;
	_ =	strace $0x90000046  }
0xb1: {  	s29 =	simm.s32 $0x9;
	_ =	strace $0x80000048  }
0xb2: {  	_ =	swait.ge [sflag:s29], $0x1  }
0xb3: {  	[sflag:s29] =	ssyncadd.s32 $0xFFFFFFFF  }
0xb4: {  	_ =	strace $0x90000048  }
0xb5: {  	_ =	sfence  }
0xb6: {  	s30 =	sld [smem:$0x0];
	_ =	sdelay $0x2  }
0xb7: {  	s31 =	sshll.u32 s1, $0xD;
	s1 =	sshrl.u32 s1, $0x2  }
0xb8: {  	s3 =	sand.u32 $0x4000, s31;
	s1 =	sadd.s32 s1, s30  }
0xb9: {  	s0 =	sor.u32 s3, s0;
	s1 =	sshll.u32 s1, $0x11  }
0xba: {  	s0 =	sor.u32 s1, s0  }
0xbb: {  	s0 =	sadd.s32 $0x8F2B, s0  }
0xbc: {  	[sflag:s0] =	ssyncadd.remote.s32 $0x1  }
0xbd: {  	_ =	sfence.sel $0xFFFF  }
0xbe: {  	[dreg:$0x0] =	wrdreg $0xFFFFFFFF;
	(pc) =	sbr.abs _section_cstart, $3  }
0xbf: {  	[dreg:$0x1] =	wrdreg $0xFFFFFFFF  }
0xc0: {  	_ =	task.clear_ibuf [dreg:s6], $0x2FFFF;
	_ =	strace $0x9FFFFFFF  }
0xc1: {  	(tm) =	ssettm $0x7FFFFFFF  }
tec
execute0_lowered:
.L_overlay_start_1:
0x0: {  	(tag) =	ssettag $0x1  }
0x1: {  	s5 =	rddreg [dreg:$0x0]  }
0x2: {  	s0 =	rddreg [dreg:$0x1];
	s2 =	simm.s32 $0x0  }
0x3: {  	s3 =	srdreg.scid;
	s1 =	stileid.u32;
	s10 =	simm.s32 $0x1  }
0x4: {  	s11 =	simm.s32 $0x2780;
	s12 =	simm.s32 $0x80;
	s13 =	simm.s32 $0x400  }
0x5: {  	s14 =	simm.s32 $0x4F00;
	s15 =	simm.s32 $0x7680;
	s16 =	simm.s32 $0xC580  }
0x6: {  	s4 =	sand.u32 $0x1, s3;
	s29 =	sshrl.u32 s1, $0x2;
	s6 =	sshll.u32 s1, $0x8  }
0x7: {  	s3 =	smul.u32 $0x13C00, s29;
	s7 =	sshll.u32 s4, $0x7;
	s6 =	sand.u32 $0x300, s6  }
0x8: {  	s17 =	simm.s32 $0x9E00;
	s18 =	simm.s32 $0x0;
	s6 =	sor.u32 s7, s6  }
0x9: {  	[smem:$0x7FF] =	sst s2;
	s30 =	ssub.s32 $0x2, s4;
	s6 =	sor.u32 s3, s6  }
0xa: {  	_ =	strace $0x80000047;
	s31 =	sshrl.u32 s30, $0x1;
	s6 =	sshrl.u32 s6, $0x3  }
0xb: {  	s4 =	sadd.s32 $0x17C00, s5;
	s9 =	ssub.s32 s30, s31;
	s8 =	sadd.s32 s6, s5  }
0xc: {  	s3 =	sadd.s32 $0x17600, s5;
	s9 =	smax.u32 s9, $0x1;
	s5 =	sadd.s32 $0x3A00, s8  }
0xd: {  	v0 =	vimm.f32 $0.0e+00;
	s6 =	sadd.s32 $0xD800, s8;
	s7 =	sadd.s32 $0x22000, s8;
	s8 =	sadd.s32 $0x18200, s8  }
.LBB2_1:
0xe: {  	[tilespmem:s2], [sflag:$0x1] =	stream.linear.gather [hbm4b:s3+s2], $0x2780, $0x38;
	[tilespmem:$0xED00] =	vst v63  }
0xf: {  	_ =	swait.ge [sflag:s10], $0x2780  }
0x10: {  	[sflag:s10] =	ssyncset.done $0x0  }
0x11: {  	[sflag:s10] =	ssyncadd.s32 $0xFFFFD880  }
0x12: {  	[tilespmem:s11], [sflag:$0x1] =	stream.linear.gather [hbm4b:s4+s2], $0x2780, $0x38;
	[tilespmem:$0xED00] =	vst v63  }
0x13: {  	_ =	swait.ge [sflag:s10], $0x2780  }
0x14: {  	[sflag:s10] =	ssyncset.done $0x0  }
0x15: {  	[sflag:s10] =	ssyncadd.s32 $0xFFFFD880  }
0x16: {  	[tilespmem:s14], [sflag:$0x1] =	stream.strided.gather [hbm4b:s5+s12], $0x2780, s13, s12, $0x38;
	[tilespmem:$0xED00] =	vst v63  }
0x17: {  	_ =	swait.ge [sflag:s10], $0x2780  }
0x18: {  	[sflag:s10] =	ssyncset.done $0x0  }
0x19: {  	[sflag:s10] =	ssyncadd.s32 $0xFFFFD880  }
0x1a: {  	[tilespmem:s15], [sflag:$0x1] =	stream.strided.gather [hbm4b:s6+s12], $0x2780, s13, s12, $0x38;
	[tilespmem:$0xED00] =	vst v63  }
0x1b: {  	_ =	swait.ge [sflag:s10], $0x2780  }
0x1c: {  	[sflag:s10] =	ssyncset.done $0x0  }
0x1d: {  	s19 =	simm.s32 $0xC5C0;
	[sflag:s10] =	ssyncadd.s32 $0xFFFFD880  }
0x1e: {  	[tilespmem:s19+$0xFFFFFFC0] =	vst v0  }
0x1f: {  	[tilespmem:s19+$0x30] =	vst v0  }
0x20: {  	[tilespmem:s19+$0x20] =	vst v0  }
0x21: {  	[tilespmem:s19+$0x10] =	vst v0  }
0x22: {  	[tilespmem:s19+$0x0] =	vst v0  }
0x23: {  	[tilespmem:s19+$0xFFFFFFF0] =	vst v0  }
0x24: {  	s20 =	simm.s32 $0x0;
	[tilespmem:s19+$0xFFFFFFE0] =	vst v0  }
.LBB2_2:
0x25: {  	s20 =	sadd.s32 $0x8, s20;
	[tilespmem:s19+$0xFFFFFFD0] =	vst v0;
	s19 =	sadd.s32 $0x80, s19  }
0x26: {  	[tilespmem:s19+$0xFFFFFFC0] =	vst v0;
	p0 =	slt.u32 s20, $0x268  }
0x27: {  	[tilespmem:s19+$0x30] =	vst v0  }
.Ltmp0:
0x28: {  	[tilespmem:s19+$0x20] =	vst v0;
	(pc) =	sbr.rel @p0 .LBB2_2-.Ltmp0, $4  }
0x29: {  	[tilespmem:s19+$0x10] =	vst v0  }
0x2a: {  	[tilespmem:s19+$0x0] =	vst v0  }
0x2b: {  	[tilespmem:s19+$0xFFFFFFF0] =	vst v0  }
0x2c: {  	[tilespmem:s19+$0xFFFFFFE0] =	vst v0  }
0x2d: {  	[tilespmem:s19+$0xFFFFFFD0] =	vst v0  }
0x2e: {  	s30 =	simm.s32 $0x76A0;
	[tilespmem:$0xEC80] =	vst v0  }
0x2f: {  	s20 =	simm.s32 $0x4F20;
	v16 =	vld [tilespmem:s30+$0xFFFFFFF0]  }
0x30: {  	v1 =	vld [tilespmem:s20+$0xFFFFFFF0]  }
0x31: {  	v3 =	vld [tilespmem:s30+$0x0]  }
0x32: {  	v2 =	vld [tilespmem:s30+$0x10]  }
0x33: {  	v4 =	vld [tilespmem:s30+$0xFFFFFFE0]  }
0x34: {  	v5 =	vld [tilespmem:s20+$0x10]  }
0x35: {  	v6 =	vld [tilespmem:s20+$0xFFFFFFE0]  }
0x36: {  	v7 =	vld [tilespmem:s20+$0x0]  }
0x37: {  	v8 =	vld.idx.msk [tilespmem:v16+s11+$0x0], $0xffff  }
0x38: {  	v1 =	vld.idx.msk [tilespmem:v1+s2+$0x0], $0xffff;
	_ =	sdelay $0x2  }
0x39: {  	v9 =	vld.idx.msk [tilespmem:v3+s11+$0x0], $0xffff  }
0x3a: {  	v10 =	vld.idx.msk [tilespmem:v2+s11+$0x0], $0xffff  }
0x3b: {  	v12 =	vld.idx.msk [tilespmem:v5+s2+$0x0], $0xffff;
	v5 =	vadd.f32 v8, v1  }
0x3c: {  	v13 =	vld.idx.msk [tilespmem:v6+s2+$0x0], $0xffff  }
0x3d: {  	v8 =	vld.idx.msk [tilespmem:v7+s2+$0x0], $0xffff;
	v6 =	vmul.f32 $2.000000030e-01, v5  }
0x3e: {  	s20 =	simm.s32 $0x4F60;
	v11 =	vld.idx.msk [tilespmem:v4+s11+$0x0], $0xffff;
	vm0 =	vge.f32 v5, $0.0e+00  }
0x3f: {  	s31 =	simm.s32 $0x76E0;
	v15 =	vld [tilespmem:s20+$0xFFFFFFF0];
	v6 =	vsel vm0, v5, v6  }
0x40: {  	v1 =	vld [tilespmem:s31+$0x0];
	v14 =	vmul.f32 $1.442695020e+00, v6  }
0x41: {  	v7 =	vld [tilespmem:s31+$0x10];
	v12 =	vadd.f32 v10, v12  }
0x42: {  	v5 =	vld [tilespmem:s31+$0xFFFFFFF0];
	v18 =	vadd.f32 v9, v8;
	(erf) = vpow2.f32 v14  }
0x43: {  	v11 =	vadd.f32 v11, v13;
	v13 =	vmul.f32 $2.000000030e-01, v12;
	v6 =	vld [tilespmem:s31+$0xFFFFFFE0]  }
0x44: {  	vm13 =	vge.f32 v12, $0.0e+00;
	v14 =	vld [tilespmem:s20+$0x10];
	v19 =	vmul.f32 $2.000000030e-01, v18  }
0x45: {  	v17 =	vld [tilespmem:s20+$0xFFFFFFE0];
	v13 =	vsel vm13, v12, v13;
	vm14 =	vge.f32 v18, $0.0e+00  }
0x46: {  	v10 =	vld [tilespmem:s20+$0x0];
	v20 =	vmul.f32 $2.000000030e-01, v11;
	v62 =	vmul.f32 $1.442695020e+00, v13;
	v18 =	vsel vm14, v18, v19  }
0x47: {  	vm15 =	vge.f32 v11, $0.0e+00;
	v13 =	vld.idx.msk [tilespmem:v15+s2+$0x0], $0xffff;
	v18 =	vmul.f32 $1.442695020e+00, v18  }
0x48: {  	v15 =	vsel vm15, v11, v20;
	v8 =	vld.idx.msk [tilespmem:v1+s11+$0x0], $0xffff;
	(erf) = vpow2.f32 v62  }
0x49: {  	v20 =	vmul.f32 $1.442695020e+00, v15;
	v9 =	vld.idx.msk [tilespmem:v7+s11+$0x0], $0xffff;
	(erf) = vpow2.f32 v18  }
0x4a: {  	v12 =	vld.idx.msk [tilespmem:v5+s11+$0x0], $0xffff  }
0x4b: {  	v11 =	vld.idx.msk [tilespmem:v6+s11+$0x0], $0xffff;
	v63 =	vpop (erf);
	(erf) = vpow2.f32 v20  }
0x4c: {  	s19 =	simm.s32 $0x9E20;
	v15 =	vld.idx.msk [tilespmem:v14+s2+$0x0], $0xffff  }
0x4d: {  	v14 =	vld.idx.msk [tilespmem:v17+s2+$0x0], $0xffff;
	[tilespmem:s19+$0xFFFFFFF0] =	vst v63  }
0x4e: {  	s22 =	simm.s32 $0x4;
	s23 =	simm.s32 $0x7720;
	s21 =	simm.s32 $0x9E20;
	[tilespmem:v16+s16+$0x0] =	vst.idx.add.f32.msk $0xffff, v63  }
.LBB2_4:
0x4f: {  	v16 =	vld [tilespmem:s23+$0x0];
	s22 =	sadd.s32 $0x4, s22;
	s20 =	sadd.s32 $0x40, s20;
	s19 =	sadd.s32 $0x40, s19  }
0x50: {  	v12 =	vadd.f32 v12, v13;
	p0 =	slt.u32 s22, $0x26C;
	v10 =	vld.idx.msk [tilespmem:v10+s2+$0x0], $0xffff  }
0x51: {  	v13 =	vld [tilespmem:s23+$0x10];
	v17 =	vpop (erf)  }
0x52: {  	v19 =	vmul.f32 $2.000000030e-01, v12;
	v9 =	vadd.f32 v9, v15;
	v18 =	vld [tilespmem:s20+$0xFFFFFFF0];
	[tilespmem:s21+$0x10] =	vst v17;
	v15 =	vpop (erf)  }
0x53: {  	vm0 =	vge.f32 v12, $0.0e+00;
	v11 =	vadd.f32 v11, v14;
	v20 =	vld [tilespmem:s23+$0xFFFFFFF0];
	[tilespmem:s21+$0x0] =	vst v15  }
0x54: {  	v12 =	vsel vm0, v12, v19;
	v14 =	vmul.f32 $2.000000030e-01, v9;
	[tilespmem:v2+s16+$0x0] =	vst.idx.add.f32.msk $0xffff, v17;
	v17 =	vpop (erf);
	v2 =	vmov v7  }
0x55: {  	vm0 =	vge.f32 v9, $0.0e+00;
	v21 =	vmul.f32 $1.442695020e+00, v12;
	v19 =	vld [tilespmem:s23+$0xFFFFFFE0];
	[tilespmem:s21+$0xFFFFFFE0] =	vst v17;
	s21 =	smov.u32 s19  }
0x56: {  	v12 =	vmul.f32 $2.000000030e-01, v11;
	v10 =	vadd.f32 v8, v10;
	v8 =	vsel vm0, v9, v14;
	[tilespmem:v3+s16+$0x0] =	vst.idx.add.f32.msk $0xffff, v15  }
0x57: {  	vm0 =	vge.f32 v11, $0.0e+00;
	v14 =	vmul.f32 $1.442695020e+00, v8;
	v3 =	vmovc v1;
	v1 =	vmovc v16;
	(erf) = vpow2.f32 v21;
	[tilespmem:v4+s16+$0x0] =	vst.idx.add.f32.msk $0xffff, v17  }
0x58: {  	v8 =	vsel vm0, v11, v12;
	v7 =	vmovc v13;
	v9 =	vmul.f32 $2.000000030e-01, v10;
	v4 =	vmov v6;
	v15 =	vld [tilespmem:s20+$0x10]  }
0x59: {  	v21 =	vmul.f32 $1.442695020e+00, v8;
	vm0 =	vge.f32 v10, $0.0e+00;
	v17 =	vld [tilespmem:s20+$0xFFFFFFE0]  }
0x5a: {  	v9 =	vsel vm0, v10, v9;
	v8 =	vld.idx.msk [tilespmem:v16+s11+$0x0], $0xffff;
	v6 =	vmov v19  }
0x5b: {  	v11 =	vmul.f32 $1.442695020e+00, v9;
	v10 =	vld [tilespmem:s20+$0x0]  }
0x5c: {  	v9 =	vld.idx.msk [tilespmem:v13+s11+$0x0], $0xffff;
	(erf) = vpow2.f32 v14  }
0x5d: {  	v12 =	vld.idx.msk [tilespmem:v20+s11+$0x0], $0xffff;
	(erf) = vpow2.f32 v11  }
.Ltmp1:
0x5e: {  	v13 =	vld.idx.msk [tilespmem:v18+s2+$0x0], $0xffff;
	(pc) =	sbr.rel @p0 .LBB2_4-.Ltmp1, $4  }
0x5f: {  	v11 =	vld.idx.msk [tilespmem:v19+s11+$0x0], $0xffff;
	(erf) = vpow2.f32 v21  }
0x60: {  	v15 =	vld.idx.msk [tilespmem:v15+s2+$0x0], $0xffff;
	v16 =	vpop (erf)  }
0x61: {  	v14 =	vld.idx.msk [tilespmem:v17+s2+$0x0], $0xffff;
	[tilespmem:s19+$0xFFFFFFF0] =	vst v16  }
0x62: {  	s23 =	sadd.s32 $0x40, s23;
	[tilespmem:v5+s16+$0x0] =	vst.idx.add.f32.msk $0xffff, v16;
	v5 =	vmov v20  }
0x63: {  	_ =	sdelay $0x3  }
0x64: {  	v10 =	vld.idx.msk [tilespmem:v10+s2+$0x0], $0xffff  }
0x65: {  	v12 =	vadd.f32 v12, v13;
	_ =	sdelay $0x1  }
0x66: {  	v13 =	vmul.f32 $2.000000030e-01, v12;
	v9 =	vadd.f32 v9, v15  }
0x67: {  	vm0 =	vge.f32 v12, $0.0e+00;
	v57 =	vadd.f32 v11, v14  }
0x68: {  	v58 =	vsel vm0, v12, v13;
	v59 =	vmul.f32 $2.000000030e-01, v9;
	v8 =	vadd.f32 v8, v10  }
0x69: {  	vm12 =	vge.f32 v9, $0.0e+00;
	v11 =	vmul.f32 $1.442695020e+00, v58  }
0x6a: {  	v14 =	vmul.f32 $2.000000030e-01, v57;
	v9 =	vsel vm12, v9, v59;
	v60 =	vmul.f32 $2.000000030e-01, v8  }
0x6b: {  	vm13 =	vge.f32 v8, $0.0e+00;
	v9 =	vmul.f32 $1.442695020e+00, v9;
	(erf) = vpow2.f32 v11  }
0x6c: {  	vm14 =	vge.f32 v57, $0.0e+00;
	v8 =	vsel vm13, v8, v60  }
0x6d: {  	v10 =	vsel vm14, v57, v14;
	(erf) = vpow2.f32 v9;
	v8 =	vmul.f32 $1.442695020e+00, v8  }
0x6e: {  	v61 =	vpop (erf);
	v10 =	vmul.f32 $1.442695020e+00, v10  }
0x6f: {  	[tilespmem:s21+$0x10] =	vst v61;
	v62 =	vpop (erf);
	(erf) = vpow2.f32 v8  }
0x70: {  	[tilespmem:s21+$0x0] =	vst v62;
	(erf) = vpow2.f32 v10  }
0x71: {  	[tilespmem:v2+s16+$0x0] =	vst.idx.add.f32.msk $0xffff, v61  }
0x72: {  	v63 =	vpop (erf);
	[tilespmem:v3+s16+$0x0] =	vst.idx.add.f32.msk $0xffff, v62  }
0x73: {  	[tilespmem:s21+$0xFFFFFFE0] =	vst v63  }
0x74: {  	s19 =	sadd.s32 $0x40, s19;
	[tilespmem:v4+s16+$0x0] =	vst.idx.add.f32.msk $0xffff, v63;
	v2 =	vpop (erf)  }
0x75: {  	[tilespmem:s19+$0xFFFFFFF0] =	vst v2  }
0x76: {  	[tilespmem:v5+s16+$0x0] =	vst.idx.add.f32.msk $0xffff, v2;
	v2 =	vpop (erf)  }
0x77: {  	[tilespmem:s19+$0x10] =	vst v2  }
0x78: {  	[tilespmem:v7+s16+$0x0] =	vst.idx.add.f32.msk $0xffff, v2;
	v3 =	vpop (erf)  }
0x79: {  	[tilespmem:s19+$0x0] =	vst v3;
	v2 =	vpop (erf)  }
0x7a: {  	[tilespmem:s19+$0xFFFFFFE0] =	vst v2  }
0x7b: {  	[tilespmem:v1+s16+$0x0] =	vst.idx.add.f32.msk $0xffff, v3  }
0x7c: {  	[tilespmem:v6+s16+$0x0] =	vst.idx.add.f32.msk $0xffff, v2  }
0x7d: {  	v1 =	vld [tilespmem:$0x7600]  }
0x7e: {  	v2 =	vld [tilespmem:$0x9D80];
	_ =	sdelay $0x6  }
0x7f: {  	v1 =	vld.idx.msk [tilespmem:v1+s2+$0x0], $0xffff  }
0x80: {  	v3 =	vld.idx.msk [tilespmem:v2+s11+$0x0], $0xffff;
	_ =	sdelay $0x4  }
0x81: {  	v1 =	vadd.f32 v3, v1;
	_ =	sdelay $0x1  }
0x82: {  	v3 =	vmul.f32 $2.000000030e-01, v1  }
0x83: {  	vm15 =	vge.f32 v1, $0.0e+00  }
0x84: {  	v1 =	vsel vm15, v1, v3  }
0x85: {  	v1 =	vmul.f32 $1.442695020e+00, v1;
	_ =	sdelay $0x1  }
0x86: {  	(erf) = vpow2.f32 v1;
	_ =	sdelay $0x8  }
0x87: {  	v1 =	vpop (erf)  }
0x88: {  	[tilespmem:$0xC500] =	vst v1  }
0x89: {  	[tilespmem:v2+s16+$0x0] =	vst.idx.add.f32.msk $0xffff, v1  }
0x8a: {  	[hbm4b:s7+s12] =	stream.strided.scatter [tilespmem:s17], [sflag:$0x1], $0x2780, s13, s12, $0x38;
	[tilespmem:$0xED00] =	vst v63  }
0x8b: {  	s18 =	sadd.s32 $0x1, s18;
	_ =	swait.ge [sflag:s10], $0x2780  }
0x8c: {  	p0 =	sne.s32 s18, s9;
	[sflag:s10] =	ssyncset.done $0x0  }
.Ltmp2:
0x8d: {  	[sflag:s10] =	ssyncadd.s32 $0xFFFFD880;
	(pc) =	sbr.rel @p0 .LBB2_1-.Ltmp2, $4  }
0x8e: {  	[hbm4b:s8+s12] =	stream.strided.scatter [tilespmem:s16], [sflag:$0x1], $0x2780, s13, s12, $0x38;
	[tilespmem:$0xED00] =	vst v63  }
0x8f: {  	_ =	swait.ge [sflag:s10], $0x2780  }
0x90: {  	[sflag:s10] =	ssyncset.done $0x0  }
0x91: {  	[sflag:s10] =	ssyncadd.s32 $0xFFFFD880  }
0x92: {  	_ =	sfence.sel $0x180000  }
0x93: {  	[bflag:$0x0] =	sbarrier.arrive $0xFFFF  }
0x94: {  	p0 =	sne.s32 s1, $0x0;
	_ =	strace $0x90000047  }
0x95: {  	s0 =	sadd.s32 @!p0 $0x100000, s0;
	[bflag:$0x2] =	sbarrier.arrive $0xFFFF  }
0x96: {  	[sflag:s0] =	ssyncadd.tile.s32 @!p0 $0x1;
	_ =	shalt  }
.Lfunc_end2:
_tile_overlayer_lowered:
.L_overlay_start_2:
0x97: {  	(tag) =	ssettag $0x2  }
0x98: {  	s0 =	rddreg [dreg:$0x0];
	s2 =	stileid.u32  }
0x99: {  	s1 =	rddreg [dreg:$0x1];
	p0 =	sne.s32 s2, $0x0  }
0x9a: {  	s3 =	rddreg [dreg:$0x2];
	[bflag:$0x3] =	sbarrier.arrive $0xFFFF;
	s2 =	simm.s32 @!p0 $0x1C01  }
0x9b: {  	[timem:s3], [sflag:s2] =	dma.local @!p0 [hbm:s0], s1  }
0x9c: {  	s0 =	simm.s32 @!p0 $0x1  }
0x9d: {  	_ =	swait.ge @!p0 [sflag:s0], s1  }
0x9e: {  	s1 =	ssub.s32 @!p0 $0x0, s1;
	[sflag:s0] =	ssyncset.done @!p0 $0x0  }
0x9f: {  	[sflag:s0] =	ssyncadd.s32 @!p0 s1  }
0xa0: {  	[bflag:$0x3] =	sbarrier.arrive $0xFFFF  }
0xa1: {  	_ =	shalt  }

</sc_bundles>
